<compile_context>
chip_gen: v7x
topology: tpu7x:2x2x1
jax: 0.10.2.dev20260603
libtpu: 0.0.44.dev20260713+nightly
codegen_flags: <defaults>
</compile_context>

<pallas_src>
import jax
import jax.numpy as jnp
from jax import lax
from jax.experimental import pallas as pl
from jax.experimental.pallas import tpu as pltpu
from jax.experimental.pallas import tpu_sc as plsc

N = 10000
E = 320000
D = 128
NC = 2
NS = 16
NW = NC * NS
C = 128
KB = 8
K = -(-E // (NW * C * KB)) * KB
E_PAD = NW * K * C
ROWS_Z = 640
NP = NS * ROWS_Z
K0 = 2 * K - 32
K1 = 2 * K - K0

_mesh = plsc.VectorSubcoreMesh(core_axis_name="c", subcore_axis_name="s")


def _sc_agg_body(u, srci, dsti, zeros, out, acc, src_v, dst_v, rows_v,
                 rows_w, gsem, gsem2):
    c = lax.axis_index("c")
    s = lax.axis_index("s")
    k_my = jnp.where(c == 0, K0, K1)
    base = s * (K0 + K1) + jnp.where(c == 0, 0, K0)

    pltpu.sync_copy(zeros, rows_v)
    for k in range(ROWS_Z // C):
        pltpu.sync_copy(rows_v, acc.at[pl.ds(s * ROWS_Z + k * C, C)])
    plsc.subcore_barrier()

    bufs = (rows_v, rows_w)
    sems = (gsem, gsem2)

    def block(ib, carry):
        pltpu.sync_copy(srci.at[pl.ds(base + ib * KB, KB)], src_v)
        pltpu.sync_copy(dsti.at[pl.ds(base + ib * KB, KB)], dst_v)

        pend = [pltpu.async_copy(u.at[src_v.at[0]], bufs[0], sems[0])]
        for j in range(KB):
            if j + 1 < KB:
                pend.append(pltpu.async_copy(u.at[src_v.at[j + 1]],
                                             bufs[(j + 1) % 2],
                                             sems[(j + 1) % 2]))
            pend[j].wait()
            pltpu.sync_copy(bufs[j % 2], acc.at[dst_v.at[j]], add=True)
        return carry

    lax.fori_loop(0, k_my // KB, block, 0)
    plsc.subcore_barrier()

    ob = c * NP + s * ROWS_Z
    ab = s * ROWS_Z
    for k in range(ROWS_Z // C):
        pltpu.sync_copy(acc.at[pl.ds(ab + k * C, C)], rows_v)
        pltpu.sync_copy(rows_v, out.at[pl.ds(ob + k * C, C)])


_sc_agg = pl.kernel(
    _sc_agg_body,
    out_type=jax.ShapeDtypeStruct((NC * NP, D), jnp.float32),
    mesh=_mesh,
    scratch_types=[
        pltpu.VMEM_SHARED((NP, D), jnp.float32),
        pltpu.VMEM((KB, C), jnp.int32),
        pltpu.VMEM((KB, C), jnp.int32),
        pltpu.VMEM((C, D), jnp.float32),
        pltpu.VMEM((C, D), jnp.float32),
        pltpu.SemaphoreType.DMA,
        pltpu.SemaphoreType.DMA,
    ],
)


def _sc_cnt_body(dstf, cnt_out, shared, cnt_v, dst_v, acc_v, tmp_v):
    c = lax.axis_index("c")
    s = lax.axis_index("s")
    wid = s * NC + c
    zero16 = jnp.zeros((16,), jnp.float32)
    e0 = jnp.where(lax.iota(jnp.int32, 16) == 0, 1.0, 0.0)

    def zero_hist(i, carry):
        cnt_v[pl.ds(i * 16, 16)] = zero16
        return carry

    lax.fori_loop(0, (NP + 16) // 16, zero_hist, 0)

    def block(ib, carry):
        pltpu.sync_copy(dstf.at[wid, pl.ds(ib * KB * C, KB * C)], dst_v)

        def step(j, c2):
            dvec = dst_v[pl.ds(j * 16, 16)]
            for q in range(16):
                d = dvec[q]
                cnt_v[pl.ds(d, 16)] = cnt_v[pl.ds(d, 16)] + e0
            return c2

        return lax.fori_loop(0, KB * C // 16, step, carry)

    lax.fori_loop(0, K // KB, block, 0)

    pltpu.sync_copy(cnt_v.at[pl.ds(0, NP)], shared.at[s])
    plsc.subcore_barrier()

    def zero_acc(i, carry):
        acc_v[pl.ds(i * 16, 16)] = zero16
        return carry

    lax.fori_loop(0, ROWS_Z // 16, zero_acc, 0)

    def red(i, carry):
        pltpu.sync_copy(shared.at[i, pl.ds(s * ROWS_Z, ROWS_Z)], tmp_v)

        def add16(q, c2):
            acc_v[pl.ds(q * 16, 16)] = (acc_v[pl.ds(q * 16, 16)]
                                        + tmp_v[pl.ds(q * 16, 16)])
            return c2

        return lax.fori_loop(0, ROWS_Z // 16, add16, carry)

    lax.fori_loop(0, NS, red, 0)
    pltpu.sync_copy(acc_v, cnt_out.at[pl.ds(c * NP + s * ROWS_Z, ROWS_Z)])


_sc_cnt = pl.kernel(
    _sc_cnt_body,
    out_type=jax.ShapeDtypeStruct((NC * NP,), jnp.float32),
    mesh=_mesh,
    scratch_types=[
        pltpu.VMEM_SHARED((NS, NP), jnp.float32),
        pltpu.VMEM((NP + 16,), jnp.float32),
        pltpu.VMEM((KB * C,), jnp.int32),
        pltpu.VMEM((ROWS_Z,), jnp.float32),
        pltpu.VMEM((ROWS_Z,), jnp.float32),
    ],
)



_R = 1024
_GRID = NP // _R


def _row_spec(r, w):
    return pl.BlockSpec((r, w), lambda i: (i, 0))


def _full_spec(shape):
    return pl.BlockSpec(shape, lambda i: (0,) * len(shape))


def _ln_relu(h, gamma, beta):
    m = jnp.mean(h, axis=-1, keepdims=True)
    v = jnp.mean((h - m) ** 2, axis=-1, keepdims=True)
    z = (h - m) * lax.rsqrt(v + 1e-5) * gamma + beta
    return jnp.maximum(z, 0.0)


def _cnt_col(ca, cb):
    return jnp.maximum(ca + cb, 1.0)


def _tc1_body(x, WnT, bn, WlT, bl, WrT, u1, r1):
    h = jnp.dot(x[...], WnT[...], preferred_element_type=jnp.float32) + bn[...]
    u1[...] = jnp.dot(h, WlT[...], preferred_element_type=jnp.float32)
    r1[...] = jnp.dot(h, WrT[...], preferred_element_type=jnp.float32) + bl[...]


def _tc2_body(sa, sb, ca, cb, r1, gamma, beta, WlT, bl, WrT, u2, r2, h1_out):
    h1 = (sa[...] + sb[...]) / _cnt_col(ca[...], cb[...]) + r1[...]
    h1_out[...] = h1
    z = _ln_relu(h1, gamma[...], beta[...])
    u2[...] = jnp.dot(z, WlT[...], preferred_element_type=jnp.float32)
    r2[...] = jnp.dot(z, WrT[...], preferred_element_type=jnp.float32) + bl[...]


def _tc3_body(sa, sb, ca, cb, r2, h1, gamma, beta, WoT, bo, y):
    z2 = (sa[...] + sb[...]) / _cnt_col(ca[...], cb[...]) + r2[...]
    h3 = z2 + h1[...]
    hf = _ln_relu(h3, gamma[...], beta[...])
    y[...] = jnp.dot(hf, WoT[...], preferred_element_type=jnp.float32) + bo[...]


def kernel(x, edge_index, edge_attr, W_node, b_node, W_l, b_l, W_r,
           gamma, beta, W_out, b_out):
    del edge_attr
    src = edge_index[0].astype(jnp.int32)
    dst = edge_index[1].astype(jnp.int32)
    pad = E_PAD - E
    srci = jnp.concatenate([src, jnp.zeros((pad,), jnp.int32)]).reshape(NW, K, C)
    dsti = jnp.concatenate([dst, jnp.full((pad,), N, jnp.int32)]).reshape(NW, K, C)
    zeros = jnp.zeros((C, D), jnp.float32)
    xp = jnp.pad(x, ((0, NP - N), (0, 0)))

    WnT = W_node.T
    WlT = W_l.T
    WrT = W_r.T
    WoT = W_out.T
    bn = b_node.reshape(1, D)
    bl = b_l.reshape(1, D)
    bo = b_out.reshape(1, -1)
    g2 = gamma.reshape(1, D)
    be = beta.reshape(1, D)

    w128 = _full_spec((D, D))
    v128 = _full_spec((1, D))
    cspec = _row_spec(_R, 1)

    u1, r1 = pl.pallas_call(
        _tc1_body,
        grid=(_GRID,),
        in_specs=[_row_spec(_R, D), w128, v128, w128, v128, w128],
        out_specs=[_row_spec(_R, D), _row_spec(_R, D)],
        out_shape=[jax.ShapeDtypeStruct((NP, D), jnp.float32)] * 2,
    )(xp, WnT, bn, WlT, bl, WrT)

    cnt = _sc_cnt(dsti.reshape(NW, K * C))
    ca = cnt[:NP, None]
    cb = cnt[NP:, None]
    srcc = srci.reshape(E_PAD // C, C)
    dstc = dsti.reshape(E_PAD // C, C)
    s1 = _sc_agg(u1, srcc, dstc, zeros)

    u2, r2, h1 = pl.pallas_call(
        _tc2_body,
        grid=(_GRID,),
        in_specs=[_row_spec(_R, D), _row_spec(_R, D), cspec, cspec,
                  _row_spec(_R, D), v128, v128, w128, v128, w128],
        out_specs=[_row_spec(_R, D)] * 3,
        out_shape=[jax.ShapeDtypeStruct((NP, D), jnp.float32)] * 3,
    )(s1[:NP], s1[NP:], ca, cb, r1, g2, be, WlT, bl, WrT)

    s2 = _sc_agg(u2, srcc, dstc, zeros)

    y = pl.pallas_call(
        _tc3_body,
        grid=(_GRID,),
        in_specs=[_row_spec(_R, D), _row_spec(_R, D), cspec, cspec,
                  _row_spec(_R, D), _row_spec(_R, D),
                  v128, v128, w128, v128],
        out_specs=_row_spec(_R, D),
        out_shape=jax.ShapeDtypeStruct((NP, D), jnp.float32),
    )(s2[:NP], s2[NP:], ca, cb, r2, h1, g2, be, WoT, bo)

    return y[:N]

# --- scband reference (transcript-rebuilt; emitter-appended) ---
"""Pipeline reference for scband-sage-87376814670104 (READ-ONLY COPY).

The authoritative reference and input builder live on the scoring server;
editing this copy changes nothing except your own understanding.
"""

import jax, jax.numpy as jnp
import numpy as np

N = 10000
E = 320000
D = 128
OUT = 128
D_EDGE = 16


def setup_inputs(seed: int = 0) -> dict:
    key = jax.random.key(seed)
    ks = [jax.random.fold_in(key, i) for i in range(16)]
    s = 1.0 / np.sqrt(D)
    inp = {}
    inp['x'] = jax.random.normal(ks[0], (N, D), dtype=jnp.float32)
    inp['edge_index'] = jax.random.randint(ks[1], (2, E), 0, N, dtype=jnp.int64)
    inp['edge_attr'] = jax.random.normal(ks[2], (E, D_EDGE), dtype=jnp.float32)
    # node encoder Linear(in=128, hidden=128)
    inp['W_node'] = jax.random.normal(ks[3], (D, D), dtype=jnp.float32) * s
    inp['b_node'] = jnp.zeros((D,), dtype=jnp.float32)
    # SAGEConv(hidden, hidden): lin_l (with bias) applied to aggregated neighbors, lin_r (no bias) applied to root
    inp['W_l'] = jax.random.normal(ks[4], (D, D), dtype=jnp.float32) * s
    inp['b_l'] = jnp.zeros((D,), dtype=jnp.float32)
    inp['W_r'] = jax.random.normal(ks[5], (D, D), dtype=jnp.float32) * s
    # LayerNorm affine params (layers[0].norm)
    inp['gamma'] = jnp.ones((D,), dtype=jnp.float32)
    inp['beta'] = jnp.zeros((D,), dtype=jnp.float32)
    # final Linear(hidden, out)
    inp['W_out'] = jax.random.normal(ks[6], (OUT, D), dtype=jnp.float32) * s
    inp['b_out'] = jnp.zeros((OUT,), dtype=jnp.float32)
    return inp


def _layer_norm(x, gamma, beta, eps=1e-5):
    m = jnp.mean(x, axis=-1, keepdims=True)
    v = jnp.mean((x - m) ** 2, axis=-1, keepdims=True)
    return (x - m) / jnp.sqrt(v + eps) * gamma + beta


def _sage_conv(x, edge_index, W_l, b_l, W_r):
    src = edge_index[0]
    dst = edge_index[1]
    msgs = jnp.take(x, src, axis=0)  # gather neighbor features
    agg = jax.ops.segment_sum(msgs, dst, num_segments=x.shape[0])
    cnt = jax.ops.segment_sum(jnp.ones((edge_index.shape[1],), dtype=x.dtype), dst, num_segments=x.shape[0])
    agg = agg / jnp.clip(cnt, 1.0, None)[:, None]  # mean aggregation
    return agg @ W_l.T + b_l + x @ W_r.T


def reference(x, edge_index, edge_attr, W_node, b_node, W_l, b_l, W_r, gamma, beta, W_out, b_out):
    # node_encoder
    h = x @ W_node.T + b_node
    # x = self.layers[0].conv(x, edge_index)
    h = _sage_conv(h, edge_index, W_l, b_l, W_r)
    # layer 0 is unfixed (residual block); layers 1..num_layers-1 are fixed (identity)
    z = _layer_norm(h, gamma, beta)
    z = jax.nn.relu(z)
    # dropout p=0.1 is identity in eval mode
    z = _sage_conv(z, edge_index, W_l, b_l, W_r)
    h = z + h
    # final head uses layers[0].norm and relu
    h = _layer_norm(h, gamma, beta)
    h = jax.nn.relu(h)
    return h @ W_out.T + b_out

if __name__ == "__main__":
    import jax
    _d = setup_inputs()
    print(jax.jit(kernel)(*tuple(_d.values())))

</pallas_src>

<mosaic_0001>
#map = affine_map<(d0, d1) -> (0, 0)>
#map1 = affine_map<(d0, d1) -> (0)>
module attributes {stable_mosaic.version = 14 : i64} {
  func.func @_sc_cnt_body(%arg0: i32, %arg1: i32, %arg2: memref<32x10240xi32, #tpu.memory_space<hbm>>, %arg3: memref<20480xf32, #tpu.memory_space<hbm>>, %arg4: memref<16x10240xf32, #tpu.memory_space<vmem_shared>>, %arg5: memref<10256xf32, #tpu.memory_space<vmem>>, %arg6: memref<1024xi32, #tpu.memory_space<vmem>>, %arg7: memref<640xf32, #tpu.memory_space<vmem>>, %arg8: memref<640xf32, #tpu.memory_space<vmem>>) attributes {dimension_semantics = [#tpu.dimension_semantics<core_parallel>, #tpu.dimension_semantics<subcore_parallel>], iteration_bounds = array<i64: 2, 16>, scalar_prefetch = 0 : i64, scratch_operands = 5 : i64, tpu.core_type = #tpu.core_type<sc_vector_subcore>, window_params = [{transform_indices = #map}, {transform_indices = #map1}]} {
    %mul3A = arith.constant 2 : i32
    %mul3A_0 = arith.muli %arg1, %mul3A : i32
    %add3A = arith.addi %mul3A_0, %arg0 : i32
    %broadcast_in_dim3A = arith.constant 0.000000e+00 : f32
    %broadcast_in_dim3A_1 = vector.broadcast %broadcast_in_dim3A : f32 to vector<16xf32>
    %iota3A = tpu.iota {dimensions = array<i32: 0>} : vector<16xi32>
    %eq3A = arith.constant 0 : i32
    %eq3A_2 = vector.broadcast %eq3A : i32 to vector<16xi32>
    %eq3A_3 = arith.cmpi eq, %iota3A, %eq3A_2 : vector<16xi32>
    %jit3A = arith.constant 1.000000e+00 : f32
    %jit3A_4 = arith.constant 0.000000e+00 : f32
    %broadcast_in_dim3A_5 = vector.broadcast %jit3A : f32 to vector<16xf32>
    %broadcast_in_dim3A_6 = vector.broadcast %jit3A_4 : f32 to vector<16xf32>
    %select_n3A = arith.select %eq3A_3, %broadcast_in_dim3A_5, %broadcast_in_dim3A_6 : vector<16xi1>, vector<16xf32>
    %scan3A = arith.constant 0 : i32
    %scan3A_7 = arith.constant 0 : i32
    %scan3A_8 = arith.constant 641 : i32
    %scan3A_9 = arith.addi %scan3A_7, %scan3A_8 : i32
    %scan3A_10 = arith.constant 1 : i32
    scf.for %scan3A_35 = %scan3A_7 to %scan3A_9 step %scan3A_10  : i32 {
      %mul3A_36 = arith.constant 16 : i32
      %mul3A_37 = arith.muli %scan3A_35, %mul3A_36 : i32
      %swap3A = arith.index_cast %mul3A_37 : i32 to index
      %swap3A_38 = tpu.vector_load %arg5[%swap3A] {strides = array<i32>} : memref<10256xf32, #tpu.memory_space<vmem>>, vector<16xf32>,
      %swap3A_39 = vector.shape_cast %swap3A_38 : vector<16xf32> to vector<16xf32>
      %swap3A_40 = vector.shape_cast %broadcast_in_dim3A_1 : vector<16xf32> to vector<16xf32>
      tpu.vector_store %arg5[%swap3A], %swap3A_40 {strides = array<i32>} : memref<10256xf32, #tpu.memory_space<vmem>>, vector<16xf32>,
    }
    %scan3A_11 = arith.constant 641 : i32
    %scan3A_12 = arith.constant 0 : i32
    %scan3A_13 = arith.constant 0 : i32
    %scan3A_14 = arith.constant 10 : i32
    %scan3A_15 = arith.addi %scan3A_13, %scan3A_14 : i32
    %scan3A_16 = arith.constant 1 : i32
    scf.for %scan3A_35 = %scan3A_13 to %scan3A_15 step %scan3A_16  : i32 {
      %mul3A_36 = arith.constant 8 : i32
      %mul3A_37 = arith.muli %scan3A_35, %mul3A_36 : i32
      %mul3A_38 = arith.constant 128 : i32
      %mul3A_39 = arith.muli %mul3A_37, %mul3A_38 : i32
      "tpu.region"() ({
        %run_scoped3A = tpu.sem_alloc : memref<!tpu.dma_semaphore, #tpu.memory_space<semaphore_mem>>
        %dma_start3A = tpu.memref_slice %arg2[%add3A, %mul3A_39] : memref<32x10240xi32, #tpu.memory_space<hbm>> -> memref<1x1024xi32, #tpu.memory_space<hbm>>
        %dma_start3A_45 = tpu.memref_squeeze %dma_start3A : memref<1x1024xi32, #tpu.memory_space<hbm>> -> memref<1024xi32, #tpu.memory_space<hbm>>
        %dma_start3A_46 = tpu.memref_slice %arg2[%add3A, %mul3A_39] : memref<32x10240xi32, #tpu.memory_space<hbm>> -> memref<1x1024xi32, #tpu.memory_space<hbm>>
        %dma_start3A_47 = tpu.memref_squeeze %dma_start3A_46 : memref<1x1024xi32, #tpu.memory_space<hbm>> -> memref<1024xi32, #tpu.memory_space<hbm>>
        tpu.enqueue_dma source(%dma_start3A_47 : memref<1024xi32, #tpu.memory_space<hbm>>) target(%arg6 : memref<1024xi32, #tpu.memory_space<vmem>>) target_semaphore(%run_scoped3A : memref<!tpu.dma_semaphore, #tpu.memory_space<semaphore_mem>>)
        %dma_wait3A = tpu.memref_slice %arg2[%add3A, %mul3A_39] : memref<32x10240xi32, #tpu.memory_space<hbm>> -> memref<1x1024xi32, #tpu.memory_space<hbm>>
        %dma_wait3A_48 = tpu.memref_squeeze %dma_wait3A : memref<1x1024xi32, #tpu.memory_space<hbm>> -> memref<1024xi32, #tpu.memory_space<hbm>>
        %dma_wait3A_49 = tpu.memref_slice %arg2[%add3A, %mul3A_39] : memref<32x10240xi32, #tpu.memory_space<hbm>> -> memref<1x1024xi32, #tpu.memory_space<hbm>>
        %dma_wait3A_50 = tpu.memref_squeeze %dma_wait3A_49 : memref<1x1024xi32, #tpu.memory_space<hbm>> -> memref<1024xi32, #tpu.memory_space<hbm>>
        tpu.wait_dma2 semaphore(%run_scoped3A : memref<!tpu.dma_semaphore, #tpu.memory_space<semaphore_mem>>) src(%dma_wait3A_50 : memref<1024xi32, #tpu.memory_space<hbm>>) dst(%arg6 : memref<1024xi32, #tpu.memory_space<vmem>>)
        tpu.yield
      }) : () -> ()
      %scan3A_40 = arith.constant 0 : i32
      %scan3A_41 = arith.constant 64 : i32
      %scan3A_42 = arith.addi %scan3A_40, %scan3A_41 : i32
      %scan3A_43 = arith.constant 1 : i32
      scf.for %scan3A_45 = %scan3A_40 to %scan3A_42 step %scan3A_43  : i32 {
        %mul3A_46 = arith.constant 16 : i32
        %mul3A_47 = arith.muli %scan3A_45, %mul3A_46 : i32
        %get3A = arith.index_cast %mul3A_47 : i32 to index
        %get3A_48 = tpu.vector_load %arg6[%get3A] {strides = array<i32>} : memref<1024xi32, #tpu.memory_space<vmem>>, vector<16xi32>,
        %get3A_49 = vector.shape_cast %get3A_48 : vector<16xi32> to vector<16xi32>
        %slice3A = vector.extract_strided_slice %get3A_49 {offsets = [0], sizes = [1], strides = [1]} : vector<16xi32> to vector<1xi32>
        %squeeze3A = vector.extract %slice3A[0] : i32 from vector<1xi32>
        %get3A_50 = arith.index_cast %squeeze3A : i32 to index
        %get3A_51 = tpu.vector_load %arg5[%get3A_50] {strides = array<i32>} : memref<10256xf32, #tpu.memory_space<vmem>>, vector<16xf32>,
        %get3A_52 = vector.shape_cast %get3A_51 : vector<16xf32> to vector<16xf32>
        %add3A_53 = arith.addf %get3A_52, %select_n3A : vector<16xf32>
        %swap3A = arith.index_cast %squeeze3A : i32 to index
        %swap3A_54 = tpu.vector_load %arg5[%swap3A] {strides = array<i32>} : memref<10256xf32, #tpu.memory_space<vmem>>, vector<16xf32>,
        %swap3A_55 = vector.shape_cast %swap3A_54 : vector<16xf32> to vector<16xf32>
        %swap3A_56 = vector.shape_cast %add3A_53 : vector<16xf32> to vector<16xf32>
        tpu.vector_store %arg5[%swap3A], %swap3A_56 {strides = array<i32>} : memref<10256xf32, #tpu.memory_space<vmem>>, vector<16xf32>,
        %slice3A_57 = vector.extract_strided_slice %get3A_49 {offsets = [1], sizes = [1], strides = [1]} : vector<16xi32> to vector<1xi32>
        %squeeze3A_58 = vector.extract %slice3A_57[0] : i32 from vector<1xi32>
        %get3A_59 = arith.index_cast %squeeze3A_58 : i32 to index
        %get3A_60 = tpu.vector_load %arg5[%get3A_59] {strides = array<i32>} : memref<10256xf32, #tpu.memory_space<vmem>>, vector<16xf32>,
        %get3A_61 = vector.shape_cast %get3A_60 : vector<16xf32> to vector<16xf32>
        %add3A_62 = arith.addf %get3A_61, %select_n3A : vector<16xf32>
        %swap3A_63 = arith.index_cast %squeeze3A_58 : i32 to index
        %swap3A_64 = tpu.vector_load %arg5[%swap3A_63] {strides = array<i32>} : memref<10256xf32, #tpu.memory_space<vmem>>, vector<16xf32>,
        %swap3A_65 = vector.shape_cast %swap3A_64 : vector<16xf32> to vector<16xf32>
        %swap3A_66 = vector.shape_cast %add3A_62 : vector<16xf32> to vector<16xf32>
        tpu.vector_store %arg5[%swap3A_63], %swap3A_66 {strides = array<i32>} : memref<10256xf32, #tpu.memory_space<vmem>>, vector<16xf32>,
        %slice3A_67 = vector.extract_strided_slice %get3A_49 {offsets = [2], sizes = [1], strides = [1]} : vector<16xi32> to vector<1xi32>
        %squeeze3A_68 = vector.extract %slice3A_67[0] : i32 from vector<1xi32>
        %get3A_69 = arith.index_cast %squeeze3A_68 : i32 to index
        %get3A_70 = tpu.vector_load %arg5[%get3A_69] {strides = array<i32>} : memref<10256xf32, #tpu.memory_space<vmem>>, vector<16xf32>,
        %get3A_71 = vector.shape_cast %get3A_70 : vector<16xf32> to vector<16xf32>
        %add3A_72 = arith.addf %get3A_71, %select_n3A : vector<16xf32>
        %swap3A_73 = arith.index_cast %squeeze3A_68 : i32 to index
        %swap3A_74 = tpu.vector_load %arg5[%swap3A_73] {strides = array<i32>} : memref<10256xf32, #tpu.memory_space<vmem>>, vector<16xf32>,
        %swap3A_75 = vector.shape_cast %swap3A_74 : vector<16xf32> to vector<16xf32>
        %swap3A_76 = vector.shape_cast %add3A_72 : vector<16xf32> to vector<16xf32>
        tpu.vector_store %arg5[%swap3A_73], %swap3A_76 {strides = array<i32>} : memref<10256xf32, #tpu.memory_space<vmem>>, vector<16xf32>,
        %slice3A_77 = vector.extract_strided_slice %get3A_49 {offsets = [3], sizes = [1], strides = [1]} : vector<16xi32> to vector<1xi32>
        %squeeze3A_78 = vector.extract %slice3A_77[0] : i32 from vector<1xi32>
        %get3A_79 = arith.index_cast %squeeze3A_78 : i32 to index
        %get3A_80 = tpu.vector_load %arg5[%get3A_79] {strides = array<i32>} : memref<10256xf32, #tpu.memory_space<vmem>>, vector<16xf32>,
        %get3A_81 = vector.shape_cast %get3A_80 : vector<16xf32> to vector<16xf32>
        %add3A_82 = arith.addf %get3A_81, %select_n3A : vector<16xf32>
        %swap3A_83 = arith.index_cast %squeeze3A_78 : i32 to index
        %swap3A_84 = tpu.vector_load %arg5[%swap3A_83] {strides = array<i32>} : memref<10256xf32, #tpu.memory_space<vmem>>, vector<16xf32>,
        %swap3A_85 = vector.shape_cast %swap3A_84 : vector<16xf32> to vector<16xf32>
        %swap3A_86 = vector.shape_cast %add3A_82 : vector<16xf32> to vector<16xf32>
        tpu.vector_store %arg5[%swap3A_83], %swap3A_86 {strides = array<i32>} : memref<10256xf32, #tpu.memory_space<vmem>>, vector<16xf32>,
        %slice3A_87 = vector.extract_strided_slice %get3A_49 {offsets = [4], sizes = [1], strides = [1]} : vector<16xi32> to vector<1xi32>
        %squeeze3A_88 = vector.extract %slice3A_87[0] : i32 from vector<1xi32>
        %get3A_89 = arith.index_cast %squeeze3A_88 : i32 to index
        %get3A_90 = tpu.vector_load %arg5[%get3A_89] {strides = array<i32>} : memref<10256xf32, #tpu.memory_space<vmem>>, vector<16xf32>,
        %get3A_91 = vector.shape_cast %get3A_90 : vector<16xf32> to vector<16xf32>
        %add3A_92 = arith.addf %get3A_91, %select_n3A : vector<16xf32>
        %swap3A_93 = arith.index_cast %squeeze3A_88 : i32 to index
        %swap3A_94 = tpu.vector_load %arg5[%swap3A_93] {strides = array<i32>} : memref<10256xf32, #tpu.memory_space<vmem>>, vector<16xf32>,
        %swap3A_95 = vector.shape_cast %swap3A_94 : vector<16xf32> to vector<16xf32>
        %swap3A_96 = vector.shape_cast %add3A_92 : vector<16xf32> to vector<16xf32>
        tpu.vector_store %arg5[%swap3A_93], %swap3A_96 {strides = array<i32>} : memref<10256xf32, #tpu.memory_space<vmem>>, vector<16xf32>,
        %slice3A_97 = vector.extract_strided_slice %get3A_49 {offsets = [5], sizes = [1], strides = [1]} : vector<16xi32> to vector<1xi32>
        %squeeze3A_98 = vector.extract %slice3A_97[0] : i32 from vector<1xi32>
        %get3A_99 = arith.index_cast %squeeze3A_98 : i32 to index
        %get3A_100 = tpu.vector_load %arg5[%get3A_99] {strides = array<i32>} : memref<10256xf32, #tpu.memory_space<vmem>>, vector<16xf32>,
        %get3A_101 = vector.shape_cast %get3A_100 : vector<16xf32> to vector<16xf32>
        %add3A_102 = arith.addf %get3A_101, %select_n3A : vector<16xf32>
        %swap3A_103 = arith.index_cast %squeeze3A_98 : i32 to index
        %swap3A_104 = tpu.vector_load %arg5[%swap3A_103] {strides = array<i32>} : memref<10256xf32, #tpu.memory_space<vmem>>, vector<16xf32>,
        %swap3A_105 = vector.shape_cast %swap3A_104 : vector<16xf32> to vector<16xf32>
        %swap3A_106 = vector.shape_cast %add3A_102 : vector<16xf32> to vector<16xf32>
        tpu.vector_store %arg5[%swap3A_103], %swap3A_106 {strides = array<i32>} : memref<10256xf32, #tpu.memory_space<vmem>>, vector<16xf32>,
        %slice3A_107 = vector.extract_strided_slice %get3A_49 {offsets = [6], sizes = [1], strides = [1]} : vector<16xi32> to vector<1xi32>
        %squeeze3A_108 = vector.extract %slice3A_107[0] : i32 from vector<1xi32>
        %get3A_109 = arith.index_cast %squeeze3A_108 : i32 to index
        %get3A_110 = tpu.vector_load %arg5[%get3A_109] {strides = array<i32>} : memref<10256xf32, #tpu.memory_space<vmem>>, vector<16xf32>,
        %get3A_111 = vector.shape_cast %get3A_110 : vector<16xf32> to vector<16xf32>
        %add3A_112 = arith.addf %get3A_111, %select_n3A : vector<16xf32>
        %swap3A_113 = arith.index_cast %squeeze3A_108 : i32 to index
        %swap3A_114 = tpu.vector_load %arg5[%swap3A_113] {strides = array<i32>} : memref<10256xf32, #tpu.memory_space<vmem>>, vector<16xf32>,
        %swap3A_115 = vector.shape_cast %swap3A_114 : vector<16xf32> to vector<16xf32>
        %swap3A_116 = vector.shape_cast %add3A_112 : vector<16xf32> to vector<16xf32>
        tpu.vector_store %arg5[%swap3A_113], %swap3A_116 {strides = array<i32>} : memref<10256xf32, #tpu.memory_space<vmem>>, vector<16xf32>,
        %slice3A_117 = vector.extract_strided_slice %get3A_49 {offsets = [7], sizes = [1], strides = [1]} : vector<16xi32> to vector<1xi32>
        %squeeze3A_118 = vector.extract %slice3A_117[0] : i32 from vector<1xi32>
        %get3A_119 = arith.index_cast %squeeze3A_118 : i32 to index
        %get3A_120 = tpu.vector_load %arg5[%get3A_119] {strides = array<i32>} : memref<10256xf32, #tpu.memory_space<vmem>>, vector<16xf32>,
        %get3A_121 = vector.shape_cast %get3A_120 : vector<16xf32> to vector<16xf32>
        %add3A_122 = arith.addf %get3A_121, %select_n3A : vector<16xf32>
        %swap3A_123 = arith.index_cast %squeeze3A_118 : i32 to index
        %swap3A_124 = tpu.vector_load %arg5[%swap3A_123] {strides = array<i32>} : memref<10256xf32, #tpu.memory_space<vmem>>, vector<16xf32>,
        %swap3A_125 = vector.shape_cast %swap3A_124 : vector<16xf32> to vector<16xf32>
        %swap3A_126 = vector.shape_cast %add3A_122 : vector<16xf32> to vector<16xf32>
        tpu.vector_store %arg5[%swap3A_123], %swap3A_126 {strides = array<i32>} : memref<10256xf32, #tpu.memory_space<vmem>>, vector<16xf32>,
        %slice3A_127 = vector.extract_strided_slice %get3A_49 {offsets = [8], sizes = [1], strides = [1]} : vector<16xi32> to vector<1xi32>
        %squeeze3A_128 = vector.extract %slice3A_127[0] : i32 from vector<1xi32>
        %get3A_129 = arith.index_cast %squeeze3A_128 : i32 to index
        %get3A_130 = tpu.vector_load %arg5[%get3A_129] {strides = array<i32>} : memref<10256xf32, #tpu.memory_space<vmem>>, vector<16xf32>,
        %get3A_131 = vector.shape_cast %get3A_130 : vector<16xf32> to vector<16xf32>
        %add3A_132 = arith.addf %get3A_131, %select_n3A : vector<16xf32>
        %swap3A_133 = arith.index_cast %squeeze3A_128 : i32 to index
        %swap3A_134 = tpu.vector_load %arg5[%swap3A_133] {strides = array<i32>} : memref<10256xf32, #tpu.memory_space<vmem>>, vector<16xf32>,
        %swap3A_135 = vector.shape_cast %swap3A_134 : vector<16xf32> to vector<16xf32>
        %swap3A_136 = vector.shape_cast %add3A_132 : vector<16xf32> to vector<16xf32>
        tpu.vector_store %arg5[%swap3A_133], %swap3A_136 {strides = array<i32>} : memref<10256xf32, #tpu.memory_space<vmem>>, vector<16xf32>,
        %slice3A_137 = vector.extract_strided_slice %get3A_49 {offsets = [9], sizes = [1], strides = [1]} : vector<16xi32> to vector<1xi32>
        %squeeze3A_138 = vector.extract %slice3A_137[0] : i32 from vector<1xi32>
        %get3A_139 = arith.index_cast %squeeze3A_138 : i32 to index
        %get3A_140 = tpu.vector_load %arg5[%get3A_139] {strides = array<i32>} : memref<10256xf32, #tpu.memory_space<vmem>>, vector<16xf32>,
        %get3A_141 = vector.shape_cast %get3A_140 : vector<16xf32> to vector<16xf32>
        %add3A_142 = arith.addf %get3A_141, %select_n3A : vector<16xf32>
        %swap3A_143 = arith.index_cast %squeeze3A_138 : i32 to index
        %swap3A_144 = tpu.vector_load %arg5[%swap3A_143] {strides = array<i32>} : memref<10256xf32, #tpu.memory_space<vmem>>, vector<16xf32>,
        %swap3A_145 = vector.shape_cast %swap3A_144 : vector<16xf32> to vector<16xf32>
        %swap3A_146 = vector.shape_cast %add3A_142 : vector<16xf32> to vector<16xf32>
        tpu.vector_store %arg5[%swap3A_143], %swap3A_146 {strides = array<i32>} : memref<10256xf32, #tpu.memory_space<vmem>>, vector<16xf32>,
        %slice3A_147 = vector.extract_strided_slice %get3A_49 {offsets = [10], sizes = [1], strides = [1]} : vector<16xi32> to vector<1xi32>
        %squeeze3A_148 = vector.extract %slice3A_147[0] : i32 from vector<1xi32>
        %get3A_149 = arith.index_cast %squeeze3A_148 : i32 to index
        %get3A_150 = tpu.vector_load %arg5[%get3A_149] {strides = array<i32>} : memref<10256xf32, #tpu.memory_space<vmem>>, vector<16xf32>,
        %get3A_151 = vector.shape_cast %get3A_150 : vector<16xf32> to vector<16xf32>
        %add3A_152 = arith.addf %get3A_151, %select_n3A : vector<16xf32>
        %swap3A_153 = arith.index_cast %squeeze3A_148 : i32 to index
        %swap3A_154 = tpu.vector_load %arg5[%swap3A_153] {strides = array<i32>} : memref<10256xf32, #tpu.memory_space<vmem>>, vector<16xf32>,
        %swap3A_155 = vector.shape_cast %swap3A_154 : vector<16xf32> to vector<16xf32>
        %swap3A_156 = vector.shape_cast %add3A_152 : vector<16xf32> to vector<16xf32>
        tpu.vector_store %arg5[%swap3A_153], %swap3A_156 {strides = array<i32>} : memref<10256xf32, #tpu.memory_space<vmem>>, vector<16xf32>,
        %slice3A_157 = vector.extract_strided_slice %get3A_49 {offsets = [11], sizes = [1], strides = [1]} : vector<16xi32> to vector<1xi32>
        %squeeze3A_158 = vector.extract %slice3A_157[0] : i32 from vector<1xi32>
        %get3A_159 = arith.index_cast %squeeze3A_158 : i32 to index
        %get3A_160 = tpu.vector_load %arg5[%get3A_159] {strides = array<i32>} : memref<10256xf32, #tpu.memory_space<vmem>>, vector<16xf32>,
        %get3A_161 = vector.shape_cast %get3A_160 : vector<16xf32> to vector<16xf32>
        %add3A_162 = arith.addf %get3A_161, %select_n3A : vector<16xf32>
        %swap3A_163 = arith.index_cast %squeeze3A_158 : i32 to index
        %swap3A_164 = tpu.vector_load %arg5[%swap3A_163] {strides = array<i32>} : memref<10256xf32, #tpu.memory_space<vmem>>, vector<16xf32>,
        %swap3A_165 = vector.shape_cast %swap3A_164 : vector<16xf32> to vector<16xf32>
        %swap3A_166 = vector.shape_cast %add3A_162 : vector<16xf32> to vector<16xf32>
        tpu.vector_store %arg5[%swap3A_163], %swap3A_166 {strides = array<i32>} : memref<10256xf32, #tpu.memory_space<vmem>>, vector<16xf32>,
        %slice3A_167 = vector.extract_strided_slice %get3A_49 {offsets = [12], sizes = [1], strides = [1]} : vector<16xi32> to vector<1xi32>
        %squeeze3A_168 = vector.extract %slice3A_167[0] : i32 from vector<1xi32>
        %get3A_169 = arith.index_cast %squeeze3A_168 : i32 to index
        %get3A_170 = tpu.vector_load %arg5[%get3A_169] {strides = array<i32>} : memref<10256xf32, #tpu.memory_space<vmem>>, vector<16xf32>,
        %get3A_171 = vector.shape_cast %get3A_170 : vector<16xf32> to vector<16xf32>
        %add3A_172 = arith.addf %get3A_171, %select_n3A : vector<16xf32>
        %swap3A_173 = arith.index_cast %squeeze3A_168 : i32 to index
        %swap3A_174 = tpu.vector_load %arg5[%swap3A_173] {strides = array<i32>} : memref<10256xf32, #tpu.memory_space<vmem>>, vector<16xf32>,
        %swap3A_175 = vector.shape_cast %swap3A_174 : vector<16xf32> to vector<16xf32>
        %swap3A_176 = vector.shape_cast %add3A_172 : vector<16xf32> to vector<16xf32>
        tpu.vector_store %arg5[%swap3A_173], %swap3A_176 {strides = array<i32>} : memref<10256xf32, #tpu.memory_space<vmem>>, vector<16xf32>,
        %slice3A_177 = vector.extract_strided_slice %get3A_49 {offsets = [13], sizes = [1], strides = [1]} : vector<16xi32> to vector<1xi32>
        %squeeze3A_178 = vector.extract %slice3A_177[0] : i32 from vector<1xi32>
        %get3A_179 = arith.index_cast %squeeze3A_178 : i32 to index
        %get3A_180 = tpu.vector_load %arg5[%get3A_179] {strides = array<i32>} : memref<10256xf32, #tpu.memory_space<vmem>>, vector<16xf32>,
        %get3A_181 = vector.shape_cast %get3A_180 : vector<16xf32> to vector<16xf32>
        %add3A_182 = arith.addf %get3A_181, %select_n3A : vector<16xf32>
        %swap3A_183 = arith.index_cast %squeeze3A_178 : i32 to index
        %swap3A_184 = tpu.vector_load %arg5[%swap3A_183] {strides = array<i32>} : memref<10256xf32, #tpu.memory_space<vmem>>, vector<16xf32>,
        %swap3A_185 = vector.shape_cast %swap3A_184 : vector<16xf32> to vector<16xf32>
        %swap3A_186 = vector.shape_cast %add3A_182 : vector<16xf32> to vector<16xf32>
        tpu.vector_store %arg5[%swap3A_183], %swap3A_186 {strides = array<i32>} : memref<10256xf32, #tpu.memory_space<vmem>>, vector<16xf32>,
        %slice3A_187 = vector.extract_strided_slice %get3A_49 {offsets = [14], sizes = [1], strides = [1]} : vector<16xi32> to vector<1xi32>
        %squeeze3A_188 = vector.extract %slice3A_187[0] : i32 from vector<1xi32>
        %get3A_189 = arith.index_cast %squeeze3A_188 : i32 to index
        %get3A_190 = tpu.vector_load %arg5[%get3A_189] {strides = array<i32>} : memref<10256xf32, #tpu.memory_space<vmem>>, vector<16xf32>,
        %get3A_191 = vector.shape_cast %get3A_190 : vector<16xf32> to vector<16xf32>
        %add3A_192 = arith.addf %get3A_191, %select_n3A : vector<16xf32>
        %swap3A_193 = arith.index_cast %squeeze3A_188 : i32 to index
        %swap3A_194 = tpu.vector_load %arg5[%swap3A_193] {strides = array<i32>} : memref<10256xf32, #tpu.memory_space<vmem>>, vector<16xf32>,
        %swap3A_195 = vector.shape_cast %swap3A_194 : vector<16xf32> to vector<16xf32>
        %swap3A_196 = vector.shape_cast %add3A_192 : vector<16xf32> to vector<16xf32>
        tpu.vector_store %arg5[%swap3A_193], %swap3A_196 {strides = array<i32>} : memref<10256xf32, #tpu.memory_space<vmem>>, vector<16xf32>,
        %slice3A_197 = vector.extract_strided_slice %get3A_49 {offsets = [15], sizes = [1], strides = [1]} : vector<16xi32> to vector<1xi32>
        %squeeze3A_198 = vector.extract %slice3A_197[0] : i32 from vector<1xi32>
        %get3A_199 = arith.index_cast %squeeze3A_198 : i32 to index
        %get3A_200 = tpu.vector_load %arg5[%get3A_199] {strides = array<i32>} : memref<10256xf32, #tpu.memory_space<vmem>>, vector<16xf32>,
        %get3A_201 = vector.shape_cast %get3A_200 : vector<16xf32> to vector<16xf32>
        %add3A_202 = arith.addf %get3A_201, %select_n3A : vector<16xf32>
        %swap3A_203 = arith.index_cast %squeeze3A_198 : i32 to index
        %swap3A_204 = tpu.vector_load %arg5[%swap3A_203] {strides = array<i32>} : memref<10256xf32, #tpu.memory_space<vmem>>, vector<16xf32>,
        %swap3A_205 = vector.shape_cast %swap3A_204 : vector<16xf32> to vector<16xf32>
        %swap3A_206 = vector.shape_cast %add3A_202 : vector<16xf32> to vector<16xf32>
        tpu.vector_store %arg5[%swap3A_203], %swap3A_206 {strides = array<i32>} : memref<10256xf32, #tpu.memory_space<vmem>>, vector<16xf32>,
      }
      %scan3A_44 = arith.constant 64 : i32
    }
    %scan3A_17 = arith.constant 10 : i32
    "tpu.region"() ({
      %run_scoped3A = tpu.sem_alloc : memref<!tpu.dma_semaphore, #tpu.memory_space<semaphore_mem>>
      %dma_start3A = arith.constant 0 : i32
      %dma_start3A_35 = tpu.memref_slice %arg5[%dma_start3A] : memref<10256xf32, #tpu.memory_space<vmem>> -> memref<10240xf32, #tpu.memory_space<vmem>>
      %dma_start3A_36 = arith.constant 0 : i32
      %dma_start3A_37 = tpu.memref_slice %arg4[%arg1, %dma_start3A_36] : memref<16x10240xf32, #tpu.memory_space<vmem_shared>> -> memref<1x10240xf32, #tpu.memory_space<vmem_shared>>
      %dma_start3A_38 = tpu.memref_squeeze %dma_start3A_37 : memref<1x10240xf32, #tpu.memory_space<vmem_shared>> -> memref<10240xf32, #tpu.memory_space<vmem_shared>>
      %dma_start3A_39 = arith.constant 0 : i32
      %dma_start3A_40 = tpu.memref_slice %arg4[%arg1, %dma_start3A_39] : memref<16x10240xf32, #tpu.memory_space<vmem_shared>> -> memref<1x10240xf32, #tpu.memory_space<vmem_shared>>
      %dma_start3A_41 = tpu.memref_squeeze %dma_start3A_40 : memref<1x10240xf32, #tpu.memory_space<vmem_shared>> -> memref<10240xf32, #tpu.memory_space<vmem_shared>>
      %dma_start3A_42 = arith.constant 0 : i32
      %dma_start3A_43 = tpu.memref_slice %arg5[%dma_start3A_42] : memref<10256xf32, #tpu.memory_space<vmem>> -> memref<10240xf32, #tpu.memory_space<vmem>>
      tpu.enqueue_dma source(%dma_start3A_43 : memref<10240xf32, #tpu.memory_space<vmem>>) target(%dma_start3A_41 : memref<10240xf32, #tpu.memory_space<vmem_shared>>) target_semaphore(%run_scoped3A : memref<!tpu.dma_semaphore, #tpu.memory_space<semaphore_mem>>)
      %dma_wait3A = arith.constant 0 : i32
      %dma_wait3A_44 = tpu.memref_slice %arg5[%dma_wait3A] : memref<10256xf32, #tpu.memory_space<vmem>> -> memref<10240xf32, #tpu.memory_space<vmem>>
      %dma_wait3A_45 = arith.constant 0 : i32
      %dma_wait3A_46 = tpu.memref_slice %arg4[%arg1, %dma_wait3A_45] : memref<16x10240xf32, #tpu.memory_space<vmem_shared>> -> memref<1x10240xf32, #tpu.memory_space<vmem_shared>>
      %dma_wait3A_47 = tpu.memref_squeeze %dma_wait3A_46 : memref<1x10240xf32, #tpu.memory_space<vmem_shared>> -> memref<10240xf32, #tpu.memory_space<vmem_shared>>
      %dma_wait3A_48 = arith.constant 0 : i32
      %dma_wait3A_49 = tpu.memref_slice %arg4[%arg1, %dma_wait3A_48] : memref<16x10240xf32, #tpu.memory_space<vmem_shared>> -> memref<1x10240xf32, #tpu.memory_space<vmem_shared>>
      %dma_wait3A_50 = tpu.memref_squeeze %dma_wait3A_49 : memref<1x10240xf32, #tpu.memory_space<vmem_shared>> -> memref<10240xf32, #tpu.memory_space<vmem_shared>>
      %dma_wait3A_51 = arith.constant 0 : i32
      %dma_wait3A_52 = tpu.memref_slice %arg5[%dma_wait3A_51] : memref<10256xf32, #tpu.memory_space<vmem>> -> memref<10240xf32, #tpu.memory_space<vmem>>
      tpu.wait_dma2 semaphore(%run_scoped3A : memref<!tpu.dma_semaphore, #tpu.memory_space<semaphore_mem>>) src(%dma_wait3A_52 : memref<10240xf32, #tpu.memory_space<vmem>>) dst(%dma_wait3A_50 : memref<10240xf32, #tpu.memory_space<vmem_shared>>)
      tpu.yield
    }) : () -> ()
    %barrier3A = arith.constant 0 : index
    tpu.barrier barrier_id(%barrier3A)
    %scan3A_18 = arith.constant 0 : i32
    %scan3A_19 = arith.constant 0 : i32
    %scan3A_20 = arith.constant 40 : i32
    %scan3A_21 = arith.addi %scan3A_19, %scan3A_20 : i32
    %scan3A_22 = arith.constant 1 : i32
    scf.for %scan3A_35 = %scan3A_19 to %scan3A_21 step %scan3A_22  : i32 {
      %mul3A_36 = arith.constant 16 : i32
      %mul3A_37 = arith.muli %scan3A_35, %mul3A_36 : i32
      %swap3A = arith.index_cast %mul3A_37 : i32 to index
      %swap3A_38 = tpu.vector_load %arg7[%swap3A] {strides = array<i32>} : memref<640xf32, #tpu.memory_space<vmem>>, vector<16xf32>,
      %swap3A_39 = vector.shape_cast %swap3A_38 : vector<16xf32> to vector<16xf32>
      %swap3A_40 = vector.shape_cast %broadcast_in_dim3A_1 : vector<16xf32> to vector<16xf32>
      tpu.vector_store %arg7[%swap3A], %swap3A_40 {strides = array<i32>} : memref<640xf32, #tpu.memory_space<vmem>>, vector<16xf32>,
    }
    %scan3A_23 = arith.constant 40 : i32
    %scan3A_24 = arith.constant 0 : i32
    %scan3A_25 = arith.constant 0 : i32
    %scan3A_26 = arith.constant 16 : i32
    %scan3A_27 = arith.addi %scan3A_25, %scan3A_26 : i32
    %scan3A_28 = arith.constant 1 : i32
    scf.for %scan3A_35 = %scan3A_25 to %scan3A_27 step %scan3A_28  : i32 {
      %mul3A_36 = arith.constant 640 : i32
      %mul3A_37 = arith.muli %arg1, %mul3A_36 : i32
      "tpu.region"() ({
        %run_scoped3A = tpu.sem_alloc : memref<!tpu.dma_semaphore, #tpu.memory_space<semaphore_mem>>
        %dma_start3A = tpu.memref_slice %arg4[%scan3A_35, %mul3A_37] : memref<16x10240xf32, #tpu.memory_space<vmem_shared>> -> memref<1x640xf32, #tpu.memory_space<vmem_shared>>
        %dma_start3A_43 = tpu.memref_squeeze %dma_start3A : memref<1x640xf32, #tpu.memory_space<vmem_shared>> -> memref<640xf32, #tpu.memory_space<vmem_shared>>
        %dma_start3A_44 = tpu.memref_slice %arg4[%scan3A_35, %mul3A_37] : memref<16x10240xf32, #tpu.memory_space<vmem_shared>> -> memref<1x640xf32, #tpu.memory_space<vmem_shared>>
        %dma_start3A_45 = tpu.memref_squeeze %dma_start3A_44 : memref<1x640xf32, #tpu.memory_space<vmem_shared>> -> memref<640xf32, #tpu.memory_space<vmem_shared>>
        tpu.enqueue_dma source(%dma_start3A_45 : memref<640xf32, #tpu.memory_space<vmem_shared>>) target(%arg8 : memref<640xf32, #tpu.memory_space<vmem>>) target_semaphore(%run_scoped3A : memref<!tpu.dma_semaphore, #tpu.memory_space<semaphore_mem>>)
        %dma_wait3A = tpu.memref_slice %arg4[%scan3A_35, %mul3A_37] : memref<16x10240xf32, #tpu.memory_space<vmem_shared>> -> memref<1x640xf32, #tpu.memory_space<vmem_shared>>
        %dma_wait3A_46 = tpu.memref_squeeze %dma_wait3A : memref<1x640xf32, #tpu.memory_space<vmem_shared>> -> memref<640xf32, #tpu.memory_space<vmem_shared>>
        %dma_wait3A_47 = tpu.memref_slice %arg4[%scan3A_35, %mul3A_37] : memref<16x10240xf32, #tpu.memory_space<vmem_shared>> -> memref<1x640xf32, #tpu.memory_space<vmem_shared>>
        %dma_wait3A_48 = tpu.memref_squeeze %dma_wait3A_47 : memref<1x640xf32, #tpu.memory_space<vmem_shared>> -> memref<640xf32, #tpu.memory_space<vmem_shared>>
        tpu.wait_dma2 semaphore(%run_scoped3A : memref<!tpu.dma_semaphore, #tpu.memory_space<semaphore_mem>>) src(%dma_wait3A_48 : memref<640xf32, #tpu.memory_space<vmem_shared>>) dst(%arg8 : memref<640xf32, #tpu.memory_space<vmem>>)
        tpu.yield
      }) : () -> ()
      %scan3A_38 = arith.constant 0 : i32
      %scan3A_39 = arith.constant 40 : i32
      %scan3A_40 = arith.addi %scan3A_38, %scan3A_39 : i32
      %scan3A_41 = arith.constant 1 : i32
      scf.for %scan3A_43 = %scan3A_38 to %scan3A_40 step %scan3A_41  : i32 {
        %mul3A_44 = arith.constant 16 : i32
        %mul3A_45 = arith.muli %scan3A_43, %mul3A_44 : i32
        %get3A = arith.index_cast %mul3A_45 : i32 to index
        %get3A_46 = tpu.vector_load %arg7[%get3A] {strides = array<i32>} : memref<640xf32, #tpu.memory_space<vmem>>, vector<16xf32>,
        %get3A_47 = vector.shape_cast %get3A_46 : vector<16xf32> to vector<16xf32>
        %mul3A_48 = arith.constant 16 : i32
        %mul3A_49 = arith.muli %scan3A_43, %mul3A_48 : i32
        %get3A_50 = arith.index_cast %mul3A_49 : i32 to index
        %get3A_51 = tpu.vector_load %arg8[%get3A_50] {strides = array<i32>} : memref<640xf32, #tpu.memory_space<vmem>>, vector<16xf32>,
        %get3A_52 = vector.shape_cast %get3A_51 : vector<16xf32> to vector<16xf32>
        %add3A_53 = arith.addf %get3A_47, %get3A_52 : vector<16xf32>
        %mul3A_54 = arith.constant 16 : i32
        %mul3A_55 = arith.muli %scan3A_43, %mul3A_54 : i32
        %swap3A = arith.index_cast %mul3A_55 : i32 to index
        %swap3A_56 = tpu.vector_load %arg7[%swap3A] {strides = array<i32>} : memref<640xf32, #tpu.memory_space<vmem>>, vector<16xf32>,
        %swap3A_57 = vector.shape_cast %swap3A_56 : vector<16xf32> to vector<16xf32>
        %swap3A_58 = vector.shape_cast %add3A_53 : vector<16xf32> to vector<16xf32>
        tpu.vector_store %arg7[%swap3A], %swap3A_58 {strides = array<i32>} : memref<640xf32, #tpu.memory_space<vmem>>, vector<16xf32>,
      }
      %scan3A_42 = arith.constant 40 : i32
    }
    %scan3A_29 = arith.constant 16 : i32
    %mul3A_30 = arith.constant 10240 : i32
    %mul3A_31 = arith.muli %arg0, %mul3A_30 : i32
    %mul3A_32 = arith.constant 640 : i32
    %mul3A_33 = arith.muli %arg1, %mul3A_32 : i32
    %add3A_34 = arith.addi %mul3A_31, %mul3A_33 : i32
    "tpu.region"() ({
      %run_scoped3A = tpu.sem_alloc : memref<!tpu.dma_semaphore, #tpu.memory_space<semaphore_mem>>
      %dma_start3A = tpu.memref_slice %arg3[%add3A_34] : memref<20480xf32, #tpu.memory_space<hbm>> -> memref<640xf32, #tpu.memory_space<hbm>>
      %dma_start3A_35 = tpu.memref_slice %arg3[%add3A_34] : memref<20480xf32, #tpu.memory_space<hbm>> -> memref<640xf32, #tpu.memory_space<hbm>>
      tpu.enqueue_dma source(%arg7 : memref<640xf32, #tpu.memory_space<vmem>>) target(%dma_start3A_35 : memref<640xf32, #tpu.memory_space<hbm>>) target_semaphore(%run_scoped3A : memref<!tpu.dma_semaphore, #tpu.memory_space<semaphore_mem>>)
      %dma_wait3A = tpu.memref_slice %arg3[%add3A_34] : memref<20480xf32, #tpu.memory_space<hbm>> -> memref<640xf32, #tpu.memory_space<hbm>>
      %dma_wait3A_36 = tpu.memref_slice %arg3[%add3A_34] : memref<20480xf32, #tpu.memory_space<hbm>> -> memref<640xf32, #tpu.memory_space<hbm>>
      tpu.wait_dma2 semaphore(%run_scoped3A : memref<!tpu.dma_semaphore, #tpu.memory_space<semaphore_mem>>) src(%arg7 : memref<640xf32, #tpu.memory_space<vmem>>) dst(%dma_wait3A_36 : memref<640xf32, #tpu.memory_space<hbm>>)
      tpu.yield
    }) : () -> ()
    return
  }
}

#map = affine_map<(d0, d1) -> (0, 0)>
module attributes {stable_mosaic.version = 14 : i64} {
  func.func @_sc_agg_body(%arg0: i32, %arg1: i32, %arg2: memref<10240x128xf32, #tpu.memory_space<hbm>>, %arg3: memref<2560x128xi32, #tpu.memory_space<hbm>>, %arg4: memref<2560x128xi32, #tpu.memory_space<hbm>>, %arg5: memref<128x128xf32, #tpu.memory_space<hbm>>, %arg6: memref<20480x128xf32, #tpu.memory_space<hbm>>, %arg7: memref<10240x128xf32, #tpu.memory_space<vmem_shared>>, %arg8: memref<8x128xi32, #tpu.memory_space<vmem>>, %arg9: memref<8x128xi32, #tpu.memory_space<vmem>>, %arg10: memref<128x128xf32, #tpu.memory_space<vmem>>, %arg11: memref<128x128xf32, #tpu.memory_space<vmem>>, %arg12: memref<!tpu.dma_semaphore, #tpu.memory_space<semaphore_mem>>, %arg13: memref<!tpu.dma_semaphore, #tpu.memory_space<semaphore_mem>>) attributes {dimension_semantics = [#tpu.dimension_semantics<core_parallel>, #tpu.dimension_semantics<subcore_parallel>], iteration_bounds = array<i64: 2, 16>, scalar_prefetch = 0 : i64, scratch_operands = 7 : i64, tpu.core_type = #tpu.core_type<sc_vector_subcore>, window_params = [{transform_indices = #map}, {transform_indices = #map}, {transform_indices = #map}, {transform_indices = #map}, {transform_indices = #map}]} {
    %eq3A = arith.constant 0 : i32
    %eq3A_0 = arith.cmpi eq, %arg0, %eq3A : i32
    %jit3A = arith.constant 128 : i32
    %jit3A_1 = arith.constant 32 : i32
    %select_n3A = arith.select %eq3A_0, %jit3A, %jit3A_1 : i32
    %mul3A = arith.constant 160 : i32
    %mul3A_2 = arith.muli %arg1, %mul3A : i32
    %eq3A_3 = arith.constant 0 : i32
    %eq3A_4 = arith.cmpi eq, %arg0, %eq3A_3 : i32
    %jit3A_5 = arith.constant 0 : i32
    %jit3A_6 = arith.constant 128 : i32
    %select_n3A_7 = arith.select %eq3A_4, %jit3A_5, %jit3A_6 : i32
    %add3A = arith.addi %mul3A_2, %select_n3A_7 : i32
    "tpu.region"() ({
      %run_scoped3A = tpu.sem_alloc : memref<!tpu.dma_semaphore, #tpu.memory_space<semaphore_mem>>
      tpu.enqueue_dma source(%arg5 : memref<128x128xf32, #tpu.memory_space<hbm>>) target(%arg10 : memref<128x128xf32, #tpu.memory_space<vmem>>) target_semaphore(%run_scoped3A : memref<!tpu.dma_semaphore, #tpu.memory_space<semaphore_mem>>)
      tpu.wait_dma2 semaphore(%run_scoped3A : memref<!tpu.dma_semaphore, #tpu.memory_space<semaphore_mem>>) src(%arg5 : memref<128x128xf32, #tpu.memory_space<hbm>>) dst(%arg10 : memref<128x128xf32, #tpu.memory_space<vmem>>)
      tpu.yield
    }) : () -> ()
    %mul3A_8 = arith.constant 640 : i32
    %mul3A_9 = arith.muli %arg1, %mul3A_8 : i32
    %add3A_10 = arith.constant 0 : i32
    %add3A_11 = arith.addi %mul3A_9, %add3A_10 : i32
    "tpu.region"() ({
      %run_scoped3A = tpu.sem_alloc : memref<!tpu.dma_semaphore, #tpu.memory_space<semaphore_mem>>
      %dma_start3A = arith.constant 0 : i32
      %dma_start3A_83 = tpu.memref_slice %arg7[%add3A_11, %dma_start3A] : memref<10240x128xf32, #tpu.memory_space<vmem_shared>> -> memref<128x128xf32, #tpu.memory_space<vmem_shared>>
      %dma_start3A_84 = arith.constant 0 : i32
      %dma_start3A_85 = tpu.memref_slice %arg7[%add3A_11, %dma_start3A_84] : memref<10240x128xf32, #tpu.memory_space<vmem_shared>> -> memref<128x128xf32, #tpu.memory_space<vmem_shared>>
      tpu.enqueue_dma source(%arg10 : memref<128x128xf32, #tpu.memory_space<vmem>>) target(%dma_start3A_85 : memref<128x128xf32, #tpu.memory_space<vmem_shared>>) target_semaphore(%run_scoped3A : memref<!tpu.dma_semaphore, #tpu.memory_space<semaphore_mem>>)
      %dma_wait3A = arith.constant 0 : i32
      %dma_wait3A_86 = tpu.memref_slice %arg7[%add3A_11, %dma_wait3A] : memref<10240x128xf32, #tpu.memory_space<vmem_shared>> -> memref<128x128xf32, #tpu.memory_space<vmem_shared>>
      %dma_wait3A_87 = arith.constant 0 : i32
      %dma_wait3A_88 = tpu.memref_slice %arg7[%add3A_11, %dma_wait3A_87] : memref<10240x128xf32, #tpu.memory_space<vmem_shared>> -> memref<128x128xf32, #tpu.memory_space<vmem_shared>>
      tpu.wait_dma2 semaphore(%run_scoped3A : memref<!tpu.dma_semaphore, #tpu.memory_space<semaphore_mem>>) src(%arg10 : memref<128x128xf32, #tpu.memory_space<vmem>>) dst(%dma_wait3A_88 : memref<128x128xf32, #tpu.memory_space<vmem_shared>>)
      tpu.yield
    }) : () -> ()
    %mul3A_12 = arith.constant 640 : i32
    %mul3A_13 = arith.muli %arg1, %mul3A_12 : i32
    %add3A_14 = arith.constant 128 : i32
    %add3A_15 = arith.addi %mul3A_13, %add3A_14 : i32
    "tpu.region"() ({
      %run_scoped3A = tpu.sem_alloc : memref<!tpu.dma_semaphore, #tpu.memory_space<semaphore_mem>>
      %dma_start3A = arith.constant 0 : i32
      %dma_start3A_83 = tpu.memref_slice %arg7[%add3A_15, %dma_start3A] : memref<10240x128xf32, #tpu.memory_space<vmem_shared>> -> memref<128x128xf32, #tpu.memory_space<vmem_shared>>
      %dma_start3A_84 = arith.constant 0 : i32
      %dma_start3A_85 = tpu.memref_slice %arg7[%add3A_15, %dma_start3A_84] : memref<10240x128xf32, #tpu.memory_space<vmem_shared>> -> memref<128x128xf32, #tpu.memory_space<vmem_shared>>
      tpu.enqueue_dma source(%arg10 : memref<128x128xf32, #tpu.memory_space<vmem>>) target(%dma_start3A_85 : memref<128x128xf32, #tpu.memory_space<vmem_shared>>) target_semaphore(%run_scoped3A : memref<!tpu.dma_semaphore, #tpu.memory_space<semaphore_mem>>)
      %dma_wait3A = arith.constant 0 : i32
      %dma_wait3A_86 = tpu.memref_slice %arg7[%add3A_15, %dma_wait3A] : memref<10240x128xf32, #tpu.memory_space<vmem_shared>> -> memref<128x128xf32, #tpu.memory_space<vmem_shared>>
      %dma_wait3A_87 = arith.constant 0 : i32
      %dma_wait3A_88 = tpu.memref_slice %arg7[%add3A_15, %dma_wait3A_87] : memref<10240x128xf32, #tpu.memory_space<vmem_shared>> -> memref<128x128xf32, #tpu.memory_space<vmem_shared>>
      tpu.wait_dma2 semaphore(%run_scoped3A : memref<!tpu.dma_semaphore, #tpu.memory_space<semaphore_mem>>) src(%arg10 : memref<128x128xf32, #tpu.memory_space<vmem>>) dst(%dma_wait3A_88 : memref<128x128xf32, #tpu.memory_space<vmem_shared>>)
      tpu.yield
    }) : () -> ()
    %mul3A_16 = arith.constant 640 : i32
    %mul3A_17 = arith.muli %arg1, %mul3A_16 : i32
    %add3A_18 = arith.constant 256 : i32
    %add3A_19 = arith.addi %mul3A_17, %add3A_18 : i32
    "tpu.region"() ({
      %run_scoped3A = tpu.sem_alloc : memref<!tpu.dma_semaphore, #tpu.memory_space<semaphore_mem>>
      %dma_start3A = arith.constant 0 : i32
      %dma_start3A_83 = tpu.memref_slice %arg7[%add3A_19, %dma_start3A] : memref<10240x128xf32, #tpu.memory_space<vmem_shared>> -> memref<128x128xf32, #tpu.memory_space<vmem_shared>>
      %dma_start3A_84 = arith.constant 0 : i32
      %dma_start3A_85 = tpu.memref_slice %arg7[%add3A_19, %dma_start3A_84] : memref<10240x128xf32, #tpu.memory_space<vmem_shared>> -> memref<128x128xf32, #tpu.memory_space<vmem_shared>>
      tpu.enqueue_dma source(%arg10 : memref<128x128xf32, #tpu.memory_space<vmem>>) target(%dma_start3A_85 : memref<128x128xf32, #tpu.memory_space<vmem_shared>>) target_semaphore(%run_scoped3A : memref<!tpu.dma_semaphore, #tpu.memory_space<semaphore_mem>>)
      %dma_wait3A = arith.constant 0 : i32
      %dma_wait3A_86 = tpu.memref_slice %arg7[%add3A_19, %dma_wait3A] : memref<10240x128xf32, #tpu.memory_space<vmem_shared>> -> memref<128x128xf32, #tpu.memory_space<vmem_shared>>
      %dma_wait3A_87 = arith.constant 0 : i32
      %dma_wait3A_88 = tpu.memref_slice %arg7[%add3A_19, %dma_wait3A_87] : memref<10240x128xf32, #tpu.memory_space<vmem_shared>> -> memref<128x128xf32, #tpu.memory_space<vmem_shared>>
      tpu.wait_dma2 semaphore(%run_scoped3A : memref<!tpu.dma_semaphore, #tpu.memory_space<semaphore_mem>>) src(%arg10 : memref<128x128xf32, #tpu.memory_space<vmem>>) dst(%dma_wait3A_88 : memref<128x128xf32, #tpu.memory_space<vmem_shared>>)
      tpu.yield
    }) : () -> ()
    %mul3A_20 = arith.constant 640 : i32
    %mul3A_21 = arith.muli %arg1, %mul3A_20 : i32
    %add3A_22 = arith.constant 384 : i32
    %add3A_23 = arith.addi %mul3A_21, %add3A_22 : i32
    "tpu.region"() ({
      %run_scoped3A = tpu.sem_alloc : memref<!tpu.dma_semaphore, #tpu.memory_space<semaphore_mem>>
      %dma_start3A = arith.constant 0 : i32
      %dma_start3A_83 = tpu.memref_slice %arg7[%add3A_23, %dma_start3A] : memref<10240x128xf32, #tpu.memory_space<vmem_shared>> -> memref<128x128xf32, #tpu.memory_space<vmem_shared>>
      %dma_start3A_84 = arith.constant 0 : i32
      %dma_start3A_85 = tpu.memref_slice %arg7[%add3A_23, %dma_start3A_84] : memref<10240x128xf32, #tpu.memory_space<vmem_shared>> -> memref<128x128xf32, #tpu.memory_space<vmem_shared>>
      tpu.enqueue_dma source(%arg10 : memref<128x128xf32, #tpu.memory_space<vmem>>) target(%dma_start3A_85 : memref<128x128xf32, #tpu.memory_space<vmem_shared>>) target_semaphore(%run_scoped3A : memref<!tpu.dma_semaphore, #tpu.memory_space<semaphore_mem>>)
      %dma_wait3A = arith.constant 0 : i32
      %dma_wait3A_86 = tpu.memref_slice %arg7[%add3A_23, %dma_wait3A] : memref<10240x128xf32, #tpu.memory_space<vmem_shared>> -> memref<128x128xf32, #tpu.memory_space<vmem_shared>>
      %dma_wait3A_87 = arith.constant 0 : i32
      %dma_wait3A_88 = tpu.memref_slice %arg7[%add3A_23, %dma_wait3A_87] : memref<10240x128xf32, #tpu.memory_space<vmem_shared>> -> memref<128x128xf32, #tpu.memory_space<vmem_shared>>
      tpu.wait_dma2 semaphore(%run_scoped3A : memref<!tpu.dma_semaphore, #tpu.memory_space<semaphore_mem>>) src(%arg10 : memref<128x128xf32, #tpu.memory_space<vmem>>) dst(%dma_wait3A_88 : memref<128x128xf32, #tpu.memory_space<vmem_shared>>)
      tpu.yield
    }) : () -> ()
    %mul3A_24 = arith.constant 640 : i32
    %mul3A_25 = arith.muli %arg1, %mul3A_24 : i32
    %add3A_26 = arith.constant 512 : i32
    %add3A_27 = arith.addi %mul3A_25, %add3A_26 : i32
    "tpu.region"() ({
      %run_scoped3A = tpu.sem_alloc : memref<!tpu.dma_semaphore, #tpu.memory_space<semaphore_mem>>
      %dma_start3A = arith.constant 0 : i32
      %dma_start3A_83 = tpu.memref_slice %arg7[%add3A_27, %dma_start3A] : memref<10240x128xf32, #tpu.memory_space<vmem_shared>> -> memref<128x128xf32, #tpu.memory_space<vmem_shared>>
      %dma_start3A_84 = arith.constant 0 : i32
      %dma_start3A_85 = tpu.memref_slice %arg7[%add3A_27, %dma_start3A_84] : memref<10240x128xf32, #tpu.memory_space<vmem_shared>> -> memref<128x128xf32, #tpu.memory_space<vmem_shared>>
      tpu.enqueue_dma source(%arg10 : memref<128x128xf32, #tpu.memory_space<vmem>>) target(%dma_start3A_85 : memref<128x128xf32, #tpu.memory_space<vmem_shared>>) target_semaphore(%run_scoped3A : memref<!tpu.dma_semaphore, #tpu.memory_space<semaphore_mem>>)
      %dma_wait3A = arith.constant 0 : i32
      %dma_wait3A_86 = tpu.memref_slice %arg7[%add3A_27, %dma_wait3A] : memref<10240x128xf32, #tpu.memory_space<vmem_shared>> -> memref<128x128xf32, #tpu.memory_space<vmem_shared>>
      %dma_wait3A_87 = arith.constant 0 : i32
      %dma_wait3A_88 = tpu.memref_slice %arg7[%add3A_27, %dma_wait3A_87] : memref<10240x128xf32, #tpu.memory_space<vmem_shared>> -> memref<128x128xf32, #tpu.memory_space<vmem_shared>>
      tpu.wait_dma2 semaphore(%run_scoped3A : memref<!tpu.dma_semaphore, #tpu.memory_space<semaphore_mem>>) src(%arg10 : memref<128x128xf32, #tpu.memory_space<vmem>>) dst(%dma_wait3A_88 : memref<128x128xf32, #tpu.memory_space<vmem_shared>>)
      tpu.yield
    }) : () -> ()
    %barrier3A = arith.constant 0 : index
    tpu.barrier barrier_id(%barrier3A)
    %jit3A_28 = arith.constant 8 : i32
    %div3A = arith.divsi %select_n3A, %jit3A_28 : i32
    %sign3A = arith.constant 0 : i32
    %sign3A_29 = arith.cmpi sgt, %select_n3A, %sign3A : i32
    %sign3A_30 = arith.extui %sign3A_29 : i1 to i32
    %sign3A_31 = arith.constant 0 : i32
    %sign3A_32 = arith.cmpi slt, %select_n3A, %sign3A_31 : i32
    %sign3A_33 = arith.extui %sign3A_32 : i1 to i32
    %sign3A_34 = arith.subi %sign3A_30, %sign3A_33 : i32
    %sign3A_35 = arith.constant 0 : i32
    %sign3A_36 = arith.cmpi sgt, %jit3A_28, %sign3A_35 : i32
    %sign3A_37 = arith.extui %sign3A_36 : i1 to i32
    %sign3A_38 = arith.constant 0 : i32
    %sign3A_39 = arith.cmpi slt, %jit3A_28, %sign3A_38 : i32
    %sign3A_40 = arith.extui %sign3A_39 : i1 to i32
    %sign3A_41 = arith.subi %sign3A_37, %sign3A_40 : i32
    %ne3A = arith.cmpi ne, %sign3A_34, %sign3A_41 : i32
    %rem3A = arith.remsi %select_n3A, %jit3A_28 : i32
    %ne3A_42 = arith.constant 0 : i32
    %ne3A_43 = arith.cmpi ne, %rem3A, %ne3A_42 : i32
    %and3A = arith.andi %ne3A, %ne3A_43 : i1
    %sub3A = arith.constant 1 : i32
    %sub3A_44 = arith.subi %div3A, %sub3A : i32
    %select_n3A_45 = arith.select %and3A, %sub3A_44, %div3A : i32
    %while3A = arith.constant 0 : i32
    %while3A_46 = arith.constant 0 : i32
    %while3A_47 = arith.subi %select_n3A_45, %while3A_46 : i32
    %while3A_48 = arith.addi %while3A_46, %while3A_47 : i32
    %while3A_49 = arith.constant 1 : i32
    %while3A_50 = arith.divsi %while3A_47, %while3A_49 : i32
    %while3A_51 = arith.muli %while3A_50, %while3A_49 : i32
    %while3A_52 = arith.addi %while3A_46, %while3A_51 : i32
    %while3A_53 = arith.constant 1 : i32
    scf.for %while3A_83 = %while3A_46 to %while3A_52 step %while3A_53  : i32 {
      %mul3A_84 = arith.constant 8 : i32
      %mul3A_85 = arith.muli %while3A_83, %mul3A_84 : i32
      %add3A_86 = arith.addi %add3A, %mul3A_85 : i32
      "tpu.region"() ({
        %run_scoped3A_207 = tpu.sem_alloc : memref<!tpu.dma_semaphore, #tpu.memory_space<semaphore_mem>>
        %dma_start3A_208 = arith.constant 0 : i32
        %dma_start3A_209 = tpu.memref_slice %arg3[%add3A_86, %dma_start3A_208] : memref<2560x128xi32, #tpu.memory_space<hbm>> -> memref<8x128xi32, #tpu.memory_space<hbm>>
        %dma_start3A_210 = arith.constant 0 : i32
        %dma_start3A_211 = tpu.memref_slice %arg3[%add3A_86, %dma_start3A_210] : memref<2560x128xi32, #tpu.memory_space<hbm>> -> memref<8x128xi32, #tpu.memory_space<hbm>>
        tpu.enqueue_dma source(%dma_start3A_211 : memref<8x128xi32, #tpu.memory_space<hbm>>) target(%arg8 : memref<8x128xi32, #tpu.memory_space<vmem>>) target_semaphore(%run_scoped3A_207 : memref<!tpu.dma_semaphore, #tpu.memory_space<semaphore_mem>>)
        %dma_wait3A_212 = arith.constant 0 : i32
        %dma_wait3A_213 = tpu.memref_slice %arg3[%add3A_86, %dma_wait3A_212] : memref<2560x128xi32, #tpu.memory_space<hbm>> -> memref<8x128xi32, #tpu.memory_space<hbm>>
        %dma_wait3A_214 = arith.constant 0 : i32
        %dma_wait3A_215 = tpu.memref_slice %arg3[%add3A_86, %dma_wait3A_214] : memref<2560x128xi32, #tpu.memory_space<hbm>> -> memref<8x128xi32, #tpu.memory_space<hbm>>
        tpu.wait_dma2 semaphore(%run_scoped3A_207 : memref<!tpu.dma_semaphore, #tpu.memory_space<semaphore_mem>>) src(%dma_wait3A_215 : memref<8x128xi32, #tpu.memory_space<hbm>>) dst(%arg8 : memref<8x128xi32, #tpu.memory_space<vmem>>)
        tpu.yield
      }) : () -> ()
      %mul3A_87 = arith.constant 8 : i32
      %mul3A_88 = arith.muli %while3A_83, %mul3A_87 : i32
      %add3A_89 = arith.addi %add3A, %mul3A_88 : i32
      "tpu.region"() ({
        %run_scoped3A_207 = tpu.sem_alloc : memref<!tpu.dma_semaphore, #tpu.memory_space<semaphore_mem>>
        %dma_start3A_208 = arith.constant 0 : i32
        %dma_start3A_209 = tpu.memref_slice %arg4[%add3A_89, %dma_start3A_208] : memref<2560x128xi32, #tpu.memory_space<hbm>> -> memref<8x128xi32, #tpu.memory_space<hbm>>
        %dma_start3A_210 = arith.constant 0 : i32
        %dma_start3A_211 = tpu.memref_slice %arg4[%add3A_89, %dma_start3A_210] : memref<2560x128xi32, #tpu.memory_space<hbm>> -> memref<8x128xi32, #tpu.memory_space<hbm>>
        tpu.enqueue_dma source(%dma_start3A_211 : memref<8x128xi32, #tpu.memory_space<hbm>>) target(%arg9 : memref<8x128xi32, #tpu.memory_space<vmem>>) target_semaphore(%run_scoped3A_207 : memref<!tpu.dma_semaphore, #tpu.memory_space<semaphore_mem>>)
        %dma_wait3A_212 = arith.constant 0 : i32
        %dma_wait3A_213 = tpu.memref_slice %arg4[%add3A_89, %dma_wait3A_212] : memref<2560x128xi32, #tpu.memory_space<hbm>> -> memref<8x128xi32, #tpu.memory_space<hbm>>
        %dma_wait3A_214 = arith.constant 0 : i32
        %dma_wait3A_215 = tpu.memref_slice %arg4[%add3A_89, %dma_wait3A_214] : memref<2560x128xi32, #tpu.memory_space<hbm>> -> memref<8x128xi32, #tpu.memory_space<hbm>>
        tpu.wait_dma2 semaphore(%run_scoped3A_207 : memref<!tpu.dma_semaphore, #tpu.memory_space<semaphore_mem>>) src(%dma_wait3A_215 : memref<8x128xi32, #tpu.memory_space<hbm>>) dst(%arg9 : memref<8x128xi32, #tpu.memory_space<vmem>>)
        tpu.yield
      }) : () -> ()
      %dma_start3A = arith.constant 0 : i32
      %dma_start3A_90 = arith.constant 0 : i32
      %dma_start3A_91 = tpu.memref_slice %arg8[%dma_start3A, %dma_start3A_90] : memref<8x128xi32, #tpu.memory_space<vmem>> -> memref<1x128xi32, #tpu.memory_space<vmem>>
      %dma_start3A_92 = tpu.memref_squeeze %dma_start3A_91 : memref<1x128xi32, #tpu.memory_space<vmem>> -> memref<128xi32, #tpu.memory_space<vmem>>
      %dma_start3A_93 = arith.constant 0 : i32
      %dma_start3A_94 = arith.constant 0 : i32
      %dma_start3A_95 = tpu.memref_slice %arg2[%dma_start3A_93, %dma_start3A_94] : memref<10240x128xf32, #tpu.memory_space<hbm>> -> memref<10240x128xf32, #tpu.memory_space<hbm>>
      tpu.enqueue_indirect_dma source(%dma_start3A_95 : memref<10240x128xf32, #tpu.memory_space<hbm>>) target(%arg10 : memref<128x128xf32, #tpu.memory_space<vmem>>) offsets(%dma_start3A_92 : memref<128xi32, #tpu.memory_space<vmem>>) semaphore(%arg12 : memref<!tpu.dma_semaphore, #tpu.memory_space<semaphore_mem>>)
      %dma_start3A_96 = arith.constant 1 : i32
      %dma_start3A_97 = arith.constant 0 : i32
      %dma_start3A_98 = tpu.memref_slice %arg8[%dma_start3A_96, %dma_start3A_97] : memref<8x128xi32, #tpu.memory_space<vmem>> -> memref<1x128xi32, #tpu.memory_space<vmem>>
      %dma_start3A_99 = tpu.memref_squeeze %dma_start3A_98 : memref<1x128xi32, #tpu.memory_space<vmem>> -> memref<128xi32, #tpu.memory_space<vmem>>
      %dma_start3A_100 = arith.constant 0 : i32
      %dma_start3A_101 = arith.constant 0 : i32
      %dma_start3A_102 = tpu.memref_slice %arg2[%dma_start3A_100, %dma_start3A_101] : memref<10240x128xf32, #tpu.memory_space<hbm>> -> memref<10240x128xf32, #tpu.memory_space<hbm>>
      tpu.enqueue_indirect_dma source(%dma_start3A_102 : memref<10240x128xf32, #tpu.memory_space<hbm>>) target(%arg11 : memref<128x128xf32, #tpu.memory_space<vmem>>) offsets(%dma_start3A_99 : memref<128xi32, #tpu.memory_space<vmem>>) semaphore(%arg13 : memref<!tpu.dma_semaphore, #tpu.memory_space<semaphore_mem>>)
      %dma_wait3A = arith.constant 0 : i32
      %dma_wait3A_103 = arith.constant 0 : i32
      %dma_wait3A_104 = tpu.memref_slice %arg8[%dma_wait3A, %dma_wait3A_103] : memref<8x128xi32, #tpu.memory_space<vmem>> -> memref<1x128xi32, #tpu.memory_space<vmem>>
      %dma_wait3A_105 = tpu.memref_squeeze %dma_wait3A_104 : memref<1x128xi32, #tpu.memory_space<vmem>> -> memref<128xi32, #tpu.memory_space<vmem>>
      %dma_wait3A_106 = arith.constant 0 : i32
      %dma_wait3A_107 = arith.constant 0 : i32
      %dma_wait3A_108 = tpu.memref_slice %arg2[%dma_wait3A_106, %dma_wait3A_107] : memref<10240x128xf32, #tpu.memory_space<hbm>> -> memref<10240x128xf32, #tpu.memory_space<hbm>>
      tpu.wait_indirect_dma semaphore(%arg12 : memref<!tpu.dma_semaphore, #tpu.memory_space<semaphore_mem>>) src(%dma_wait3A_108 : memref<10240x128xf32, #tpu.memory_space<hbm>>) dst(%arg10 : memref<128x128xf32, #tpu.memory_space<vmem>>)
      %run_scoped3A = arith.constant 0 : i32
      "tpu.region"() ({
        %run_scoped3A_207 = tpu.sem_alloc : memref<!tpu.dma_semaphore, #tpu.memory_space<semaphore_mem>>
        %dma_start3A_208 = arith.constant 0 : i32
        %dma_start3A_209 = tpu.memref_slice %arg9[%run_scoped3A, %dma_start3A_208] : memref<8x128xi32, #tpu.memory_space<vmem>> -> memref<1x128xi32, #tpu.memory_space<vmem>>
        %dma_start3A_210 = tpu.memref_squeeze %dma_start3A_209 : memref<1x128xi32, #tpu.memory_space<vmem>> -> memref<128xi32, #tpu.memory_space<vmem>>
        %dma_start3A_211 = arith.constant 0 : i32
        %dma_start3A_212 = arith.constant 0 : i32
        %dma_start3A_213 = tpu.memref_slice %arg7[%dma_start3A_211, %dma_start3A_212] : memref<10240x128xf32, #tpu.memory_space<vmem_shared>> -> memref<10240x128xf32, #tpu.memory_space<vmem_shared>>
        tpu.enqueue_indirect_dma source(%arg10 : memref<128x128xf32, #tpu.memory_space<vmem>>) target(%dma_start3A_213 : memref<10240x128xf32, #tpu.memory_space<vmem_shared>>) offsets(%dma_start3A_210 : memref<128xi32, #tpu.memory_space<vmem>>) semaphore(%run_scoped3A_207 : memref<!tpu.dma_semaphore, #tpu.memory_space<semaphore_mem>>) {add = true}
        %dma_wait3A_214 = arith.constant 0 : i32
        %dma_wait3A_215 = tpu.memref_slice %arg9[%run_scoped3A, %dma_wait3A_214] : memref<8x128xi32, #tpu.memory_space<vmem>> -> memref<1x128xi32, #tpu.memory_space<vmem>>
        %dma_wait3A_216 = tpu.memref_squeeze %dma_wait3A_215 : memref<1x128xi32, #tpu.memory_space<vmem>> -> memref<128xi32, #tpu.memory_space<vmem>>
        %dma_wait3A_217 = arith.constant 0 : i32
        %dma_wait3A_218 = arith.constant 0 : i32
        %dma_wait3A_219 = tpu.memref_slice %arg7[%dma_wait3A_217, %dma_wait3A_218] : memref<10240x128xf32, #tpu.memory_space<vmem_shared>> -> memref<10240x128xf32, #tpu.memory_space<vmem_shared>>
        tpu.wait_indirect_dma semaphore(%run_scoped3A_207 : memref<!tpu.dma_semaphore, #tpu.memory_space<semaphore_mem>>) src(%arg10 : memref<128x128xf32, #tpu.memory_space<vmem>>) dst(%dma_wait3A_219 : memref<10240x128xf32, #tpu.memory_space<vmem_shared>>)
        tpu.yield
      }) : () -> ()
      %dma_start3A_109 = arith.constant 2 : i32
      %dma_start3A_110 = arith.constant 0 : i32
      %dma_start3A_111 = tpu.memref_slice %arg8[%dma_start3A_109, %dma_start3A_110] : memref<8x128xi32, #tpu.memory_space<vmem>> -> memref<1x128xi32, #tpu.memory_space<vmem>>
      %dma_start3A_112 = tpu.memref_squeeze %dma_start3A_111 : memref<1x128xi32, #tpu.memory_space<vmem>> -> memref<128xi32, #tpu.memory_space<vmem>>
      %dma_start3A_113 = arith.constant 0 : i32
      %dma_start3A_114 = arith.constant 0 : i32
      %dma_start3A_115 = tpu.memref_slice %arg2[%dma_start3A_113, %dma_start3A_114] : memref<10240x128xf32, #tpu.memory_space<hbm>> -> memref<10240x128xf32, #tpu.memory_space<hbm>>
      tpu.enqueue_indirect_dma source(%dma_start3A_115 : memref<10240x128xf32, #tpu.memory_space<hbm>>) target(%arg10 : memref<128x128xf32, #tpu.memory_space<vmem>>) offsets(%dma_start3A_112 : memref<128xi32, #tpu.memory_space<vmem>>) semaphore(%arg12 : memref<!tpu.dma_semaphore, #tpu.memory_space<semaphore_mem>>)
      %dma_wait3A_116 = arith.constant 1 : i32
      %dma_wait3A_117 = arith.constant 0 : i32
      %dma_wait3A_118 = tpu.memref_slice %arg8[%dma_wait3A_116, %dma_wait3A_117] : memref<8x128xi32, #tpu.memory_space<vmem>> -> memref<1x128xi32, #tpu.memory_space<vmem>>
      %dma_wait3A_119 = tpu.memref_squeeze %dma_wait3A_118 : memref<1x128xi32, #tpu.memory_space<vmem>> -> memref<128xi32, #tpu.memory_space<vmem>>
      %dma_wait3A_120 = arith.constant 0 : i32
      %dma_wait3A_121 = arith.constant 0 : i32
      %dma_wait3A_122 = tpu.memref_slice %arg2[%dma_wait3A_120, %dma_wait3A_121] : memref<10240x128xf32, #tpu.memory_space<hbm>> -> memref<10240x128xf32, #tpu.memory_space<hbm>>
      tpu.wait_indirect_dma semaphore(%arg13 : memref<!tpu.dma_semaphore, #tpu.memory_space<semaphore_mem>>) src(%dma_wait3A_122 : memref<10240x128xf32, #tpu.memory_space<hbm>>) dst(%arg11 : memref<128x128xf32, #tpu.memory_space<vmem>>)
      %run_scoped3A_123 = arith.constant 1 : i32
      "tpu.region"() ({
        %run_scoped3A_207 = tpu.sem_alloc : memref<!tpu.dma_semaphore, #tpu.memory_space<semaphore_mem>>
        %dma_start3A_208 = arith.constant 0 : i32
        %dma_start3A_209 = tpu.memref_slice %arg9[%run_scoped3A_123, %dma_start3A_208] : memref<8x128xi32, #tpu.memory_space<vmem>> -> memref<1x128xi32, #tpu.memory_space<vmem>>
        %dma_start3A_210 = tpu.memref_squeeze %dma_start3A_209 : memref<1x128xi32, #tpu.memory_space<vmem>> -> memref<128xi32, #tpu.memory_space<vmem>>
        %dma_start3A_211 = arith.constant 0 : i32
        %dma_start3A_212 = arith.constant 0 : i32
        %dma_start3A_213 = tpu.memref_slice %arg7[%dma_start3A_211, %dma_start3A_212] : memref<10240x128xf32, #tpu.memory_space<vmem_shared>> -> memref<10240x128xf32, #tpu.memory_space<vmem_shared>>
        tpu.enqueue_indirect_dma source(%arg11 : memref<128x128xf32, #tpu.memory_space<vmem>>) target(%dma_start3A_213 : memref<10240x128xf32, #tpu.memory_space<vmem_shared>>) offsets(%dma_start3A_210 : memref<128xi32, #tpu.memory_space<vmem>>) semaphore(%run_scoped3A_207 : memref<!tpu.dma_semaphore, #tpu.memory_space<semaphore_mem>>) {add = true}
        %dma_wait3A_214 = arith.constant 0 : i32
        %dma_wait3A_215 = tpu.memref_slice %arg9[%run_scoped3A_123, %dma_wait3A_214] : memref<8x128xi32, #tpu.memory_space<vmem>> -> memref<1x128xi32, #tpu.memory_space<vmem>>
        %dma_wait3A_216 = tpu.memref_squeeze %dma_wait3A_215 : memref<1x128xi32, #tpu.memory_space<vmem>> -> memref<128xi32, #tpu.memory_space<vmem>>
        %dma_wait3A_217 = arith.constant 0 : i32
        %dma_wait3A_218 = arith.constant 0 : i32
        %dma_wait3A_219 = tpu.memref_slice %arg7[%dma_wait3A_217, %dma_wait3A_218] : memref<10240x128xf32, #tpu.memory_space<vmem_shared>> -> memref<10240x128xf32, #tpu.memory_space<vmem_shared>>
        tpu.wait_indirect_dma semaphore(%run_scoped3A_207 : memref<!tpu.dma_semaphore, #tpu.memory_space<semaphore_mem>>) src(%arg11 : memref<128x128xf32, #tpu.memory_space<vmem>>) dst(%dma_wait3A_219 : memref<10240x128xf32, #tpu.memory_space<vmem_shared>>)
        tpu.yield
      }) : () -> ()
      %dma_start3A_124 = arith.constant 3 : i32
      %dma_start3A_125 = arith.constant 0 : i32
      %dma_start3A_126 = tpu.memref_slice %arg8[%dma_start3A_124, %dma_start3A_125] : memref<8x128xi32, #tpu.memory_space<vmem>> -> memref<1x128xi32, #tpu.memory_space<vmem>>
      %dma_start3A_127 = tpu.memref_squeeze %dma_start3A_126 : memref<1x128xi32, #tpu.memory_space<vmem>> -> memref<128xi32, #tpu.memory_space<vmem>>
      %dma_start3A_128 = arith.constant 0 : i32
      %dma_start3A_129 = arith.constant 0 : i32
      %dma_start3A_130 = tpu.memref_slice %arg2[%dma_start3A_128, %dma_start3A_129] : memref<10240x128xf32, #tpu.memory_space<hbm>> -> memref<10240x128xf32, #tpu.memory_space<hbm>>
      tpu.enqueue_indirect_dma source(%dma_start3A_130 : memref<10240x128xf32, #tpu.memory_space<hbm>>) target(%arg11 : memref<128x128xf32, #tpu.memory_space<vmem>>) offsets(%dma_start3A_127 : memref<128xi32, #tpu.memory_space<vmem>>) semaphore(%arg13 : memref<!tpu.dma_semaphore, #tpu.memory_space<semaphore_mem>>)
      %dma_wait3A_131 = arith.constant 2 : i32
      %dma_wait3A_132 = arith.constant 0 : i32
      %dma_wait3A_133 = tpu.memref_slice %arg8[%dma_wait3A_131, %dma_wait3A_132] : memref<8x128xi32, #tpu.memory_space<vmem>> -> memref<1x128xi32, #tpu.memory_space<vmem>>
      %dma_wait3A_134 = tpu.memref_squeeze %dma_wait3A_133 : memref<1x128xi32, #tpu.memory_space<vmem>> -> memref<128xi32, #tpu.memory_space<vmem>>
      %dma_wait3A_135 = arith.constant 0 : i32
      %dma_wait3A_136 = arith.constant 0 : i32
      %dma_wait3A_137 = tpu.memref_slice %arg2[%dma_wait3A_135, %dma_wait3A_136] : memref<10240x128xf32, #tpu.memory_space<hbm>> -> memref<10240x128xf32, #tpu.memory_space<hbm>>
      tpu.wait_indirect_dma semaphore(%arg12 : memref<!tpu.dma_semaphore, #tpu.memory_space<semaphore_mem>>) src(%dma_wait3A_137 : memref<10240x128xf32, #tpu.memory_space<hbm>>) dst(%arg10 : memref<128x128xf32, #tpu.memory_space<vmem>>)
      %run_scoped3A_138 = arith.constant 2 : i32
      "tpu.region"() ({
        %run_scoped3A_207 = tpu.sem_alloc : memref<!tpu.dma_semaphore, #tpu.memory_space<semaphore_mem>>
        %dma_start3A_208 = arith.constant 0 : i32
        %dma_start3A_209 = tpu.memref_slice %arg9[%run_scoped3A_138, %dma_start3A_208] : memref<8x128xi32, #tpu.memory_space<vmem>> -> memref<1x128xi32, #tpu.memory_space<vmem>>
        %dma_start3A_210 = tpu.memref_squeeze %dma_start3A_209 : memref<1x128xi32, #tpu.memory_space<vmem>> -> memref<128xi32, #tpu.memory_space<vmem>>
        %dma_start3A_211 = arith.constant 0 : i32
        %dma_start3A_212 = arith.constant 0 : i32
        %dma_start3A_213 = tpu.memref_slice %arg7[%dma_start3A_211, %dma_start3A_212] : memref<10240x128xf32, #tpu.memory_space<vmem_shared>> -> memref<10240x128xf32, #tpu.memory_space<vmem_shared>>
        tpu.enqueue_indirect_dma source(%arg10 : memref<128x128xf32, #tpu.memory_space<vmem>>) target(%dma_start3A_213 : memref<10240x128xf32, #tpu.memory_space<vmem_shared>>) offsets(%dma_start3A_210 : memref<128xi32, #tpu.memory_space<vmem>>) semaphore(%run_scoped3A_207 : memref<!tpu.dma_semaphore, #tpu.memory_space<semaphore_mem>>) {add = true}
        %dma_wait3A_214 = arith.constant 0 : i32
        %dma_wait3A_215 = tpu.memref_slice %arg9[%run_scoped3A_138, %dma_wait3A_214] : memref<8x128xi32, #tpu.memory_space<vmem>> -> memref<1x128xi32, #tpu.memory_space<vmem>>
        %dma_wait3A_216 = tpu.memref_squeeze %dma_wait3A_215 : memref<1x128xi32, #tpu.memory_space<vmem>> -> memref<128xi32, #tpu.memory_space<vmem>>
        %dma_wait3A_217 = arith.constant 0 : i32
        %dma_wait3A_218 = arith.constant 0 : i32
        %dma_wait3A_219 = tpu.memref_slice %arg7[%dma_wait3A_217, %dma_wait3A_218] : memref<10240x128xf32, #tpu.memory_space<vmem_shared>> -> memref<10240x128xf32, #tpu.memory_space<vmem_shared>>
        tpu.wait_indirect_dma semaphore(%run_scoped3A_207 : memref<!tpu.dma_semaphore, #tpu.memory_space<semaphore_mem>>) src(%arg10 : memref<128x128xf32, #tpu.memory_space<vmem>>) dst(%dma_wait3A_219 : memref<10240x128xf32, #tpu.memory_space<vmem_shared>>)
        tpu.yield
      }) : () -> ()
      %dma_start3A_139 = arith.constant 4 : i32
      %dma_start3A_140 = arith.constant 0 : i32
      %dma_start3A_141 = tpu.memref_slice %arg8[%dma_start3A_139, %dma_start3A_140] : memref<8x128xi32, #tpu.memory_space<vmem>> -> memref<1x128xi32, #tpu.memory_space<vmem>>
      %dma_start3A_142 = tpu.memref_squeeze %dma_start3A_141 : memref<1x128xi32, #tpu.memory_space<vmem>> -> memref<128xi32, #tpu.memory_space<vmem>>
      %dma_start3A_143 = arith.constant 0 : i32
      %dma_start3A_144 = arith.constant 0 : i32
      %dma_start3A_145 = tpu.memref_slice %arg2[%dma_start3A_143, %dma_start3A_144] : memref<10240x128xf32, #tpu.memory_space<hbm>> -> memref<10240x128xf32, #tpu.memory_space<hbm>>
      tpu.enqueue_indirect_dma source(%dma_start3A_145 : memref<10240x128xf32, #tpu.memory_space<hbm>>) target(%arg10 : memref<128x128xf32, #tpu.memory_space<vmem>>) offsets(%dma_start3A_142 : memref<128xi32, #tpu.memory_space<vmem>>) semaphore(%arg12 : memref<!tpu.dma_semaphore, #tpu.memory_space<semaphore_mem>>)
      %dma_wait3A_146 = arith.constant 3 : i32
      %dma_wait3A_147 = arith.constant 0 : i32
      %dma_wait3A_148 = tpu.memref_slice %arg8[%dma_wait3A_146, %dma_wait3A_147] : memref<8x128xi32, #tpu.memory_space<vmem>> -> memref<1x128xi32, #tpu.memory_space<vmem>>
      %dma_wait3A_149 = tpu.memref_squeeze %dma_wait3A_148 : memref<1x128xi32, #tpu.memory_space<vmem>> -> memref<128xi32, #tpu.memory_space<vmem>>
      %dma_wait3A_150 = arith.constant 0 : i32
      %dma_wait3A_151 = arith.constant 0 : i32
      %dma_wait3A_152 = tpu.memref_slice %arg2[%dma_wait3A_150, %dma_wait3A_151] : memref<10240x128xf32, #tpu.memory_space<hbm>> -> memref<10240x128xf32, #tpu.memory_space<hbm>>
      tpu.wait_indirect_dma semaphore(%arg13 : memref<!tpu.dma_semaphore, #tpu.memory_space<semaphore_mem>>) src(%dma_wait3A_152 : memref<10240x128xf32, #tpu.memory_space<hbm>>) dst(%arg11 : memref<128x128xf32, #tpu.memory_space<vmem>>)
      %run_scoped3A_153 = arith.constant 3 : i32
      "tpu.region"() ({
        %run_scoped3A_207 = tpu.sem_alloc : memref<!tpu.dma_semaphore, #tpu.memory_space<semaphore_mem>>
        %dma_start3A_208 = arith.constant 0 : i32
        %dma_start3A_209 = tpu.memref_slice %arg9[%run_scoped3A_153, %dma_start3A_208] : memref<8x128xi32, #tpu.memory_space<vmem>> -> memref<1x128xi32, #tpu.memory_space<vmem>>
        %dma_start3A_210 = tpu.memref_squeeze %dma_start3A_209 : memref<1x128xi32, #tpu.memory_space<vmem>> -> memref<128xi32, #tpu.memory_space<vmem>>
        %dma_start3A_211 = arith.constant 0 : i32
        %dma_start3A_212 = arith.constant 0 : i32
        %dma_start3A_213 = tpu.memref_slice %arg7[%dma_start3A_211, %dma_start3A_212] : memref<10240x128xf32, #tpu.memory_space<vmem_shared>> -> memref<10240x128xf32, #tpu.memory_space<vmem_shared>>
        tpu.enqueue_indirect_dma source(%arg11 : memref<128x128xf32, #tpu.memory_space<vmem>>) target(%dma_start3A_213 : memref<10240x128xf32, #tpu.memory_space<vmem_shared>>) offsets(%dma_start3A_210 : memref<128xi32, #tpu.memory_space<vmem>>) semaphore(%run_scoped3A_207 : memref<!tpu.dma_semaphore, #tpu.memory_space<semaphore_mem>>) {add = true}
        %dma_wait3A_214 = arith.constant 0 : i32
        %dma_wait3A_215 = tpu.memref_slice %arg9[%run_scoped3A_153, %dma_wait3A_214] : memref<8x128xi32, #tpu.memory_space<vmem>> -> memref<1x128xi32, #tpu.memory_space<vmem>>
        %dma_wait3A_216 = tpu.memref_squeeze %dma_wait3A_215 : memref<1x128xi32, #tpu.memory_space<vmem>> -> memref<128xi32, #tpu.memory_space<vmem>>
        %dma_wait3A_217 = arith.constant 0 : i32
        %dma_wait3A_218 = arith.constant 0 : i32
        %dma_wait3A_219 = tpu.memref_slice %arg7[%dma_wait3A_217, %dma_wait3A_218] : memref<10240x128xf32, #tpu.memory_space<vmem_shared>> -> memref<10240x128xf32, #tpu.memory_space<vmem_shared>>
        tpu.wait_indirect_dma semaphore(%run_scoped3A_207 : memref<!tpu.dma_semaphore, #tpu.memory_space<semaphore_mem>>) src(%arg11 : memref<128x128xf32, #tpu.memory_space<vmem>>) dst(%dma_wait3A_219 : memref<10240x128xf32, #tpu.memory_space<vmem_shared>>)
        tpu.yield
      }) : () -> ()
      %dma_start3A_154 = arith.constant 5 : i32
      %dma_start3A_155 = arith.constant 0 : i32
      %dma_start3A_156 = tpu.memref_slice %arg8[%dma_start3A_154, %dma_start3A_155] : memref<8x128xi32, #tpu.memory_space<vmem>> -> memref<1x128xi32, #tpu.memory_space<vmem>>
      %dma_start3A_157 = tpu.memref_squeeze %dma_start3A_156 : memref<1x128xi32, #tpu.memory_space<vmem>> -> memref<128xi32, #tpu.memory_space<vmem>>
      %dma_start3A_158 = arith.constant 0 : i32
      %dma_start3A_159 = arith.constant 0 : i32
      %dma_start3A_160 = tpu.memref_slice %arg2[%dma_start3A_158, %dma_start3A_159] : memref<10240x128xf32, #tpu.memory_space<hbm>> -> memref<10240x128xf32, #tpu.memory_space<hbm>>
      tpu.enqueue_indirect_dma source(%dma_start3A_160 : memref<10240x128xf32, #tpu.memory_space<hbm>>) target(%arg11 : memref<128x128xf32, #tpu.memory_space<vmem>>) offsets(%dma_start3A_157 : memref<128xi32, #tpu.memory_space<vmem>>) semaphore(%arg13 : memref<!tpu.dma_semaphore, #tpu.memory_space<semaphore_mem>>)
      %dma_wait3A_161 = arith.constant 4 : i32
      %dma_wait3A_162 = arith.constant 0 : i32
      %dma_wait3A_163 = tpu.memref_slice %arg8[%dma_wait3A_161, %dma_wait3A_162] : memref<8x128xi32, #tpu.memory_space<vmem>> -> memref<1x128xi32, #tpu.memory_space<vmem>>
      %dma_wait3A_164 = tpu.memref_squeeze %dma_wait3A_163 : memref<1x128xi32, #tpu.memory_space<vmem>> -> memref<128xi32, #tpu.memory_space<vmem>>
      %dma_wait3A_165 = arith.constant 0 : i32
      %dma_wait3A_166 = arith.constant 0 : i32
      %dma_wait3A_167 = tpu.memref_slice %arg2[%dma_wait3A_165, %dma_wait3A_166] : memref<10240x128xf32, #tpu.memory_space<hbm>> -> memref<10240x128xf32, #tpu.memory_space<hbm>>
      tpu.wait_indirect_dma semaphore(%arg12 : memref<!tpu.dma_semaphore, #tpu.memory_space<semaphore_mem>>) src(%dma_wait3A_167 : memref<10240x128xf32, #tpu.memory_space<hbm>>) dst(%arg10 : memref<128x128xf32, #tpu.memory_space<vmem>>)
      %run_scoped3A_168 = arith.constant 4 : i32
      "tpu.region"() ({
        %run_scoped3A_207 = tpu.sem_alloc : memref<!tpu.dma_semaphore, #tpu.memory_space<semaphore_mem>>
        %dma_start3A_208 = arith.constant 0 : i32
        %dma_start3A_209 = tpu.memref_slice %arg9[%run_scoped3A_168, %dma_start3A_208] : memref<8x128xi32, #tpu.memory_space<vmem>> -> memref<1x128xi32, #tpu.memory_space<vmem>>
        %dma_start3A_210 = tpu.memref_squeeze %dma_start3A_209 : memref<1x128xi32, #tpu.memory_space<vmem>> -> memref<128xi32, #tpu.memory_space<vmem>>
        %dma_start3A_211 = arith.constant 0 : i32
        %dma_start3A_212 = arith.constant 0 : i32
        %dma_start3A_213 = tpu.memref_slice %arg7[%dma_start3A_211, %dma_start3A_212] : memref<10240x128xf32, #tpu.memory_space<vmem_shared>> -> memref<10240x128xf32, #tpu.memory_space<vmem_shared>>
        tpu.enqueue_indirect_dma source(%arg10 : memref<128x128xf32, #tpu.memory_space<vmem>>) target(%dma_start3A_213 : memref<10240x128xf32, #tpu.memory_space<vmem_shared>>) offsets(%dma_start3A_210 : memref<128xi32, #tpu.memory_space<vmem>>) semaphore(%run_scoped3A_207 : memref<!tpu.dma_semaphore, #tpu.memory_space<semaphore_mem>>) {add = true}
        %dma_wait3A_214 = arith.constant 0 : i32
        %dma_wait3A_215 = tpu.memref_slice %arg9[%run_scoped3A_168, %dma_wait3A_214] : memref<8x128xi32, #tpu.memory_space<vmem>> -> memref<1x128xi32, #tpu.memory_space<vmem>>
        %dma_wait3A_216 = tpu.memref_squeeze %dma_wait3A_215 : memref<1x128xi32, #tpu.memory_space<vmem>> -> memref<128xi32, #tpu.memory_space<vmem>>
        %dma_wait3A_217 = arith.constant 0 : i32
        %dma_wait3A_218 = arith.constant 0 : i32
        %dma_wait3A_219 = tpu.memref_slice %arg7[%dma_wait3A_217, %dma_wait3A_218] : memref<10240x128xf32, #tpu.memory_space<vmem_shared>> -> memref<10240x128xf32, #tpu.memory_space<vmem_shared>>
        tpu.wait_indirect_dma semaphore(%run_scoped3A_207 : memref<!tpu.dma_semaphore, #tpu.memory_space<semaphore_mem>>) src(%arg10 : memref<128x128xf32, #tpu.memory_space<vmem>>) dst(%dma_wait3A_219 : memref<10240x128xf32, #tpu.memory_space<vmem_shared>>)
        tpu.yield
      }) : () -> ()
      %dma_start3A_169 = arith.constant 6 : i32
      %dma_start3A_170 = arith.constant 0 : i32
      %dma_start3A_171 = tpu.memref_slice %arg8[%dma_start3A_169, %dma_start3A_170] : memref<8x128xi32, #tpu.memory_space<vmem>> -> memref<1x128xi32, #tpu.memory_space<vmem>>
      %dma_start3A_172 = tpu.memref_squeeze %dma_start3A_171 : memref<1x128xi32, #tpu.memory_space<vmem>> -> memref<128xi32, #tpu.memory_space<vmem>>
      %dma_start3A_173 = arith.constant 0 : i32
      %dma_start3A_174 = arith.constant 0 : i32
      %dma_start3A_175 = tpu.memref_slice %arg2[%dma_start3A_173, %dma_start3A_174] : memref<10240x128xf32, #tpu.memory_space<hbm>> -> memref<10240x128xf32, #tpu.memory_space<hbm>>
      tpu.enqueue_indirect_dma source(%dma_start3A_175 : memref<10240x128xf32, #tpu.memory_space<hbm>>) target(%arg10 : memref<128x128xf32, #tpu.memory_space<vmem>>) offsets(%dma_start3A_172 : memref<128xi32, #tpu.memory_space<vmem>>) semaphore(%arg12 : memref<!tpu.dma_semaphore, #tpu.memory_space<semaphore_mem>>)
      %dma_wait3A_176 = arith.constant 5 : i32
      %dma_wait3A_177 = arith.constant 0 : i32
      %dma_wait3A_178 = tpu.memref_slice %arg8[%dma_wait3A_176, %dma_wait3A_177] : memref<8x128xi32, #tpu.memory_space<vmem>> -> memref<1x128xi32, #tpu.memory_space<vmem>>
      %dma_wait3A_179 = tpu.memref_squeeze %dma_wait3A_178 : memref<1x128xi32, #tpu.memory_space<vmem>> -> memref<128xi32, #tpu.memory_space<vmem>>
      %dma_wait3A_180 = arith.constant 0 : i32
      %dma_wait3A_181 = arith.constant 0 : i32
      %dma_wait3A_182 = tpu.memref_slice %arg2[%dma_wait3A_180, %dma_wait3A_181] : memref<10240x128xf32, #tpu.memory_space<hbm>> -> memref<10240x128xf32, #tpu.memory_space<hbm>>
      tpu.wait_indirect_dma semaphore(%arg13 : memref<!tpu.dma_semaphore, #tpu.memory_space<semaphore_mem>>) src(%dma_wait3A_182 : memref<10240x128xf32, #tpu.memory_space<hbm>>) dst(%arg11 : memref<128x128xf32, #tpu.memory_space<vmem>>)
      %run_scoped3A_183 = arith.constant 5 : i32
      "tpu.region"() ({
        %run_scoped3A_207 = tpu.sem_alloc : memref<!tpu.dma_semaphore, #tpu.memory_space<semaphore_mem>>
        %dma_start3A_208 = arith.constant 0 : i32
        %dma_start3A_209 = tpu.memref_slice %arg9[%run_scoped3A_183, %dma_start3A_208] : memref<8x128xi32, #tpu.memory_space<vmem>> -> memref<1x128xi32, #tpu.memory_space<vmem>>
        %dma_start3A_210 = tpu.memref_squeeze %dma_start3A_209 : memref<1x128xi32, #tpu.memory_space<vmem>> -> memref<128xi32, #tpu.memory_space<vmem>>
        %dma_start3A_211 = arith.constant 0 : i32
        %dma_start3A_212 = arith.constant 0 : i32
        %dma_start3A_213 = tpu.memref_slice %arg7[%dma_start3A_211, %dma_start3A_212] : memref<10240x128xf32, #tpu.memory_space<vmem_shared>> -> memref<10240x128xf32, #tpu.memory_space<vmem_shared>>
        tpu.enqueue_indirect_dma source(%arg11 : memref<128x128xf32, #tpu.memory_space<vmem>>) target(%dma_start3A_213 : memref<10240x128xf32, #tpu.memory_space<vmem_shared>>) offsets(%dma_start3A_210 : memref<128xi32, #tpu.memory_space<vmem>>) semaphore(%run_scoped3A_207 : memref<!tpu.dma_semaphore, #tpu.memory_space<semaphore_mem>>) {add = true}
        %dma_wait3A_214 = arith.constant 0 : i32
        %dma_wait3A_215 = tpu.memref_slice %arg9[%run_scoped3A_183, %dma_wait3A_214] : memref<8x128xi32, #tpu.memory_space<vmem>> -> memref<1x128xi32, #tpu.memory_space<vmem>>
        %dma_wait3A_216 = tpu.memref_squeeze %dma_wait3A_215 : memref<1x128xi32, #tpu.memory_space<vmem>> -> memref<128xi32, #tpu.memory_space<vmem>>
        %dma_wait3A_217 = arith.constant 0 : i32
        %dma_wait3A_218 = arith.constant 0 : i32
        %dma_wait3A_219 = tpu.memref_slice %arg7[%dma_wait3A_217, %dma_wait3A_218] : memref<10240x128xf32, #tpu.memory_space<vmem_shared>> -> memref<10240x128xf32, #tpu.memory_space<vmem_shared>>
        tpu.wait_indirect_dma semaphore(%run_scoped3A_207 : memref<!tpu.dma_semaphore, #tpu.memory_space<semaphore_mem>>) src(%arg11 : memref<128x128xf32, #tpu.memory_space<vmem>>) dst(%dma_wait3A_219 : memref<10240x128xf32, #tpu.memory_space<vmem_shared>>)
        tpu.yield
      }) : () -> ()
      %dma_start3A_184 = arith.constant 7 : i32
      %dma_start3A_185 = arith.constant 0 : i32
      %dma_start3A_186 = tpu.memref_slice %arg8[%dma_start3A_184, %dma_start3A_185] : memref<8x128xi32, #tpu.memory_space<vmem>> -> memref<1x128xi32, #tpu.memory_space<vmem>>
      %dma_start3A_187 = tpu.memref_squeeze %dma_start3A_186 : memref<1x128xi32, #tpu.memory_space<vmem>> -> memref<128xi32, #tpu.memory_space<vmem>>
      %dma_start3A_188 = arith.constant 0 : i32
      %dma_start3A_189 = arith.constant 0 : i32
      %dma_start3A_190 = tpu.memref_slice %arg2[%dma_start3A_188, %dma_start3A_189] : memref<10240x128xf32, #tpu.memory_space<hbm>> -> memref<10240x128xf32, #tpu.memory_space<hbm>>
      tpu.enqueue_indirect_dma source(%dma_start3A_190 : memref<10240x128xf32, #tpu.memory_space<hbm>>) target(%arg11 : memref<128x128xf32, #tpu.memory_space<vmem>>) offsets(%dma_start3A_187 : memref<128xi32, #tpu.memory_space<vmem>>) semaphore(%arg13 : memref<!tpu.dma_semaphore, #tpu.memory_space<semaphore_mem>>)
      %dma_wait3A_191 = arith.constant 6 : i32
      %dma_wait3A_192 = arith.constant 0 : i32
      %dma_wait3A_193 = tpu.memref_slice %arg8[%dma_wait3A_191, %dma_wait3A_192] : memref<8x128xi32, #tpu.memory_space<vmem>> -> memref<1x128xi32, #tpu.memory_space<vmem>>
      %dma_wait3A_194 = tpu.memref_squeeze %dma_wait3A_193 : memref<1x128xi32, #tpu.memory_space<vmem>> -> memref<128xi32, #tpu.memory_space<vmem>>
      %dma_wait3A_195 = arith.constant 0 : i32
      %dma_wait3A_196 = arith.constant 0 : i32
      %dma_wait3A_197 = tpu.memref_slice %arg2[%dma_wait3A_195, %dma_wait3A_196] : memref<10240x128xf32, #tpu.memory_space<hbm>> -> memref<10240x128xf32, #tpu.memory_space<hbm>>
      tpu.wait_indirect_dma semaphore(%arg12 : memref<!tpu.dma_semaphore, #tpu.memory_space<semaphore_mem>>) src(%dma_wait3A_197 : memref<10240x128xf32, #tpu.memory_space<hbm>>) dst(%arg10 : memref<128x128xf32, #tpu.memory_space<vmem>>)
      %run_scoped3A_198 = arith.constant 6 : i32
      "tpu.region"() ({
        %run_scoped3A_207 = tpu.sem_alloc : memref<!tpu.dma_semaphore, #tpu.memory_space<semaphore_mem>>
        %dma_start3A_208 = arith.constant 0 : i32
        %dma_start3A_209 = tpu.memref_slice %arg9[%run_scoped3A_198, %dma_start3A_208] : memref<8x128xi32, #tpu.memory_space<vmem>> -> memref<1x128xi32, #tpu.memory_space<vmem>>
        %dma_start3A_210 = tpu.memref_squeeze %dma_start3A_209 : memref<1x128xi32, #tpu.memory_space<vmem>> -> memref<128xi32, #tpu.memory_space<vmem>>
        %dma_start3A_211 = arith.constant 0 : i32
        %dma_start3A_212 = arith.constant 0 : i32
        %dma_start3A_213 = tpu.memref_slice %arg7[%dma_start3A_211, %dma_start3A_212] : memref<10240x128xf32, #tpu.memory_space<vmem_shared>> -> memref<10240x128xf32, #tpu.memory_space<vmem_shared>>
        tpu.enqueue_indirect_dma source(%arg10 : memref<128x128xf32, #tpu.memory_space<vmem>>) target(%dma_start3A_213 : memref<10240x128xf32, #tpu.memory_space<vmem_shared>>) offsets(%dma_start3A_210 : memref<128xi32, #tpu.memory_space<vmem>>) semaphore(%run_scoped3A_207 : memref<!tpu.dma_semaphore, #tpu.memory_space<semaphore_mem>>) {add = true}
        %dma_wait3A_214 = arith.constant 0 : i32
        %dma_wait3A_215 = tpu.memref_slice %arg9[%run_scoped3A_198, %dma_wait3A_214] : memref<8x128xi32, #tpu.memory_space<vmem>> -> memref<1x128xi32, #tpu.memory_space<vmem>>
        %dma_wait3A_216 = tpu.memref_squeeze %dma_wait3A_215 : memref<1x128xi32, #tpu.memory_space<vmem>> -> memref<128xi32, #tpu.memory_space<vmem>>
        %dma_wait3A_217 = arith.constant 0 : i32
        %dma_wait3A_218 = arith.constant 0 : i32
        %dma_wait3A_219 = tpu.memref_slice %arg7[%dma_wait3A_217, %dma_wait3A_218] : memref<10240x128xf32, #tpu.memory_space<vmem_shared>> -> memref<10240x128xf32, #tpu.memory_space<vmem_shared>>
        tpu.wait_indirect_dma semaphore(%run_scoped3A_207 : memref<!tpu.dma_semaphore, #tpu.memory_space<semaphore_mem>>) src(%arg10 : memref<128x128xf32, #tpu.memory_space<vmem>>) dst(%dma_wait3A_219 : memref<10240x128xf32, #tpu.memory_space<vmem_shared>>)
        tpu.yield
      }) : () -> ()
      %dma_wait3A_199 = arith.constant 7 : i32
      %dma_wait3A_200 = arith.constant 0 : i32
      %dma_wait3A_201 = tpu.memref_slice %arg8[%dma_wait3A_199, %dma_wait3A_200] : memref<8x128xi32, #tpu.memory_space<vmem>> -> memref<1x128xi32, #tpu.memory_space<vmem>>
      %dma_wait3A_202 = tpu.memref_squeeze %dma_wait3A_201 : memref<1x128xi32, #tpu.memory_space<vmem>> -> memref<128xi32, #tpu.memory_space<vmem>>
      %dma_wait3A_203 = arith.constant 0 : i32
      %dma_wait3A_204 = arith.constant 0 : i32
      %dma_wait3A_205 = tpu.memref_slice %arg2[%dma_wait3A_203, %dma_wait3A_204] : memref<10240x128xf32, #tpu.memory_space<hbm>> -> memref<10240x128xf32, #tpu.memory_space<hbm>>
      tpu.wait_indirect_dma semaphore(%arg13 : memref<!tpu.dma_semaphore, #tpu.memory_space<semaphore_mem>>) src(%dma_wait3A_205 : memref<10240x128xf32, #tpu.memory_space<hbm>>) dst(%arg11 : memref<128x128xf32, #tpu.memory_space<vmem>>)
      %run_scoped3A_206 = arith.constant 7 : i32
      "tpu.region"() ({
        %run_scoped3A_207 = tpu.sem_alloc : memref<!tpu.dma_semaphore, #tpu.memory_space<semaphore_mem>>
        %dma_start3A_208 = arith.constant 0 : i32
        %dma_start3A_209 = tpu.memref_slice %arg9[%run_scoped3A_206, %dma_start3A_208] : memref<8x128xi32, #tpu.memory_space<vmem>> -> memref<1x128xi32, #tpu.memory_space<vmem>>
        %dma_start3A_210 = tpu.memref_squeeze %dma_start3A_209 : memref<1x128xi32, #tpu.memory_space<vmem>> -> memref<128xi32, #tpu.memory_space<vmem>>
        %dma_start3A_211 = arith.constant 0 : i32
        %dma_start3A_212 = arith.constant 0 : i32
        %dma_start3A_213 = tpu.memref_slice %arg7[%dma_start3A_211, %dma_start3A_212] : memref<10240x128xf32, #tpu.memory_space<vmem_shared>> -> memref<10240x128xf32, #tpu.memory_space<vmem_shared>>
        tpu.enqueue_indirect_dma source(%arg11 : memref<128x128xf32, #tpu.memory_space<vmem>>) target(%dma_start3A_213 : memref<10240x128xf32, #tpu.memory_space<vmem_shared>>) offsets(%dma_start3A_210 : memref<128xi32, #tpu.memory_space<vmem>>) semaphore(%run_scoped3A_207 : memref<!tpu.dma_semaphore, #tpu.memory_space<semaphore_mem>>) {add = true}
        %dma_wait3A_214 = arith.constant 0 : i32
        %dma_wait3A_215 = tpu.memref_slice %arg9[%run_scoped3A_206, %dma_wait3A_214] : memref<8x128xi32, #tpu.memory_space<vmem>> -> memref<1x128xi32, #tpu.memory_space<vmem>>
        %dma_wait3A_216 = tpu.memref_squeeze %dma_wait3A_215 : memref<1x128xi32, #tpu.memory_space<vmem>> -> memref<128xi32, #tpu.memory_space<vmem>>
        %dma_wait3A_217 = arith.constant 0 : i32
        %dma_wait3A_218 = arith.constant 0 : i32
        %dma_wait3A_219 = tpu.memref_slice %arg7[%dma_wait3A_217, %dma_wait3A_218] : memref<10240x128xf32, #tpu.memory_space<vmem_shared>> -> memref<10240x128xf32, #tpu.memory_space<vmem_shared>>
        tpu.wait_indirect_dma semaphore(%run_scoped3A_207 : memref<!tpu.dma_semaphore, #tpu.memory_space<semaphore_mem>>) src(%arg11 : memref<128x128xf32, #tpu.memory_space<vmem>>) dst(%dma_wait3A_219 : memref<10240x128xf32, #tpu.memory_space<vmem_shared>>)
        tpu.yield
      }) : () -> ()
    }
    %while3A_54 = arith.constant 1 : i32
    scf.for %while3A_83 = %while3A_52 to %while3A_48 step %while3A_54  : i32 {
      %mul3A_84 = arith.constant 8 : i32
      %mul3A_85 = arith.muli %while3A_83, %mul3A_84 : i32
      %add3A_86 = arith.addi %add3A, %mul3A_85 : i32
      "tpu.region"() ({
        %run_scoped3A_207 = tpu.sem_alloc : memref<!tpu.dma_semaphore, #tpu.memory_space<semaphore_mem>>
        %dma_start3A_208 = arith.constant 0 : i32
        %dma_start3A_209 = tpu.memref_slice %arg3[%add3A_86, %dma_start3A_208] : memref<2560x128xi32, #tpu.memory_space<hbm>> -> memref<8x128xi32, #tpu.memory_space<hbm>>
        %dma_start3A_210 = arith.constant 0 : i32
        %dma_start3A_211 = tpu.memref_slice %arg3[%add3A_86, %dma_start3A_210] : memref<2560x128xi32, #tpu.memory_space<hbm>> -> memref<8x128xi32, #tpu.memory_space<hbm>>
        tpu.enqueue_dma source(%dma_start3A_211 : memref<8x128xi32, #tpu.memory_space<hbm>>) target(%arg8 : memref<8x128xi32, #tpu.memory_space<vmem>>) target_semaphore(%run_scoped3A_207 : memref<!tpu.dma_semaphore, #tpu.memory_space<semaphore_mem>>)
        %dma_wait3A_212 = arith.constant 0 : i32
        %dma_wait3A_213 = tpu.memref_slice %arg3[%add3A_86, %dma_wait3A_212] : memref<2560x128xi32, #tpu.memory_space<hbm>> -> memref<8x128xi32, #tpu.memory_space<hbm>>
        %dma_wait3A_214 = arith.constant 0 : i32
        %dma_wait3A_215 = tpu.memref_slice %arg3[%add3A_86, %dma_wait3A_214] : memref<2560x128xi32, #tpu.memory_space<hbm>> -> memref<8x128xi32, #tpu.memory_space<hbm>>
        tpu.wait_dma2 semaphore(%run_scoped3A_207 : memref<!tpu.dma_semaphore, #tpu.memory_space<semaphore_mem>>) src(%dma_wait3A_215 : memref<8x128xi32, #tpu.memory_space<hbm>>) dst(%arg8 : memref<8x128xi32, #tpu.memory_space<vmem>>)
        tpu.yield
      }) : () -> ()
      %mul3A_87 = arith.constant 8 : i32
      %mul3A_88 = arith.muli %while3A_83, %mul3A_87 : i32
      %add3A_89 = arith.addi %add3A, %mul3A_88 : i32
      "tpu.region"() ({
        %run_scoped3A_207 = tpu.sem_alloc : memref<!tpu.dma_semaphore, #tpu.memory_space<semaphore_mem>>
        %dma_start3A_208 = arith.constant 0 : i32
        %dma_start3A_209 = tpu.memref_slice %arg4[%add3A_89, %dma_start3A_208] : memref<2560x128xi32, #tpu.memory_space<hbm>> -> memref<8x128xi32, #tpu.memory_space<hbm>>
        %dma_start3A_210 = arith.constant 0 : i32
        %dma_start3A_211 = tpu.memref_slice %arg4[%add3A_89, %dma_start3A_210] : memref<2560x128xi32, #tpu.memory_space<hbm>> -> memref<8x128xi32, #tpu.memory_space<hbm>>
        tpu.enqueue_dma source(%dma_start3A_211 : memref<8x128xi32, #tpu.memory_space<hbm>>) target(%arg9 : memref<8x128xi32, #tpu.memory_space<vmem>>) target_semaphore(%run_scoped3A_207 : memref<!tpu.dma_semaphore, #tpu.memory_space<semaphore_mem>>)
        %dma_wait3A_212 = arith.constant 0 : i32
        %dma_wait3A_213 = tpu.memref_slice %arg4[%add3A_89, %dma_wait3A_212] : memref<2560x128xi32, #tpu.memory_space<hbm>> -> memref<8x128xi32, #tpu.memory_space<hbm>>
        %dma_wait3A_214 = arith.constant 0 : i32
        %dma_wait3A_215 = tpu.memref_slice %arg4[%add3A_89, %dma_wait3A_214] : memref<2560x128xi32, #tpu.memory_space<hbm>> -> memref<8x128xi32, #tpu.memory_space<hbm>>
        tpu.wait_dma2 semaphore(%run_scoped3A_207 : memref<!tpu.dma_semaphore, #tpu.memory_space<semaphore_mem>>) src(%dma_wait3A_215 : memref<8x128xi32, #tpu.memory_space<hbm>>) dst(%arg9 : memref<8x128xi32, #tpu.memory_space<vmem>>)
        tpu.yield
      }) : () -> ()
      %dma_start3A = arith.constant 0 : i32
      %dma_start3A_90 = arith.constant 0 : i32
      %dma_start3A_91 = tpu.memref_slice %arg8[%dma_start3A, %dma_start3A_90] : memref<8x128xi32, #tpu.memory_space<vmem>> -> memref<1x128xi32, #tpu.memory_space<vmem>>
      %dma_start3A_92 = tpu.memref_squeeze %dma_start3A_91 : memref<1x128xi32, #tpu.memory_space<vmem>> -> memref<128xi32, #tpu.memory_space<vmem>>
      %dma_start3A_93 = arith.constant 0 : i32
      %dma_start3A_94 = arith.constant 0 : i32
      %dma_start3A_95 = tpu.memref_slice %arg2[%dma_start3A_93, %dma_start3A_94] : memref<10240x128xf32, #tpu.memory_space<hbm>> -> memref<10240x128xf32, #tpu.memory_space<hbm>>
      tpu.enqueue_indirect_dma source(%dma_start3A_95 : memref<10240x128xf32, #tpu.memory_space<hbm>>) target(%arg10 : memref<128x128xf32, #tpu.memory_space<vmem>>) offsets(%dma_start3A_92 : memref<128xi32, #tpu.memory_space<vmem>>) semaphore(%arg12 : memref<!tpu.dma_semaphore, #tpu.memory_space<semaphore_mem>>)
      %dma_start3A_96 = arith.constant 1 : i32
      %dma_start3A_97 = arith.constant 0 : i32
      %dma_start3A_98 = tpu.memref_slice %arg8[%dma_start3A_96, %dma_start3A_97] : memref<8x128xi32, #tpu.memory_space<vmem>> -> memref<1x128xi32, #tpu.memory_space<vmem>>
      %dma_start3A_99 = tpu.memref_squeeze %dma_start3A_98 : memref<1x128xi32, #tpu.memory_space<vmem>> -> memref<128xi32, #tpu.memory_space<vmem>>
      %dma_start3A_100 = arith.constant 0 : i32
      %dma_start3A_101 = arith.constant 0 : i32
      %dma_start3A_102 = tpu.memref_slice %arg2[%dma_start3A_100, %dma_start3A_101] : memref<10240x128xf32, #tpu.memory_space<hbm>> -> memref<10240x128xf32, #tpu.memory_space<hbm>>
      tpu.enqueue_indirect_dma source(%dma_start3A_102 : memref<10240x128xf32, #tpu.memory_space<hbm>>) target(%arg11 : memref<128x128xf32, #tpu.memory_space<vmem>>) offsets(%dma_start3A_99 : memref<128xi32, #tpu.memory_space<vmem>>) semaphore(%arg13 : memref<!tpu.dma_semaphore, #tpu.memory_space<semaphore_mem>>)
      %dma_wait3A = arith.constant 0 : i32
      %dma_wait3A_103 = arith.constant 0 : i32
      %dma_wait3A_104 = tpu.memref_slice %arg8[%dma_wait3A, %dma_wait3A_103] : memref<8x128xi32, #tpu.memory_space<vmem>> -> memref<1x128xi32, #tpu.memory_space<vmem>>
      %dma_wait3A_105 = tpu.memref_squeeze %dma_wait3A_104 : memref<1x128xi32, #tpu.memory_space<vmem>> -> memref<128xi32, #tpu.memory_space<vmem>>
      %dma_wait3A_106 = arith.constant 0 : i32
      %dma_wait3A_107 = arith.constant 0 : i32
      %dma_wait3A_108 = tpu.memref_slice %arg2[%dma_wait3A_106, %dma_wait3A_107] : memref<10240x128xf32, #tpu.memory_space<hbm>> -> memref<10240x128xf32, #tpu.memory_space<hbm>>
      tpu.wait_indirect_dma semaphore(%arg12 : memref<!tpu.dma_semaphore, #tpu.memory_space<semaphore_mem>>) src(%dma_wait3A_108 : memref<10240x128xf32, #tpu.memory_space<hbm>>) dst(%arg10 : memref<128x128xf32, #tpu.memory_space<vmem>>)
      %run_scoped3A = arith.constant 0 : i32
      "tpu.region"() ({
        %run_scoped3A_207 = tpu.sem_alloc : memref<!tpu.dma_semaphore, #tpu.memory_space<semaphore_mem>>
        %dma_start3A_208 = arith.constant 0 : i32
        %dma_start3A_209 = tpu.memref_slice %arg9[%run_scoped3A, %dma_start3A_208] : memref<8x128xi32, #tpu.memory_space<vmem>> -> memref<1x128xi32, #tpu.memory_space<vmem>>
        %dma_start3A_210 = tpu.memref_squeeze %dma_start3A_209 : memref<1x128xi32, #tpu.memory_space<vmem>> -> memref<128xi32, #tpu.memory_space<vmem>>
        %dma_start3A_211 = arith.constant 0 : i32
        %dma_start3A_212 = arith.constant 0 : i32
        %dma_start3A_213 = tpu.memref_slice %arg7[%dma_start3A_211, %dma_start3A_212] : memref<10240x128xf32, #tpu.memory_space<vmem_shared>> -> memref<10240x128xf32, #tpu.memory_space<vmem_shared>>
        tpu.enqueue_indirect_dma source(%arg10 : memref<128x128xf32, #tpu.memory_space<vmem>>) target(%dma_start3A_213 : memref<10240x128xf32, #tpu.memory_space<vmem_shared>>) offsets(%dma_start3A_210 : memref<128xi32, #tpu.memory_space<vmem>>) semaphore(%run_scoped3A_207 : memref<!tpu.dma_semaphore, #tpu.memory_space<semaphore_mem>>) {add = true}
        %dma_wait3A_214 = arith.constant 0 : i32
        %dma_wait3A_215 = tpu.memref_slice %arg9[%run_scoped3A, %dma_wait3A_214] : memref<8x128xi32, #tpu.memory_space<vmem>> -> memref<1x128xi32, #tpu.memory_space<vmem>>
        %dma_wait3A_216 = tpu.memref_squeeze %dma_wait3A_215 : memref<1x128xi32, #tpu.memory_space<vmem>> -> memref<128xi32, #tpu.memory_space<vmem>>
        %dma_wait3A_217 = arith.constant 0 : i32
        %dma_wait3A_218 = arith.constant 0 : i32
        %dma_wait3A_219 = tpu.memref_slice %arg7[%dma_wait3A_217, %dma_wait3A_218] : memref<10240x128xf32, #tpu.memory_space<vmem_shared>> -> memref<10240x128xf32, #tpu.memory_space<vmem_shared>>
        tpu.wait_indirect_dma semaphore(%run_scoped3A_207 : memref<!tpu.dma_semaphore, #tpu.memory_space<semaphore_mem>>) src(%arg10 : memref<128x128xf32, #tpu.memory_space<vmem>>) dst(%dma_wait3A_219 : memref<10240x128xf32, #tpu.memory_space<vmem_shared>>)
        tpu.yield
      }) : () -> ()
      %dma_start3A_109 = arith.constant 2 : i32
      %dma_start3A_110 = arith.constant 0 : i32
      %dma_start3A_111 = tpu.memref_slice %arg8[%dma_start3A_109, %dma_start3A_110] : memref<8x128xi32, #tpu.memory_space<vmem>> -> memref<1x128xi32, #tpu.memory_space<vmem>>
      %dma_start3A_112 = tpu.memref_squeeze %dma_start3A_111 : memref<1x128xi32, #tpu.memory_space<vmem>> -> memref<128xi32, #tpu.memory_space<vmem>>
      %dma_start3A_113 = arith.constant 0 : i32
      %dma_start3A_114 = arith.constant 0 : i32
      %dma_start3A_115 = tpu.memref_slice %arg2[%dma_start3A_113, %dma_start3A_114] : memref<10240x128xf32, #tpu.memory_space<hbm>> -> memref<10240x128xf32, #tpu.memory_space<hbm>>
      tpu.enqueue_indirect_dma source(%dma_start3A_115 : memref<10240x128xf32, #tpu.memory_space<hbm>>) target(%arg10 : memref<128x128xf32, #tpu.memory_space<vmem>>) offsets(%dma_start3A_112 : memref<128xi32, #tpu.memory_space<vmem>>) semaphore(%arg12 : memref<!tpu.dma_semaphore, #tpu.memory_space<semaphore_mem>>)
      %dma_wait3A_116 = arith.constant 1 : i32
      %dma_wait3A_117 = arith.constant 0 : i32
      %dma_wait3A_118 = tpu.memref_slice %arg8[%dma_wait3A_116, %dma_wait3A_117] : memref<8x128xi32, #tpu.memory_space<vmem>> -> memref<1x128xi32, #tpu.memory_space<vmem>>
      %dma_wait3A_119 = tpu.memref_squeeze %dma_wait3A_118 : memref<1x128xi32, #tpu.memory_space<vmem>> -> memref<128xi32, #tpu.memory_space<vmem>>
      %dma_wait3A_120 = arith.constant 0 : i32
      %dma_wait3A_121 = arith.constant 0 : i32
      %dma_wait3A_122 = tpu.memref_slice %arg2[%dma_wait3A_120, %dma_wait3A_121] : memref<10240x128xf32, #tpu.memory_space<hbm>> -> memref<10240x128xf32, #tpu.memory_space<hbm>>
      tpu.wait_indirect_dma semaphore(%arg13 : memref<!tpu.dma_semaphore, #tpu.memory_space<semaphore_mem>>) src(%dma_wait3A_122 : memref<10240x128xf32, #tpu.memory_space<hbm>>) dst(%arg11 : memref<128x128xf32, #tpu.memory_space<vmem>>)
      %run_scoped3A_123 = arith.constant 1 : i32
      "tpu.region"() ({
        %run_scoped3A_207 = tpu.sem_alloc : memref<!tpu.dma_semaphore, #tpu.memory_space<semaphore_mem>>
        %dma_start3A_208 = arith.constant 0 : i32
        %dma_start3A_209 = tpu.memref_slice %arg9[%run_scoped3A_123, %dma_start3A_208] : memref<8x128xi32, #tpu.memory_space<vmem>> -> memref<1x128xi32, #tpu.memory_space<vmem>>
        %dma_start3A_210 = tpu.memref_squeeze %dma_start3A_209 : memref<1x128xi32, #tpu.memory_space<vmem>> -> memref<128xi32, #tpu.memory_space<vmem>>
        %dma_start3A_211 = arith.constant 0 : i32
        %dma_start3A_212 = arith.constant 0 : i32
        %dma_start3A_213 = tpu.memref_slice %arg7[%dma_start3A_211, %dma_start3A_212] : memref<10240x128xf32, #tpu.memory_space<vmem_shared>> -> memref<10240x128xf32, #tpu.memory_space<vmem_shared>>
        tpu.enqueue_indirect_dma source(%arg11 : memref<128x128xf32, #tpu.memory_space<vmem>>) target(%dma_start3A_213 : memref<10240x128xf32, #tpu.memory_space<vmem_shared>>) offsets(%dma_start3A_210 : memref<128xi32, #tpu.memory_space<vmem>>) semaphore(%run_scoped3A_207 : memref<!tpu.dma_semaphore, #tpu.memory_space<semaphore_mem>>) {add = true}
        %dma_wait3A_214 = arith.constant 0 : i32
        %dma_wait3A_215 = tpu.memref_slice %arg9[%run_scoped3A_123, %dma_wait3A_214] : memref<8x128xi32, #tpu.memory_space<vmem>> -> memref<1x128xi32, #tpu.memory_space<vmem>>
        %dma_wait3A_216 = tpu.memref_squeeze %dma_wait3A_215 : memref<1x128xi32, #tpu.memory_space<vmem>> -> memref<128xi32, #tpu.memory_space<vmem>>
        %dma_wait3A_217 = arith.constant 0 : i32
        %dma_wait3A_218 = arith.constant 0 : i32
        %dma_wait3A_219 = tpu.memref_slice %arg7[%dma_wait3A_217, %dma_wait3A_218] : memref<10240x128xf32, #tpu.memory_space<vmem_shared>> -> memref<10240x128xf32, #tpu.memory_space<vmem_shared>>
        tpu.wait_indirect_dma semaphore(%run_scoped3A_207 : memref<!tpu.dma_semaphore, #tpu.memory_space<semaphore_mem>>) src(%arg11 : memref<128x128xf32, #tpu.memory_space<vmem>>) dst(%dma_wait3A_219 : memref<10240x128xf32, #tpu.memory_space<vmem_shared>>)
        tpu.yield
      }) : () -> ()
      %dma_start3A_124 = arith.constant 3 : i32
      %dma_start3A_125 = arith.constant 0 : i32
      %dma_start3A_126 = tpu.memref_slice %arg8[%dma_start3A_124, %dma_start3A_125] : memref<8x128xi32, #tpu.memory_space<vmem>> -> memref<1x128xi32, #tpu.memory_space<vmem>>
      %dma_start3A_127 = tpu.memref_squeeze %dma_start3A_126 : memref<1x128xi32, #tpu.memory_space<vmem>> -> memref<128xi32, #tpu.memory_space<vmem>>
      %dma_start3A_128 = arith.constant 0 : i32
      %dma_start3A_129 = arith.constant 0 : i32
      %dma_start3A_130 = tpu.memref_slice %arg2[%dma_start3A_128, %dma_start3A_129] : memref<10240x128xf32, #tpu.memory_space<hbm>> -> memref<10240x128xf32, #tpu.memory_space<hbm>>
      tpu.enqueue_indirect_dma source(%dma_start3A_130 : memref<10240x128xf32, #tpu.memory_space<hbm>>) target(%arg11 : memref<128x128xf32, #tpu.memory_space<vmem>>) offsets(%dma_start3A_127 : memref<128xi32, #tpu.memory_space<vmem>>) semaphore(%arg13 : memref<!tpu.dma_semaphore, #tpu.memory_space<semaphore_mem>>)
      %dma_wait3A_131 = arith.constant 2 : i32
      %dma_wait3A_132 = arith.constant 0 : i32
      %dma_wait3A_133 = tpu.memref_slice %arg8[%dma_wait3A_131, %dma_wait3A_132] : memref<8x128xi32, #tpu.memory_space<vmem>> -> memref<1x128xi32, #tpu.memory_space<vmem>>
      %dma_wait3A_134 = tpu.memref_squeeze %dma_wait3A_133 : memref<1x128xi32, #tpu.memory_space<vmem>> -> memref<128xi32, #tpu.memory_space<vmem>>
      %dma_wait3A_135 = arith.constant 0 : i32
      %dma_wait3A_136 = arith.constant 0 : i32
      %dma_wait3A_137 = tpu.memref_slice %arg2[%dma_wait3A_135, %dma_wait3A_136] : memref<10240x128xf32, #tpu.memory_space<hbm>> -> memref<10240x128xf32, #tpu.memory_space<hbm>>
      tpu.wait_indirect_dma semaphore(%arg12 : memref<!tpu.dma_semaphore, #tpu.memory_space<semaphore_mem>>) src(%dma_wait3A_137 : memref<10240x128xf32, #tpu.memory_space<hbm>>) dst(%arg10 : memref<128x128xf32, #tpu.memory_space<vmem>>)
      %run_scoped3A_138 = arith.constant 2 : i32
      "tpu.region"() ({
        %run_scoped3A_207 = tpu.sem_alloc : memref<!tpu.dma_semaphore, #tpu.memory_space<semaphore_mem>>
        %dma_start3A_208 = arith.constant 0 : i32
        %dma_start3A_209 = tpu.memref_slice %arg9[%run_scoped3A_138, %dma_start3A_208] : memref<8x128xi32, #tpu.memory_space<vmem>> -> memref<1x128xi32, #tpu.memory_space<vmem>>
        %dma_start3A_210 = tpu.memref_squeeze %dma_start3A_209 : memref<1x128xi32, #tpu.memory_space<vmem>> -> memref<128xi32, #tpu.memory_space<vmem>>
        %dma_start3A_211 = arith.constant 0 : i32
        %dma_start3A_212 = arith.constant 0 : i32
        %dma_start3A_213 = tpu.memref_slice %arg7[%dma_start3A_211, %dma_start3A_212] : memref<10240x128xf32, #tpu.memory_space<vmem_shared>> -> memref<10240x128xf32, #tpu.memory_space<vmem_shared>>
        tpu.enqueue_indirect_dma source(%arg10 : memref<128x128xf32, #tpu.memory_space<vmem>>) target(%dma_start3A_213 : memref<10240x128xf32, #tpu.memory_space<vmem_shared>>) offsets(%dma_start3A_210 : memref<128xi32, #tpu.memory_space<vmem>>) semaphore(%run_scoped3A_207 : memref<!tpu.dma_semaphore, #tpu.memory_space<semaphore_mem>>) {add = true}
        %dma_wait3A_214 = arith.constant 0 : i32
        %dma_wait3A_215 = tpu.memref_slice %arg9[%run_scoped3A_138, %dma_wait3A_214] : memref<8x128xi32, #tpu.memory_space<vmem>> -> memref<1x128xi32, #tpu.memory_space<vmem>>
        %dma_wait3A_216 = tpu.memref_squeeze %dma_wait3A_215 : memref<1x128xi32, #tpu.memory_space<vmem>> -> memref<128xi32, #tpu.memory_space<vmem>>
        %dma_wait3A_217 = arith.constant 0 : i32
        %dma_wait3A_218 = arith.constant 0 : i32
        %dma_wait3A_219 = tpu.memref_slice %arg7[%dma_wait3A_217, %dma_wait3A_218] : memref<10240x128xf32, #tpu.memory_space<vmem_shared>> -> memref<10240x128xf32, #tpu.memory_space<vmem_shared>>
        tpu.wait_indirect_dma semaphore(%run_scoped3A_207 : memref<!tpu.dma_semaphore, #tpu.memory_space<semaphore_mem>>) src(%arg10 : memref<128x128xf32, #tpu.memory_space<vmem>>) dst(%dma_wait3A_219 : memref<10240x128xf32, #tpu.memory_space<vmem_shared>>)
        tpu.yield
      }) : () -> ()
      %dma_start3A_139 = arith.constant 4 : i32
      %dma_start3A_140 = arith.constant 0 : i32
      %dma_start3A_141 = tpu.memref_slice %arg8[%dma_start3A_139, %dma_start3A_140] : memref<8x128xi32, #tpu.memory_space<vmem>> -> memref<1x128xi32, #tpu.memory_space<vmem>>
      %dma_start3A_142 = tpu.memref_squeeze %dma_start3A_141 : memref<1x128xi32, #tpu.memory_space<vmem>> -> memref<128xi32, #tpu.memory_space<vmem>>
      %dma_start3A_143 = arith.constant 0 : i32
      %dma_start3A_144 = arith.constant 0 : i32
      %dma_start3A_145 = tpu.memref_slice %arg2[%dma_start3A_143, %dma_start3A_144] : memref<10240x128xf32, #tpu.memory_space<hbm>> -> memref<10240x128xf32, #tpu.memory_space<hbm>>
      tpu.enqueue_indirect_dma source(%dma_start3A_145 : memref<10240x128xf32, #tpu.memory_space<hbm>>) target(%arg10 : memref<128x128xf32, #tpu.memory_space<vmem>>) offsets(%dma_start3A_142 : memref<128xi32, #tpu.memory_space<vmem>>) semaphore(%arg12 : memref<!tpu.dma_semaphore, #tpu.memory_space<semaphore_mem>>)
      %dma_wait3A_146 = arith.constant 3 : i32
      %dma_wait3A_147 = arith.constant 0 : i32
      %dma_wait3A_148 = tpu.memref_slice %arg8[%dma_wait3A_146, %dma_wait3A_147] : memref<8x128xi32, #tpu.memory_space<vmem>> -> memref<1x128xi32, #tpu.memory_space<vmem>>
      %dma_wait3A_149 = tpu.memref_squeeze %dma_wait3A_148 : memref<1x128xi32, #tpu.memory_space<vmem>> -> memref<128xi32, #tpu.memory_space<vmem>>
      %dma_wait3A_150 = arith.constant 0 : i32
      %dma_wait3A_151 = arith.constant 0 : i32
      %dma_wait3A_152 = tpu.memref_slice %arg2[%dma_wait3A_150, %dma_wait3A_151] : memref<10240x128xf32, #tpu.memory_space<hbm>> -> memref<10240x128xf32, #tpu.memory_space<hbm>>
      tpu.wait_indirect_dma semaphore(%arg13 : memref<!tpu.dma_semaphore, #tpu.memory_space<semaphore_mem>>) src(%dma_wait3A_152 : memref<10240x128xf32, #tpu.memory_space<hbm>>) dst(%arg11 : memref<128x128xf32, #tpu.memory_space<vmem>>)
      %run_scoped3A_153 = arith.constant 3 : i32
      "tpu.region"() ({
        %run_scoped3A_207 = tpu.sem_alloc : memref<!tpu.dma_semaphore, #tpu.memory_space<semaphore_mem>>
        %dma_start3A_208 = arith.constant 0 : i32
        %dma_start3A_209 = tpu.memref_slice %arg9[%run_scoped3A_153, %dma_start3A_208] : memref<8x128xi32, #tpu.memory_space<vmem>> -> memref<1x128xi32, #tpu.memory_space<vmem>>
        %dma_start3A_210 = tpu.memref_squeeze %dma_start3A_209 : memref<1x128xi32, #tpu.memory_space<vmem>> -> memref<128xi32, #tpu.memory_space<vmem>>
        %dma_start3A_211 = arith.constant 0 : i32
        %dma_start3A_212 = arith.constant 0 : i32
        %dma_start3A_213 = tpu.memref_slice %arg7[%dma_start3A_211, %dma_start3A_212] : memref<10240x128xf32, #tpu.memory_space<vmem_shared>> -> memref<10240x128xf32, #tpu.memory_space<vmem_shared>>
        tpu.enqueue_indirect_dma source(%arg11 : memref<128x128xf32, #tpu.memory_space<vmem>>) target(%dma_start3A_213 : memref<10240x128xf32, #tpu.memory_space<vmem_shared>>) offsets(%dma_start3A_210 : memref<128xi32, #tpu.memory_space<vmem>>) semaphore(%run_scoped3A_207 : memref<!tpu.dma_semaphore, #tpu.memory_space<semaphore_mem>>) {add = true}
        %dma_wait3A_214 = arith.constant 0 : i32
        %dma_wait3A_215 = tpu.memref_slice %arg9[%run_scoped3A_153, %dma_wait3A_214] : memref<8x128xi32, #tpu.memory_space<vmem>> -> memref<1x128xi32, #tpu.memory_space<vmem>>
        %dma_wait3A_216 = tpu.memref_squeeze %dma_wait3A_215 : memref<1x128xi32, #tpu.memory_space<vmem>> -> memref<128xi32, #tpu.memory_space<vmem>>
        %dma_wait3A_217 = arith.constant 0 : i32
        %dma_wait3A_218 = arith.constant 0 : i32
        %dma_wait3A_219 = tpu.memref_slice %arg7[%dma_wait3A_217, %dma_wait3A_218] : memref<10240x128xf32, #tpu.memory_space<vmem_shared>> -> memref<10240x128xf32, #tpu.memory_space<vmem_shared>>
        tpu.wait_indirect_dma semaphore(%run_scoped3A_207 : memref<!tpu.dma_semaphore, #tpu.memory_space<semaphore_mem>>) src(%arg11 : memref<128x128xf32, #tpu.memory_space<vmem>>) dst(%dma_wait3A_219 : memref<10240x128xf32, #tpu.memory_space<vmem_shared>>)
        tpu.yield
      }) : () -> ()
      %dma_start3A_154 = arith.constant 5 : i32
      %dma_start3A_155 = arith.constant 0 : i32
      %dma_start3A_156 = tpu.memref_slice %arg8[%dma_start3A_154, %dma_start3A_155] : memref<8x128xi32, #tpu.memory_space<vmem>> -> memref<1x128xi32, #tpu.memory_space<vmem>>
      %dma_start3A_157 = tpu.memref_squeeze %dma_start3A_156 : memref<1x128xi32, #tpu.memory_space<vmem>> -> memref<128xi32, #tpu.memory_space<vmem>>
      %dma_start3A_158 = arith.constant 0 : i32
      %dma_start3A_159 = arith.constant 0 : i32
      %dma_start3A_160 = tpu.memref_slice %arg2[%dma_start3A_158, %dma_start3A_159] : memref<10240x128xf32, #tpu.memory_space<hbm>> -> memref<10240x128xf32, #tpu.memory_space<hbm>>
      tpu.enqueue_indirect_dma source(%dma_start3A_160 : memref<10240x128xf32, #tpu.memory_space<hbm>>) target(%arg11 : memref<128x128xf32, #tpu.memory_space<vmem>>) offsets(%dma_start3A_157 : memref<128xi32, #tpu.memory_space<vmem>>) semaphore(%arg13 : memref<!tpu.dma_semaphore, #tpu.memory_space<semaphore_mem>>)
      %dma_wait3A_161 = arith.constant 4 : i32
      %dma_wait3A_162 = arith.constant 0 : i32
      %dma_wait3A_163 = tpu.memref_slice %arg8[%dma_wait3A_161, %dma_wait3A_162] : memref<8x128xi32, #tpu.memory_space<vmem>> -> memref<1x128xi32, #tpu.memory_space<vmem>>
      %dma_wait3A_164 = tpu.memref_squeeze %dma_wait3A_163 : memref<1x128xi32, #tpu.memory_space<vmem>> -> memref<128xi32, #tpu.memory_space<vmem>>
      %dma_wait3A_165 = arith.constant 0 : i32
      %dma_wait3A_166 = arith.constant 0 : i32
      %dma_wait3A_167 = tpu.memref_slice %arg2[%dma_wait3A_165, %dma_wait3A_166] : memref<10240x128xf32, #tpu.memory_space<hbm>> -> memref<10240x128xf32, #tpu.memory_space<hbm>>
      tpu.wait_indirect_dma semaphore(%arg12 : memref<!tpu.dma_semaphore, #tpu.memory_space<semaphore_mem>>) src(%dma_wait3A_167 : memref<10240x128xf32, #tpu.memory_space<hbm>>) dst(%arg10 : memref<128x128xf32, #tpu.memory_space<vmem>>)
      %run_scoped3A_168 = arith.constant 4 : i32
      "tpu.region"() ({
        %run_scoped3A_207 = tpu.sem_alloc : memref<!tpu.dma_semaphore, #tpu.memory_space<semaphore_mem>>
        %dma_start3A_208 = arith.constant 0 : i32
        %dma_start3A_209 = tpu.memref_slice %arg9[%run_scoped3A_168, %dma_start3A_208] : memref<8x128xi32, #tpu.memory_space<vmem>> -> memref<1x128xi32, #tpu.memory_space<vmem>>
        %dma_start3A_210 = tpu.memref_squeeze %dma_start3A_209 : memref<1x128xi32, #tpu.memory_space<vmem>> -> memref<128xi32, #tpu.memory_space<vmem>>
        %dma_start3A_211 = arith.constant 0 : i32
        %dma_start3A_212 = arith.constant 0 : i32
        %dma_start3A_213 = tpu.memref_slice %arg7[%dma_start3A_211, %dma_start3A_212] : memref<10240x128xf32, #tpu.memory_space<vmem_shared>> -> memref<10240x128xf32, #tpu.memory_space<vmem_shared>>
        tpu.enqueue_indirect_dma source(%arg10 : memref<128x128xf32, #tpu.memory_space<vmem>>) target(%dma_start3A_213 : memref<10240x128xf32, #tpu.memory_space<vmem_shared>>) offsets(%dma_start3A_210 : memref<128xi32, #tpu.memory_space<vmem>>) semaphore(%run_scoped3A_207 : memref<!tpu.dma_semaphore, #tpu.memory_space<semaphore_mem>>) {add = true}
        %dma_wait3A_214 = arith.constant 0 : i32
        %dma_wait3A_215 = tpu.memref_slice %arg9[%run_scoped3A_168, %dma_wait3A_214] : memref<8x128xi32, #tpu.memory_space<vmem>> -> memref<1x128xi32, #tpu.memory_space<vmem>>
        %dma_wait3A_216 = tpu.memref_squeeze %dma_wait3A_215 : memref<1x128xi32, #tpu.memory_space<vmem>> -> memref<128xi32, #tpu.memory_space<vmem>>
        %dma_wait3A_217 = arith.constant 0 : i32
        %dma_wait3A_218 = arith.constant 0 : i32
        %dma_wait3A_219 = tpu.memref_slice %arg7[%dma_wait3A_217, %dma_wait3A_218] : memref<10240x128xf32, #tpu.memory_space<vmem_shared>> -> memref<10240x128xf32, #tpu.memory_space<vmem_shared>>
        tpu.wait_indirect_dma semaphore(%run_scoped3A_207 : memref<!tpu.dma_semaphore, #tpu.memory_space<semaphore_mem>>) src(%arg10 : memref<128x128xf32, #tpu.memory_space<vmem>>) dst(%dma_wait3A_219 : memref<10240x128xf32, #tpu.memory_space<vmem_shared>>)
        tpu.yield
      }) : () -> ()
      %dma_start3A_169 = arith.constant 6 : i32
      %dma_start3A_170 = arith.constant 0 : i32
      %dma_start3A_171 = tpu.memref_slice %arg8[%dma_start3A_169, %dma_start3A_170] : memref<8x128xi32, #tpu.memory_space<vmem>> -> memref<1x128xi32, #tpu.memory_space<vmem>>
      %dma_start3A_172 = tpu.memref_squeeze %dma_start3A_171 : memref<1x128xi32, #tpu.memory_space<vmem>> -> memref<128xi32, #tpu.memory_space<vmem>>
      %dma_start3A_173 = arith.constant 0 : i32
      %dma_start3A_174 = arith.constant 0 : i32
      %dma_start3A_175 = tpu.memref_slice %arg2[%dma_start3A_173, %dma_start3A_174] : memref<10240x128xf32, #tpu.memory_space<hbm>> -> memref<10240x128xf32, #tpu.memory_space<hbm>>
      tpu.enqueue_indirect_dma source(%dma_start3A_175 : memref<10240x128xf32, #tpu.memory_space<hbm>>) target(%arg10 : memref<128x128xf32, #tpu.memory_space<vmem>>) offsets(%dma_start3A_172 : memref<128xi32, #tpu.memory_space<vmem>>) semaphore(%arg12 : memref<!tpu.dma_semaphore, #tpu.memory_space<semaphore_mem>>)
      %dma_wait3A_176 = arith.constant 5 : i32
      %dma_wait3A_177 = arith.constant 0 : i32
      %dma_wait3A_178 = tpu.memref_slice %arg8[%dma_wait3A_176, %dma_wait3A_177] : memref<8x128xi32, #tpu.memory_space<vmem>> -> memref<1x128xi32, #tpu.memory_space<vmem>>
      %dma_wait3A_179 = tpu.memref_squeeze %dma_wait3A_178 : memref<1x128xi32, #tpu.memory_space<vmem>> -> memref<128xi32, #tpu.memory_space<vmem>>
      %dma_wait3A_180 = arith.constant 0 : i32
      %dma_wait3A_181 = arith.constant 0 : i32
      %dma_wait3A_182 = tpu.memref_slice %arg2[%dma_wait3A_180, %dma_wait3A_181] : memref<10240x128xf32, #tpu.memory_space<hbm>> -> memref<10240x128xf32, #tpu.memory_space<hbm>>
      tpu.wait_indirect_dma semaphore(%arg13 : memref<!tpu.dma_semaphore, #tpu.memory_space<semaphore_mem>>) src(%dma_wait3A_182 : memref<10240x128xf32, #tpu.memory_space<hbm>>) dst(%arg11 : memref<128x128xf32, #tpu.memory_space<vmem>>)
      %run_scoped3A_183 = arith.constant 5 : i32
      "tpu.region"() ({
        %run_scoped3A_207 = tpu.sem_alloc : memref<!tpu.dma_semaphore, #tpu.memory_space<semaphore_mem>>
        %dma_start3A_208 = arith.constant 0 : i32
        %dma_start3A_209 = tpu.memref_slice %arg9[%run_scoped3A_183, %dma_start3A_208] : memref<8x128xi32, #tpu.memory_space<vmem>> -> memref<1x128xi32, #tpu.memory_space<vmem>>
        %dma_start3A_210 = tpu.memref_squeeze %dma_start3A_209 : memref<1x128xi32, #tpu.memory_space<vmem>> -> memref<128xi32, #tpu.memory_space<vmem>>
        %dma_start3A_211 = arith.constant 0 : i32
        %dma_start3A_212 = arith.constant 0 : i32
        %dma_start3A_213 = tpu.memref_slice %arg7[%dma_start3A_211, %dma_start3A_212] : memref<10240x128xf32, #tpu.memory_space<vmem_shared>> -> memref<10240x128xf32, #tpu.memory_space<vmem_shared>>
        tpu.enqueue_indirect_dma source(%arg11 : memref<128x128xf32, #tpu.memory_space<vmem>>) target(%dma_start3A_213 : memref<10240x128xf32, #tpu.memory_space<vmem_shared>>) offsets(%dma_start3A_210 : memref<128xi32, #tpu.memory_space<vmem>>) semaphore(%run_scoped3A_207 : memref<!tpu.dma_semaphore, #tpu.memory_space<semaphore_mem>>) {add = true}
        %dma_wait3A_214 = arith.constant 0 : i32
        %dma_wait3A_215 = tpu.memref_slice %arg9[%run_scoped3A_183, %dma_wait3A_214] : memref<8x128xi32, #tpu.memory_space<vmem>> -> memref<1x128xi32, #tpu.memory_space<vmem>>
        %dma_wait3A_216 = tpu.memref_squeeze %dma_wait3A_215 : memref<1x128xi32, #tpu.memory_space<vmem>> -> memref<128xi32, #tpu.memory_space<vmem>>
        %dma_wait3A_217 = arith.constant 0 : i32
        %dma_wait3A_218 = arith.constant 0 : i32
        %dma_wait3A_219 = tpu.memref_slice %arg7[%dma_wait3A_217, %dma_wait3A_218] : memref<10240x128xf32, #tpu.memory_space<vmem_shared>> -> memref<10240x128xf32, #tpu.memory_space<vmem_shared>>
        tpu.wait_indirect_dma semaphore(%run_scoped3A_207 : memref<!tpu.dma_semaphore, #tpu.memory_space<semaphore_mem>>) src(%arg11 : memref<128x128xf32, #tpu.memory_space<vmem>>) dst(%dma_wait3A_219 : memref<10240x128xf32, #tpu.memory_space<vmem_shared>>)
        tpu.yield
      }) : () -> ()
      %dma_start3A_184 = arith.constant 7 : i32
      %dma_start3A_185 = arith.constant 0 : i32
      %dma_start3A_186 = tpu.memref_slice %arg8[%dma_start3A_184, %dma_start3A_185] : memref<8x128xi32, #tpu.memory_space<vmem>> -> memref<1x128xi32, #tpu.memory_space<vmem>>
      %dma_start3A_187 = tpu.memref_squeeze %dma_start3A_186 : memref<1x128xi32, #tpu.memory_space<vmem>> -> memref<128xi32, #tpu.memory_space<vmem>>
      %dma_start3A_188 = arith.constant 0 : i32
      %dma_start3A_189 = arith.constant 0 : i32
      %dma_start3A_190 = tpu.memref_slice %arg2[%dma_start3A_188, %dma_start3A_189] : memref<10240x128xf32, #tpu.memory_space<hbm>> -> memref<10240x128xf32, #tpu.memory_space<hbm>>
      tpu.enqueue_indirect_dma source(%dma_start3A_190 : memref<10240x128xf32, #tpu.memory_space<hbm>>) target(%arg11 : memref<128x128xf32, #tpu.memory_space<vmem>>) offsets(%dma_start3A_187 : memref<128xi32, #tpu.memory_space<vmem>>) semaphore(%arg13 : memref<!tpu.dma_semaphore, #tpu.memory_space<semaphore_mem>>)
      %dma_wait3A_191 = arith.constant 6 : i32
      %dma_wait3A_192 = arith.constant 0 : i32
      %dma_wait3A_193 = tpu.memref_slice %arg8[%dma_wait3A_191, %dma_wait3A_192] : memref<8x128xi32, #tpu.memory_space<vmem>> -> memref<1x128xi32, #tpu.memory_space<vmem>>
      %dma_wait3A_194 = tpu.memref_squeeze %dma_wait3A_193 : memref<1x128xi32, #tpu.memory_space<vmem>> -> memref<128xi32, #tpu.memory_space<vmem>>
      %dma_wait3A_195 = arith.constant 0 : i32
      %dma_wait3A_196 = arith.constant 0 : i32
      %dma_wait3A_197 = tpu.memref_slice %arg2[%dma_wait3A_195, %dma_wait3A_196] : memref<10240x128xf32, #tpu.memory_space<hbm>> -> memref<10240x128xf32, #tpu.memory_space<hbm>>
      tpu.wait_indirect_dma semaphore(%arg12 : memref<!tpu.dma_semaphore, #tpu.memory_space<semaphore_mem>>) src(%dma_wait3A_197 : memref<10240x128xf32, #tpu.memory_space<hbm>>) dst(%arg10 : memref<128x128xf32, #tpu.memory_space<vmem>>)
      %run_scoped3A_198 = arith.constant 6 : i32
      "tpu.region"() ({
        %run_scoped3A_207 = tpu.sem_alloc : memref<!tpu.dma_semaphore, #tpu.memory_space<semaphore_mem>>
        %dma_start3A_208 = arith.constant 0 : i32
        %dma_start3A_209 = tpu.memref_slice %arg9[%run_scoped3A_198, %dma_start3A_208] : memref<8x128xi32, #tpu.memory_space<vmem>> -> memref<1x128xi32, #tpu.memory_space<vmem>>
        %dma_start3A_210 = tpu.memref_squeeze %dma_start3A_209 : memref<1x128xi32, #tpu.memory_space<vmem>> -> memref<128xi32, #tpu.memory_space<vmem>>
        %dma_start3A_211 = arith.constant 0 : i32
        %dma_start3A_212 = arith.constant 0 : i32
        %dma_start3A_213 = tpu.memref_slice %arg7[%dma_start3A_211, %dma_start3A_212] : memref<10240x128xf32, #tpu.memory_space<vmem_shared>> -> memref<10240x128xf32, #tpu.memory_space<vmem_shared>>
        tpu.enqueue_indirect_dma source(%arg10 : memref<128x128xf32, #tpu.memory_space<vmem>>) target(%dma_start3A_213 : memref<10240x128xf32, #tpu.memory_space<vmem_shared>>) offsets(%dma_start3A_210 : memref<128xi32, #tpu.memory_space<vmem>>) semaphore(%run_scoped3A_207 : memref<!tpu.dma_semaphore, #tpu.memory_space<semaphore_mem>>) {add = true}
        %dma_wait3A_214 = arith.constant 0 : i32
        %dma_wait3A_215 = tpu.memref_slice %arg9[%run_scoped3A_198, %dma_wait3A_214] : memref<8x128xi32, #tpu.memory_space<vmem>> -> memref<1x128xi32, #tpu.memory_space<vmem>>
        %dma_wait3A_216 = tpu.memref_squeeze %dma_wait3A_215 : memref<1x128xi32, #tpu.memory_space<vmem>> -> memref<128xi32, #tpu.memory_space<vmem>>
        %dma_wait3A_217 = arith.constant 0 : i32
        %dma_wait3A_218 = arith.constant 0 : i32
        %dma_wait3A_219 = tpu.memref_slice %arg7[%dma_wait3A_217, %dma_wait3A_218] : memref<10240x128xf32, #tpu.memory_space<vmem_shared>> -> memref<10240x128xf32, #tpu.memory_space<vmem_shared>>
        tpu.wait_indirect_dma semaphore(%run_scoped3A_207 : memref<!tpu.dma_semaphore, #tpu.memory_space<semaphore_mem>>) src(%arg10 : memref<128x128xf32, #tpu.memory_space<vmem>>) dst(%dma_wait3A_219 : memref<10240x128xf32, #tpu.memory_space<vmem_shared>>)
        tpu.yield
      }) : () -> ()
      %dma_wait3A_199 = arith.constant 7 : i32
      %dma_wait3A_200 = arith.constant 0 : i32
      %dma_wait3A_201 = tpu.memref_slice %arg8[%dma_wait3A_199, %dma_wait3A_200] : memref<8x128xi32, #tpu.memory_space<vmem>> -> memref<1x128xi32, #tpu.memory_space<vmem>>
      %dma_wait3A_202 = tpu.memref_squeeze %dma_wait3A_201 : memref<1x128xi32, #tpu.memory_space<vmem>> -> memref<128xi32, #tpu.memory_space<vmem>>
      %dma_wait3A_203 = arith.constant 0 : i32
      %dma_wait3A_204 = arith.constant 0 : i32
      %dma_wait3A_205 = tpu.memref_slice %arg2[%dma_wait3A_203, %dma_wait3A_204] : memref<10240x128xf32, #tpu.memory_space<hbm>> -> memref<10240x128xf32, #tpu.memory_space<hbm>>
      tpu.wait_indirect_dma semaphore(%arg13 : memref<!tpu.dma_semaphore, #tpu.memory_space<semaphore_mem>>) src(%dma_wait3A_205 : memref<10240x128xf32, #tpu.memory_space<hbm>>) dst(%arg11 : memref<128x128xf32, #tpu.memory_space<vmem>>)
      %run_scoped3A_206 = arith.constant 7 : i32
      "tpu.region"() ({
        %run_scoped3A_207 = tpu.sem_alloc : memref<!tpu.dma_semaphore, #tpu.memory_space<semaphore_mem>>
        %dma_start3A_208 = arith.constant 0 : i32
        %dma_start3A_209 = tpu.memref_slice %arg9[%run_scoped3A_206, %dma_start3A_208] : memref<8x128xi32, #tpu.memory_space<vmem>> -> memref<1x128xi32, #tpu.memory_space<vmem>>
        %dma_start3A_210 = tpu.memref_squeeze %dma_start3A_209 : memref<1x128xi32, #tpu.memory_space<vmem>> -> memref<128xi32, #tpu.memory_space<vmem>>
        %dma_start3A_211 = arith.constant 0 : i32
        %dma_start3A_212 = arith.constant 0 : i32
        %dma_start3A_213 = tpu.memref_slice %arg7[%dma_start3A_211, %dma_start3A_212] : memref<10240x128xf32, #tpu.memory_space<vmem_shared>> -> memref<10240x128xf32, #tpu.memory_space<vmem_shared>>
        tpu.enqueue_indirect_dma source(%arg11 : memref<128x128xf32, #tpu.memory_space<vmem>>) target(%dma_start3A_213 : memref<10240x128xf32, #tpu.memory_space<vmem_shared>>) offsets(%dma_start3A_210 : memref<128xi32, #tpu.memory_space<vmem>>) semaphore(%run_scoped3A_207 : memref<!tpu.dma_semaphore, #tpu.memory_space<semaphore_mem>>) {add = true}
        %dma_wait3A_214 = arith.constant 0 : i32
        %dma_wait3A_215 = tpu.memref_slice %arg9[%run_scoped3A_206, %dma_wait3A_214] : memref<8x128xi32, #tpu.memory_space<vmem>> -> memref<1x128xi32, #tpu.memory_space<vmem>>
        %dma_wait3A_216 = tpu.memref_squeeze %dma_wait3A_215 : memref<1x128xi32, #tpu.memory_space<vmem>> -> memref<128xi32, #tpu.memory_space<vmem>>
        %dma_wait3A_217 = arith.constant 0 : i32
        %dma_wait3A_218 = arith.constant 0 : i32
        %dma_wait3A_219 = tpu.memref_slice %arg7[%dma_wait3A_217, %dma_wait3A_218] : memref<10240x128xf32, #tpu.memory_space<vmem_shared>> -> memref<10240x128xf32, #tpu.memory_space<vmem_shared>>
        tpu.wait_indirect_dma semaphore(%run_scoped3A_207 : memref<!tpu.dma_semaphore, #tpu.memory_space<semaphore_mem>>) src(%arg11 : memref<128x128xf32, #tpu.memory_space<vmem>>) dst(%dma_wait3A_219 : memref<10240x128xf32, #tpu.memory_space<vmem_shared>>)
        tpu.yield
      }) : () -> ()
    }
    %barrier3A_55 = arith.constant 0 : index
    tpu.barrier barrier_id(%barrier3A_55)
    %mul3A_56 = arith.constant 10240 : i32
    %mul3A_57 = arith.muli %arg0, %mul3A_56 : i32
    %mul3A_58 = arith.constant 640 : i32
    %mul3A_59 = arith.muli %arg1, %mul3A_58 : i32
    %add3A_60 = arith.addi %mul3A_57, %mul3A_59 : i32
    %mul3A_61 = arith.constant 640 : i32
    %mul3A_62 = arith.muli %arg1, %mul3A_61 : i32
    %add3A_63 = arith.constant 0 : i32
    %add3A_64 = arith.addi %mul3A_62, %add3A_63 : i32
    "tpu.region"() ({
      %run_scoped3A = tpu.sem_alloc : memref<!tpu.dma_semaphore, #tpu.memory_space<semaphore_mem>>
      %dma_start3A = arith.constant 0 : i32
      %dma_start3A_83 = tpu.memref_slice %arg7[%add3A_64, %dma_start3A] : memref<10240x128xf32, #tpu.memory_space<vmem_shared>> -> memref<128x128xf32, #tpu.memory_space<vmem_shared>>
      %dma_start3A_84 = arith.constant 0 : i32
      %dma_start3A_85 = tpu.memref_slice %arg7[%add3A_64, %dma_start3A_84] : memref<10240x128xf32, #tpu.memory_space<vmem_shared>> -> memref<128x128xf32, #tpu.memory_space<vmem_shared>>
      tpu.enqueue_dma source(%dma_start3A_85 : memref<128x128xf32, #tpu.memory_space<vmem_shared>>) target(%arg10 : memref<128x128xf32, #tpu.memory_space<vmem>>) target_semaphore(%run_scoped3A : memref<!tpu.dma_semaphore, #tpu.memory_space<semaphore_mem>>)
      %dma_wait3A = arith.constant 0 : i32
      %dma_wait3A_86 = tpu.memref_slice %arg7[%add3A_64, %dma_wait3A] : memref<10240x128xf32, #tpu.memory_space<vmem_shared>> -> memref<128x128xf32, #tpu.memory_space<vmem_shared>>
      %dma_wait3A_87 = arith.constant 0 : i32
      %dma_wait3A_88 = tpu.memref_slice %arg7[%add3A_64, %dma_wait3A_87] : memref<10240x128xf32, #tpu.memory_space<vmem_shared>> -> memref<128x128xf32, #tpu.memory_space<vmem_shared>>
      tpu.wait_dma2 semaphore(%run_scoped3A : memref<!tpu.dma_semaphore, #tpu.memory_space<semaphore_mem>>) src(%dma_wait3A_88 : memref<128x128xf32, #tpu.memory_space<vmem_shared>>) dst(%arg10 : memref<128x128xf32, #tpu.memory_space<vmem>>)
      tpu.yield
    }) : () -> ()
    %add3A_65 = arith.constant 0 : i32
    %add3A_66 = arith.addi %add3A_60, %add3A_65 : i32
    "tpu.region"() ({
      %run_scoped3A = tpu.sem_alloc : memref<!tpu.dma_semaphore, #tpu.memory_space<semaphore_mem>>
      %dma_start3A = arith.constant 0 : i32
      %dma_start3A_83 = tpu.memref_slice %arg6[%add3A_66, %dma_start3A] : memref<20480x128xf32, #tpu.memory_space<hbm>> -> memref<128x128xf32, #tpu.memory_space<hbm>>
      %dma_start3A_84 = arith.constant 0 : i32
      %dma_start3A_85 = tpu.memref_slice %arg6[%add3A_66, %dma_start3A_84] : memref<20480x128xf32, #tpu.memory_space<hbm>> -> memref<128x128xf32, #tpu.memory_space<hbm>>
      tpu.enqueue_dma source(%arg10 : memref<128x128xf32, #tpu.memory_space<vmem>>) target(%dma_start3A_85 : memref<128x128xf32, #tpu.memory_space<hbm>>) target_semaphore(%run_scoped3A : memref<!tpu.dma_semaphore, #tpu.memory_space<semaphore_mem>>)
      %dma_wait3A = arith.constant 0 : i32
      %dma_wait3A_86 = tpu.memref_slice %arg6[%add3A_66, %dma_wait3A] : memref<20480x128xf32, #tpu.memory_space<hbm>> -> memref<128x128xf32, #tpu.memory_space<hbm>>
      %dma_wait3A_87 = arith.constant 0 : i32
      %dma_wait3A_88 = tpu.memref_slice %arg6[%add3A_66, %dma_wait3A_87] : memref<20480x128xf32, #tpu.memory_space<hbm>> -> memref<128x128xf32, #tpu.memory_space<hbm>>
      tpu.wait_dma2 semaphore(%run_scoped3A : memref<!tpu.dma_semaphore, #tpu.memory_space<semaphore_mem>>) src(%arg10 : memref<128x128xf32, #tpu.memory_space<vmem>>) dst(%dma_wait3A_88 : memref<128x128xf32, #tpu.memory_space<hbm>>)
      tpu.yield
    }) : () -> ()
    %add3A_67 = arith.constant 128 : i32
    %add3A_68 = arith.addi %mul3A_62, %add3A_67 : i32
    "tpu.region"() ({
      %run_scoped3A = tpu.sem_alloc : memref<!tpu.dma_semaphore, #tpu.memory_space<semaphore_mem>>
      %dma_start3A = arith.constant 0 : i32
      %dma_start3A_83 = tpu.memref_slice %arg7[%add3A_68, %dma_start3A] : memref<10240x128xf32, #tpu.memory_space<vmem_shared>> -> memref<128x128xf32, #tpu.memory_space<vmem_shared>>
      %dma_start3A_84 = arith.constant 0 : i32
      %dma_start3A_85 = tpu.memref_slice %arg7[%add3A_68, %dma_start3A_84] : memref<10240x128xf32, #tpu.memory_space<vmem_shared>> -> memref<128x128xf32, #tpu.memory_space<vmem_shared>>
      tpu.enqueue_dma source(%dma_start3A_85 : memref<128x128xf32, #tpu.memory_space<vmem_shared>>) target(%arg10 : memref<128x128xf32, #tpu.memory_space<vmem>>) target_semaphore(%run_scoped3A : memref<!tpu.dma_semaphore, #tpu.memory_space<semaphore_mem>>)
      %dma_wait3A = arith.constant 0 : i32
      %dma_wait3A_86 = tpu.memref_slice %arg7[%add3A_68, %dma_wait3A] : memref<10240x128xf32, #tpu.memory_space<vmem_shared>> -> memref<128x128xf32, #tpu.memory_space<vmem_shared>>
      %dma_wait3A_87 = arith.constant 0 : i32
      %dma_wait3A_88 = tpu.memref_slice %arg7[%add3A_68, %dma_wait3A_87] : memref<10240x128xf32, #tpu.memory_space<vmem_shared>> -> memref<128x128xf32, #tpu.memory_space<vmem_shared>>
      tpu.wait_dma2 semaphore(%run_scoped3A : memref<!tpu.dma_semaphore, #tpu.memory_space<semaphore_mem>>) src(%dma_wait3A_88 : memref<128x128xf32, #tpu.memory_space<vmem_shared>>) dst(%arg10 : memref<128x128xf32, #tpu.memory_space<vmem>>)
      tpu.yield
    }) : () -> ()
    %add3A_69 = arith.constant 128 : i32
    %add3A_70 = arith.addi %add3A_60, %add3A_69 : i32
    "tpu.region"() ({
      %run_scoped3A = tpu.sem_alloc : memref<!tpu.dma_semaphore, #tpu.memory_space<semaphore_mem>>
      %dma_start3A = arith.constant 0 : i32
      %dma_start3A_83 = tpu.memref_slice %arg6[%add3A_70, %dma_start3A] : memref<20480x128xf32, #tpu.memory_space<hbm>> -> memref<128x128xf32, #tpu.memory_space<hbm>>
      %dma_start3A_84 = arith.constant 0 : i32
      %dma_start3A_85 = tpu.memref_slice %arg6[%add3A_70, %dma_start3A_84] : memref<20480x128xf32, #tpu.memory_space<hbm>> -> memref<128x128xf32, #tpu.memory_space<hbm>>
      tpu.enqueue_dma source(%arg10 : memref<128x128xf32, #tpu.memory_space<vmem>>) target(%dma_start3A_85 : memref<128x128xf32, #tpu.memory_space<hbm>>) target_semaphore(%run_scoped3A : memref<!tpu.dma_semaphore, #tpu.memory_space<semaphore_mem>>)
      %dma_wait3A = arith.constant 0 : i32
      %dma_wait3A_86 = tpu.memref_slice %arg6[%add3A_70, %dma_wait3A] : memref<20480x128xf32, #tpu.memory_space<hbm>> -> memref<128x128xf32, #tpu.memory_space<hbm>>
      %dma_wait3A_87 = arith.constant 0 : i32
      %dma_wait3A_88 = tpu.memref_slice %arg6[%add3A_70, %dma_wait3A_87] : memref<20480x128xf32, #tpu.memory_space<hbm>> -> memref<128x128xf32, #tpu.memory_space<hbm>>
      tpu.wait_dma2 semaphore(%run_scoped3A : memref<!tpu.dma_semaphore, #tpu.memory_space<semaphore_mem>>) src(%arg10 : memref<128x128xf32, #tpu.memory_space<vmem>>) dst(%dma_wait3A_88 : memref<128x128xf32, #tpu.memory_space<hbm>>)
      tpu.yield
    }) : () -> ()
    %add3A_71 = arith.constant 256 : i32
    %add3A_72 = arith.addi %mul3A_62, %add3A_71 : i32
    "tpu.region"() ({
      %run_scoped3A = tpu.sem_alloc : memref<!tpu.dma_semaphore, #tpu.memory_space<semaphore_mem>>
      %dma_start3A = arith.constant 0 : i32
      %dma_start3A_83 = tpu.memref_slice %arg7[%add3A_72, %dma_start3A] : memref<10240x128xf32, #tpu.memory_space<vmem_shared>> -> memref<128x128xf32, #tpu.memory_space<vmem_shared>>
      %dma_start3A_84 = arith.constant 0 : i32
      %dma_start3A_85 = tpu.memref_slice %arg7[%add3A_72, %dma_start3A_84] : memref<10240x128xf32, #tpu.memory_space<vmem_shared>> -> memref<128x128xf32, #tpu.memory_space<vmem_shared>>
      tpu.enqueue_dma source(%dma_start3A_85 : memref<128x128xf32, #tpu.memory_space<vmem_shared>>) target(%arg10 : memref<128x128xf32, #tpu.memory_space<vmem>>) target_semaphore(%run_scoped3A : memref<!tpu.dma_semaphore, #tpu.memory_space<semaphore_mem>>)
      %dma_wait3A = arith.constant 0 : i32
      %dma_wait3A_86 = tpu.memref_slice %arg7[%add3A_72, %dma_wait3A] : memref<10240x128xf32, #tpu.memory_space<vmem_shared>> -> memref<128x128xf32, #tpu.memory_space<vmem_shared>>
      %dma_wait3A_87 = arith.constant 0 : i32
      %dma_wait3A_88 = tpu.memref_slice %arg7[%add3A_72, %dma_wait3A_87] : memref<10240x128xf32, #tpu.memory_space<vmem_shared>> -> memref<128x128xf32, #tpu.memory_space<vmem_shared>>
      tpu.wait_dma2 semaphore(%run_scoped3A : memref<!tpu.dma_semaphore, #tpu.memory_space<semaphore_mem>>) src(%dma_wait3A_88 : memref<128x128xf32, #tpu.memory_space<vmem_shared>>) dst(%arg10 : memref<128x128xf32, #tpu.memory_space<vmem>>)
      tpu.yield
    }) : () -> ()
    %add3A_73 = arith.constant 256 : i32
    %add3A_74 = arith.addi %add3A_60, %add3A_73 : i32
    "tpu.region"() ({
      %run_scoped3A = tpu.sem_alloc : memref<!tpu.dma_semaphore, #tpu.memory_space<semaphore_mem>>
      %dma_start3A = arith.constant 0 : i32
      %dma_start3A_83 = tpu.memref_slice %arg6[%add3A_74, %dma_start3A] : memref<20480x128xf32, #tpu.memory_space<hbm>> -> memref<128x128xf32, #tpu.memory_space<hbm>>
      %dma_start3A_84 = arith.constant 0 : i32
      %dma_start3A_85 = tpu.memref_slice %arg6[%add3A_74, %dma_start3A_84] : memref<20480x128xf32, #tpu.memory_space<hbm>> -> memref<128x128xf32, #tpu.memory_space<hbm>>
      tpu.enqueue_dma source(%arg10 : memref<128x128xf32, #tpu.memory_space<vmem>>) target(%dma_start3A_85 : memref<128x128xf32, #tpu.memory_space<hbm>>) target_semaphore(%run_scoped3A : memref<!tpu.dma_semaphore, #tpu.memory_space<semaphore_mem>>)
      %dma_wait3A = arith.constant 0 : i32
      %dma_wait3A_86 = tpu.memref_slice %arg6[%add3A_74, %dma_wait3A] : memref<20480x128xf32, #tpu.memory_space<hbm>> -> memref<128x128xf32, #tpu.memory_space<hbm>>
      %dma_wait3A_87 = arith.constant 0 : i32
      %dma_wait3A_88 = tpu.memref_slice %arg6[%add3A_74, %dma_wait3A_87] : memref<20480x128xf32, #tpu.memory_space<hbm>> -> memref<128x128xf32, #tpu.memory_space<hbm>>
      tpu.wait_dma2 semaphore(%run_scoped3A : memref<!tpu.dma_semaphore, #tpu.memory_space<semaphore_mem>>) src(%arg10 : memref<128x128xf32, #tpu.memory_space<vmem>>) dst(%dma_wait3A_88 : memref<128x128xf32, #tpu.memory_space<hbm>>)
      tpu.yield
    }) : () -> ()
    %add3A_75 = arith.constant 384 : i32
    %add3A_76 = arith.addi %mul3A_62, %add3A_75 : i32
    "tpu.region"() ({
      %run_scoped3A = tpu.sem_alloc : memref<!tpu.dma_semaphore, #tpu.memory_space<semaphore_mem>>
      %dma_start3A = arith.constant 0 : i32
      %dma_start3A_83 = tpu.memref_slice %arg7[%add3A_76, %dma_start3A] : memref<10240x128xf32, #tpu.memory_space<vmem_shared>> -> memref<128x128xf32, #tpu.memory_space<vmem_shared>>
      %dma_start3A_84 = arith.constant 0 : i32
      %dma_start3A_85 = tpu.memref_slice %arg7[%add3A_76, %dma_start3A_84] : memref<10240x128xf32, #tpu.memory_space<vmem_shared>> -> memref<128x128xf32, #tpu.memory_space<vmem_shared>>
      tpu.enqueue_dma source(%dma_start3A_85 : memref<128x128xf32, #tpu.memory_space<vmem_shared>>) target(%arg10 : memref<128x128xf32, #tpu.memory_space<vmem>>) target_semaphore(%run_scoped3A : memref<!tpu.dma_semaphore, #tpu.memory_space<semaphore_mem>>)
      %dma_wait3A = arith.constant 0 : i32
      %dma_wait3A_86 = tpu.memref_slice %arg7[%add3A_76, %dma_wait3A] : memref<10240x128xf32, #tpu.memory_space<vmem_shared>> -> memref<128x128xf32, #tpu.memory_space<vmem_shared>>
      %dma_wait3A_87 = arith.constant 0 : i32
      %dma_wait3A_88 = tpu.memref_slice %arg7[%add3A_76, %dma_wait3A_87] : memref<10240x128xf32, #tpu.memory_space<vmem_shared>> -> memref<128x128xf32, #tpu.memory_space<vmem_shared>>
      tpu.wait_dma2 semaphore(%run_scoped3A : memref<!tpu.dma_semaphore, #tpu.memory_space<semaphore_mem>>) src(%dma_wait3A_88 : memref<128x128xf32, #tpu.memory_space<vmem_shared>>) dst(%arg10 : memref<128x128xf32, #tpu.memory_space<vmem>>)
      tpu.yield
    }) : () -> ()
    %add3A_77 = arith.constant 384 : i32
    %add3A_78 = arith.addi %add3A_60, %add3A_77 : i32
    "tpu.region"() ({
      %run_scoped3A = tpu.sem_alloc : memref<!tpu.dma_semaphore, #tpu.memory_space<semaphore_mem>>
      %dma_start3A = arith.constant 0 : i32
      %dma_start3A_83 = tpu.memref_slice %arg6[%add3A_78, %dma_start3A] : memref<20480x128xf32, #tpu.memory_space<hbm>> -> memref<128x128xf32, #tpu.memory_space<hbm>>
      %dma_start3A_84 = arith.constant 0 : i32
      %dma_start3A_85 = tpu.memref_slice %arg6[%add3A_78, %dma_start3A_84] : memref<20480x128xf32, #tpu.memory_space<hbm>> -> memref<128x128xf32, #tpu.memory_space<hbm>>
      tpu.enqueue_dma source(%arg10 : memref<128x128xf32, #tpu.memory_space<vmem>>) target(%dma_start3A_85 : memref<128x128xf32, #tpu.memory_space<hbm>>) target_semaphore(%run_scoped3A : memref<!tpu.dma_semaphore, #tpu.memory_space<semaphore_mem>>)
      %dma_wait3A = arith.constant 0 : i32
      %dma_wait3A_86 = tpu.memref_slice %arg6[%add3A_78, %dma_wait3A] : memref<20480x128xf32, #tpu.memory_space<hbm>> -> memref<128x128xf32, #tpu.memory_space<hbm>>
      %dma_wait3A_87 = arith.constant 0 : i32
      %dma_wait3A_88 = tpu.memref_slice %arg6[%add3A_78, %dma_wait3A_87] : memref<20480x128xf32, #tpu.memory_space<hbm>> -> memref<128x128xf32, #tpu.memory_space<hbm>>
      tpu.wait_dma2 semaphore(%run_scoped3A : memref<!tpu.dma_semaphore, #tpu.memory_space<semaphore_mem>>) src(%arg10 : memref<128x128xf32, #tpu.memory_space<vmem>>) dst(%dma_wait3A_88 : memref<128x128xf32, #tpu.memory_space<hbm>>)
      tpu.yield
    }) : () -> ()
    %add3A_79 = arith.constant 512 : i32
    %add3A_80 = arith.addi %mul3A_62, %add3A_79 : i32
    "tpu.region"() ({
      %run_scoped3A = tpu.sem_alloc : memref<!tpu.dma_semaphore, #tpu.memory_space<semaphore_mem>>
      %dma_start3A = arith.constant 0 : i32
      %dma_start3A_83 = tpu.memref_slice %arg7[%add3A_80, %dma_start3A] : memref<10240x128xf32, #tpu.memory_space<vmem_shared>> -> memref<128x128xf32, #tpu.memory_space<vmem_shared>>
      %dma_start3A_84 = arith.constant 0 : i32
      %dma_start3A_85 = tpu.memref_slice %arg7[%add3A_80, %dma_start3A_84] : memref<10240x128xf32, #tpu.memory_space<vmem_shared>> -> memref<128x128xf32, #tpu.memory_space<vmem_shared>>
      tpu.enqueue_dma source(%dma_start3A_85 : memref<128x128xf32, #tpu.memory_space<vmem_shared>>) target(%arg10 : memref<128x128xf32, #tpu.memory_space<vmem>>) target_semaphore(%run_scoped3A : memref<!tpu.dma_semaphore, #tpu.memory_space<semaphore_mem>>)
      %dma_wait3A = arith.constant 0 : i32
      %dma_wait3A_86 = tpu.memref_slice %arg7[%add3A_80, %dma_wait3A] : memref<10240x128xf32, #tpu.memory_space<vmem_shared>> -> memref<128x128xf32, #tpu.memory_space<vmem_shared>>
      %dma_wait3A_87 = arith.constant 0 : i32
      %dma_wait3A_88 = tpu.memref_slice %arg7[%add3A_80, %dma_wait3A_87] : memref<10240x128xf32, #tpu.memory_space<vmem_shared>> -> memref<128x128xf32, #tpu.memory_space<vmem_shared>>
      tpu.wait_dma2 semaphore(%run_scoped3A : memref<!tpu.dma_semaphore, #tpu.memory_space<semaphore_mem>>) src(%dma_wait3A_88 : memref<128x128xf32, #tpu.memory_space<vmem_shared>>) dst(%arg10 : memref<128x128xf32, #tpu.memory_space<vmem>>)
      tpu.yield
    }) : () -> ()
    %add3A_81 = arith.constant 512 : i32
    %add3A_82 = arith.addi %add3A_60, %add3A_81 : i32
    "tpu.region"() ({
      %run_scoped3A = tpu.sem_alloc : memref<!tpu.dma_semaphore, #tpu.memory_space<semaphore_mem>>
      %dma_start3A = arith.constant 0 : i32
      %dma_start3A_83 = tpu.memref_slice %arg6[%add3A_82, %dma_start3A] : memref<20480x128xf32, #tpu.memory_space<hbm>> -> memref<128x128xf32, #tpu.memory_space<hbm>>
      %dma_start3A_84 = arith.constant 0 : i32
      %dma_start3A_85 = tpu.memref_slice %arg6[%add3A_82, %dma_start3A_84] : memref<20480x128xf32, #tpu.memory_space<hbm>> -> memref<128x128xf32, #tpu.memory_space<hbm>>
      tpu.enqueue_dma source(%arg10 : memref<128x128xf32, #tpu.memory_space<vmem>>) target(%dma_start3A_85 : memref<128x128xf32, #tpu.memory_space<hbm>>) target_semaphore(%run_scoped3A : memref<!tpu.dma_semaphore, #tpu.memory_space<semaphore_mem>>)
      %dma_wait3A = arith.constant 0 : i32
      %dma_wait3A_86 = tpu.memref_slice %arg6[%add3A_82, %dma_wait3A] : memref<20480x128xf32, #tpu.memory_space<hbm>> -> memref<128x128xf32, #tpu.memory_space<hbm>>
      %dma_wait3A_87 = arith.constant 0 : i32
      %dma_wait3A_88 = tpu.memref_slice %arg6[%add3A_82, %dma_wait3A_87] : memref<20480x128xf32, #tpu.memory_space<hbm>> -> memref<128x128xf32, #tpu.memory_space<hbm>>
      tpu.wait_dma2 semaphore(%run_scoped3A : memref<!tpu.dma_semaphore, #tpu.memory_space<semaphore_mem>>) src(%arg10 : memref<128x128xf32, #tpu.memory_space<vmem>>) dst(%dma_wait3A_88 : memref<128x128xf32, #tpu.memory_space<hbm>>)
      tpu.yield
    }) : () -> ()
    return
  }
}

#map = affine_map<(d0, d1) -> (0, 0)>
module attributes {stable_mosaic.version = 14 : i64} {
  func.func @_sc_agg_body(%arg0: i32, %arg1: i32, %arg2: memref<10240x128xf32, #tpu.memory_space<hbm>>, %arg3: memref<2560x128xi32, #tpu.memory_space<hbm>>, %arg4: memref<2560x128xi32, #tpu.memory_space<hbm>>, %arg5: memref<128x128xf32, #tpu.memory_space<hbm>>, %arg6: memref<20480x128xf32, #tpu.memory_space<hbm>>, %arg7: memref<10240x128xf32, #tpu.memory_space<vmem_shared>>, %arg8: memref<8x128xi32, #tpu.memory_space<vmem>>, %arg9: memref<8x128xi32, #tpu.memory_space<vmem>>, %arg10: memref<128x128xf32, #tpu.memory_space<vmem>>, %arg11: memref<128x128xf32, #tpu.memory_space<vmem>>, %arg12: memref<!tpu.dma_semaphore, #tpu.memory_space<semaphore_mem>>, %arg13: memref<!tpu.dma_semaphore, #tpu.memory_space<semaphore_mem>>) attributes {dimension_semantics = [#tpu.dimension_semantics<core_parallel>, #tpu.dimension_semantics<subcore_parallel>], iteration_bounds = array<i64: 2, 16>, scalar_prefetch = 0 : i64, scratch_operands = 7 : i64, tpu.core_type = #tpu.core_type<sc_vector_subcore>, window_params = [{transform_indices = #map}, {transform_indices = #map}, {transform_indices = #map}, {transform_indices = #map}, {transform_indices = #map}]} {
    %eq3A = arith.constant 0 : i32
    %eq3A_0 = arith.cmpi eq, %arg0, %eq3A : i32
    %jit3A = arith.constant 128 : i32
    %jit3A_1 = arith.constant 32 : i32
    %select_n3A = arith.select %eq3A_0, %jit3A, %jit3A_1 : i32
    %mul3A = arith.constant 160 : i32
    %mul3A_2 = arith.muli %arg1, %mul3A : i32
    %eq3A_3 = arith.constant 0 : i32
    %eq3A_4 = arith.cmpi eq, %arg0, %eq3A_3 : i32
    %jit3A_5 = arith.constant 0 : i32
    %jit3A_6 = arith.constant 128 : i32
    %select_n3A_7 = arith.select %eq3A_4, %jit3A_5, %jit3A_6 : i32
    %add3A = arith.addi %mul3A_2, %select_n3A_7 : i32
    "tpu.region"() ({
      %run_scoped3A = tpu.sem_alloc : memref<!tpu.dma_semaphore, #tpu.memory_space<semaphore_mem>>
      tpu.enqueue_dma source(%arg5 : memref<128x128xf32, #tpu.memory_space<hbm>>) target(%arg10 : memref<128x128xf32, #tpu.memory_space<vmem>>) target_semaphore(%run_scoped3A : memref<!tpu.dma_semaphore, #tpu.memory_space<semaphore_mem>>)
      tpu.wait_dma2 semaphore(%run_scoped3A : memref<!tpu.dma_semaphore, #tpu.memory_space<semaphore_mem>>) src(%arg5 : memref<128x128xf32, #tpu.memory_space<hbm>>) dst(%arg10 : memref<128x128xf32, #tpu.memory_space<vmem>>)
      tpu.yield
    }) : () -> ()
    %mul3A_8 = arith.constant 640 : i32
    %mul3A_9 = arith.muli %arg1, %mul3A_8 : i32
    %add3A_10 = arith.constant 0 : i32
    %add3A_11 = arith.addi %mul3A_9, %add3A_10 : i32
    "tpu.region"() ({
      %run_scoped3A = tpu.sem_alloc : memref<!tpu.dma_semaphore, #tpu.memory_space<semaphore_mem>>
      %dma_start3A = arith.constant 0 : i32
      %dma_start3A_83 = tpu.memref_slice %arg7[%add3A_11, %dma_start3A] : memref<10240x128xf32, #tpu.memory_space<vmem_shared>> -> memref<128x128xf32, #tpu.memory_space<vmem_shared>>
      %dma_start3A_84 = arith.constant 0 : i32
      %dma_start3A_85 = tpu.memref_slice %arg7[%add3A_11, %dma_start3A_84] : memref<10240x128xf32, #tpu.memory_space<vmem_shared>> -> memref<128x128xf32, #tpu.memory_space<vmem_shared>>
      tpu.enqueue_dma source(%arg10 : memref<128x128xf32, #tpu.memory_space<vmem>>) target(%dma_start3A_85 : memref<128x128xf32, #tpu.memory_space<vmem_shared>>) target_semaphore(%run_scoped3A : memref<!tpu.dma_semaphore, #tpu.memory_space<semaphore_mem>>)
      %dma_wait3A = arith.constant 0 : i32
      %dma_wait3A_86 = tpu.memref_slice %arg7[%add3A_11, %dma_wait3A] : memref<10240x128xf32, #tpu.memory_space<vmem_shared>> -> memref<128x128xf32, #tpu.memory_space<vmem_shared>>
      %dma_wait3A_87 = arith.constant 0 : i32
      %dma_wait3A_88 = tpu.memref_slice %arg7[%add3A_11, %dma_wait3A_87] : memref<10240x128xf32, #tpu.memory_space<vmem_shared>> -> memref<128x128xf32, #tpu.memory_space<vmem_shared>>
      tpu.wait_dma2 semaphore(%run_scoped3A : memref<!tpu.dma_semaphore, #tpu.memory_space<semaphore_mem>>) src(%arg10 : memref<128x128xf32, #tpu.memory_space<vmem>>) dst(%dma_wait3A_88 : memref<128x128xf32, #tpu.memory_space<vmem_shared>>)
      tpu.yield
    }) : () -> ()
    %mul3A_12 = arith.constant 640 : i32
    %mul3A_13 = arith.muli %arg1, %mul3A_12 : i32
    %add3A_14 = arith.constant 128 : i32
    %add3A_15 = arith.addi %mul3A_13, %add3A_14 : i32
    "tpu.region"() ({
      %run_scoped3A = tpu.sem_alloc : memref<!tpu.dma_semaphore, #tpu.memory_space<semaphore_mem>>
      %dma_start3A = arith.constant 0 : i32
      %dma_start3A_83 = tpu.memref_slice %arg7[%add3A_15, %dma_start3A] : memref<10240x128xf32, #tpu.memory_space<vmem_shared>> -> memref<128x128xf32, #tpu.memory_space<vmem_shared>>
      %dma_start3A_84 = arith.constant 0 : i32
      %dma_start3A_85 = tpu.memref_slice %arg7[%add3A_15, %dma_start3A_84] : memref<10240x128xf32, #tpu.memory_space<vmem_shared>> -> memref<128x128xf32, #tpu.memory_space<vmem_shared>>
      tpu.enqueue_dma source(%arg10 : memref<128x128xf32, #tpu.memory_space<vmem>>) target(%dma_start3A_85 : memref<128x128xf32, #tpu.memory_space<vmem_shared>>) target_semaphore(%run_scoped3A : memref<!tpu.dma_semaphore, #tpu.memory_space<semaphore_mem>>)
      %dma_wait3A = arith.constant 0 : i32
      %dma_wait3A_86 = tpu.memref_slice %arg7[%add3A_15, %dma_wait3A] : memref<10240x128xf32, #tpu.memory_space<vmem_shared>> -> memref<128x128xf32, #tpu.memory_space<vmem_shared>>
      %dma_wait3A_87 = arith.constant 0 : i32
      %dma_wait3A_88 = tpu.memref_slice %arg7[%add3A_15, %dma_wait3A_87] : memref<10240x128xf32, #tpu.memory_space<vmem_shared>> -> memref<128x128xf32, #tpu.memory_space<vmem_shared>>
      tpu.wait_dma2 semaphore(%run_scoped3A : memref<!tpu.dma_semaphore, #tpu.memory_space<semaphore_mem>>) src(%arg10 : memref<128x128xf32, #tpu.memory_space<vmem>>) dst(%dma_wait3A_88 : memref<128x128xf32, #tpu.memory_space<vmem_shared>>)
      tpu.yield
    }) : () -> ()
    %mul3A_16 = arith.constant 640 : i32
    %mul3A_17 = arith.muli %arg1, %mul3A_16 : i32
    %add3A_18 = arith.constant 256 : i32
    %add3A_19 = arith.addi %mul3A_17, %add3A_18 : i32
    "tpu.region"() ({
      %run_scoped3A = tpu.sem_alloc : memref<!tpu.dma_semaphore, #tpu.memory_space<semaphore_mem>>
      %dma_start3A = arith.constant 0 : i32
      %dma_start3A_83 = tpu.memref_slice %arg7[%add3A_19, %dma_start3A] : memref<10240x128xf32, #tpu.memory_space<vmem_shared>> -> memref<128x128xf32, #tpu.memory_space<vmem_shared>>
      %dma_start3A_84 = arith.constant 0 : i32
      %dma_start3A_85 = tpu.memref_slice %arg7[%add3A_19, %dma_start3A_84] : memref<10240x128xf32, #tpu.memory_space<vmem_shared>> -> memref<128x128xf32, #tpu.memory_space<vmem_shared>>
      tpu.enqueue_dma source(%arg10 : memref<128x128xf32, #tpu.memory_space<vmem>>) target(%dma_start3A_85 : memref<128x128xf32, #tpu.memory_space<vmem_shared>>) target_semaphore(%run_scoped3A : memref<!tpu.dma_semaphore, #tpu.memory_space<semaphore_mem>>)
      %dma_wait3A = arith.constant 0 : i32
      %dma_wait3A_86 = tpu.memref_slice %arg7[%add3A_19, %dma_wait3A] : memref<10240x128xf32, #tpu.memory_space<vmem_shared>> -> memref<128x128xf32, #tpu.memory_space<vmem_shared>>
      %dma_wait3A_87 = arith.constant 0 : i32
      %dma_wait3A_88 = tpu.memref_slice %arg7[%add3A_19, %dma_wait3A_87] : memref<10240x128xf32, #tpu.memory_space<vmem_shared>> -> memref<128x128xf32, #tpu.memory_space<vmem_shared>>
      tpu.wait_dma2 semaphore(%run_scoped3A : memref<!tpu.dma_semaphore, #tpu.memory_space<semaphore_mem>>) src(%arg10 : memref<128x128xf32, #tpu.memory_space<vmem>>) dst(%dma_wait3A_88 : memref<128x128xf32, #tpu.memory_space<vmem_shared>>)
      tpu.yield
    }) : () -> ()
    %mul3A_20 = arith.constant 640 : i32
    %mul3A_21 = arith.muli %arg1, %mul3A_20 : i32
    %add3A_22 = arith.constant 384 : i32
    %add3A_23 = arith.addi %mul3A_21, %add3A_22 : i32
    "tpu.region"() ({
      %run_scoped3A = tpu.sem_alloc : memref<!tpu.dma_semaphore, #tpu.memory_space<semaphore_mem>>
      %dma_start3A = arith.constant 0 : i32
      %dma_start3A_83 = tpu.memref_slice %arg7[%add3A_23, %dma_start3A] : memref<10240x128xf32, #tpu.memory_space<vmem_shared>> -> memref<128x128xf32, #tpu.memory_space<vmem_shared>>
      %dma_start3A_84 = arith.constant 0 : i32
      %dma_start3A_85 = tpu.memref_slice %arg7[%add3A_23, %dma_start3A_84] : memref<10240x128xf32, #tpu.memory_space<vmem_shared>> -> memref<128x128xf32, #tpu.memory_space<vmem_shared>>
      tpu.enqueue_dma source(%arg10 : memref<128x128xf32, #tpu.memory_space<vmem>>) target(%dma_start3A_85 : memref<128x128xf32, #tpu.memory_space<vmem_shared>>) target_semaphore(%run_scoped3A : memref<!tpu.dma_semaphore, #tpu.memory_space<semaphore_mem>>)
      %dma_wait3A = arith.constant 0 : i32
      %dma_wait3A_86 = tpu.memref_slice %arg7[%add3A_23, %dma_wait3A] : memref<10240x128xf32, #tpu.memory_space<vmem_shared>> -> memref<128x128xf32, #tpu.memory_space<vmem_shared>>
      %dma_wait3A_87 = arith.constant 0 : i32
      %dma_wait3A_88 = tpu.memref_slice %arg7[%add3A_23, %dma_wait3A_87] : memref<10240x128xf32, #tpu.memory_space<vmem_shared>> -> memref<128x128xf32, #tpu.memory_space<vmem_shared>>
      tpu.wait_dma2 semaphore(%run_scoped3A : memref<!tpu.dma_semaphore, #tpu.memory_space<semaphore_mem>>) src(%arg10 : memref<128x128xf32, #tpu.memory_space<vmem>>) dst(%dma_wait3A_88 : memref<128x128xf32, #tpu.memory_space<vmem_shared>>)
      tpu.yield
    }) : () -> ()
    %mul3A_24 = arith.constant 640 : i32
    %mul3A_25 = arith.muli %arg1, %mul3A_24 : i32
    %add3A_26 = arith.constant 512 : i32
    %add3A_27 = arith.addi %mul3A_25, %add3A_26 : i32
    "tpu.region"() ({
      %run_scoped3A = tpu.sem_alloc : memref<!tpu.dma_semaphore, #tpu.memory_space<semaphore_mem>>
      %dma_start3A = arith.constant 0 : i32
      %dma_start3A_83 = tpu.memref_slice %arg7[%add3A_27, %dma_start3A] : memref<10240x128xf32, #tpu.memory_space<vmem_shared>> -> memref<128x128xf32, #tpu.memory_space<vmem_shared>>
      %dma_start3A_84 = arith.constant 0 : i32
      %dma_start3A_85 = tpu.memref_slice %arg7[%add3A_27, %dma_start3A_84] : memref<10240x128xf32, #tpu.memory_space<vmem_shared>> -> memref<128x128xf32, #tpu.memory_space<vmem_shared>>
      tpu.enqueue_dma source(%arg10 : memref<128x128xf32, #tpu.memory_space<vmem>>) target(%dma_start3A_85 : memref<128x128xf32, #tpu.memory_space<vmem_shared>>) target_semaphore(%run_scoped3A : memref<!tpu.dma_semaphore, #tpu.memory_space<semaphore_mem>>)
      %dma_wait3A = arith.constant 0 : i32
      %dma_wait3A_86 = tpu.memref_slice %arg7[%add3A_27, %dma_wait3A] : memref<10240x128xf32, #tpu.memory_space<vmem_shared>> -> memref<128x128xf32, #tpu.memory_space<vmem_shared>>
      %dma_wait3A_87 = arith.constant 0 : i32
      %dma_wait3A_88 = tpu.memref_slice %arg7[%add3A_27, %dma_wait3A_87] : memref<10240x128xf32, #tpu.memory_space<vmem_shared>> -> memref<128x128xf32, #tpu.memory_space<vmem_shared>>
      tpu.wait_dma2 semaphore(%run_scoped3A : memref<!tpu.dma_semaphore, #tpu.memory_space<semaphore_mem>>) src(%arg10 : memref<128x128xf32, #tpu.memory_space<vmem>>) dst(%dma_wait3A_88 : memref<128x128xf32, #tpu.memory_space<vmem_shared>>)
      tpu.yield
    }) : () -> ()
    %barrier3A = arith.constant 0 : index
    tpu.barrier barrier_id(%barrier3A)
    %jit3A_28 = arith.constant 8 : i32
    %div3A = arith.divsi %select_n3A, %jit3A_28 : i32
    %sign3A = arith.constant 0 : i32
    %sign3A_29 = arith.cmpi sgt, %select_n3A, %sign3A : i32
    %sign3A_30 = arith.extui %sign3A_29 : i1 to i32
    %sign3A_31 = arith.constant 0 : i32
    %sign3A_32 = arith.cmpi slt, %select_n3A, %sign3A_31 : i32
    %sign3A_33 = arith.extui %sign3A_32 : i1 to i32
    %sign3A_34 = arith.subi %sign3A_30, %sign3A_33 : i32
    %sign3A_35 = arith.constant 0 : i32
    %sign3A_36 = arith.cmpi sgt, %jit3A_28, %sign3A_35 : i32
    %sign3A_37 = arith.extui %sign3A_36 : i1 to i32
    %sign3A_38 = arith.constant 0 : i32
    %sign3A_39 = arith.cmpi slt, %jit3A_28, %sign3A_38 : i32
    %sign3A_40 = arith.extui %sign3A_39 : i1 to i32
    %sign3A_41 = arith.subi %sign3A_37, %sign3A_40 : i32
    %ne3A = arith.cmpi ne, %sign3A_34, %sign3A_41 : i32
    %rem3A = arith.remsi %select_n3A, %jit3A_28 : i32
    %ne3A_42 = arith.constant 0 : i32
    %ne3A_43 = arith.cmpi ne, %rem3A, %ne3A_42 : i32
    %and3A = arith.andi %ne3A, %ne3A_43 : i1
    %sub3A = arith.constant 1 : i32
    %sub3A_44 = arith.subi %div3A, %sub3A : i32
    %select_n3A_45 = arith.select %and3A, %sub3A_44, %div3A : i32
    %while3A = arith.constant 0 : i32
    %while3A_46 = arith.constant 0 : i32
    %while3A_47 = arith.subi %select_n3A_45, %while3A_46 : i32
    %while3A_48 = arith.addi %while3A_46, %while3A_47 : i32
    %while3A_49 = arith.constant 1 : i32
    %while3A_50 = arith.divsi %while3A_47, %while3A_49 : i32
    %while3A_51 = arith.muli %while3A_50, %while3A_49 : i32
    %while3A_52 = arith.addi %while3A_46, %while3A_51 : i32
    %while3A_53 = arith.constant 1 : i32
    scf.for %while3A_83 = %while3A_46 to %while3A_52 step %while3A_53  : i32 {
      %mul3A_84 = arith.constant 8 : i32
      %mul3A_85 = arith.muli %while3A_83, %mul3A_84 : i32
      %add3A_86 = arith.addi %add3A, %mul3A_85 : i32
      "tpu.region"() ({
        %run_scoped3A_207 = tpu.sem_alloc : memref<!tpu.dma_semaphore, #tpu.memory_space<semaphore_mem>>
        %dma_start3A_208 = arith.constant 0 : i32
        %dma_start3A_209 = tpu.memref_slice %arg3[%add3A_86, %dma_start3A_208] : memref<2560x128xi32, #tpu.memory_space<hbm>> -> memref<8x128xi32, #tpu.memory_space<hbm>>
        %dma_start3A_210 = arith.constant 0 : i32
        %dma_start3A_211 = tpu.memref_slice %arg3[%add3A_86, %dma_start3A_210] : memref<2560x128xi32, #tpu.memory_space<hbm>> -> memref<8x128xi32, #tpu.memory_space<hbm>>
        tpu.enqueue_dma source(%dma_start3A_211 : memref<8x128xi32, #tpu.memory_space<hbm>>) target(%arg8 : memref<8x128xi32, #tpu.memory_space<vmem>>) target_semaphore(%run_scoped3A_207 : memref<!tpu.dma_semaphore, #tpu.memory_space<semaphore_mem>>)
        %dma_wait3A_212 = arith.constant 0 : i32
        %dma_wait3A_213 = tpu.memref_slice %arg3[%add3A_86, %dma_wait3A_212] : memref<2560x128xi32, #tpu.memory_space<hbm>> -> memref<8x128xi32, #tpu.memory_space<hbm>>
        %dma_wait3A_214 = arith.constant 0 : i32
        %dma_wait3A_215 = tpu.memref_slice %arg3[%add3A_86, %dma_wait3A_214] : memref<2560x128xi32, #tpu.memory_space<hbm>> -> memref<8x128xi32, #tpu.memory_space<hbm>>
        tpu.wait_dma2 semaphore(%run_scoped3A_207 : memref<!tpu.dma_semaphore, #tpu.memory_space<semaphore_mem>>) src(%dma_wait3A_215 : memref<8x128xi32, #tpu.memory_space<hbm>>) dst(%arg8 : memref<8x128xi32, #tpu.memory_space<vmem>>)
        tpu.yield
      }) : () -> ()
      %mul3A_87 = arith.constant 8 : i32
      %mul3A_88 = arith.muli %while3A_83, %mul3A_87 : i32
      %add3A_89 = arith.addi %add3A, %mul3A_88 : i32
      "tpu.region"() ({
        %run_scoped3A_207 = tpu.sem_alloc : memref<!tpu.dma_semaphore, #tpu.memory_space<semaphore_mem>>
        %dma_start3A_208 = arith.constant 0 : i32
        %dma_start3A_209 = tpu.memref_slice %arg4[%add3A_89, %dma_start3A_208] : memref<2560x128xi32, #tpu.memory_space<hbm>> -> memref<8x128xi32, #tpu.memory_space<hbm>>
        %dma_start3A_210 = arith.constant 0 : i32
        %dma_start3A_211 = tpu.memref_slice %arg4[%add3A_89, %dma_start3A_210] : memref<2560x128xi32, #tpu.memory_space<hbm>> -> memref<8x128xi32, #tpu.memory_space<hbm>>
        tpu.enqueue_dma source(%dma_start3A_211 : memref<8x128xi32, #tpu.memory_space<hbm>>) target(%arg9 : memref<8x128xi32, #tpu.memory_space<vmem>>) target_semaphore(%run_scoped3A_207 : memref<!tpu.dma_semaphore, #tpu.memory_space<semaphore_mem>>)
        %dma_wait3A_212 = arith.constant 0 : i32
        %dma_wait3A_213 = tpu.memref_slice %arg4[%add3A_89, %dma_wait3A_212] : memref<2560x128xi32, #tpu.memory_space<hbm>> -> memref<8x128xi32, #tpu.memory_space<hbm>>
        %dma_wait3A_214 = arith.constant 0 : i32
        %dma_wait3A_215 = tpu.memref_slice %arg4[%add3A_89, %dma_wait3A_214] : memref<2560x128xi32, #tpu.memory_space<hbm>> -> memref<8x128xi32, #tpu.memory_space<hbm>>
        tpu.wait_dma2 semaphore(%run_scoped3A_207 : memref<!tpu.dma_semaphore, #tpu.memory_space<semaphore_mem>>) src(%dma_wait3A_215 : memref<8x128xi32, #tpu.memory_space<hbm>>) dst(%arg9 : memref<8x128xi32, #tpu.memory_space<vmem>>)
        tpu.yield
      }) : () -> ()
      %dma_start3A = arith.constant 0 : i32
      %dma_start3A_90 = arith.constant 0 : i32
      %dma_start3A_91 = tpu.memref_slice %arg8[%dma_start3A, %dma_start3A_90] : memref<8x128xi32, #tpu.memory_space<vmem>> -> memref<1x128xi32, #tpu.memory_space<vmem>>
      %dma_start3A_92 = tpu.memref_squeeze %dma_start3A_91 : memref<1x128xi32, #tpu.memory_space<vmem>> -> memref<128xi32, #tpu.memory_space<vmem>>
      %dma_start3A_93 = arith.constant 0 : i32
      %dma_start3A_94 = arith.constant 0 : i32
      %dma_start3A_95 = tpu.memref_slice %arg2[%dma_start3A_93, %dma_start3A_94] : memref<10240x128xf32, #tpu.memory_space<hbm>> -> memref<10240x128xf32, #tpu.memory_space<hbm>>
      tpu.enqueue_indirect_dma source(%dma_start3A_95 : memref<10240x128xf32, #tpu.memory_space<hbm>>) target(%arg10 : memref<128x128xf32, #tpu.memory_space<vmem>>) offsets(%dma_start3A_92 : memref<128xi32, #tpu.memory_space<vmem>>) semaphore(%arg12 : memref<!tpu.dma_semaphore, #tpu.memory_space<semaphore_mem>>)
      %dma_start3A_96 = arith.constant 1 : i32
      %dma_start3A_97 = arith.constant 0 : i32
      %dma_start3A_98 = tpu.memref_slice %arg8[%dma_start3A_96, %dma_start3A_97] : memref<8x128xi32, #tpu.memory_space<vmem>> -> memref<1x128xi32, #tpu.memory_space<vmem>>
      %dma_start3A_99 = tpu.memref_squeeze %dma_start3A_98 : memref<1x128xi32, #tpu.memory_space<vmem>> -> memref<128xi32, #tpu.memory_space<vmem>>
      %dma_start3A_100 = arith.constant 0 : i32
      %dma_start3A_101 = arith.constant 0 : i32
      %dma_start3A_102 = tpu.memref_slice %arg2[%dma_start3A_100, %dma_start3A_101] : memref<10240x128xf32, #tpu.memory_space<hbm>> -> memref<10240x128xf32, #tpu.memory_space<hbm>>
      tpu.enqueue_indirect_dma source(%dma_start3A_102 : memref<10240x128xf32, #tpu.memory_space<hbm>>) target(%arg11 : memref<128x128xf32, #tpu.memory_space<vmem>>) offsets(%dma_start3A_99 : memref<128xi32, #tpu.memory_space<vmem>>) semaphore(%arg13 : memref<!tpu.dma_semaphore, #tpu.memory_space<semaphore_mem>>)
      %dma_wait3A = arith.constant 0 : i32
      %dma_wait3A_103 = arith.constant 0 : i32
      %dma_wait3A_104 = tpu.memref_slice %arg8[%dma_wait3A, %dma_wait3A_103] : memref<8x128xi32, #tpu.memory_space<vmem>> -> memref<1x128xi32, #tpu.memory_space<vmem>>
      %dma_wait3A_105 = tpu.memref_squeeze %dma_wait3A_104 : memref<1x128xi32, #tpu.memory_space<vmem>> -> memref<128xi32, #tpu.memory_space<vmem>>
      %dma_wait3A_106 = arith.constant 0 : i32
      %dma_wait3A_107 = arith.constant 0 : i32
      %dma_wait3A_108 = tpu.memref_slice %arg2[%dma_wait3A_106, %dma_wait3A_107] : memref<10240x128xf32, #tpu.memory_space<hbm>> -> memref<10240x128xf32, #tpu.memory_space<hbm>>
      tpu.wait_indirect_dma semaphore(%arg12 : memref<!tpu.dma_semaphore, #tpu.memory_space<semaphore_mem>>) src(%dma_wait3A_108 : memref<10240x128xf32, #tpu.memory_space<hbm>>) dst(%arg10 : memref<128x128xf32, #tpu.memory_space<vmem>>)
      %run_scoped3A = arith.constant 0 : i32
      "tpu.region"() ({
        %run_scoped3A_207 = tpu.sem_alloc : memref<!tpu.dma_semaphore, #tpu.memory_space<semaphore_mem>>
        %dma_start3A_208 = arith.constant 0 : i32
        %dma_start3A_209 = tpu.memref_slice %arg9[%run_scoped3A, %dma_start3A_208] : memref<8x128xi32, #tpu.memory_space<vmem>> -> memref<1x128xi32, #tpu.memory_space<vmem>>
        %dma_start3A_210 = tpu.memref_squeeze %dma_start3A_209 : memref<1x128xi32, #tpu.memory_space<vmem>> -> memref<128xi32, #tpu.memory_space<vmem>>
        %dma_start3A_211 = arith.constant 0 : i32
        %dma_start3A_212 = arith.constant 0 : i32
        %dma_start3A_213 = tpu.memref_slice %arg7[%dma_start3A_211, %dma_start3A_212] : memref<10240x128xf32, #tpu.memory_space<vmem_shared>> -> memref<10240x128xf32, #tpu.memory_space<vmem_shared>>
        tpu.enqueue_indirect_dma source(%arg10 : memref<128x128xf32, #tpu.memory_space<vmem>>) target(%dma_start3A_213 : memref<10240x128xf32, #tpu.memory_space<vmem_shared>>) offsets(%dma_start3A_210 : memref<128xi32, #tpu.memory_space<vmem>>) semaphore(%run_scoped3A_207 : memref<!tpu.dma_semaphore, #tpu.memory_space<semaphore_mem>>) {add = true}
        %dma_wait3A_214 = arith.constant 0 : i32
        %dma_wait3A_215 = tpu.memref_slice %arg9[%run_scoped3A, %dma_wait3A_214] : memref<8x128xi32, #tpu.memory_space<vmem>> -> memref<1x128xi32, #tpu.memory_space<vmem>>
        %dma_wait3A_216 = tpu.memref_squeeze %dma_wait3A_215 : memref<1x128xi32, #tpu.memory_space<vmem>> -> memref<128xi32, #tpu.memory_space<vmem>>
        %dma_wait3A_217 = arith.constant 0 : i32
        %dma_wait3A_218 = arith.constant 0 : i32
        %dma_wait3A_219 = tpu.memref_slice %arg7[%dma_wait3A_217, %dma_wait3A_218] : memref<10240x128xf32, #tpu.memory_space<vmem_shared>> -> memref<10240x128xf32, #tpu.memory_space<vmem_shared>>
        tpu.wait_indirect_dma semaphore(%run_scoped3A_207 : memref<!tpu.dma_semaphore, #tpu.memory_space<semaphore_mem>>) src(%arg10 : memref<128x128xf32, #tpu.memory_space<vmem>>) dst(%dma_wait3A_219 : memref<10240x128xf32, #tpu.memory_space<vmem_shared>>)
        tpu.yield
      }) : () -> ()
      %dma_start3A_109 = arith.constant 2 : i32
      %dma_start3A_110 = arith.constant 0 : i32
      %dma_start3A_111 = tpu.memref_slice %arg8[%dma_start3A_109, %dma_start3A_110] : memref<8x128xi32, #tpu.memory_space<vmem>> -> memref<1x128xi32, #tpu.memory_space<vmem>>
      %dma_start3A_112 = tpu.memref_squeeze %dma_start3A_111 : memref<1x128xi32, #tpu.memory_space<vmem>> -> memref<128xi32, #tpu.memory_space<vmem>>
      %dma_start3A_113 = arith.constant 0 : i32
      %dma_start3A_114 = arith.constant 0 : i32
      %dma_start3A_115 = tpu.memref_slice %arg2[%dma_start3A_113, %dma_start3A_114] : memref<10240x128xf32, #tpu.memory_space<hbm>> -> memref<10240x128xf32, #tpu.memory_space<hbm>>
      tpu.enqueue_indirect_dma source(%dma_start3A_115 : memref<10240x128xf32, #tpu.memory_space<hbm>>) target(%arg10 : memref<128x128xf32, #tpu.memory_space<vmem>>) offsets(%dma_start3A_112 : memref<128xi32, #tpu.memory_space<vmem>>) semaphore(%arg12 : memref<!tpu.dma_semaphore, #tpu.memory_space<semaphore_mem>>)
      %dma_wait3A_116 = arith.constant 1 : i32
      %dma_wait3A_117 = arith.constant 0 : i32
      %dma_wait3A_118 = tpu.memref_slice %arg8[%dma_wait3A_116, %dma_wait3A_117] : memref<8x128xi32, #tpu.memory_space<vmem>> -> memref<1x128xi32, #tpu.memory_space<vmem>>
      %dma_wait3A_119 = tpu.memref_squeeze %dma_wait3A_118 : memref<1x128xi32, #tpu.memory_space<vmem>> -> memref<128xi32, #tpu.memory_space<vmem>>
      %dma_wait3A_120 = arith.constant 0 : i32
      %dma_wait3A_121 = arith.constant 0 : i32
      %dma_wait3A_122 = tpu.memref_slice %arg2[%dma_wait3A_120, %dma_wait3A_121] : memref<10240x128xf32, #tpu.memory_space<hbm>> -> memref<10240x128xf32, #tpu.memory_space<hbm>>
      tpu.wait_indirect_dma semaphore(%arg13 : memref<!tpu.dma_semaphore, #tpu.memory_space<semaphore_mem>>) src(%dma_wait3A_122 : memref<10240x128xf32, #tpu.memory_space<hbm>>) dst(%arg11 : memref<128x128xf32, #tpu.memory_space<vmem>>)
      %run_scoped3A_123 = arith.constant 1 : i32
      "tpu.region"() ({
        %run_scoped3A_207 = tpu.sem_alloc : memref<!tpu.dma_semaphore, #tpu.memory_space<semaphore_mem>>
        %dma_start3A_208 = arith.constant 0 : i32
        %dma_start3A_209 = tpu.memref_slice %arg9[%run_scoped3A_123, %dma_start3A_208] : memref<8x128xi32, #tpu.memory_space<vmem>> -> memref<1x128xi32, #tpu.memory_space<vmem>>
        %dma_start3A_210 = tpu.memref_squeeze %dma_start3A_209 : memref<1x128xi32, #tpu.memory_space<vmem>> -> memref<128xi32, #tpu.memory_space<vmem>>
        %dma_start3A_211 = arith.constant 0 : i32
        %dma_start3A_212 = arith.constant 0 : i32
        %dma_start3A_213 = tpu.memref_slice %arg7[%dma_start3A_211, %dma_start3A_212] : memref<10240x128xf32, #tpu.memory_space<vmem_shared>> -> memref<10240x128xf32, #tpu.memory_space<vmem_shared>>
        tpu.enqueue_indirect_dma source(%arg11 : memref<128x128xf32, #tpu.memory_space<vmem>>) target(%dma_start3A_213 : memref<10240x128xf32, #tpu.memory_space<vmem_shared>>) offsets(%dma_start3A_210 : memref<128xi32, #tpu.memory_space<vmem>>) semaphore(%run_scoped3A_207 : memref<!tpu.dma_semaphore, #tpu.memory_space<semaphore_mem>>) {add = true}
        %dma_wait3A_214 = arith.constant 0 : i32
        %dma_wait3A_215 = tpu.memref_slice %arg9[%run_scoped3A_123, %dma_wait3A_214] : memref<8x128xi32, #tpu.memory_space<vmem>> -> memref<1x128xi32, #tpu.memory_space<vmem>>
        %dma_wait3A_216 = tpu.memref_squeeze %dma_wait3A_215 : memref<1x128xi32, #tpu.memory_space<vmem>> -> memref<128xi32, #tpu.memory_space<vmem>>
        %dma_wait3A_217 = arith.constant 0 : i32
        %dma_wait3A_218 = arith.constant 0 : i32
        %dma_wait3A_219 = tpu.memref_slice %arg7[%dma_wait3A_217, %dma_wait3A_218] : memref<10240x128xf32, #tpu.memory_space<vmem_shared>> -> memref<10240x128xf32, #tpu.memory_space<vmem_shared>>
        tpu.wait_indirect_dma semaphore(%run_scoped3A_207 : memref<!tpu.dma_semaphore, #tpu.memory_space<semaphore_mem>>) src(%arg11 : memref<128x128xf32, #tpu.memory_space<vmem>>) dst(%dma_wait3A_219 : memref<10240x128xf32, #tpu.memory_space<vmem_shared>>)
        tpu.yield
      }) : () -> ()
      %dma_start3A_124 = arith.constant 3 : i32
      %dma_start3A_125 = arith.constant 0 : i32
      %dma_start3A_126 = tpu.memref_slice %arg8[%dma_start3A_124, %dma_start3A_125] : memref<8x128xi32, #tpu.memory_space<vmem>> -> memref<1x128xi32, #tpu.memory_space<vmem>>
      %dma_start3A_127 = tpu.memref_squeeze %dma_start3A_126 : memref<1x128xi32, #tpu.memory_space<vmem>> -> memref<128xi32, #tpu.memory_space<vmem>>
      %dma_start3A_128 = arith.constant 0 : i32
      %dma_start3A_129 = arith.constant 0 : i32
      %dma_start3A_130 = tpu.memref_slice %arg2[%dma_start3A_128, %dma_start3A_129] : memref<10240x128xf32, #tpu.memory_space<hbm>> -> memref<10240x128xf32, #tpu.memory_space<hbm>>
      tpu.enqueue_indirect_dma source(%dma_start3A_130 : memref<10240x128xf32, #tpu.memory_space<hbm>>) target(%arg11 : memref<128x128xf32, #tpu.memory_space<vmem>>) offsets(%dma_start3A_127 : memref<128xi32, #tpu.memory_space<vmem>>) semaphore(%arg13 : memref<!tpu.dma_semaphore, #tpu.memory_space<semaphore_mem>>)
      %dma_wait3A_131 = arith.constant 2 : i32
      %dma_wait3A_132 = arith.constant 0 : i32
      %dma_wait3A_133 = tpu.memref_slice %arg8[%dma_wait3A_131, %dma_wait3A_132] : memref<8x128xi32, #tpu.memory_space<vmem>> -> memref<1x128xi32, #tpu.memory_space<vmem>>
      %dma_wait3A_134 = tpu.memref_squeeze %dma_wait3A_133 : memref<1x128xi32, #tpu.memory_space<vmem>> -> memref<128xi32, #tpu.memory_space<vmem>>
      %dma_wait3A_135 = arith.constant 0 : i32
      %dma_wait3A_136 = arith.constant 0 : i32
      %dma_wait3A_137 = tpu.memref_slice %arg2[%dma_wait3A_135, %dma_wait3A_136] : memref<10240x128xf32, #tpu.memory_space<hbm>> -> memref<10240x128xf32, #tpu.memory_space<hbm>>
      tpu.wait_indirect_dma semaphore(%arg12 : memref<!tpu.dma_semaphore, #tpu.memory_space<semaphore_mem>>) src(%dma_wait3A_137 : memref<10240x128xf32, #tpu.memory_space<hbm>>) dst(%arg10 : memref<128x128xf32, #tpu.memory_space<vmem>>)
      %run_scoped3A_138 = arith.constant 2 : i32
      "tpu.region"() ({
        %run_scoped3A_207 = tpu.sem_alloc : memref<!tpu.dma_semaphore, #tpu.memory_space<semaphore_mem>>
        %dma_start3A_208 = arith.constant 0 : i32
        %dma_start3A_209 = tpu.memref_slice %arg9[%run_scoped3A_138, %dma_start3A_208] : memref<8x128xi32, #tpu.memory_space<vmem>> -> memref<1x128xi32, #tpu.memory_space<vmem>>
        %dma_start3A_210 = tpu.memref_squeeze %dma_start3A_209 : memref<1x128xi32, #tpu.memory_space<vmem>> -> memref<128xi32, #tpu.memory_space<vmem>>
        %dma_start3A_211 = arith.constant 0 : i32
        %dma_start3A_212 = arith.constant 0 : i32
        %dma_start3A_213 = tpu.memref_slice %arg7[%dma_start3A_211, %dma_start3A_212] : memref<10240x128xf32, #tpu.memory_space<vmem_shared>> -> memref<10240x128xf32, #tpu.memory_space<vmem_shared>>
        tpu.enqueue_indirect_dma source(%arg10 : memref<128x128xf32, #tpu.memory_space<vmem>>) target(%dma_start3A_213 : memref<10240x128xf32, #tpu.memory_space<vmem_shared>>) offsets(%dma_start3A_210 : memref<128xi32, #tpu.memory_space<vmem>>) semaphore(%run_scoped3A_207 : memref<!tpu.dma_semaphore, #tpu.memory_space<semaphore_mem>>) {add = true}
        %dma_wait3A_214 = arith.constant 0 : i32
        %dma_wait3A_215 = tpu.memref_slice %arg9[%run_scoped3A_138, %dma_wait3A_214] : memref<8x128xi32, #tpu.memory_space<vmem>> -> memref<1x128xi32, #tpu.memory_space<vmem>>
        %dma_wait3A_216 = tpu.memref_squeeze %dma_wait3A_215 : memref<1x128xi32, #tpu.memory_space<vmem>> -> memref<128xi32, #tpu.memory_space<vmem>>
        %dma_wait3A_217 = arith.constant 0 : i32
        %dma_wait3A_218 = arith.constant 0 : i32
        %dma_wait3A_219 = tpu.memref_slice %arg7[%dma_wait3A_217, %dma_wait3A_218] : memref<10240x128xf32, #tpu.memory_space<vmem_shared>> -> memref<10240x128xf32, #tpu.memory_space<vmem_shared>>
        tpu.wait_indirect_dma semaphore(%run_scoped3A_207 : memref<!tpu.dma_semaphore, #tpu.memory_space<semaphore_mem>>) src(%arg10 : memref<128x128xf32, #tpu.memory_space<vmem>>) dst(%dma_wait3A_219 : memref<10240x128xf32, #tpu.memory_space<vmem_shared>>)
        tpu.yield
      }) : () -> ()
      %dma_start3A_139 = arith.constant 4 : i32
      %dma_start3A_140 = arith.constant 0 : i32
      %dma_start3A_141 = tpu.memref_slice %arg8[%dma_start3A_139, %dma_start3A_140] : memref<8x128xi32, #tpu.memory_space<vmem>> -> memref<1x128xi32, #tpu.memory_space<vmem>>
      %dma_start3A_142 = tpu.memref_squeeze %dma_start3A_141 : memref<1x128xi32, #tpu.memory_space<vmem>> -> memref<128xi32, #tpu.memory_space<vmem>>
      %dma_start3A_143 = arith.constant 0 : i32
      %dma_start3A_144 = arith.constant 0 : i32
      %dma_start3A_145 = tpu.memref_slice %arg2[%dma_start3A_143, %dma_start3A_144] : memref<10240x128xf32, #tpu.memory_space<hbm>> -> memref<10240x128xf32, #tpu.memory_space<hbm>>
      tpu.enqueue_indirect_dma source(%dma_start3A_145 : memref<10240x128xf32, #tpu.memory_space<hbm>>) target(%arg10 : memref<128x128xf32, #tpu.memory_space<vmem>>) offsets(%dma_start3A_142 : memref<128xi32, #tpu.memory_space<vmem>>) semaphore(%arg12 : memref<!tpu.dma_semaphore, #tpu.memory_space<semaphore_mem>>)
      %dma_wait3A_146 = arith.constant 3 : i32
      %dma_wait3A_147 = arith.constant 0 : i32
      %dma_wait3A_148 = tpu.memref_slice %arg8[%dma_wait3A_146, %dma_wait3A_147] : memref<8x128xi32, #tpu.memory_space<vmem>> -> memref<1x128xi32, #tpu.memory_space<vmem>>
      %dma_wait3A_149 = tpu.memref_squeeze %dma_wait3A_148 : memref<1x128xi32, #tpu.memory_space<vmem>> -> memref<128xi32, #tpu.memory_space<vmem>>
      %dma_wait3A_150 = arith.constant 0 : i32
      %dma_wait3A_151 = arith.constant 0 : i32
      %dma_wait3A_152 = tpu.memref_slice %arg2[%dma_wait3A_150, %dma_wait3A_151] : memref<10240x128xf32, #tpu.memory_space<hbm>> -> memref<10240x128xf32, #tpu.memory_space<hbm>>
      tpu.wait_indirect_dma semaphore(%arg13 : memref<!tpu.dma_semaphore, #tpu.memory_space<semaphore_mem>>) src(%dma_wait3A_152 : memref<10240x128xf32, #tpu.memory_space<hbm>>) dst(%arg11 : memref<128x128xf32, #tpu.memory_space<vmem>>)
      %run_scoped3A_153 = arith.constant 3 : i32
      "tpu.region"() ({
        %run_scoped3A_207 = tpu.sem_alloc : memref<!tpu.dma_semaphore, #tpu.memory_space<semaphore_mem>>
        %dma_start3A_208 = arith.constant 0 : i32
        %dma_start3A_209 = tpu.memref_slice %arg9[%run_scoped3A_153, %dma_start3A_208] : memref<8x128xi32, #tpu.memory_space<vmem>> -> memref<1x128xi32, #tpu.memory_space<vmem>>
        %dma_start3A_210 = tpu.memref_squeeze %dma_start3A_209 : memref<1x128xi32, #tpu.memory_space<vmem>> -> memref<128xi32, #tpu.memory_space<vmem>>
        %dma_start3A_211 = arith.constant 0 : i32
        %dma_start3A_212 = arith.constant 0 : i32
        %dma_start3A_213 = tpu.memref_slice %arg7[%dma_start3A_211, %dma_start3A_212] : memref<10240x128xf32, #tpu.memory_space<vmem_shared>> -> memref<10240x128xf32, #tpu.memory_space<vmem_shared>>
        tpu.enqueue_indirect_dma source(%arg11 : memref<128x128xf32, #tpu.memory_space<vmem>>) target(%dma_start3A_213 : memref<10240x128xf32, #tpu.memory_space<vmem_shared>>) offsets(%dma_start3A_210 : memref<128xi32, #tpu.memory_space<vmem>>) semaphore(%run_scoped3A_207 : memref<!tpu.dma_semaphore, #tpu.memory_space<semaphore_mem>>) {add = true}
        %dma_wait3A_214 = arith.constant 0 : i32
        %dma_wait3A_215 = tpu.memref_slice %arg9[%run_scoped3A_153, %dma_wait3A_214] : memref<8x128xi32, #tpu.memory_space<vmem>> -> memref<1x128xi32, #tpu.memory_space<vmem>>
        %dma_wait3A_216 = tpu.memref_squeeze %dma_wait3A_215 : memref<1x128xi32, #tpu.memory_space<vmem>> -> memref<128xi32, #tpu.memory_space<vmem>>
        %dma_wait3A_217 = arith.constant 0 : i32
        %dma_wait3A_218 = arith.constant 0 : i32
        %dma_wait3A_219 = tpu.memref_slice %arg7[%dma_wait3A_217, %dma_wait3A_218] : memref<10240x128xf32, #tpu.memory_space<vmem_shared>> -> memref<10240x128xf32, #tpu.memory_space<vmem_shared>>
        tpu.wait_indirect_dma semaphore(%run_scoped3A_207 : memref<!tpu.dma_semaphore, #tpu.memory_space<semaphore_mem>>) src(%arg11 : memref<128x128xf32, #tpu.memory_space<vmem>>) dst(%dma_wait3A_219 : memref<10240x128xf32, #tpu.memory_space<vmem_shared>>)
        tpu.yield
      }) : () -> ()
      %dma_start3A_154 = arith.constant 5 : i32
      %dma_start3A_155 = arith.constant 0 : i32
      %dma_start3A_156 = tpu.memref_slice %arg8[%dma_start3A_154, %dma_start3A_155] : memref<8x128xi32, #tpu.memory_space<vmem>> -> memref<1x128xi32, #tpu.memory_space<vmem>>
      %dma_start3A_157 = tpu.memref_squeeze %dma_start3A_156 : memref<1x128xi32, #tpu.memory_space<vmem>> -> memref<128xi32, #tpu.memory_space<vmem>>
      %dma_start3A_158 = arith.constant 0 : i32
      %dma_start3A_159 = arith.constant 0 : i32
      %dma_start3A_160 = tpu.memref_slice %arg2[%dma_start3A_158, %dma_start3A_159] : memref<10240x128xf32, #tpu.memory_space<hbm>> -> memref<10240x128xf32, #tpu.memory_space<hbm>>
      tpu.enqueue_indirect_dma source(%dma_start3A_160 : memref<10240x128xf32, #tpu.memory_space<hbm>>) target(%arg11 : memref<128x128xf32, #tpu.memory_space<vmem>>) offsets(%dma_start3A_157 : memref<128xi32, #tpu.memory_space<vmem>>) semaphore(%arg13 : memref<!tpu.dma_semaphore, #tpu.memory_space<semaphore_mem>>)
      %dma_wait3A_161 = arith.constant 4 : i32
      %dma_wait3A_162 = arith.constant 0 : i32
      %dma_wait3A_163 = tpu.memref_slice %arg8[%dma_wait3A_161, %dma_wait3A_162] : memref<8x128xi32, #tpu.memory_space<vmem>> -> memref<1x128xi32, #tpu.memory_space<vmem>>
      %dma_wait3A_164 = tpu.memref_squeeze %dma_wait3A_163 : memref<1x128xi32, #tpu.memory_space<vmem>> -> memref<128xi32, #tpu.memory_space<vmem>>
      %dma_wait3A_165 = arith.constant 0 : i32
      %dma_wait3A_166 = arith.constant 0 : i32
      %dma_wait3A_167 = tpu.memref_slice %arg2[%dma_wait3A_165, %dma_wait3A_166] : memref<10240x128xf32, #tpu.memory_space<hbm>> -> memref<10240x128xf32, #tpu.memory_space<hbm>>
      tpu.wait_indirect_dma semaphore(%arg12 : memref<!tpu.dma_semaphore, #tpu.memory_space<semaphore_mem>>) src(%dma_wait3A_167 : memref<10240x128xf32, #tpu.memory_space<hbm>>) dst(%arg10 : memref<128x128xf32, #tpu.memory_space<vmem>>)
      %run_scoped3A_168 = arith.constant 4 : i32
      "tpu.region"() ({
        %run_scoped3A_207 = tpu.sem_alloc : memref<!tpu.dma_semaphore, #tpu.memory_space<semaphore_mem>>
        %dma_start3A_208 = arith.constant 0 : i32
        %dma_start3A_209 = tpu.memref_slice %arg9[%run_scoped3A_168, %dma_start3A_208] : memref<8x128xi32, #tpu.memory_space<vmem>> -> memref<1x128xi32, #tpu.memory_space<vmem>>
        %dma_start3A_210 = tpu.memref_squeeze %dma_start3A_209 : memref<1x128xi32, #tpu.memory_space<vmem>> -> memref<128xi32, #tpu.memory_space<vmem>>
        %dma_start3A_211 = arith.constant 0 : i32
        %dma_start3A_212 = arith.constant 0 : i32
        %dma_start3A_213 = tpu.memref_slice %arg7[%dma_start3A_211, %dma_start3A_212] : memref<10240x128xf32, #tpu.memory_space<vmem_shared>> -> memref<10240x128xf32, #tpu.memory_space<vmem_shared>>
        tpu.enqueue_indirect_dma source(%arg10 : memref<128x128xf32, #tpu.memory_space<vmem>>) target(%dma_start3A_213 : memref<10240x128xf32, #tpu.memory_space<vmem_shared>>) offsets(%dma_start3A_210 : memref<128xi32, #tpu.memory_space<vmem>>) semaphore(%run_scoped3A_207 : memref<!tpu.dma_semaphore, #tpu.memory_space<semaphore_mem>>) {add = true}
        %dma_wait3A_214 = arith.constant 0 : i32
        %dma_wait3A_215 = tpu.memref_slice %arg9[%run_scoped3A_168, %dma_wait3A_214] : memref<8x128xi32, #tpu.memory_space<vmem>> -> memref<1x128xi32, #tpu.memory_space<vmem>>
        %dma_wait3A_216 = tpu.memref_squeeze %dma_wait3A_215 : memref<1x128xi32, #tpu.memory_space<vmem>> -> memref<128xi32, #tpu.memory_space<vmem>>
        %dma_wait3A_217 = arith.constant 0 : i32
        %dma_wait3A_218 = arith.constant 0 : i32
        %dma_wait3A_219 = tpu.memref_slice %arg7[%dma_wait3A_217, %dma_wait3A_218] : memref<10240x128xf32, #tpu.memory_space<vmem_shared>> -> memref<10240x128xf32, #tpu.memory_space<vmem_shared>>
        tpu.wait_indirect_dma semaphore(%run_scoped3A_207 : memref<!tpu.dma_semaphore, #tpu.memory_space<semaphore_mem>>) src(%arg10 : memref<128x128xf32, #tpu.memory_space<vmem>>) dst(%dma_wait3A_219 : memref<10240x128xf32, #tpu.memory_space<vmem_shared>>)
        tpu.yield
      }) : () -> ()
      %dma_start3A_169 = arith.constant 6 : i32
      %dma_start3A_170 = arith.constant 0 : i32
      %dma_start3A_171 = tpu.memref_slice %arg8[%dma_start3A_169, %dma_start3A_170] : memref<8x128xi32, #tpu.memory_space<vmem>> -> memref<1x128xi32, #tpu.memory_space<vmem>>
      %dma_start3A_172 = tpu.memref_squeeze %dma_start3A_171 : memref<1x128xi32, #tpu.memory_space<vmem>> -> memref<128xi32, #tpu.memory_space<vmem>>
      %dma_start3A_173 = arith.constant 0 : i32
      %dma_start3A_174 = arith.constant 0 : i32
      %dma_start3A_175 = tpu.memref_slice %arg2[%dma_start3A_173, %dma_start3A_174] : memref<10240x128xf32, #tpu.memory_space<hbm>> -> memref<10240x128xf32, #tpu.memory_space<hbm>>
      tpu.enqueue_indirect_dma source(%dma_start3A_175 : memref<10240x128xf32, #tpu.memory_space<hbm>>) target(%arg10 : memref<128x128xf32, #tpu.memory_space<vmem>>) offsets(%dma_start3A_172 : memref<128xi32, #tpu.memory_space<vmem>>) semaphore(%arg12 : memref<!tpu.dma_semaphore, #tpu.memory_space<semaphore_mem>>)
      %dma_wait3A_176 = arith.constant 5 : i32
      %dma_wait3A_177 = arith.constant 0 : i32
      %dma_wait3A_178 = tpu.memref_slice %arg8[%dma_wait3A_176, %dma_wait3A_177] : memref<8x128xi32, #tpu.memory_space<vmem>> -> memref<1x128xi32, #tpu.memory_space<vmem>>
      %dma_wait3A_179 = tpu.memref_squeeze %dma_wait3A_178 : memref<1x128xi32, #tpu.memory_space<vmem>> -> memref<128xi32, #tpu.memory_space<vmem>>
      %dma_wait3A_180 = arith.constant 0 : i32
      %dma_wait3A_181 = arith.constant 0 : i32
      %dma_wait3A_182 = tpu.memref_slice %arg2[%dma_wait3A_180, %dma_wait3A_181] : memref<10240x128xf32, #tpu.memory_space<hbm>> -> memref<10240x128xf32, #tpu.memory_space<hbm>>
      tpu.wait_indirect_dma semaphore(%arg13 : memref<!tpu.dma_semaphore, #tpu.memory_space<semaphore_mem>>) src(%dma_wait3A_182 : memref<10240x128xf32, #tpu.memory_space<hbm>>) dst(%arg11 : memref<128x128xf32, #tpu.memory_space<vmem>>)
      %run_scoped3A_183 = arith.constant 5 : i32
      "tpu.region"() ({
        %run_scoped3A_207 = tpu.sem_alloc : memref<!tpu.dma_semaphore, #tpu.memory_space<semaphore_mem>>
        %dma_start3A_208 = arith.constant 0 : i32
        %dma_start3A_209 = tpu.memref_slice %arg9[%run_scoped3A_183, %dma_start3A_208] : memref<8x128xi32, #tpu.memory_space<vmem>> -> memref<1x128xi32, #tpu.memory_space<vmem>>
        %dma_start3A_210 = tpu.memref_squeeze %dma_start3A_209 : memref<1x128xi32, #tpu.memory_space<vmem>> -> memref<128xi32, #tpu.memory_space<vmem>>
        %dma_start3A_211 = arith.constant 0 : i32
        %dma_start3A_212 = arith.constant 0 : i32
        %dma_start3A_213 = tpu.memref_slice %arg7[%dma_start3A_211, %dma_start3A_212] : memref<10240x128xf32, #tpu.memory_space<vmem_shared>> -> memref<10240x128xf32, #tpu.memory_space<vmem_shared>>
        tpu.enqueue_indirect_dma source(%arg11 : memref<128x128xf32, #tpu.memory_space<vmem>>) target(%dma_start3A_213 : memref<10240x128xf32, #tpu.memory_space<vmem_shared>>) offsets(%dma_start3A_210 : memref<128xi32, #tpu.memory_space<vmem>>) semaphore(%run_scoped3A_207 : memref<!tpu.dma_semaphore, #tpu.memory_space<semaphore_mem>>) {add = true}
        %dma_wait3A_214 = arith.constant 0 : i32
        %dma_wait3A_215 = tpu.memref_slice %arg9[%run_scoped3A_183, %dma_wait3A_214] : memref<8x128xi32, #tpu.memory_space<vmem>> -> memref<1x128xi32, #tpu.memory_space<vmem>>
        %dma_wait3A_216 = tpu.memref_squeeze %dma_wait3A_215 : memref<1x128xi32, #tpu.memory_space<vmem>> -> memref<128xi32, #tpu.memory_space<vmem>>
        %dma_wait3A_217 = arith.constant 0 : i32
        %dma_wait3A_218 = arith.constant 0 : i32
        %dma_wait3A_219 = tpu.memref_slice %arg7[%dma_wait3A_217, %dma_wait3A_218] : memref<10240x128xf32, #tpu.memory_space<vmem_shared>> -> memref<10240x128xf32, #tpu.memory_space<vmem_shared>>
        tpu.wait_indirect_dma semaphore(%run_scoped3A_207 : memref<!tpu.dma_semaphore, #tpu.memory_space<semaphore_mem>>) src(%arg11 : memref<128x128xf32, #tpu.memory_space<vmem>>) dst(%dma_wait3A_219 : memref<10240x128xf32, #tpu.memory_space<vmem_shared>>)
        tpu.yield
      }) : () -> ()
      %dma_start3A_184 = arith.constant 7 : i32
      %dma_start3A_185 = arith.constant 0 : i32
      %dma_start3A_186 = tpu.memref_slice %arg8[%dma_start3A_184, %dma_start3A_185] : memref<8x128xi32, #tpu.memory_space<vmem>> -> memref<1x128xi32, #tpu.memory_space<vmem>>
      %dma_start3A_187 = tpu.memref_squeeze %dma_start3A_186 : memref<1x128xi32, #tpu.memory_space<vmem>> -> memref<128xi32, #tpu.memory_space<vmem>>
      %dma_start3A_188 = arith.constant 0 : i32
      %dma_start3A_189 = arith.constant 0 : i32
      %dma_start3A_190 = tpu.memref_slice %arg2[%dma_start3A_188, %dma_start3A_189] : memref<10240x128xf32, #tpu.memory_space<hbm>> -> memref<10240x128xf32, #tpu.memory_space<hbm>>
      tpu.enqueue_indirect_dma source(%dma_start3A_190 : memref<10240x128xf32, #tpu.memory_space<hbm>>) target(%arg11 : memref<128x128xf32, #tpu.memory_space<vmem>>) offsets(%dma_start3A_187 : memref<128xi32, #tpu.memory_space<vmem>>) semaphore(%arg13 : memref<!tpu.dma_semaphore, #tpu.memory_space<semaphore_mem>>)
      %dma_wait3A_191 = arith.constant 6 : i32
      %dma_wait3A_192 = arith.constant 0 : i32
      %dma_wait3A_193 = tpu.memref_slice %arg8[%dma_wait3A_191, %dma_wait3A_192] : memref<8x128xi32, #tpu.memory_space<vmem>> -> memref<1x128xi32, #tpu.memory_space<vmem>>
      %dma_wait3A_194 = tpu.memref_squeeze %dma_wait3A_193 : memref<1x128xi32, #tpu.memory_space<vmem>> -> memref<128xi32, #tpu.memory_space<vmem>>
      %dma_wait3A_195 = arith.constant 0 : i32
      %dma_wait3A_196 = arith.constant 0 : i32
      %dma_wait3A_197 = tpu.memref_slice %arg2[%dma_wait3A_195, %dma_wait3A_196] : memref<10240x128xf32, #tpu.memory_space<hbm>> -> memref<10240x128xf32, #tpu.memory_space<hbm>>
      tpu.wait_indirect_dma semaphore(%arg12 : memref<!tpu.dma_semaphore, #tpu.memory_space<semaphore_mem>>) src(%dma_wait3A_197 : memref<10240x128xf32, #tpu.memory_space<hbm>>) dst(%arg10 : memref<128x128xf32, #tpu.memory_space<vmem>>)
      %run_scoped3A_198 = arith.constant 6 : i32
      "tpu.region"() ({
        %run_scoped3A_207 = tpu.sem_alloc : memref<!tpu.dma_semaphore, #tpu.memory_space<semaphore_mem>>
        %dma_start3A_208 = arith.constant 0 : i32
        %dma_start3A_209 = tpu.memref_slice %arg9[%run_scoped3A_198, %dma_start3A_208] : memref<8x128xi32, #tpu.memory_space<vmem>> -> memref<1x128xi32, #tpu.memory_space<vmem>>
        %dma_start3A_210 = tpu.memref_squeeze %dma_start3A_209 : memref<1x128xi32, #tpu.memory_space<vmem>> -> memref<128xi32, #tpu.memory_space<vmem>>
        %dma_start3A_211 = arith.constant 0 : i32
        %dma_start3A_212 = arith.constant 0 : i32
        %dma_start3A_213 = tpu.memref_slice %arg7[%dma_start3A_211, %dma_start3A_212] : memref<10240x128xf32, #tpu.memory_space<vmem_shared>> -> memref<10240x128xf32, #tpu.memory_space<vmem_shared>>
        tpu.enqueue_indirect_dma source(%arg10 : memref<128x128xf32, #tpu.memory_space<vmem>>) target(%dma_start3A_213 : memref<10240x128xf32, #tpu.memory_space<vmem_shared>>) offsets(%dma_start3A_210 : memref<128xi32, #tpu.memory_space<vmem>>) semaphore(%run_scoped3A_207 : memref<!tpu.dma_semaphore, #tpu.memory_space<semaphore_mem>>) {add = true}
        %dma_wait3A_214 = arith.constant 0 : i32
        %dma_wait3A_215 = tpu.memref_slice %arg9[%run_scoped3A_198, %dma_wait3A_214] : memref<8x128xi32, #tpu.memory_space<vmem>> -> memref<1x128xi32, #tpu.memory_space<vmem>>
        %dma_wait3A_216 = tpu.memref_squeeze %dma_wait3A_215 : memref<1x128xi32, #tpu.memory_space<vmem>> -> memref<128xi32, #tpu.memory_space<vmem>>
        %dma_wait3A_217 = arith.constant 0 : i32
        %dma_wait3A_218 = arith.constant 0 : i32
        %dma_wait3A_219 = tpu.memref_slice %arg7[%dma_wait3A_217, %dma_wait3A_218] : memref<10240x128xf32, #tpu.memory_space<vmem_shared>> -> memref<10240x128xf32, #tpu.memory_space<vmem_shared>>
        tpu.wait_indirect_dma semaphore(%run_scoped3A_207 : memref<!tpu.dma_semaphore, #tpu.memory_space<semaphore_mem>>) src(%arg10 : memref<128x128xf32, #tpu.memory_space<vmem>>) dst(%dma_wait3A_219 : memref<10240x128xf32, #tpu.memory_space<vmem_shared>>)
        tpu.yield
      }) : () -> ()
      %dma_wait3A_199 = arith.constant 7 : i32
      %dma_wait3A_200 = arith.constant 0 : i32
      %dma_wait3A_201 = tpu.memref_slice %arg8[%dma_wait3A_199, %dma_wait3A_200] : memref<8x128xi32, #tpu.memory_space<vmem>> -> memref<1x128xi32, #tpu.memory_space<vmem>>
      %dma_wait3A_202 = tpu.memref_squeeze %dma_wait3A_201 : memref<1x128xi32, #tpu.memory_space<vmem>> -> memref<128xi32, #tpu.memory_space<vmem>>
      %dma_wait3A_203 = arith.constant 0 : i32
      %dma_wait3A_204 = arith.constant 0 : i32
      %dma_wait3A_205 = tpu.memref_slice %arg2[%dma_wait3A_203, %dma_wait3A_204] : memref<10240x128xf32, #tpu.memory_space<hbm>> -> memref<10240x128xf32, #tpu.memory_space<hbm>>
      tpu.wait_indirect_dma semaphore(%arg13 : memref<!tpu.dma_semaphore, #tpu.memory_space<semaphore_mem>>) src(%dma_wait3A_205 : memref<10240x128xf32, #tpu.memory_space<hbm>>) dst(%arg11 : memref<128x128xf32, #tpu.memory_space<vmem>>)
      %run_scoped3A_206 = arith.constant 7 : i32
      "tpu.region"() ({
        %run_scoped3A_207 = tpu.sem_alloc : memref<!tpu.dma_semaphore, #tpu.memory_space<semaphore_mem>>
        %dma_start3A_208 = arith.constant 0 : i32
        %dma_start3A_209 = tpu.memref_slice %arg9[%run_scoped3A_206, %dma_start3A_208] : memref<8x128xi32, #tpu.memory_space<vmem>> -> memref<1x128xi32, #tpu.memory_space<vmem>>
        %dma_start3A_210 = tpu.memref_squeeze %dma_start3A_209 : memref<1x128xi32, #tpu.memory_space<vmem>> -> memref<128xi32, #tpu.memory_space<vmem>>
        %dma_start3A_211 = arith.constant 0 : i32
        %dma_start3A_212 = arith.constant 0 : i32
        %dma_start3A_213 = tpu.memref_slice %arg7[%dma_start3A_211, %dma_start3A_212] : memref<10240x128xf32, #tpu.memory_space<vmem_shared>> -> memref<10240x128xf32, #tpu.memory_space<vmem_shared>>
        tpu.enqueue_indirect_dma source(%arg11 : memref<128x128xf32, #tpu.memory_space<vmem>>) target(%dma_start3A_213 : memref<10240x128xf32, #tpu.memory_space<vmem_shared>>) offsets(%dma_start3A_210 : memref<128xi32, #tpu.memory_space<vmem>>) semaphore(%run_scoped3A_207 : memref<!tpu.dma_semaphore, #tpu.memory_space<semaphore_mem>>) {add = true}
        %dma_wait3A_214 = arith.constant 0 : i32
        %dma_wait3A_215 = tpu.memref_slice %arg9[%run_scoped3A_206, %dma_wait3A_214] : memref<8x128xi32, #tpu.memory_space<vmem>> -> memref<1x128xi32, #tpu.memory_space<vmem>>
        %dma_wait3A_216 = tpu.memref_squeeze %dma_wait3A_215 : memref<1x128xi32, #tpu.memory_space<vmem>> -> memref<128xi32, #tpu.memory_space<vmem>>
        %dma_wait3A_217 = arith.constant 0 : i32
        %dma_wait3A_218 = arith.constant 0 : i32
        %dma_wait3A_219 = tpu.memref_slice %arg7[%dma_wait3A_217, %dma_wait3A_218] : memref<10240x128xf32, #tpu.memory_space<vmem_shared>> -> memref<10240x128xf32, #tpu.memory_space<vmem_shared>>
        tpu.wait_indirect_dma semaphore(%run_scoped3A_207 : memref<!tpu.dma_semaphore, #tpu.memory_space<semaphore_mem>>) src(%arg11 : memref<128x128xf32, #tpu.memory_space<vmem>>) dst(%dma_wait3A_219 : memref<10240x128xf32, #tpu.memory_space<vmem_shared>>)
        tpu.yield
      }) : () -> ()
    }
    %while3A_54 = arith.constant 1 : i32
    scf.for %while3A_83 = %while3A_52 to %while3A_48 step %while3A_54  : i32 {
      %mul3A_84 = arith.constant 8 : i32
      %mul3A_85 = arith.muli %while3A_83, %mul3A_84 : i32
      %add3A_86 = arith.addi %add3A, %mul3A_85 : i32
      "tpu.region"() ({
        %run_scoped3A_207 = tpu.sem_alloc : memref<!tpu.dma_semaphore, #tpu.memory_space<semaphore_mem>>
        %dma_start3A_208 = arith.constant 0 : i32
        %dma_start3A_209 = tpu.memref_slice %arg3[%add3A_86, %dma_start3A_208] : memref<2560x128xi32, #tpu.memory_space<hbm>> -> memref<8x128xi32, #tpu.memory_space<hbm>>
        %dma_start3A_210 = arith.constant 0 : i32
        %dma_start3A_211 = tpu.memref_slice %arg3[%add3A_86, %dma_start3A_210] : memref<2560x128xi32, #tpu.memory_space<hbm>> -> memref<8x128xi32, #tpu.memory_space<hbm>>
        tpu.enqueue_dma source(%dma_start3A_211 : memref<8x128xi32, #tpu.memory_space<hbm>>) target(%arg8 : memref<8x128xi32, #tpu.memory_space<vmem>>) target_semaphore(%run_scoped3A_207 : memref<!tpu.dma_semaphore, #tpu.memory_space<semaphore_mem>>)
        %dma_wait3A_212 = arith.constant 0 : i32
        %dma_wait3A_213 = tpu.memref_slice %arg3[%add3A_86, %dma_wait3A_212] : memref<2560x128xi32, #tpu.memory_space<hbm>> -> memref<8x128xi32, #tpu.memory_space<hbm>>
        %dma_wait3A_214 = arith.constant 0 : i32
        %dma_wait3A_215 = tpu.memref_slice %arg3[%add3A_86, %dma_wait3A_214] : memref<2560x128xi32, #tpu.memory_space<hbm>> -> memref<8x128xi32, #tpu.memory_space<hbm>>
        tpu.wait_dma2 semaphore(%run_scoped3A_207 : memref<!tpu.dma_semaphore, #tpu.memory_space<semaphore_mem>>) src(%dma_wait3A_215 : memref<8x128xi32, #tpu.memory_space<hbm>>) dst(%arg8 : memref<8x128xi32, #tpu.memory_space<vmem>>)
        tpu.yield
      }) : () -> ()
      %mul3A_87 = arith.constant 8 : i32
      %mul3A_88 = arith.muli %while3A_83, %mul3A_87 : i32
      %add3A_89 = arith.addi %add3A, %mul3A_88 : i32
      "tpu.region"() ({
        %run_scoped3A_207 = tpu.sem_alloc : memref<!tpu.dma_semaphore, #tpu.memory_space<semaphore_mem>>
        %dma_start3A_208 = arith.constant 0 : i32
        %dma_start3A_209 = tpu.memref_slice %arg4[%add3A_89, %dma_start3A_208] : memref<2560x128xi32, #tpu.memory_space<hbm>> -> memref<8x128xi32, #tpu.memory_space<hbm>>
        %dma_start3A_210 = arith.constant 0 : i32
        %dma_start3A_211 = tpu.memref_slice %arg4[%add3A_89, %dma_start3A_210] : memref<2560x128xi32, #tpu.memory_space<hbm>> -> memref<8x128xi32, #tpu.memory_space<hbm>>
        tpu.enqueue_dma source(%dma_start3A_211 : memref<8x128xi32, #tpu.memory_space<hbm>>) target(%arg9 : memref<8x128xi32, #tpu.memory_space<vmem>>) target_semaphore(%run_scoped3A_207 : memref<!tpu.dma_semaphore, #tpu.memory_space<semaphore_mem>>)
        %dma_wait3A_212 = arith.constant 0 : i32
        %dma_wait3A_213 = tpu.memref_slice %arg4[%add3A_89, %dma_wait3A_212] : memref<2560x128xi32, #tpu.memory_space<hbm>> -> memref<8x128xi32, #tpu.memory_space<hbm>>
        %dma_wait3A_214 = arith.constant 0 : i32
        %dma_wait3A_215 = tpu.memref_slice %arg4[%add3A_89, %dma_wait3A_214] : memref<2560x128xi32, #tpu.memory_space<hbm>> -> memref<8x128xi32, #tpu.memory_space<hbm>>
        tpu.wait_dma2 semaphore(%run_scoped3A_207 : memref<!tpu.dma_semaphore, #tpu.memory_space<semaphore_mem>>) src(%dma_wait3A_215 : memref<8x128xi32, #tpu.memory_space<hbm>>) dst(%arg9 : memref<8x128xi32, #tpu.memory_space<vmem>>)
        tpu.yield
      }) : () -> ()
      %dma_start3A = arith.constant 0 : i32
      %dma_start3A_90 = arith.constant 0 : i32
      %dma_start3A_91 = tpu.memref_slice %arg8[%dma_start3A, %dma_start3A_90] : memref<8x128xi32, #tpu.memory_space<vmem>> -> memref<1x128xi32, #tpu.memory_space<vmem>>
      %dma_start3A_92 = tpu.memref_squeeze %dma_start3A_91 : memref<1x128xi32, #tpu.memory_space<vmem>> -> memref<128xi32, #tpu.memory_space<vmem>>
      %dma_start3A_93 = arith.constant 0 : i32
      %dma_start3A_94 = arith.constant 0 : i32
      %dma_start3A_95 = tpu.memref_slice %arg2[%dma_start3A_93, %dma_start3A_94] : memref<10240x128xf32, #tpu.memory_space<hbm>> -> memref<10240x128xf32, #tpu.memory_space<hbm>>
      tpu.enqueue_indirect_dma source(%dma_start3A_95 : memref<10240x128xf32, #tpu.memory_space<hbm>>) target(%arg10 : memref<128x128xf32, #tpu.memory_space<vmem>>) offsets(%dma_start3A_92 : memref<128xi32, #tpu.memory_space<vmem>>) semaphore(%arg12 : memref<!tpu.dma_semaphore, #tpu.memory_space<semaphore_mem>>)
      %dma_start3A_96 = arith.constant 1 : i32
      %dma_start3A_97 = arith.constant 0 : i32
      %dma_start3A_98 = tpu.memref_slice %arg8[%dma_start3A_96, %dma_start3A_97] : memref<8x128xi32, #tpu.memory_space<vmem>> -> memref<1x128xi32, #tpu.memory_space<vmem>>
      %dma_start3A_99 = tpu.memref_squeeze %dma_start3A_98 : memref<1x128xi32, #tpu.memory_space<vmem>> -> memref<128xi32, #tpu.memory_space<vmem>>
      %dma_start3A_100 = arith.constant 0 : i32
      %dma_start3A_101 = arith.constant 0 : i32
      %dma_start3A_102 = tpu.memref_slice %arg2[%dma_start3A_100, %dma_start3A_101] : memref<10240x128xf32, #tpu.memory_space<hbm>> -> memref<10240x128xf32, #tpu.memory_space<hbm>>
      tpu.enqueue_indirect_dma source(%dma_start3A_102 : memref<10240x128xf32, #tpu.memory_space<hbm>>) target(%arg11 : memref<128x128xf32, #tpu.memory_space<vmem>>) offsets(%dma_start3A_99 : memref<128xi32, #tpu.memory_space<vmem>>) semaphore(%arg13 : memref<!tpu.dma_semaphore, #tpu.memory_space<semaphore_mem>>)
      %dma_wait3A = arith.constant 0 : i32
      %dma_wait3A_103 = arith.constant 0 : i32
      %dma_wait3A_104 = tpu.memref_slice %arg8[%dma_wait3A, %dma_wait3A_103] : memref<8x128xi32, #tpu.memory_space<vmem>> -> memref<1x128xi32, #tpu.memory_space<vmem>>
      %dma_wait3A_105 = tpu.memref_squeeze %dma_wait3A_104 : memref<1x128xi32, #tpu.memory_space<vmem>> -> memref<128xi32, #tpu.memory_space<vmem>>
      %dma_wait3A_106 = arith.constant 0 : i32
      %dma_wait3A_107 = arith.constant 0 : i32
      %dma_wait3A_108 = tpu.memref_slice %arg2[%dma_wait3A_106, %dma_wait3A_107] : memref<10240x128xf32, #tpu.memory_space<hbm>> -> memref<10240x128xf32, #tpu.memory_space<hbm>>
      tpu.wait_indirect_dma semaphore(%arg12 : memref<!tpu.dma_semaphore, #tpu.memory_space<semaphore_mem>>) src(%dma_wait3A_108 : memref<10240x128xf32, #tpu.memory_space<hbm>>) dst(%arg10 : memref<128x128xf32, #tpu.memory_space<vmem>>)
      %run_scoped3A = arith.constant 0 : i32
      "tpu.region"() ({
        %run_scoped3A_207 = tpu.sem_alloc : memref<!tpu.dma_semaphore, #tpu.memory_space<semaphore_mem>>
        %dma_start3A_208 = arith.constant 0 : i32
        %dma_start3A_209 = tpu.memref_slice %arg9[%run_scoped3A, %dma_start3A_208] : memref<8x128xi32, #tpu.memory_space<vmem>> -> memref<1x128xi32, #tpu.memory_space<vmem>>
        %dma_start3A_210 = tpu.memref_squeeze %dma_start3A_209 : memref<1x128xi32, #tpu.memory_space<vmem>> -> memref<128xi32, #tpu.memory_space<vmem>>
        %dma_start3A_211 = arith.constant 0 : i32
        %dma_start3A_212 = arith.constant 0 : i32
        %dma_start3A_213 = tpu.memref_slice %arg7[%dma_start3A_211, %dma_start3A_212] : memref<10240x128xf32, #tpu.memory_space<vmem_shared>> -> memref<10240x128xf32, #tpu.memory_space<vmem_shared>>
        tpu.enqueue_indirect_dma source(%arg10 : memref<128x128xf32, #tpu.memory_space<vmem>>) target(%dma_start3A_213 : memref<10240x128xf32, #tpu.memory_space<vmem_shared>>) offsets(%dma_start3A_210 : memref<128xi32, #tpu.memory_space<vmem>>) semaphore(%run_scoped3A_207 : memref<!tpu.dma_semaphore, #tpu.memory_space<semaphore_mem>>) {add = true}
        %dma_wait3A_214 = arith.constant 0 : i32
        %dma_wait3A_215 = tpu.memref_slice %arg9[%run_scoped3A, %dma_wait3A_214] : memref<8x128xi32, #tpu.memory_space<vmem>> -> memref<1x128xi32, #tpu.memory_space<vmem>>
        %dma_wait3A_216 = tpu.memref_squeeze %dma_wait3A_215 : memref<1x128xi32, #tpu.memory_space<vmem>> -> memref<128xi32, #tpu.memory_space<vmem>>
        %dma_wait3A_217 = arith.constant 0 : i32
        %dma_wait3A_218 = arith.constant 0 : i32
        %dma_wait3A_219 = tpu.memref_slice %arg7[%dma_wait3A_217, %dma_wait3A_218] : memref<10240x128xf32, #tpu.memory_space<vmem_shared>> -> memref<10240x128xf32, #tpu.memory_space<vmem_shared>>
        tpu.wait_indirect_dma semaphore(%run_scoped3A_207 : memref<!tpu.dma_semaphore, #tpu.memory_space<semaphore_mem>>) src(%arg10 : memref<128x128xf32, #tpu.memory_space<vmem>>) dst(%dma_wait3A_219 : memref<10240x128xf32, #tpu.memory_space<vmem_shared>>)
        tpu.yield
      }) : () -> ()
      %dma_start3A_109 = arith.constant 2 : i32
      %dma_start3A_110 = arith.constant 0 : i32
      %dma_start3A_111 = tpu.memref_slice %arg8[%dma_start3A_109, %dma_start3A_110] : memref<8x128xi32, #tpu.memory_space<vmem>> -> memref<1x128xi32, #tpu.memory_space<vmem>>
      %dma_start3A_112 = tpu.memref_squeeze %dma_start3A_111 : memref<1x128xi32, #tpu.memory_space<vmem>> -> memref<128xi32, #tpu.memory_space<vmem>>
      %dma_start3A_113 = arith.constant 0 : i32
      %dma_start3A_114 = arith.constant 0 : i32
      %dma_start3A_115 = tpu.memref_slice %arg2[%dma_start3A_113, %dma_start3A_114] : memref<10240x128xf32, #tpu.memory_space<hbm>> -> memref<10240x128xf32, #tpu.memory_space<hbm>>
      tpu.enqueue_indirect_dma source(%dma_start3A_115 : memref<10240x128xf32, #tpu.memory_space<hbm>>) target(%arg10 : memref<128x128xf32, #tpu.memory_space<vmem>>) offsets(%dma_start3A_112 : memref<128xi32, #tpu.memory_space<vmem>>) semaphore(%arg12 : memref<!tpu.dma_semaphore, #tpu.memory_space<semaphore_mem>>)
      %dma_wait3A_116 = arith.constant 1 : i32
      %dma_wait3A_117 = arith.constant 0 : i32
      %dma_wait3A_118 = tpu.memref_slice %arg8[%dma_wait3A_116, %dma_wait3A_117] : memref<8x128xi32, #tpu.memory_space<vmem>> -> memref<1x128xi32, #tpu.memory_space<vmem>>
      %dma_wait3A_119 = tpu.memref_squeeze %dma_wait3A_118 : memref<1x128xi32, #tpu.memory_space<vmem>> -> memref<128xi32, #tpu.memory_space<vmem>>
      %dma_wait3A_120 = arith.constant 0 : i32
      %dma_wait3A_121 = arith.constant 0 : i32
      %dma_wait3A_122 = tpu.memref_slice %arg2[%dma_wait3A_120, %dma_wait3A_121] : memref<10240x128xf32, #tpu.memory_space<hbm>> -> memref<10240x128xf32, #tpu.memory_space<hbm>>
      tpu.wait_indirect_dma semaphore(%arg13 : memref<!tpu.dma_semaphore, #tpu.memory_space<semaphore_mem>>) src(%dma_wait3A_122 : memref<10240x128xf32, #tpu.memory_space<hbm>>) dst(%arg11 : memref<128x128xf32, #tpu.memory_space<vmem>>)
      %run_scoped3A_123 = arith.constant 1 : i32
      "tpu.region"() ({
        %run_scoped3A_207 = tpu.sem_alloc : memref<!tpu.dma_semaphore, #tpu.memory_space<semaphore_mem>>
        %dma_start3A_208 = arith.constant 0 : i32
        %dma_start3A_209 = tpu.memref_slice %arg9[%run_scoped3A_123, %dma_start3A_208] : memref<8x128xi32, #tpu.memory_space<vmem>> -> memref<1x128xi32, #tpu.memory_space<vmem>>
        %dma_start3A_210 = tpu.memref_squeeze %dma_start3A_209 : memref<1x128xi32, #tpu.memory_space<vmem>> -> memref<128xi32, #tpu.memory_space<vmem>>
        %dma_start3A_211 = arith.constant 0 : i32
        %dma_start3A_212 = arith.constant 0 : i32
        %dma_start3A_213 = tpu.memref_slice %arg7[%dma_start3A_211, %dma_start3A_212] : memref<10240x128xf32, #tpu.memory_space<vmem_shared>> -> memref<10240x128xf32, #tpu.memory_space<vmem_shared>>
        tpu.enqueue_indirect_dma source(%arg11 : memref<128x128xf32, #tpu.memory_space<vmem>>) target(%dma_start3A_213 : memref<10240x128xf32, #tpu.memory_space<vmem_shared>>) offsets(%dma_start3A_210 : memref<128xi32, #tpu.memory_space<vmem>>) semaphore(%run_scoped3A_207 : memref<!tpu.dma_semaphore, #tpu.memory_space<semaphore_mem>>) {add = true}
        %dma_wait3A_214 = arith.constant 0 : i32
        %dma_wait3A_215 = tpu.memref_slice %arg9[%run_scoped3A_123, %dma_wait3A_214] : memref<8x128xi32, #tpu.memory_space<vmem>> -> memref<1x128xi32, #tpu.memory_space<vmem>>
        %dma_wait3A_216 = tpu.memref_squeeze %dma_wait3A_215 : memref<1x128xi32, #tpu.memory_space<vmem>> -> memref<128xi32, #tpu.memory_space<vmem>>
        %dma_wait3A_217 = arith.constant 0 : i32
        %dma_wait3A_218 = arith.constant 0 : i32
        %dma_wait3A_219 = tpu.memref_slice %arg7[%dma_wait3A_217, %dma_wait3A_218] : memref<10240x128xf32, #tpu.memory_space<vmem_shared>> -> memref<10240x128xf32, #tpu.memory_space<vmem_shared>>
        tpu.wait_indirect_dma semaphore(%run_scoped3A_207 : memref<!tpu.dma_semaphore, #tpu.memory_space<semaphore_mem>>) src(%arg11 : memref<128x128xf32, #tpu.memory_space<vmem>>) dst(%dma_wait3A_219 : memref<10240x128xf32, #tpu.memory_space<vmem_shared>>)
        tpu.yield
      }) : () -> ()
      %dma_start3A_124 = arith.constant 3 : i32
      %dma_start3A_125 = arith.constant 0 : i32
      %dma_start3A_126 = tpu.memref_slice %arg8[%dma_start3A_124, %dma_start3A_125] : memref<8x128xi32, #tpu.memory_space<vmem>> -> memref<1x128xi32, #tpu.memory_space<vmem>>
      %dma_start3A_127 = tpu.memref_squeeze %dma_start3A_126 : memref<1x128xi32, #tpu.memory_space<vmem>> -> memref<128xi32, #tpu.memory_space<vmem>>
      %dma_start3A_128 = arith.constant 0 : i32
      %dma_start3A_129 = arith.constant 0 : i32
      %dma_start3A_130 = tpu.memref_slice %arg2[%dma_start3A_128, %dma_start3A_129] : memref<10240x128xf32, #tpu.memory_space<hbm>> -> memref<10240x128xf32, #tpu.memory_space<hbm>>
      tpu.enqueue_indirect_dma source(%dma_start3A_130 : memref<10240x128xf32, #tpu.memory_space<hbm>>) target(%arg11 : memref<128x128xf32, #tpu.memory_space<vmem>>) offsets(%dma_start3A_127 : memref<128xi32, #tpu.memory_space<vmem>>) semaphore(%arg13 : memref<!tpu.dma_semaphore, #tpu.memory_space<semaphore_mem>>)
      %dma_wait3A_131 = arith.constant 2 : i32
      %dma_wait3A_132 = arith.constant 0 : i32
      %dma_wait3A_133 = tpu.memref_slice %arg8[%dma_wait3A_131, %dma_wait3A_132] : memref<8x128xi32, #tpu.memory_space<vmem>> -> memref<1x128xi32, #tpu.memory_space<vmem>>
      %dma_wait3A_134 = tpu.memref_squeeze %dma_wait3A_133 : memref<1x128xi32, #tpu.memory_space<vmem>> -> memref<128xi32, #tpu.memory_space<vmem>>
      %dma_wait3A_135 = arith.constant 0 : i32
      %dma_wait3A_136 = arith.constant 0 : i32
      %dma_wait3A_137 = tpu.memref_slice %arg2[%dma_wait3A_135, %dma_wait3A_136] : memref<10240x128xf32, #tpu.memory_space<hbm>> -> memref<10240x128xf32, #tpu.memory_space<hbm>>
      tpu.wait_indirect_dma semaphore(%arg12 : memref<!tpu.dma_semaphore, #tpu.memory_space<semaphore_mem>>) src(%dma_wait3A_137 : memref<10240x128xf32, #tpu.memory_space<hbm>>) dst(%arg10 : memref<128x128xf32, #tpu.memory_space<vmem>>)
      %run_scoped3A_138 = arith.constant 2 : i32
      "tpu.region"() ({
        %run_scoped3A_207 = tpu.sem_alloc : memref<!tpu.dma_semaphore, #tpu.memory_space<semaphore_mem>>
        %dma_start3A_208 = arith.constant 0 : i32
        %dma_start3A_209 = tpu.memref_slice %arg9[%run_scoped3A_138, %dma_start3A_208] : memref<8x128xi32, #tpu.memory_space<vmem>> -> memref<1x128xi32, #tpu.memory_space<vmem>>
        %dma_start3A_210 = tpu.memref_squeeze %dma_start3A_209 : memref<1x128xi32, #tpu.memory_space<vmem>> -> memref<128xi32, #tpu.memory_space<vmem>>
        %dma_start3A_211 = arith.constant 0 : i32
        %dma_start3A_212 = arith.constant 0 : i32
        %dma_start3A_213 = tpu.memref_slice %arg7[%dma_start3A_211, %dma_start3A_212] : memref<10240x128xf32, #tpu.memory_space<vmem_shared>> -> memref<10240x128xf32, #tpu.memory_space<vmem_shared>>
        tpu.enqueue_indirect_dma source(%arg10 : memref<128x128xf32, #tpu.memory_space<vmem>>) target(%dma_start3A_213 : memref<10240x128xf32, #tpu.memory_space<vmem_shared>>) offsets(%dma_start3A_210 : memref<128xi32, #tpu.memory_space<vmem>>) semaphore(%run_scoped3A_207 : memref<!tpu.dma_semaphore, #tpu.memory_space<semaphore_mem>>) {add = true}
        %dma_wait3A_214 = arith.constant 0 : i32
        %dma_wait3A_215 = tpu.memref_slice %arg9[%run_scoped3A_138, %dma_wait3A_214] : memref<8x128xi32, #tpu.memory_space<vmem>> -> memref<1x128xi32, #tpu.memory_space<vmem>>
        %dma_wait3A_216 = tpu.memref_squeeze %dma_wait3A_215 : memref<1x128xi32, #tpu.memory_space<vmem>> -> memref<128xi32, #tpu.memory_space<vmem>>
        %dma_wait3A_217 = arith.constant 0 : i32
        %dma_wait3A_218 = arith.constant 0 : i32
        %dma_wait3A_219 = tpu.memref_slice %arg7[%dma_wait3A_217, %dma_wait3A_218] : memref<10240x128xf32, #tpu.memory_space<vmem_shared>> -> memref<10240x128xf32, #tpu.memory_space<vmem_shared>>
        tpu.wait_indirect_dma semaphore(%run_scoped3A_207 : memref<!tpu.dma_semaphore, #tpu.memory_space<semaphore_mem>>) src(%arg10 : memref<128x128xf32, #tpu.memory_space<vmem>>) dst(%dma_wait3A_219 : memref<10240x128xf32, #tpu.memory_space<vmem_shared>>)
        tpu.yield
      }) : () -> ()
      %dma_start3A_139 = arith.constant 4 : i32
      %dma_start3A_140 = arith.constant 0 : i32
      %dma_start3A_141 = tpu.memref_slice %arg8[%dma_start3A_139, %dma_start3A_140] : memref<8x128xi32, #tpu.memory_space<vmem>> -> memref<1x128xi32, #tpu.memory_space<vmem>>
      %dma_start3A_142 = tpu.memref_squeeze %dma_start3A_141 : memref<1x128xi32, #tpu.memory_space<vmem>> -> memref<128xi32, #tpu.memory_space<vmem>>
      %dma_start3A_143 = arith.constant 0 : i32
      %dma_start3A_144 = arith.constant 0 : i32
      %dma_start3A_145 = tpu.memref_slice %arg2[%dma_start3A_143, %dma_start3A_144] : memref<10240x128xf32, #tpu.memory_space<hbm>> -> memref<10240x128xf32, #tpu.memory_space<hbm>>
      tpu.enqueue_indirect_dma source(%dma_start3A_145 : memref<10240x128xf32, #tpu.memory_space<hbm>>) target(%arg10 : memref<128x128xf32, #tpu.memory_space<vmem>>) offsets(%dma_start3A_142 : memref<128xi32, #tpu.memory_space<vmem>>) semaphore(%arg12 : memref<!tpu.dma_semaphore, #tpu.memory_space<semaphore_mem>>)
      %dma_wait3A_146 = arith.constant 3 : i32
      %dma_wait3A_147 = arith.constant 0 : i32
      %dma_wait3A_148 = tpu.memref_slice %arg8[%dma_wait3A_146, %dma_wait3A_147] : memref<8x128xi32, #tpu.memory_space<vmem>> -> memref<1x128xi32, #tpu.memory_space<vmem>>
      %dma_wait3A_149 = tpu.memref_squeeze %dma_wait3A_148 : memref<1x128xi32, #tpu.memory_space<vmem>> -> memref<128xi32, #tpu.memory_space<vmem>>
      %dma_wait3A_150 = arith.constant 0 : i32
      %dma_wait3A_151 = arith.constant 0 : i32
      %dma_wait3A_152 = tpu.memref_slice %arg2[%dma_wait3A_150, %dma_wait3A_151] : memref<10240x128xf32, #tpu.memory_space<hbm>> -> memref<10240x128xf32, #tpu.memory_space<hbm>>
      tpu.wait_indirect_dma semaphore(%arg13 : memref<!tpu.dma_semaphore, #tpu.memory_space<semaphore_mem>>) src(%dma_wait3A_152 : memref<10240x128xf32, #tpu.memory_space<hbm>>) dst(%arg11 : memref<128x128xf32, #tpu.memory_space<vmem>>)
      %run_scoped3A_153 = arith.constant 3 : i32
      "tpu.region"() ({
        %run_scoped3A_207 = tpu.sem_alloc : memref<!tpu.dma_semaphore, #tpu.memory_space<semaphore_mem>>
        %dma_start3A_208 = arith.constant 0 : i32
        %dma_start3A_209 = tpu.memref_slice %arg9[%run_scoped3A_153, %dma_start3A_208] : memref<8x128xi32, #tpu.memory_space<vmem>> -> memref<1x128xi32, #tpu.memory_space<vmem>>
        %dma_start3A_210 = tpu.memref_squeeze %dma_start3A_209 : memref<1x128xi32, #tpu.memory_space<vmem>> -> memref<128xi32, #tpu.memory_space<vmem>>
        %dma_start3A_211 = arith.constant 0 : i32
        %dma_start3A_212 = arith.constant 0 : i32
        %dma_start3A_213 = tpu.memref_slice %arg7[%dma_start3A_211, %dma_start3A_212] : memref<10240x128xf32, #tpu.memory_space<vmem_shared>> -> memref<10240x128xf32, #tpu.memory_space<vmem_shared>>
        tpu.enqueue_indirect_dma source(%arg11 : memref<128x128xf32, #tpu.memory_space<vmem>>) target(%dma_start3A_213 : memref<10240x128xf32, #tpu.memory_space<vmem_shared>>) offsets(%dma_start3A_210 : memref<128xi32, #tpu.memory_space<vmem>>) semaphore(%run_scoped3A_207 : memref<!tpu.dma_semaphore, #tpu.memory_space<semaphore_mem>>) {add = true}
        %dma_wait3A_214 = arith.constant 0 : i32
        %dma_wait3A_215 = tpu.memref_slice %arg9[%run_scoped3A_153, %dma_wait3A_214] : memref<8x128xi32, #tpu.memory_space<vmem>> -> memref<1x128xi32, #tpu.memory_space<vmem>>
        %dma_wait3A_216 = tpu.memref_squeeze %dma_wait3A_215 : memref<1x128xi32, #tpu.memory_space<vmem>> -> memref<128xi32, #tpu.memory_space<vmem>>
        %dma_wait3A_217 = arith.constant 0 : i32
        %dma_wait3A_218 = arith.constant 0 : i32
        %dma_wait3A_219 = tpu.memref_slice %arg7[%dma_wait3A_217, %dma_wait3A_218] : memref<10240x128xf32, #tpu.memory_space<vmem_shared>> -> memref<10240x128xf32, #tpu.memory_space<vmem_shared>>
        tpu.wait_indirect_dma semaphore(%run_scoped3A_207 : memref<!tpu.dma_semaphore, #tpu.memory_space<semaphore_mem>>) src(%arg11 : memref<128x128xf32, #tpu.memory_space<vmem>>) dst(%dma_wait3A_219 : memref<10240x128xf32, #tpu.memory_space<vmem_shared>>)
        tpu.yield
      }) : () -> ()
      %dma_start3A_154 = arith.constant 5 : i32
      %dma_start3A_155 = arith.constant 0 : i32
      %dma_start3A_156 = tpu.memref_slice %arg8[%dma_start3A_154, %dma_start3A_155] : memref<8x128xi32, #tpu.memory_space<vmem>> -> memref<1x128xi32, #tpu.memory_space<vmem>>
      %dma_start3A_157 = tpu.memref_squeeze %dma_start3A_156 : memref<1x128xi32, #tpu.memory_space<vmem>> -> memref<128xi32, #tpu.memory_space<vmem>>
      %dma_start3A_158 = arith.constant 0 : i32
      %dma_start3A_159 = arith.constant 0 : i32
      %dma_start3A_160 = tpu.memref_slice %arg2[%dma_start3A_158, %dma_start3A_159] : memref<10240x128xf32, #tpu.memory_space<hbm>> -> memref<10240x128xf32, #tpu.memory_space<hbm>>
      tpu.enqueue_indirect_dma source(%dma_start3A_160 : memref<10240x128xf32, #tpu.memory_space<hbm>>) target(%arg11 : memref<128x128xf32, #tpu.memory_space<vmem>>) offsets(%dma_start3A_157 : memref<128xi32, #tpu.memory_space<vmem>>) semaphore(%arg13 : memref<!tpu.dma_semaphore, #tpu.memory_space<semaphore_mem>>)
      %dma_wait3A_161 = arith.constant 4 : i32
      %dma_wait3A_162 = arith.constant 0 : i32
      %dma_wait3A_163 = tpu.memref_slice %arg8[%dma_wait3A_161, %dma_wait3A_162] : memref<8x128xi32, #tpu.memory_space<vmem>> -> memref<1x128xi32, #tpu.memory_space<vmem>>
      %dma_wait3A_164 = tpu.memref_squeeze %dma_wait3A_163 : memref<1x128xi32, #tpu.memory_space<vmem>> -> memref<128xi32, #tpu.memory_space<vmem>>
      %dma_wait3A_165 = arith.constant 0 : i32
      %dma_wait3A_166 = arith.constant 0 : i32
      %dma_wait3A_167 = tpu.memref_slice %arg2[%dma_wait3A_165, %dma_wait3A_166] : memref<10240x128xf32, #tpu.memory_space<hbm>> -> memref<10240x128xf32, #tpu.memory_space<hbm>>
      tpu.wait_indirect_dma semaphore(%arg12 : memref<!tpu.dma_semaphore, #tpu.memory_space<semaphore_mem>>) src(%dma_wait3A_167 : memref<10240x128xf32, #tpu.memory_space<hbm>>) dst(%arg10 : memref<128x128xf32, #tpu.memory_space<vmem>>)
      %run_scoped3A_168 = arith.constant 4 : i32
      "tpu.region"() ({
        %run_scoped3A_207 = tpu.sem_alloc : memref<!tpu.dma_semaphore, #tpu.memory_space<semaphore_mem>>
        %dma_start3A_208 = arith.constant 0 : i32
        %dma_start3A_209 = tpu.memref_slice %arg9[%run_scoped3A_168, %dma_start3A_208] : memref<8x128xi32, #tpu.memory_space<vmem>> -> memref<1x128xi32, #tpu.memory_space<vmem>>
        %dma_start3A_210 = tpu.memref_squeeze %dma_start3A_209 : memref<1x128xi32, #tpu.memory_space<vmem>> -> memref<128xi32, #tpu.memory_space<vmem>>
        %dma_start3A_211 = arith.constant 0 : i32
        %dma_start3A_212 = arith.constant 0 : i32
        %dma_start3A_213 = tpu.memref_slice %arg7[%dma_start3A_211, %dma_start3A_212] : memref<10240x128xf32, #tpu.memory_space<vmem_shared>> -> memref<10240x128xf32, #tpu.memory_space<vmem_shared>>
        tpu.enqueue_indirect_dma source(%arg10 : memref<128x128xf32, #tpu.memory_space<vmem>>) target(%dma_start3A_213 : memref<10240x128xf32, #tpu.memory_space<vmem_shared>>) offsets(%dma_start3A_210 : memref<128xi32, #tpu.memory_space<vmem>>) semaphore(%run_scoped3A_207 : memref<!tpu.dma_semaphore, #tpu.memory_space<semaphore_mem>>) {add = true}
        %dma_wait3A_214 = arith.constant 0 : i32
        %dma_wait3A_215 = tpu.memref_slice %arg9[%run_scoped3A_168, %dma_wait3A_214] : memref<8x128xi32, #tpu.memory_space<vmem>> -> memref<1x128xi32, #tpu.memory_space<vmem>>
        %dma_wait3A_216 = tpu.memref_squeeze %dma_wait3A_215 : memref<1x128xi32, #tpu.memory_space<vmem>> -> memref<128xi32, #tpu.memory_space<vmem>>
        %dma_wait3A_217 = arith.constant 0 : i32
        %dma_wait3A_218 = arith.constant 0 : i32
        %dma_wait3A_219 = tpu.memref_slice %arg7[%dma_wait3A_217, %dma_wait3A_218] : memref<10240x128xf32, #tpu.memory_space<vmem_shared>> -> memref<10240x128xf32, #tpu.memory_space<vmem_shared>>
        tpu.wait_indirect_dma semaphore(%run_scoped3A_207 : memref<!tpu.dma_semaphore, #tpu.memory_space<semaphore_mem>>) src(%arg10 : memref<128x128xf32, #tpu.memory_space<vmem>>) dst(%dma_wait3A_219 : memref<10240x128xf32, #tpu.memory_space<vmem_shared>>)
        tpu.yield
      }) : () -> ()
      %dma_start3A_169 = arith.constant 6 : i32
      %dma_start3A_170 = arith.constant 0 : i32
      %dma_start3A_171 = tpu.memref_slice %arg8[%dma_start3A_169, %dma_start3A_170] : memref<8x128xi32, #tpu.memory_space<vmem>> -> memref<1x128xi32, #tpu.memory_space<vmem>>
      %dma_start3A_172 = tpu.memref_squeeze %dma_start3A_171 : memref<1x128xi32, #tpu.memory_space<vmem>> -> memref<128xi32, #tpu.memory_space<vmem>>
      %dma_start3A_173 = arith.constant 0 : i32
      %dma_start3A_174 = arith.constant 0 : i32
      %dma_start3A_175 = tpu.memref_slice %arg2[%dma_start3A_173, %dma_start3A_174] : memref<10240x128xf32, #tpu.memory_space<hbm>> -> memref<10240x128xf32, #tpu.memory_space<hbm>>
      tpu.enqueue_indirect_dma source(%dma_start3A_175 : memref<10240x128xf32, #tpu.memory_space<hbm>>) target(%arg10 : memref<128x128xf32, #tpu.memory_space<vmem>>) offsets(%dma_start3A_172 : memref<128xi32, #tpu.memory_space<vmem>>) semaphore(%arg12 : memref<!tpu.dma_semaphore, #tpu.memory_space<semaphore_mem>>)
      %dma_wait3A_176 = arith.constant 5 : i32
      %dma_wait3A_177 = arith.constant 0 : i32
      %dma_wait3A_178 = tpu.memref_slice %arg8[%dma_wait3A_176, %dma_wait3A_177] : memref<8x128xi32, #tpu.memory_space<vmem>> -> memref<1x128xi32, #tpu.memory_space<vmem>>
      %dma_wait3A_179 = tpu.memref_squeeze %dma_wait3A_178 : memref<1x128xi32, #tpu.memory_space<vmem>> -> memref<128xi32, #tpu.memory_space<vmem>>
      %dma_wait3A_180 = arith.constant 0 : i32
      %dma_wait3A_181 = arith.constant 0 : i32
      %dma_wait3A_182 = tpu.memref_slice %arg2[%dma_wait3A_180, %dma_wait3A_181] : memref<10240x128xf32, #tpu.memory_space<hbm>> -> memref<10240x128xf32, #tpu.memory_space<hbm>>
      tpu.wait_indirect_dma semaphore(%arg13 : memref<!tpu.dma_semaphore, #tpu.memory_space<semaphore_mem>>) src(%dma_wait3A_182 : memref<10240x128xf32, #tpu.memory_space<hbm>>) dst(%arg11 : memref<128x128xf32, #tpu.memory_space<vmem>>)
      %run_scoped3A_183 = arith.constant 5 : i32
      "tpu.region"() ({
        %run_scoped3A_207 = tpu.sem_alloc : memref<!tpu.dma_semaphore, #tpu.memory_space<semaphore_mem>>
        %dma_start3A_208 = arith.constant 0 : i32
        %dma_start3A_209 = tpu.memref_slice %arg9[%run_scoped3A_183, %dma_start3A_208] : memref<8x128xi32, #tpu.memory_space<vmem>> -> memref<1x128xi32, #tpu.memory_space<vmem>>
        %dma_start3A_210 = tpu.memref_squeeze %dma_start3A_209 : memref<1x128xi32, #tpu.memory_space<vmem>> -> memref<128xi32, #tpu.memory_space<vmem>>
        %dma_start3A_211 = arith.constant 0 : i32
        %dma_start3A_212 = arith.constant 0 : i32
        %dma_start3A_213 = tpu.memref_slice %arg7[%dma_start3A_211, %dma_start3A_212] : memref<10240x128xf32, #tpu.memory_space<vmem_shared>> -> memref<10240x128xf32, #tpu.memory_space<vmem_shared>>
        tpu.enqueue_indirect_dma source(%arg11 : memref<128x128xf32, #tpu.memory_space<vmem>>) target(%dma_start3A_213 : memref<10240x128xf32, #tpu.memory_space<vmem_shared>>) offsets(%dma_start3A_210 : memref<128xi32, #tpu.memory_space<vmem>>) semaphore(%run_scoped3A_207 : memref<!tpu.dma_semaphore, #tpu.memory_space<semaphore_mem>>) {add = true}
        %dma_wait3A_214 = arith.constant 0 : i32
        %dma_wait3A_215 = tpu.memref_slice %arg9[%run_scoped3A_183, %dma_wait3A_214] : memref<8x128xi32, #tpu.memory_space<vmem>> -> memref<1x128xi32, #tpu.memory_space<vmem>>
        %dma_wait3A_216 = tpu.memref_squeeze %dma_wait3A_215 : memref<1x128xi32, #tpu.memory_space<vmem>> -> memref<128xi32, #tpu.memory_space<vmem>>
        %dma_wait3A_217 = arith.constant 0 : i32
        %dma_wait3A_218 = arith.constant 0 : i32
        %dma_wait3A_219 = tpu.memref_slice %arg7[%dma_wait3A_217, %dma_wait3A_218] : memref<10240x128xf32, #tpu.memory_space<vmem_shared>> -> memref<10240x128xf32, #tpu.memory_space<vmem_shared>>
        tpu.wait_indirect_dma semaphore(%run_scoped3A_207 : memref<!tpu.dma_semaphore, #tpu.memory_space<semaphore_mem>>) src(%arg11 : memref<128x128xf32, #tpu.memory_space<vmem>>) dst(%dma_wait3A_219 : memref<10240x128xf32, #tpu.memory_space<vmem_shared>>)
        tpu.yield
      }) : () -> ()
      %dma_start3A_184 = arith.constant 7 : i32
      %dma_start3A_185 = arith.constant 0 : i32
      %dma_start3A_186 = tpu.memref_slice %arg8[%dma_start3A_184, %dma_start3A_185] : memref<8x128xi32, #tpu.memory_space<vmem>> -> memref<1x128xi32, #tpu.memory_space<vmem>>
      %dma_start3A_187 = tpu.memref_squeeze %dma_start3A_186 : memref<1x128xi32, #tpu.memory_space<vmem>> -> memref<128xi32, #tpu.memory_space<vmem>>
      %dma_start3A_188 = arith.constant 0 : i32
      %dma_start3A_189 = arith.constant 0 : i32
      %dma_start3A_190 = tpu.memref_slice %arg2[%dma_start3A_188, %dma_start3A_189] : memref<10240x128xf32, #tpu.memory_space<hbm>> -> memref<10240x128xf32, #tpu.memory_space<hbm>>
      tpu.enqueue_indirect_dma source(%dma_start3A_190 : memref<10240x128xf32, #tpu.memory_space<hbm>>) target(%arg11 : memref<128x128xf32, #tpu.memory_space<vmem>>) offsets(%dma_start3A_187 : memref<128xi32, #tpu.memory_space<vmem>>) semaphore(%arg13 : memref<!tpu.dma_semaphore, #tpu.memory_space<semaphore_mem>>)
      %dma_wait3A_191 = arith.constant 6 : i32
      %dma_wait3A_192 = arith.constant 0 : i32
      %dma_wait3A_193 = tpu.memref_slice %arg8[%dma_wait3A_191, %dma_wait3A_192] : memref<8x128xi32, #tpu.memory_space<vmem>> -> memref<1x128xi32, #tpu.memory_space<vmem>>
      %dma_wait3A_194 = tpu.memref_squeeze %dma_wait3A_193 : memref<1x128xi32, #tpu.memory_space<vmem>> -> memref<128xi32, #tpu.memory_space<vmem>>
      %dma_wait3A_195 = arith.constant 0 : i32
      %dma_wait3A_196 = arith.constant 0 : i32
      %dma_wait3A_197 = tpu.memref_slice %arg2[%dma_wait3A_195, %dma_wait3A_196] : memref<10240x128xf32, #tpu.memory_space<hbm>> -> memref<10240x128xf32, #tpu.memory_space<hbm>>
      tpu.wait_indirect_dma semaphore(%arg12 : memref<!tpu.dma_semaphore, #tpu.memory_space<semaphore_mem>>) src(%dma_wait3A_197 : memref<10240x128xf32, #tpu.memory_space<hbm>>) dst(%arg10 : memref<128x128xf32, #tpu.memory_space<vmem>>)
      %run_scoped3A_198 = arith.constant 6 : i32
      "tpu.region"() ({
        %run_scoped3A_207 = tpu.sem_alloc : memref<!tpu.dma_semaphore, #tpu.memory_space<semaphore_mem>>
        %dma_start3A_208 = arith.constant 0 : i32
        %dma_start3A_209 = tpu.memref_slice %arg9[%run_scoped3A_198, %dma_start3A_208] : memref<8x128xi32, #tpu.memory_space<vmem>> -> memref<1x128xi32, #tpu.memory_space<vmem>>
        %dma_start3A_210 = tpu.memref_squeeze %dma_start3A_209 : memref<1x128xi32, #tpu.memory_space<vmem>> -> memref<128xi32, #tpu.memory_space<vmem>>
        %dma_start3A_211 = arith.constant 0 : i32
        %dma_start3A_212 = arith.constant 0 : i32
        %dma_start3A_213 = tpu.memref_slice %arg7[%dma_start3A_211, %dma_start3A_212] : memref<10240x128xf32, #tpu.memory_space<vmem_shared>> -> memref<10240x128xf32, #tpu.memory_space<vmem_shared>>
        tpu.enqueue_indirect_dma source(%arg10 : memref<128x128xf32, #tpu.memory_space<vmem>>) target(%dma_start3A_213 : memref<10240x128xf32, #tpu.memory_space<vmem_shared>>) offsets(%dma_start3A_210 : memref<128xi32, #tpu.memory_space<vmem>>) semaphore(%run_scoped3A_207 : memref<!tpu.dma_semaphore, #tpu.memory_space<semaphore_mem>>) {add = true}
        %dma_wait3A_214 = arith.constant 0 : i32
        %dma_wait3A_215 = tpu.memref_slice %arg9[%run_scoped3A_198, %dma_wait3A_214] : memref<8x128xi32, #tpu.memory_space<vmem>> -> memref<1x128xi32, #tpu.memory_space<vmem>>
        %dma_wait3A_216 = tpu.memref_squeeze %dma_wait3A_215 : memref<1x128xi32, #tpu.memory_space<vmem>> -> memref<128xi32, #tpu.memory_space<vmem>>
        %dma_wait3A_217 = arith.constant 0 : i32
        %dma_wait3A_218 = arith.constant 0 : i32
        %dma_wait3A_219 = tpu.memref_slice %arg7[%dma_wait3A_217, %dma_wait3A_218] : memref<10240x128xf32, #tpu.memory_space<vmem_shared>> -> memref<10240x128xf32, #tpu.memory_space<vmem_shared>>
        tpu.wait_indirect_dma semaphore(%run_scoped3A_207 : memref<!tpu.dma_semaphore, #tpu.memory_space<semaphore_mem>>) src(%arg10 : memref<128x128xf32, #tpu.memory_space<vmem>>) dst(%dma_wait3A_219 : memref<10240x128xf32, #tpu.memory_space<vmem_shared>>)
        tpu.yield
      }) : () -> ()
      %dma_wait3A_199 = arith.constant 7 : i32
      %dma_wait3A_200 = arith.constant 0 : i32
      %dma_wait3A_201 = tpu.memref_slice %arg8[%dma_wait3A_199, %dma_wait3A_200] : memref<8x128xi32, #tpu.memory_space<vmem>> -> memref<1x128xi32, #tpu.memory_space<vmem>>
      %dma_wait3A_202 = tpu.memref_squeeze %dma_wait3A_201 : memref<1x128xi32, #tpu.memory_space<vmem>> -> memref<128xi32, #tpu.memory_space<vmem>>
      %dma_wait3A_203 = arith.constant 0 : i32
      %dma_wait3A_204 = arith.constant 0 : i32
      %dma_wait3A_205 = tpu.memref_slice %arg2[%dma_wait3A_203, %dma_wait3A_204] : memref<10240x128xf32, #tpu.memory_space<hbm>> -> memref<10240x128xf32, #tpu.memory_space<hbm>>
      tpu.wait_indirect_dma semaphore(%arg13 : memref<!tpu.dma_semaphore, #tpu.memory_space<semaphore_mem>>) src(%dma_wait3A_205 : memref<10240x128xf32, #tpu.memory_space<hbm>>) dst(%arg11 : memref<128x128xf32, #tpu.memory_space<vmem>>)
      %run_scoped3A_206 = arith.constant 7 : i32
      "tpu.region"() ({
        %run_scoped3A_207 = tpu.sem_alloc : memref<!tpu.dma_semaphore, #tpu.memory_space<semaphore_mem>>
        %dma_start3A_208 = arith.constant 0 : i32
        %dma_start3A_209 = tpu.memref_slice %arg9[%run_scoped3A_206, %dma_start3A_208] : memref<8x128xi32, #tpu.memory_space<vmem>> -> memref<1x128xi32, #tpu.memory_space<vmem>>
        %dma_start3A_210 = tpu.memref_squeeze %dma_start3A_209 : memref<1x128xi32, #tpu.memory_space<vmem>> -> memref<128xi32, #tpu.memory_space<vmem>>
        %dma_start3A_211 = arith.constant 0 : i32
        %dma_start3A_212 = arith.constant 0 : i32
        %dma_start3A_213 = tpu.memref_slice %arg7[%dma_start3A_211, %dma_start3A_212] : memref<10240x128xf32, #tpu.memory_space<vmem_shared>> -> memref<10240x128xf32, #tpu.memory_space<vmem_shared>>
        tpu.enqueue_indirect_dma source(%arg11 : memref<128x128xf32, #tpu.memory_space<vmem>>) target(%dma_start3A_213 : memref<10240x128xf32, #tpu.memory_space<vmem_shared>>) offsets(%dma_start3A_210 : memref<128xi32, #tpu.memory_space<vmem>>) semaphore(%run_scoped3A_207 : memref<!tpu.dma_semaphore, #tpu.memory_space<semaphore_mem>>) {add = true}
        %dma_wait3A_214 = arith.constant 0 : i32
        %dma_wait3A_215 = tpu.memref_slice %arg9[%run_scoped3A_206, %dma_wait3A_214] : memref<8x128xi32, #tpu.memory_space<vmem>> -> memref<1x128xi32, #tpu.memory_space<vmem>>
        %dma_wait3A_216 = tpu.memref_squeeze %dma_wait3A_215 : memref<1x128xi32, #tpu.memory_space<vmem>> -> memref<128xi32, #tpu.memory_space<vmem>>
        %dma_wait3A_217 = arith.constant 0 : i32
        %dma_wait3A_218 = arith.constant 0 : i32
        %dma_wait3A_219 = tpu.memref_slice %arg7[%dma_wait3A_217, %dma_wait3A_218] : memref<10240x128xf32, #tpu.memory_space<vmem_shared>> -> memref<10240x128xf32, #tpu.memory_space<vmem_shared>>
        tpu.wait_indirect_dma semaphore(%run_scoped3A_207 : memref<!tpu.dma_semaphore, #tpu.memory_space<semaphore_mem>>) src(%arg11 : memref<128x128xf32, #tpu.memory_space<vmem>>) dst(%dma_wait3A_219 : memref<10240x128xf32, #tpu.memory_space<vmem_shared>>)
        tpu.yield
      }) : () -> ()
    }
    %barrier3A_55 = arith.constant 0 : index
    tpu.barrier barrier_id(%barrier3A_55)
    %mul3A_56 = arith.constant 10240 : i32
    %mul3A_57 = arith.muli %arg0, %mul3A_56 : i32
    %mul3A_58 = arith.constant 640 : i32
    %mul3A_59 = arith.muli %arg1, %mul3A_58 : i32
    %add3A_60 = arith.addi %mul3A_57, %mul3A_59 : i32
    %mul3A_61 = arith.constant 640 : i32
    %mul3A_62 = arith.muli %arg1, %mul3A_61 : i32
    %add3A_63 = arith.constant 0 : i32
    %add3A_64 = arith.addi %mul3A_62, %add3A_63 : i32
    "tpu.region"() ({
      %run_scoped3A = tpu.sem_alloc : memref<!tpu.dma_semaphore, #tpu.memory_space<semaphore_mem>>
      %dma_start3A = arith.constant 0 : i32
      %dma_start3A_83 = tpu.memref_slice %arg7[%add3A_64, %dma_start3A] : memref<10240x128xf32, #tpu.memory_space<vmem_shared>> -> memref<128x128xf32, #tpu.memory_space<vmem_shared>>
      %dma_start3A_84 = arith.constant 0 : i32
      %dma_start3A_85 = tpu.memref_slice %arg7[%add3A_64, %dma_start3A_84] : memref<10240x128xf32, #tpu.memory_space<vmem_shared>> -> memref<128x128xf32, #tpu.memory_space<vmem_shared>>
      tpu.enqueue_dma source(%dma_start3A_85 : memref<128x128xf32, #tpu.memory_space<vmem_shared>>) target(%arg10 : memref<128x128xf32, #tpu.memory_space<vmem>>) target_semaphore(%run_scoped3A : memref<!tpu.dma_semaphore, #tpu.memory_space<semaphore_mem>>)
      %dma_wait3A = arith.constant 0 : i32
      %dma_wait3A_86 = tpu.memref_slice %arg7[%add3A_64, %dma_wait3A] : memref<10240x128xf32, #tpu.memory_space<vmem_shared>> -> memref<128x128xf32, #tpu.memory_space<vmem_shared>>
      %dma_wait3A_87 = arith.constant 0 : i32
      %dma_wait3A_88 = tpu.memref_slice %arg7[%add3A_64, %dma_wait3A_87] : memref<10240x128xf32, #tpu.memory_space<vmem_shared>> -> memref<128x128xf32, #tpu.memory_space<vmem_shared>>
      tpu.wait_dma2 semaphore(%run_scoped3A : memref<!tpu.dma_semaphore, #tpu.memory_space<semaphore_mem>>) src(%dma_wait3A_88 : memref<128x128xf32, #tpu.memory_space<vmem_shared>>) dst(%arg10 : memref<128x128xf32, #tpu.memory_space<vmem>>)
      tpu.yield
    }) : () -> ()
    %add3A_65 = arith.constant 0 : i32
    %add3A_66 = arith.addi %add3A_60, %add3A_65 : i32
    "tpu.region"() ({
      %run_scoped3A = tpu.sem_alloc : memref<!tpu.dma_semaphore, #tpu.memory_space<semaphore_mem>>
      %dma_start3A = arith.constant 0 : i32
      %dma_start3A_83 = tpu.memref_slice %arg6[%add3A_66, %dma_start3A] : memref<20480x128xf32, #tpu.memory_space<hbm>> -> memref<128x128xf32, #tpu.memory_space<hbm>>
      %dma_start3A_84 = arith.constant 0 : i32
      %dma_start3A_85 = tpu.memref_slice %arg6[%add3A_66, %dma_start3A_84] : memref<20480x128xf32, #tpu.memory_space<hbm>> -> memref<128x128xf32, #tpu.memory_space<hbm>>
      tpu.enqueue_dma source(%arg10 : memref<128x128xf32, #tpu.memory_space<vmem>>) target(%dma_start3A_85 : memref<128x128xf32, #tpu.memory_space<hbm>>) target_semaphore(%run_scoped3A : memref<!tpu.dma_semaphore, #tpu.memory_space<semaphore_mem>>)
      %dma_wait3A = arith.constant 0 : i32
      %dma_wait3A_86 = tpu.memref_slice %arg6[%add3A_66, %dma_wait3A] : memref<20480x128xf32, #tpu.memory_space<hbm>> -> memref<128x128xf32, #tpu.memory_space<hbm>>
      %dma_wait3A_87 = arith.constant 0 : i32
      %dma_wait3A_88 = tpu.memref_slice %arg6[%add3A_66, %dma_wait3A_87] : memref<20480x128xf32, #tpu.memory_space<hbm>> -> memref<128x128xf32, #tpu.memory_space<hbm>>
      tpu.wait_dma2 semaphore(%run_scoped3A : memref<!tpu.dma_semaphore, #tpu.memory_space<semaphore_mem>>) src(%arg10 : memref<128x128xf32, #tpu.memory_space<vmem>>) dst(%dma_wait3A_88 : memref<128x128xf32, #tpu.memory_space<hbm>>)
      tpu.yield
    }) : () -> ()
    %add3A_67 = arith.constant 128 : i32
    %add3A_68 = arith.addi %mul3A_62, %add3A_67 : i32
    "tpu.region"() ({
      %run_scoped3A = tpu.sem_alloc : memref<!tpu.dma_semaphore, #tpu.memory_space<semaphore_mem>>
      %dma_start3A = arith.constant 0 : i32
      %dma_start3A_83 = tpu.memref_slice %arg7[%add3A_68, %dma_start3A] : memref<10240x128xf32, #tpu.memory_space<vmem_shared>> -> memref<128x128xf32, #tpu.memory_space<vmem_shared>>
      %dma_start3A_84 = arith.constant 0 : i32
      %dma_start3A_85 = tpu.memref_slice %arg7[%add3A_68, %dma_start3A_84] : memref<10240x128xf32, #tpu.memory_space<vmem_shared>> -> memref<128x128xf32, #tpu.memory_space<vmem_shared>>
      tpu.enqueue_dma source(%dma_start3A_85 : memref<128x128xf32, #tpu.memory_space<vmem_shared>>) target(%arg10 : memref<128x128xf32, #tpu.memory_space<vmem>>) target_semaphore(%run_scoped3A : memref<!tpu.dma_semaphore, #tpu.memory_space<semaphore_mem>>)
      %dma_wait3A = arith.constant 0 : i32
      %dma_wait3A_86 = tpu.memref_slice %arg7[%add3A_68, %dma_wait3A] : memref<10240x128xf32, #tpu.memory_space<vmem_shared>> -> memref<128x128xf32, #tpu.memory_space<vmem_shared>>
      %dma_wait3A_87 = arith.constant 0 : i32
      %dma_wait3A_88 = tpu.memref_slice %arg7[%add3A_68, %dma_wait3A_87] : memref<10240x128xf32, #tpu.memory_space<vmem_shared>> -> memref<128x128xf32, #tpu.memory_space<vmem_shared>>
      tpu.wait_dma2 semaphore(%run_scoped3A : memref<!tpu.dma_semaphore, #tpu.memory_space<semaphore_mem>>) src(%dma_wait3A_88 : memref<128x128xf32, #tpu.memory_space<vmem_shared>>) dst(%arg10 : memref<128x128xf32, #tpu.memory_space<vmem>>)
      tpu.yield
    }) : () -> ()
    %add3A_69 = arith.constant 128 : i32
    %add3A_70 = arith.addi %add3A_60, %add3A_69 : i32
    "tpu.region"() ({
      %run_scoped3A = tpu.sem_alloc : memref<!tpu.dma_semaphore, #tpu.memory_space<semaphore_mem>>
      %dma_start3A = arith.constant 0 : i32
      %dma_start3A_83 = tpu.memref_slice %arg6[%add3A_70, %dma_start3A] : memref<20480x128xf32, #tpu.memory_space<hbm>> -> memref<128x128xf32, #tpu.memory_space<hbm>>
      %dma_start3A_84 = arith.constant 0 : i32
      %dma_start3A_85 = tpu.memref_slice %arg6[%add3A_70, %dma_start3A_84] : memref<20480x128xf32, #tpu.memory_space<hbm>> -> memref<128x128xf32, #tpu.memory_space<hbm>>
      tpu.enqueue_dma source(%arg10 : memref<128x128xf32, #tpu.memory_space<vmem>>) target(%dma_start3A_85 : memref<128x128xf32, #tpu.memory_space<hbm>>) target_semaphore(%run_scoped3A : memref<!tpu.dma_semaphore, #tpu.memory_space<semaphore_mem>>)
      %dma_wait3A = arith.constant 0 : i32
      %dma_wait3A_86 = tpu.memref_slice %arg6[%add3A_70, %dma_wait3A] : memref<20480x128xf32, #tpu.memory_space<hbm>> -> memref<128x128xf32, #tpu.memory_space<hbm>>
      %dma_wait3A_87 = arith.constant 0 : i32
      %dma_wait3A_88 = tpu.memref_slice %arg6[%add3A_70, %dma_wait3A_87] : memref<20480x128xf32, #tpu.memory_space<hbm>> -> memref<128x128xf32, #tpu.memory_space<hbm>>
      tpu.wait_dma2 semaphore(%run_scoped3A : memref<!tpu.dma_semaphore, #tpu.memory_space<semaphore_mem>>) src(%arg10 : memref<128x128xf32, #tpu.memory_space<vmem>>) dst(%dma_wait3A_88 : memref<128x128xf32, #tpu.memory_space<hbm>>)
      tpu.yield
    }) : () -> ()
    %add3A_71 = arith.constant 256 : i32
    %add3A_72 = arith.addi %mul3A_62, %add3A_71 : i32
    "tpu.region"() ({
      %run_scoped3A = tpu.sem_alloc : memref<!tpu.dma_semaphore, #tpu.memory_space<semaphore_mem>>
      %dma_start3A = arith.constant 0 : i32
      %dma_start3A_83 = tpu.memref_slice %arg7[%add3A_72, %dma_start3A] : memref<10240x128xf32, #tpu.memory_space<vmem_shared>> -> memref<128x128xf32, #tpu.memory_space<vmem_shared>>
      %dma_start3A_84 = arith.constant 0 : i32
      %dma_start3A_85 = tpu.memref_slice %arg7[%add3A_72, %dma_start3A_84] : memref<10240x128xf32, #tpu.memory_space<vmem_shared>> -> memref<128x128xf32, #tpu.memory_space<vmem_shared>>
      tpu.enqueue_dma source(%dma_start3A_85 : memref<128x128xf32, #tpu.memory_space<vmem_shared>>) target(%arg10 : memref<128x128xf32, #tpu.memory_space<vmem>>) target_semaphore(%run_scoped3A : memref<!tpu.dma_semaphore, #tpu.memory_space<semaphore_mem>>)
      %dma_wait3A = arith.constant 0 : i32
      %dma_wait3A_86 = tpu.memref_slice %arg7[%add3A_72, %dma_wait3A] : memref<10240x128xf32, #tpu.memory_space<vmem_shared>> -> memref<128x128xf32, #tpu.memory_space<vmem_shared>>
      %dma_wait3A_87 = arith.constant 0 : i32
      %dma_wait3A_88 = tpu.memref_slice %arg7[%add3A_72, %dma_wait3A_87] : memref<10240x128xf32, #tpu.memory_space<vmem_shared>> -> memref<128x128xf32, #tpu.memory_space<vmem_shared>>
      tpu.wait_dma2 semaphore(%run_scoped3A : memref<!tpu.dma_semaphore, #tpu.memory_space<semaphore_mem>>) src(%dma_wait3A_88 : memref<128x128xf32, #tpu.memory_space<vmem_shared>>) dst(%arg10 : memref<128x128xf32, #tpu.memory_space<vmem>>)
      tpu.yield
    }) : () -> ()
    %add3A_73 = arith.constant 256 : i32
    %add3A_74 = arith.addi %add3A_60, %add3A_73 : i32
    "tpu.region"() ({
      %run_scoped3A = tpu.sem_alloc : memref<!tpu.dma_semaphore, #tpu.memory_space<semaphore_mem>>
      %dma_start3A = arith.constant 0 : i32
      %dma_start3A_83 = tpu.memref_slice %arg6[%add3A_74, %dma_start3A] : memref<20480x128xf32, #tpu.memory_space<hbm>> -> memref<128x128xf32, #tpu.memory_space<hbm>>
      %dma_start3A_84 = arith.constant 0 : i32
      %dma_start3A_85 = tpu.memref_slice %arg6[%add3A_74, %dma_start3A_84] : memref<20480x128xf32, #tpu.memory_space<hbm>> -> memref<128x128xf32, #tpu.memory_space<hbm>>
      tpu.enqueue_dma source(%arg10 : memref<128x128xf32, #tpu.memory_space<vmem>>) target(%dma_start3A_85 : memref<128x128xf32, #tpu.memory_space<hbm>>) target_semaphore(%run_scoped3A : memref<!tpu.dma_semaphore, #tpu.memory_space<semaphore_mem>>)
      %dma_wait3A = arith.constant 0 : i32
      %dma_wait3A_86 = tpu.memref_slice %arg6[%add3A_74, %dma_wait3A] : memref<20480x128xf32, #tpu.memory_space<hbm>> -> memref<128x128xf32, #tpu.memory_space<hbm>>
      %dma_wait3A_87 = arith.constant 0 : i32
      %dma_wait3A_88 = tpu.memref_slice %arg6[%add3A_74, %dma_wait3A_87] : memref<20480x128xf32, #tpu.memory_space<hbm>> -> memref<128x128xf32, #tpu.memory_space<hbm>>
      tpu.wait_dma2 semaphore(%run_scoped3A : memref<!tpu.dma_semaphore, #tpu.memory_space<semaphore_mem>>) src(%arg10 : memref<128x128xf32, #tpu.memory_space<vmem>>) dst(%dma_wait3A_88 : memref<128x128xf32, #tpu.memory_space<hbm>>)
      tpu.yield
    }) : () -> ()
    %add3A_75 = arith.constant 384 : i32
    %add3A_76 = arith.addi %mul3A_62, %add3A_75 : i32
    "tpu.region"() ({
      %run_scoped3A = tpu.sem_alloc : memref<!tpu.dma_semaphore, #tpu.memory_space<semaphore_mem>>
      %dma_start3A = arith.constant 0 : i32
      %dma_start3A_83 = tpu.memref_slice %arg7[%add3A_76, %dma_start3A] : memref<10240x128xf32, #tpu.memory_space<vmem_shared>> -> memref<128x128xf32, #tpu.memory_space<vmem_shared>>
      %dma_start3A_84 = arith.constant 0 : i32
      %dma_start3A_85 = tpu.memref_slice %arg7[%add3A_76, %dma_start3A_84] : memref<10240x128xf32, #tpu.memory_space<vmem_shared>> -> memref<128x128xf32, #tpu.memory_space<vmem_shared>>
      tpu.enqueue_dma source(%dma_start3A_85 : memref<128x128xf32, #tpu.memory_space<vmem_shared>>) target(%arg10 : memref<128x128xf32, #tpu.memory_space<vmem>>) target_semaphore(%run_scoped3A : memref<!tpu.dma_semaphore, #tpu.memory_space<semaphore_mem>>)
      %dma_wait3A = arith.constant 0 : i32
      %dma_wait3A_86 = tpu.memref_slice %arg7[%add3A_76, %dma_wait3A] : memref<10240x128xf32, #tpu.memory_space<vmem_shared>> -> memref<128x128xf32, #tpu.memory_space<vmem_shared>>
      %dma_wait3A_87 = arith.constant 0 : i32
      %dma_wait3A_88 = tpu.memref_slice %arg7[%add3A_76, %dma_wait3A_87] : memref<10240x128xf32, #tpu.memory_space<vmem_shared>> -> memref<128x128xf32, #tpu.memory_space<vmem_shared>>
      tpu.wait_dma2 semaphore(%run_scoped3A : memref<!tpu.dma_semaphore, #tpu.memory_space<semaphore_mem>>) src(%dma_wait3A_88 : memref<128x128xf32, #tpu.memory_space<vmem_shared>>) dst(%arg10 : memref<128x128xf32, #tpu.memory_space<vmem>>)
      tpu.yield
    }) : () -> ()
    %add3A_77 = arith.constant 384 : i32
    %add3A_78 = arith.addi %add3A_60, %add3A_77 : i32
    "tpu.region"() ({
      %run_scoped3A = tpu.sem_alloc : memref<!tpu.dma_semaphore, #tpu.memory_space<semaphore_mem>>
      %dma_start3A = arith.constant 0 : i32
      %dma_start3A_83 = tpu.memref_slice %arg6[%add3A_78, %dma_start3A] : memref<20480x128xf32, #tpu.memory_space<hbm>> -> memref<128x128xf32, #tpu.memory_space<hbm>>
      %dma_start3A_84 = arith.constant 0 : i32
      %dma_start3A_85 = tpu.memref_slice %arg6[%add3A_78, %dma_start3A_84] : memref<20480x128xf32, #tpu.memory_space<hbm>> -> memref<128x128xf32, #tpu.memory_space<hbm>>
      tpu.enqueue_dma source(%arg10 : memref<128x128xf32, #tpu.memory_space<vmem>>) target(%dma_start3A_85 : memref<128x128xf32, #tpu.memory_space<hbm>>) target_semaphore(%run_scoped3A : memref<!tpu.dma_semaphore, #tpu.memory_space<semaphore_mem>>)
      %dma_wait3A = arith.constant 0 : i32
      %dma_wait3A_86 = tpu.memref_slice %arg6[%add3A_78, %dma_wait3A] : memref<20480x128xf32, #tpu.memory_space<hbm>> -> memref<128x128xf32, #tpu.memory_space<hbm>>
      %dma_wait3A_87 = arith.constant 0 : i32
      %dma_wait3A_88 = tpu.memref_slice %arg6[%add3A_78, %dma_wait3A_87] : memref<20480x128xf32, #tpu.memory_space<hbm>> -> memref<128x128xf32, #tpu.memory_space<hbm>>
      tpu.wait_dma2 semaphore(%run_scoped3A : memref<!tpu.dma_semaphore, #tpu.memory_space<semaphore_mem>>) src(%arg10 : memref<128x128xf32, #tpu.memory_space<vmem>>) dst(%dma_wait3A_88 : memref<128x128xf32, #tpu.memory_space<hbm>>)
      tpu.yield
    }) : () -> ()
    %add3A_79 = arith.constant 512 : i32
    %add3A_80 = arith.addi %mul3A_62, %add3A_79 : i32
    "tpu.region"() ({
      %run_scoped3A = tpu.sem_alloc : memref<!tpu.dma_semaphore, #tpu.memory_space<semaphore_mem>>
      %dma_start3A = arith.constant 0 : i32
      %dma_start3A_83 = tpu.memref_slice %arg7[%add3A_80, %dma_start3A] : memref<10240x128xf32, #tpu.memory_space<vmem_shared>> -> memref<128x128xf32, #tpu.memory_space<vmem_shared>>
      %dma_start3A_84 = arith.constant 0 : i32
      %dma_start3A_85 = tpu.memref_slice %arg7[%add3A_80, %dma_start3A_84] : memref<10240x128xf32, #tpu.memory_space<vmem_shared>> -> memref<128x128xf32, #tpu.memory_space<vmem_shared>>
      tpu.enqueue_dma source(%dma_start3A_85 : memref<128x128xf32, #tpu.memory_space<vmem_shared>>) target(%arg10 : memref<128x128xf32, #tpu.memory_space<vmem>>) target_semaphore(%run_scoped3A : memref<!tpu.dma_semaphore, #tpu.memory_space<semaphore_mem>>)
      %dma_wait3A = arith.constant 0 : i32
      %dma_wait3A_86 = tpu.memref_slice %arg7[%add3A_80, %dma_wait3A] : memref<10240x128xf32, #tpu.memory_space<vmem_shared>> -> memref<128x128xf32, #tpu.memory_space<vmem_shared>>
      %dma_wait3A_87 = arith.constant 0 : i32
      %dma_wait3A_88 = tpu.memref_slice %arg7[%add3A_80, %dma_wait3A_87] : memref<10240x128xf32, #tpu.memory_space<vmem_shared>> -> memref<128x128xf32, #tpu.memory_space<vmem_shared>>
      tpu.wait_dma2 semaphore(%run_scoped3A : memref<!tpu.dma_semaphore, #tpu.memory_space<semaphore_mem>>) src(%dma_wait3A_88 : memref<128x128xf32, #tpu.memory_space<vmem_shared>>) dst(%arg10 : memref<128x128xf32, #tpu.memory_space<vmem>>)
      tpu.yield
    }) : () -> ()
    %add3A_81 = arith.constant 512 : i32
    %add3A_82 = arith.addi %add3A_60, %add3A_81 : i32
    "tpu.region"() ({
      %run_scoped3A = tpu.sem_alloc : memref<!tpu.dma_semaphore, #tpu.memory_space<semaphore_mem>>
      %dma_start3A = arith.constant 0 : i32
      %dma_start3A_83 = tpu.memref_slice %arg6[%add3A_82, %dma_start3A] : memref<20480x128xf32, #tpu.memory_space<hbm>> -> memref<128x128xf32, #tpu.memory_space<hbm>>
      %dma_start3A_84 = arith.constant 0 : i32
      %dma_start3A_85 = tpu.memref_slice %arg6[%add3A_82, %dma_start3A_84] : memref<20480x128xf32, #tpu.memory_space<hbm>> -> memref<128x128xf32, #tpu.memory_space<hbm>>
      tpu.enqueue_dma source(%arg10 : memref<128x128xf32, #tpu.memory_space<vmem>>) target(%dma_start3A_85 : memref<128x128xf32, #tpu.memory_space<hbm>>) target_semaphore(%run_scoped3A : memref<!tpu.dma_semaphore, #tpu.memory_space<semaphore_mem>>)
      %dma_wait3A = arith.constant 0 : i32
      %dma_wait3A_86 = tpu.memref_slice %arg6[%add3A_82, %dma_wait3A] : memref<20480x128xf32, #tpu.memory_space<hbm>> -> memref<128x128xf32, #tpu.memory_space<hbm>>
      %dma_wait3A_87 = arith.constant 0 : i32
      %dma_wait3A_88 = tpu.memref_slice %arg6[%add3A_82, %dma_wait3A_87] : memref<20480x128xf32, #tpu.memory_space<hbm>> -> memref<128x128xf32, #tpu.memory_space<hbm>>
      tpu.wait_dma2 semaphore(%run_scoped3A : memref<!tpu.dma_semaphore, #tpu.memory_space<semaphore_mem>>) src(%arg10 : memref<128x128xf32, #tpu.memory_space<vmem>>) dst(%dma_wait3A_88 : memref<128x128xf32, #tpu.memory_space<hbm>>)
      tpu.yield
    }) : () -> ()
    return
  }
}

module attributes {stable_mosaic.version = 14 : i64} {
  func.func @_tc1_body(%arg0: i32, %arg1: memref<1024x128xf32, #tpu.memory_space<vmem>>, %arg2: memref<128x128xf32, #tpu.memory_space<vmem>>, %arg3: memref<1x128xf32, #tpu.memory_space<vmem>>, %arg4: memref<128x128xf32, #tpu.memory_space<vmem>>, %arg5: memref<1x128xf32, #tpu.memory_space<vmem>>, %arg6: memref<128x128xf32, #tpu.memory_space<vmem>>, %arg7: memref<1024x128xf32, #tpu.memory_space<vmem>>, %arg8: memref<1024x128xf32, #tpu.memory_space<vmem>>) attributes {dimension_semantics = [#tpu.dimension_semantics<arbitrary>], iteration_bounds = array<i64: 10>, scalar_prefetch = 0 : i64, scratch_operands = 0 : i64, tpu.core_type = #tpu.core_type<tc>, window_params = [{transform_indices = @transform_0, window_bounds = array<i64: 1024, 128>}, {pipeline_mode = #tpu.pipeline_mode<synchronous>, transform_indices = @transform_1, window_bounds = array<i64: 128, 128>}, {pipeline_mode = #tpu.pipeline_mode<synchronous>, transform_indices = @transform_2, window_bounds = array<i64: 1, 128>}, {pipeline_mode = #tpu.pipeline_mode<synchronous>, transform_indices = @transform_3, window_bounds = array<i64: 128, 128>}, {pipeline_mode = #tpu.pipeline_mode<synchronous>, transform_indices = @transform_4, window_bounds = array<i64: 1, 128>}, {pipeline_mode = #tpu.pipeline_mode<synchronous>, transform_indices = @transform_5, window_bounds = array<i64: 128, 128>}, {transform_indices = @transform_6, window_bounds = array<i64: 1024, 128>}, {transform_indices = @transform_7, window_bounds = array<i64: 1024, 128>}]} {
    %get3A = arith.constant 0 : index
    %get3A_0 = arith.constant 0 : index
    %get3A_1 = vector.load %arg1[%get3A, %get3A_0] : memref<1024x128xf32, #tpu.memory_space<vmem>>, vector<1024x128xf32>
    %get3A_2 = arith.constant 0 : index
    %get3A_3 = arith.constant 0 : index
    %get3A_4 = vector.load %arg2[%get3A_2, %get3A_3] : memref<128x128xf32, #tpu.memory_space<vmem>>, vector<128x128xf32>
    %dot_general3A = arith.constant dense<0.000000e+00> : vector<1024x128xf32>
    %dot_general3A_5 = tpu.matmul %get3A_1, %get3A_4, %dot_general3A {dimension_numbers = #tpu.dot_dimension_numbers<[1], [0], [0], [1], [0, 0, 1, 1], [], []>, transpose_lhs_hint = false} : vector<1024x128xf32>, vector<128x128xf32>, vector<1024x128xf32> -> vector<1024x128xf32>
    %get3A_6 = arith.constant 0 : index
    %get3A_7 = arith.constant 0 : index
    %get3A_8 = vector.load %arg3[%get3A_6, %get3A_7] : memref<1x128xf32, #tpu.memory_space<vmem>>, vector<1x128xf32>
    %add3A = vector.broadcast %get3A_8 : vector<1x128xf32> to vector<1024x128xf32>
    %add3A_9 = arith.addf %dot_general3A_5, %add3A : vector<1024x128xf32>
    %get3A_10 = arith.constant 0 : index
    %get3A_11 = arith.constant 0 : index
    %get3A_12 = vector.load %arg4[%get3A_10, %get3A_11] : memref<128x128xf32, #tpu.memory_space<vmem>>, vector<128x128xf32>
    %dot_general3A_13 = arith.constant dense<0.000000e+00> : vector<1024x128xf32>
    %dot_general3A_14 = tpu.matmul %add3A_9, %get3A_12, %dot_general3A_13 {dimension_numbers = #tpu.dot_dimension_numbers<[1], [0], [0], [1], [0, 0, 1, 1], [], []>, transpose_lhs_hint = false} : vector<1024x128xf32>, vector<128x128xf32>, vector<1024x128xf32> -> vector<1024x128xf32>
    %swap3A = arith.constant 0 : index
    %swap3A_15 = arith.constant 0 : index
    %swap3A_16 = vector.load %arg7[%swap3A, %swap3A_15] : memref<1024x128xf32, #tpu.memory_space<vmem>>, vector<1024x128xf32>
    tpu.vector_store %arg7[%swap3A, %swap3A_15], %dot_general3A_14 {strides = array<i32>} : memref<1024x128xf32, #tpu.memory_space<vmem>>, vector<1024x128xf32>,
    %get3A_17 = arith.constant 0 : index
    %get3A_18 = arith.constant 0 : index
    %get3A_19 = vector.load %arg6[%get3A_17, %get3A_18] : memref<128x128xf32, #tpu.memory_space<vmem>>, vector<128x128xf32>
    %dot_general3A_20 = arith.constant dense<0.000000e+00> : vector<1024x128xf32>
    %dot_general3A_21 = tpu.matmul %add3A_9, %get3A_19, %dot_general3A_20 {dimension_numbers = #tpu.dot_dimension_numbers<[1], [0], [0], [1], [0, 0, 1, 1], [], []>, transpose_lhs_hint = false} : vector<1024x128xf32>, vector<128x128xf32>, vector<1024x128xf32> -> vector<1024x128xf32>
    %get3A_22 = arith.constant 0 : index
    %get3A_23 = arith.constant 0 : index
    %get3A_24 = vector.load %arg5[%get3A_22, %get3A_23] : memref<1x128xf32, #tpu.memory_space<vmem>>, vector<1x128xf32>
    %add3A_25 = vector.broadcast %get3A_24 : vector<1x128xf32> to vector<1024x128xf32>
    %add3A_26 = arith.addf %dot_general3A_21, %add3A_25 : vector<1024x128xf32>
    %swap3A_27 = arith.constant 0 : index
    %swap3A_28 = arith.constant 0 : index
    %swap3A_29 = vector.load %arg8[%swap3A_27, %swap3A_28] : memref<1024x128xf32, #tpu.memory_space<vmem>>, vector<1024x128xf32>
    tpu.vector_store %arg8[%swap3A_27, %swap3A_28], %add3A_26 {strides = array<i32>} : memref<1024x128xf32, #tpu.memory_space<vmem>>, vector<1024x128xf32>,
    return
  }
  func.func @transform_0(%arg0: i32) -> (i32, i32) {
    %c0_i32 = arith.constant 0 : i32
    %c0_i32_0 = arith.constant 0 : i32
    return %arg0, %c0_i32 : i32, i32
  }
  func.func @transform_1(%arg0: i32) -> (i32, i32) {
    %c0_i32 = arith.constant 0 : i32
    %c0_i32_0 = arith.constant 0 : i32
    %c0_i32_1 = arith.constant 0 : i32
    return %c0_i32, %c0_i32_0 : i32, i32
  }
  func.func @transform_2(%arg0: i32) -> (i32, i32) {
    %c0_i32 = arith.constant 0 : i32
    %c0_i32_0 = arith.constant 0 : i32
    %c0_i32_1 = arith.constant 0 : i32
    return %c0_i32, %c0_i32_0 : i32, i32
  }
  func.func @transform_3(%arg0: i32) -> (i32, i32) {
    %c0_i32 = arith.constant 0 : i32
    %c0_i32_0 = arith.constant 0 : i32
    %c0_i32_1 = arith.constant 0 : i32
    return %c0_i32, %c0_i32_0 : i32, i32
  }
  func.func @transform_4(%arg0: i32) -> (i32, i32) {
    %c0_i32 = arith.constant 0 : i32
    %c0_i32_0 = arith.constant 0 : i32
    %c0_i32_1 = arith.constant 0 : i32
    return %c0_i32, %c0_i32_0 : i32, i32
  }
  func.func @transform_5(%arg0: i32) -> (i32, i32) {
    %c0_i32 = arith.constant 0 : i32
    %c0_i32_0 = arith.constant 0 : i32
    %c0_i32_1 = arith.constant 0 : i32
    return %c0_i32, %c0_i32_0 : i32, i32
  }
  func.func @transform_6(%arg0: i32) -> (i32, i32) {
    %c0_i32 = arith.constant 0 : i32
    %c0_i32_0 = arith.constant 0 : i32
    return %arg0, %c0_i32 : i32, i32
  }
  func.func @transform_7(%arg0: i32) -> (i32, i32) {
    %c0_i32 = arith.constant 0 : i32
    %c0_i32_0 = arith.constant 0 : i32
    return %arg0, %c0_i32 : i32, i32
  }
}

module attributes {stable_mosaic.version = 14 : i64} {
  func.func @_tc2_body(%arg0: i32, %arg1: memref<1024x128xf32, #tpu.memory_space<vmem>>, %arg2: memref<1024x128xf32, #tpu.memory_space<vmem>>, %arg3: memref<1024x1xf32, #tpu.memory_space<vmem>>, %arg4: memref<1024x1xf32, #tpu.memory_space<vmem>>, %arg5: memref<1024x128xf32, #tpu.memory_space<vmem>>, %arg6: memref<1x128xf32, #tpu.memory_space<vmem>>, %arg7: memref<1x128xf32, #tpu.memory_space<vmem>>, %arg8: memref<128x128xf32, #tpu.memory_space<vmem>>, %arg9: memref<1x128xf32, #tpu.memory_space<vmem>>, %arg10: memref<128x128xf32, #tpu.memory_space<vmem>>, %arg11: memref<1024x128xf32, #tpu.memory_space<vmem>>, %arg12: memref<1024x128xf32, #tpu.memory_space<vmem>>, %arg13: memref<1024x128xf32, #tpu.memory_space<vmem>>) attributes {dimension_semantics = [#tpu.dimension_semantics<arbitrary>], iteration_bounds = array<i64: 10>, scalar_prefetch = 0 : i64, scratch_operands = 0 : i64, tpu.core_type = #tpu.core_type<tc>, window_params = [{transform_indices = @transform_0, window_bounds = array<i64: 1024, 128>}, {transform_indices = @transform_1, window_bounds = array<i64: 1024, 128>}, {transform_indices = @transform_2, window_bounds = array<i64: 1024, 1>}, {transform_indices = @transform_3, window_bounds = array<i64: 1024, 1>}, {transform_indices = @transform_4, window_bounds = array<i64: 1024, 128>}, {pipeline_mode = #tpu.pipeline_mode<synchronous>, transform_indices = @transform_5, window_bounds = array<i64: 1, 128>}, {pipeline_mode = #tpu.pipeline_mode<synchronous>, transform_indices = @transform_6, window_bounds = array<i64: 1, 128>}, {pipeline_mode = #tpu.pipeline_mode<synchronous>, transform_indices = @transform_7, window_bounds = array<i64: 128, 128>}, {pipeline_mode = #tpu.pipeline_mode<synchronous>, transform_indices = @transform_8, window_bounds = array<i64: 1, 128>}, {pipeline_mode = #tpu.pipeline_mode<synchronous>, transform_indices = @transform_9, window_bounds = array<i64: 128, 128>}, {transform_indices = @transform_10, window_bounds = array<i64: 1024, 128>}, {transform_indices = @transform_11, window_bounds = array<i64: 1024, 128>}, {transform_indices = @transform_12, window_bounds = array<i64: 1024, 128>}]} {
    %get3A = arith.constant 0 : index
    %get3A_0 = arith.constant 0 : index
    %get3A_1 = vector.load %arg1[%get3A, %get3A_0] : memref<1024x128xf32, #tpu.memory_space<vmem>>, vector<1024x128xf32>
    %get3A_2 = arith.constant 0 : index
    %get3A_3 = arith.constant 0 : index
    %get3A_4 = vector.load %arg2[%get3A_2, %get3A_3] : memref<1024x128xf32, #tpu.memory_space<vmem>>, vector<1024x128xf32>
    %add3A = arith.addf %get3A_1, %get3A_4 : vector<1024x128xf32>
    %get3A_5 = arith.constant 0 : index
    %get3A_6 = arith.constant 0 : index
    %get3A_7 = vector.load %arg3[%get3A_5, %get3A_6] : memref<1024x1xf32, #tpu.memory_space<vmem>>, vector<1024x1xf32>
    %get3A_8 = arith.constant 0 : index
    %get3A_9 = arith.constant 0 : index
    %get3A_10 = vector.load %arg4[%get3A_8, %get3A_9] : memref<1024x1xf32, #tpu.memory_space<vmem>>, vector<1024x1xf32>
    %add3A_11 = arith.addf %get3A_7, %get3A_10 : vector<1024x1xf32>
    %max3A = arith.constant 1.000000e+00 : f32
    %max3A_12 = vector.broadcast %max3A : f32 to vector<1024x1xf32>
    %max3A_13 = arith.maximumf %add3A_11, %max3A_12 : vector<1024x1xf32>
    %div3A = vector.broadcast %max3A_13 : vector<1024x1xf32> to vector<1024x128xf32>
    %div3A_14 = arith.divf %add3A, %div3A : vector<1024x128xf32>
    %get3A_15 = arith.constant 0 : index
    %get3A_16 = arith.constant 0 : index
    %get3A_17 = vector.load %arg5[%get3A_15, %get3A_16] : memref<1024x128xf32, #tpu.memory_space<vmem>>, vector<1024x128xf32>
    %add3A_18 = arith.addf %div3A_14, %get3A_17 : vector<1024x128xf32>
    %swap3A = arith.constant 0 : index
    %swap3A_19 = arith.constant 0 : index
    %swap3A_20 = vector.load %arg13[%swap3A, %swap3A_19] : memref<1024x128xf32, #tpu.memory_space<vmem>>, vector<1024x128xf32>
    tpu.vector_store %arg13[%swap3A, %swap3A_19], %add3A_18 {strides = array<i32>} : memref<1024x128xf32, #tpu.memory_space<vmem>>, vector<1024x128xf32>,
    %get3A_21 = arith.constant 0 : index
    %get3A_22 = arith.constant 0 : index
    %get3A_23 = vector.load %arg6[%get3A_21, %get3A_22] : memref<1x128xf32, #tpu.memory_space<vmem>>, vector<1x128xf32>
    %get3A_24 = arith.constant 0 : index
    %get3A_25 = arith.constant 0 : index
    %get3A_26 = vector.load %arg7[%get3A_24, %get3A_25] : memref<1x128xf32, #tpu.memory_space<vmem>>, vector<1x128xf32>
    %reduce_sum3A = arith.constant dense<0.000000e+00> : vector<1024xf32>
    %reduce_sum3A_27 = vector.multi_reduction <add>, %add3A_18, %reduce_sum3A [1] : vector<1024x128xf32> to vector<1024xf32>
    %broadcast_in_dim3A = vector.shape_cast %reduce_sum3A_27 : vector<1024xf32> to vector<1024x1xf32>
    %div3A_28 = arith.constant 1.280000e+02 : f32
    %div3A_29 = vector.broadcast %div3A_28 : f32 to vector<1024x1xf32>
    %div3A_30 = arith.divf %broadcast_in_dim3A, %div3A_29 : vector<1024x1xf32>
    %sub3A = vector.broadcast %div3A_30 : vector<1024x1xf32> to vector<1024x128xf32>
    %sub3A_31 = arith.subf %add3A_18, %sub3A : vector<1024x128xf32>
    %integer_pow3A = arith.mulf %sub3A_31, %sub3A_31 : vector<1024x128xf32>
    %reduce_sum3A_32 = arith.constant dense<0.000000e+00> : vector<1024xf32>
    %reduce_sum3A_33 = vector.multi_reduction <add>, %integer_pow3A, %reduce_sum3A_32 [1] : vector<1024x128xf32> to vector<1024xf32>
    %broadcast_in_dim3A_34 = vector.shape_cast %reduce_sum3A_33 : vector<1024xf32> to vector<1024x1xf32>
    %div3A_35 = arith.constant 1.280000e+02 : f32
    %div3A_36 = vector.broadcast %div3A_35 : f32 to vector<1024x1xf32>
    %div3A_37 = arith.divf %broadcast_in_dim3A_34, %div3A_36 : vector<1024x1xf32>
    %sub3A_38 = vector.broadcast %div3A_30 : vector<1024x1xf32> to vector<1024x128xf32>
    %sub3A_39 = arith.subf %add3A_18, %sub3A_38 : vector<1024x128xf32>
    %add3A_40 = arith.constant 9.99999974E-6 : f32
    %add3A_41 = vector.broadcast %add3A_40 : f32 to vector<1024x1xf32>
    %add3A_42 = arith.addf %div3A_37, %add3A_41 : vector<1024x1xf32>
    %rsqrt3A = math.rsqrt %add3A_42 : vector<1024x1xf32>
    %mul3A = vector.broadcast %rsqrt3A : vector<1024x1xf32> to vector<1024x128xf32>
    %mul3A_43 = arith.mulf %sub3A_39, %mul3A : vector<1024x128xf32>
    %mul3A_44 = vector.broadcast %get3A_23 : vector<1x128xf32> to vector<1024x128xf32>
    %mul3A_45 = arith.mulf %mul3A_43, %mul3A_44 : vector<1024x128xf32>
    %add3A_46 = vector.broadcast %get3A_26 : vector<1x128xf32> to vector<1024x128xf32>
    %add3A_47 = arith.addf %mul3A_45, %add3A_46 : vector<1024x128xf32>
    %max3A_48 = arith.constant 0.000000e+00 : f32
    %max3A_49 = vector.broadcast %max3A_48 : f32 to vector<1024x128xf32>
    %max3A_50 = arith.maximumf %add3A_47, %max3A_49 : vector<1024x128xf32>
    %get3A_51 = arith.constant 0 : index
    %get3A_52 = arith.constant 0 : index
    %get3A_53 = vector.load %arg8[%get3A_51, %get3A_52] : memref<128x128xf32, #tpu.memory_space<vmem>>, vector<128x128xf32>
    %dot_general3A = arith.constant dense<0.000000e+00> : vector<1024x128xf32>
    %dot_general3A_54 = tpu.matmul %max3A_50, %get3A_53, %dot_general3A {dimension_numbers = #tpu.dot_dimension_numbers<[1], [0], [0], [1], [0, 0, 1, 1], [], []>, transpose_lhs_hint = false} : vector<1024x128xf32>, vector<128x128xf32>, vector<1024x128xf32> -> vector<1024x128xf32>
    %swap3A_55 = arith.constant 0 : index
    %swap3A_56 = arith.constant 0 : index
    %swap3A_57 = vector.load %arg11[%swap3A_55, %swap3A_56] : memref<1024x128xf32, #tpu.memory_space<vmem>>, vector<1024x128xf32>
    tpu.vector_store %arg11[%swap3A_55, %swap3A_56], %dot_general3A_54 {strides = array<i32>} : memref<1024x128xf32, #tpu.memory_space<vmem>>, vector<1024x128xf32>,
    %get3A_58 = arith.constant 0 : index
    %get3A_59 = arith.constant 0 : index
    %get3A_60 = vector.load %arg10[%get3A_58, %get3A_59] : memref<128x128xf32, #tpu.memory_space<vmem>>, vector<128x128xf32>
    %dot_general3A_61 = arith.constant dense<0.000000e+00> : vector<1024x128xf32>
    %dot_general3A_62 = tpu.matmul %max3A_50, %get3A_60, %dot_general3A_61 {dimension_numbers = #tpu.dot_dimension_numbers<[1], [0], [0], [1], [0, 0, 1, 1], [], []>, transpose_lhs_hint = false} : vector<1024x128xf32>, vector<128x128xf32>, vector<1024x128xf32> -> vector<1024x128xf32>
    %get3A_63 = arith.constant 0 : index
    %get3A_64 = arith.constant 0 : index
    %get3A_65 = vector.load %arg9[%get3A_63, %get3A_64] : memref<1x128xf32, #tpu.memory_space<vmem>>, vector<1x128xf32>
    %add3A_66 = vector.broadcast %get3A_65 : vector<1x128xf32> to vector<1024x128xf32>
    %add3A_67 = arith.addf %dot_general3A_62, %add3A_66 : vector<1024x128xf32>
    %swap3A_68 = arith.constant 0 : index
    %swap3A_69 = arith.constant 0 : index
    %swap3A_70 = vector.load %arg12[%swap3A_68, %swap3A_69] : memref<1024x128xf32, #tpu.memory_space<vmem>>, vector<1024x128xf32>
    tpu.vector_store %arg12[%swap3A_68, %swap3A_69], %add3A_67 {strides = array<i32>} : memref<1024x128xf32, #tpu.memory_space<vmem>>, vector<1024x128xf32>,
    return
  }
  func.func @transform_0(%arg0: i32) -> (i32, i32) {
    %c0_i32 = arith.constant 0 : i32
    %c0_i32_0 = arith.constant 0 : i32
    return %arg0, %c0_i32 : i32, i32
  }
  func.func @transform_1(%arg0: i32) -> (i32, i32) {
    %c0_i32 = arith.constant 0 : i32
    %c0_i32_0 = arith.constant 0 : i32
    return %arg0, %c0_i32 : i32, i32
  }
  func.func @transform_2(%arg0: i32) -> (i32, i32) {
    %c0_i32 = arith.constant 0 : i32
    %c0_i32_0 = arith.constant 0 : i32
    return %arg0, %c0_i32 : i32, i32
  }
  func.func @transform_3(%arg0: i32) -> (i32, i32) {
    %c0_i32 = arith.constant 0 : i32
    %c0_i32_0 = arith.constant 0 : i32
    return %arg0, %c0_i32 : i32, i32
  }
  func.func @transform_4(%arg0: i32) -> (i32, i32) {
    %c0_i32 = arith.constant 0 : i32
    %c0_i32_0 = arith.constant 0 : i32
    return %arg0, %c0_i32 : i32, i32
  }
  func.func @transform_5(%arg0: i32) -> (i32, i32) {
    %c0_i32 = arith.constant 0 : i32
    %c0_i32_0 = arith.constant 0 : i32
    %c0_i32_1 = arith.constant 0 : i32
    return %c0_i32, %c0_i32_0 : i32, i32
  }
  func.func @transform_6(%arg0: i32) -> (i32, i32) {
    %c0_i32 = arith.constant 0 : i32
    %c0_i32_0 = arith.constant 0 : i32
    %c0_i32_1 = arith.constant 0 : i32
    return %c0_i32, %c0_i32_0 : i32, i32
  }
  func.func @transform_7(%arg0: i32) -> (i32, i32) {
    %c0_i32 = arith.constant 0 : i32
    %c0_i32_0 = arith.constant 0 : i32
    %c0_i32_1 = arith.constant 0 : i32
    return %c0_i32, %c0_i32_0 : i32, i32
  }
  func.func @transform_8(%arg0: i32) -> (i32, i32) {
    %c0_i32 = arith.constant 0 : i32
    %c0_i32_0 = arith.constant 0 : i32
    %c0_i32_1 = arith.constant 0 : i32
    return %c0_i32, %c0_i32_0 : i32, i32
  }
  func.func @transform_9(%arg0: i32) -> (i32, i32) {
    %c0_i32 = arith.constant 0 : i32
    %c0_i32_0 = arith.constant 0 : i32
    %c0_i32_1 = arith.constant 0 : i32
    return %c0_i32, %c0_i32_0 : i32, i32
  }
  func.func @transform_10(%arg0: i32) -> (i32, i32) {
    %c0_i32 = arith.constant 0 : i32
    %c0_i32_0 = arith.constant 0 : i32
    return %arg0, %c0_i32 : i32, i32
  }
  func.func @transform_11(%arg0: i32) -> (i32, i32) {
    %c0_i32 = arith.constant 0 : i32
    %c0_i32_0 = arith.constant 0 : i32
    return %arg0, %c0_i32 : i32, i32
  }
  func.func @transform_12(%arg0: i32) -> (i32, i32) {
    %c0_i32 = arith.constant 0 : i32
    %c0_i32_0 = arith.constant 0 : i32
    return %arg0, %c0_i32 : i32, i32
  }
}

module attributes {stable_mosaic.version = 14 : i64} {
  func.func @_tc3_body(%arg0: i32, %arg1: memref<1024x128xf32, #tpu.memory_space<vmem>>, %arg2: memref<1024x128xf32, #tpu.memory_space<vmem>>, %arg3: memref<1024x1xf32, #tpu.memory_space<vmem>>, %arg4: memref<1024x1xf32, #tpu.memory_space<vmem>>, %arg5: memref<1024x128xf32, #tpu.memory_space<vmem>>, %arg6: memref<1024x128xf32, #tpu.memory_space<vmem>>, %arg7: memref<1x128xf32, #tpu.memory_space<vmem>>, %arg8: memref<1x128xf32, #tpu.memory_space<vmem>>, %arg9: memref<128x128xf32, #tpu.memory_space<vmem>>, %arg10: memref<1x128xf32, #tpu.memory_space<vmem>>, %arg11: memref<1024x128xf32, #tpu.memory_space<vmem>>) attributes {dimension_semantics = [#tpu.dimension_semantics<arbitrary>], iteration_bounds = array<i64: 10>, scalar_prefetch = 0 : i64, scratch_operands = 0 : i64, tpu.core_type = #tpu.core_type<tc>, window_params = [{transform_indices = @transform_0, window_bounds = array<i64: 1024, 128>}, {transform_indices = @transform_1, window_bounds = array<i64: 1024, 128>}, {transform_indices = @transform_2, window_bounds = array<i64: 1024, 1>}, {transform_indices = @transform_3, window_bounds = array<i64: 1024, 1>}, {transform_indices = @transform_4, window_bounds = array<i64: 1024, 128>}, {transform_indices = @transform_5, window_bounds = array<i64: 1024, 128>}, {pipeline_mode = #tpu.pipeline_mode<synchronous>, transform_indices = @transform_6, window_bounds = array<i64: 1, 128>}, {pipeline_mode = #tpu.pipeline_mode<synchronous>, transform_indices = @transform_7, window_bounds = array<i64: 1, 128>}, {pipeline_mode = #tpu.pipeline_mode<synchronous>, transform_indices = @transform_8, window_bounds = array<i64: 128, 128>}, {pipeline_mode = #tpu.pipeline_mode<synchronous>, transform_indices = @transform_9, window_bounds = array<i64: 1, 128>}, {transform_indices = @transform_10, window_bounds = array<i64: 1024, 128>}]} {
    %get3A = arith.constant 0 : index
    %get3A_0 = arith.constant 0 : index
    %get3A_1 = vector.load %arg1[%get3A, %get3A_0] : memref<1024x128xf32, #tpu.memory_space<vmem>>, vector<1024x128xf32>
    %get3A_2 = arith.constant 0 : index
    %get3A_3 = arith.constant 0 : index
    %get3A_4 = vector.load %arg2[%get3A_2, %get3A_3] : memref<1024x128xf32, #tpu.memory_space<vmem>>, vector<1024x128xf32>
    %add3A = arith.addf %get3A_1, %get3A_4 : vector<1024x128xf32>
    %get3A_5 = arith.constant 0 : index
    %get3A_6 = arith.constant 0 : index
    %get3A_7 = vector.load %arg3[%get3A_5, %get3A_6] : memref<1024x1xf32, #tpu.memory_space<vmem>>, vector<1024x1xf32>
    %get3A_8 = arith.constant 0 : index
    %get3A_9 = arith.constant 0 : index
    %get3A_10 = vector.load %arg4[%get3A_8, %get3A_9] : memref<1024x1xf32, #tpu.memory_space<vmem>>, vector<1024x1xf32>
    %add3A_11 = arith.addf %get3A_7, %get3A_10 : vector<1024x1xf32>
    %max3A = arith.constant 1.000000e+00 : f32
    %max3A_12 = vector.broadcast %max3A : f32 to vector<1024x1xf32>
    %max3A_13 = arith.maximumf %add3A_11, %max3A_12 : vector<1024x1xf32>
    %div3A = vector.broadcast %max3A_13 : vector<1024x1xf32> to vector<1024x128xf32>
    %div3A_14 = arith.divf %add3A, %div3A : vector<1024x128xf32>
    %get3A_15 = arith.constant 0 : index
    %get3A_16 = arith.constant 0 : index
    %get3A_17 = vector.load %arg5[%get3A_15, %get3A_16] : memref<1024x128xf32, #tpu.memory_space<vmem>>, vector<1024x128xf32>
    %add3A_18 = arith.addf %div3A_14, %get3A_17 : vector<1024x128xf32>
    %get3A_19 = arith.constant 0 : index
    %get3A_20 = arith.constant 0 : index
    %get3A_21 = vector.load %arg6[%get3A_19, %get3A_20] : memref<1024x128xf32, #tpu.memory_space<vmem>>, vector<1024x128xf32>
    %add3A_22 = arith.addf %add3A_18, %get3A_21 : vector<1024x128xf32>
    %get3A_23 = arith.constant 0 : index
    %get3A_24 = arith.constant 0 : index
    %get3A_25 = vector.load %arg7[%get3A_23, %get3A_24] : memref<1x128xf32, #tpu.memory_space<vmem>>, vector<1x128xf32>
    %get3A_26 = arith.constant 0 : index
    %get3A_27 = arith.constant 0 : index
    %get3A_28 = vector.load %arg8[%get3A_26, %get3A_27] : memref<1x128xf32, #tpu.memory_space<vmem>>, vector<1x128xf32>
    %reduce_sum3A = arith.constant dense<0.000000e+00> : vector<1024xf32>
    %reduce_sum3A_29 = vector.multi_reduction <add>, %add3A_22, %reduce_sum3A [1] : vector<1024x128xf32> to vector<1024xf32>
    %broadcast_in_dim3A = vector.shape_cast %reduce_sum3A_29 : vector<1024xf32> to vector<1024x1xf32>
    %div3A_30 = arith.constant 1.280000e+02 : f32
    %div3A_31 = vector.broadcast %div3A_30 : f32 to vector<1024x1xf32>
    %div3A_32 = arith.divf %broadcast_in_dim3A, %div3A_31 : vector<1024x1xf32>
    %sub3A = vector.broadcast %div3A_32 : vector<1024x1xf32> to vector<1024x128xf32>
    %sub3A_33 = arith.subf %add3A_22, %sub3A : vector<1024x128xf32>
    %integer_pow3A = arith.mulf %sub3A_33, %sub3A_33 : vector<1024x128xf32>
    %reduce_sum3A_34 = arith.constant dense<0.000000e+00> : vector<1024xf32>
    %reduce_sum3A_35 = vector.multi_reduction <add>, %integer_pow3A, %reduce_sum3A_34 [1] : vector<1024x128xf32> to vector<1024xf32>
    %broadcast_in_dim3A_36 = vector.shape_cast %reduce_sum3A_35 : vector<1024xf32> to vector<1024x1xf32>
    %div3A_37 = arith.constant 1.280000e+02 : f32
    %div3A_38 = vector.broadcast %div3A_37 : f32 to vector<1024x1xf32>
    %div3A_39 = arith.divf %broadcast_in_dim3A_36, %div3A_38 : vector<1024x1xf32>
    %sub3A_40 = vector.broadcast %div3A_32 : vector<1024x1xf32> to vector<1024x128xf32>
    %sub3A_41 = arith.subf %add3A_22, %sub3A_40 : vector<1024x128xf32>
    %add3A_42 = arith.constant 9.99999974E-6 : f32
    %add3A_43 = vector.broadcast %add3A_42 : f32 to vector<1024x1xf32>
    %add3A_44 = arith.addf %div3A_39, %add3A_43 : vector<1024x1xf32>
    %rsqrt3A = math.rsqrt %add3A_44 : vector<1024x1xf32>
    %mul3A = vector.broadcast %rsqrt3A : vector<1024x1xf32> to vector<1024x128xf32>
    %mul3A_45 = arith.mulf %sub3A_41, %mul3A : vector<1024x128xf32>
    %mul3A_46 = vector.broadcast %get3A_25 : vector<1x128xf32> to vector<1024x128xf32>
    %mul3A_47 = arith.mulf %mul3A_45, %mul3A_46 : vector<1024x128xf32>
    %add3A_48 = vector.broadcast %get3A_28 : vector<1x128xf32> to vector<1024x128xf32>
    %add3A_49 = arith.addf %mul3A_47, %add3A_48 : vector<1024x128xf32>
    %max3A_50 = arith.constant 0.000000e+00 : f32
    %max3A_51 = vector.broadcast %max3A_50 : f32 to vector<1024x128xf32>
    %max3A_52 = arith.maximumf %add3A_49, %max3A_51 : vector<1024x128xf32>
    %get3A_53 = arith.constant 0 : index
    %get3A_54 = arith.constant 0 : index
    %get3A_55 = vector.load %arg9[%get3A_53, %get3A_54] : memref<128x128xf32, #tpu.memory_space<vmem>>, vector<128x128xf32>
    %dot_general3A = arith.constant dense<0.000000e+00> : vector<1024x128xf32>
    %dot_general3A_56 = tpu.matmul %max3A_52, %get3A_55, %dot_general3A {dimension_numbers = #tpu.dot_dimension_numbers<[1], [0], [0], [1], [0, 0, 1, 1], [], []>, transpose_lhs_hint = false} : vector<1024x128xf32>, vector<128x128xf32>, vector<1024x128xf32> -> vector<1024x128xf32>
    %get3A_57 = arith.constant 0 : index
    %get3A_58 = arith.constant 0 : index
    %get3A_59 = vector.load %arg10[%get3A_57, %get3A_58] : memref<1x128xf32, #tpu.memory_space<vmem>>, vector<1x128xf32>
    %add3A_60 = vector.broadcast %get3A_59 : vector<1x128xf32> to vector<1024x128xf32>
    %add3A_61 = arith.addf %dot_general3A_56, %add3A_60 : vector<1024x128xf32>
    %swap3A = arith.constant 0 : index
    %swap3A_62 = arith.constant 0 : index
    %swap3A_63 = vector.load %arg11[%swap3A, %swap3A_62] : memref<1024x128xf32, #tpu.memory_space<vmem>>, vector<1024x128xf32>
    tpu.vector_store %arg11[%swap3A, %swap3A_62], %add3A_61 {strides = array<i32>} : memref<1024x128xf32, #tpu.memory_space<vmem>>, vector<1024x128xf32>,
    return
  }
  func.func @transform_0(%arg0: i32) -> (i32, i32) {
    %c0_i32 = arith.constant 0 : i32
    %c0_i32_0 = arith.constant 0 : i32
    return %arg0, %c0_i32 : i32, i32
  }
  func.func @transform_1(%arg0: i32) -> (i32, i32) {
    %c0_i32 = arith.constant 0 : i32
    %c0_i32_0 = arith.constant 0 : i32
    return %arg0, %c0_i32 : i32, i32
  }
  func.func @transform_2(%arg0: i32) -> (i32, i32) {
    %c0_i32 = arith.constant 0 : i32
    %c0_i32_0 = arith.constant 0 : i32
    return %arg0, %c0_i32 : i32, i32
  }
  func.func @transform_3(%arg0: i32) -> (i32, i32) {
    %c0_i32 = arith.constant 0 : i32
    %c0_i32_0 = arith.constant 0 : i32
    return %arg0, %c0_i32 : i32, i32
  }
  func.func @transform_4(%arg0: i32) -> (i32, i32) {
    %c0_i32 = arith.constant 0 : i32
    %c0_i32_0 = arith.constant 0 : i32
    return %arg0, %c0_i32 : i32, i32
  }
  func.func @transform_5(%arg0: i32) -> (i32, i32) {
    %c0_i32 = arith.constant 0 : i32
    %c0_i32_0 = arith.constant 0 : i32
    return %arg0, %c0_i32 : i32, i32
  }
  func.func @transform_6(%arg0: i32) -> (i32, i32) {
    %c0_i32 = arith.constant 0 : i32
    %c0_i32_0 = arith.constant 0 : i32
    %c0_i32_1 = arith.constant 0 : i32
    return %c0_i32, %c0_i32_0 : i32, i32
  }
  func.func @transform_7(%arg0: i32) -> (i32, i32) {
    %c0_i32 = arith.constant 0 : i32
    %c0_i32_0 = arith.constant 0 : i32
    %c0_i32_1 = arith.constant 0 : i32
    return %c0_i32, %c0_i32_0 : i32, i32
  }
  func.func @transform_8(%arg0: i32) -> (i32, i32) {
    %c0_i32 = arith.constant 0 : i32
    %c0_i32_0 = arith.constant 0 : i32
    %c0_i32_1 = arith.constant 0 : i32
    return %c0_i32, %c0_i32_0 : i32, i32
  }
  func.func @transform_9(%arg0: i32) -> (i32, i32) {
    %c0_i32 = arith.constant 0 : i32
    %c0_i32_0 = arith.constant 0 : i32
    %c0_i32_1 = arith.constant 0 : i32
    return %c0_i32, %c0_i32_0 : i32, i32
  }
  func.func @transform_10(%arg0: i32) -> (i32, i32) {
    %c0_i32 = arith.constant 0 : i32
    %c0_i32_0 = arith.constant 0 : i32
    return %arg0, %c0_i32 : i32, i32
  }
}

</mosaic_0001>

<sc_bundles>
// kernel: kernel.11.cloned.1.call-start
scs
__scs_entry_jumppad:
0x0: {  	(pc) =	sbr.rel $0x88, $3  }
0x1: {  	(tag) =	ssettag $0x0;
	lr =	simm.s32 $0x1  }
0x2: {  	[smem:$0x3F96] =	sst lr;
	_ =	strace $0xD0000000  }
0x3: {  	_ = 	snop  }
0x4: {  	_ = 	snop  }
0x5: {  	_ = 	snop  }
0x6: {  	_ = 	snop  }
0x7: {  	_ = 	snop  }
__scs_overlays_trampoline_lowered:
0x8: {  	[smem:$0x3FA5] =	sst s0  }
0x9: {  	[smem:$0x3FA6] =	sst s1  }
0xa: {  	[smem:$0x3FA7] =	sst s2  }
0xb: {  	[smem:$0x3FA8] =	sst s3  }
0xc: {  	[smem:$0x3FA9] =	sst s4  }
0xd: {  	[smem:$0x3FAA] =	sst s5  }
0xe: {  	[smem:$0x3FAB] =	sst s6  }
0xf: {  	[smem:$0x3FAC] =	sst s7  }
0x10: {  	[smem:$0x3FAD] =	sst s8  }
0x11: {  	[smem:$0x3FAE] =	sst s9;
	s0 =	simm.s32 @!p0 $0x0  }
0x12: {  	s1 =	sld [smem:$0x3F94];
	s0 =	simm.s32 @p0 $0x1  }
0x13: {  	[smem:$0x3FAF] =	sst s0;
	s0 =	simm.s32 @!p1 $0x0  }
0x14: {  	s2 =	sld [smem:$0x3F93];
	s0 =	simm.s32 @p1 $0x1  }
0x15: {  	[smem:$0x3FB0] =	sst s0;
	s0 =	simm.s32 @!p2 $0x0  }
0x16: {  	s3 =	sld [smem:$0x3FDB];
	s0 =	simm.s32 @p2 $0x1  }
0x17: {  	s4 =	simm.s32 $0x1BF5;
	[smem:$0x3FB2] =	sst s0  }
0x18: {  	s0 =	sld [smem:$0x3F95];
	_ =	swait.ge [sflag:s4], $0x0  }
0x19: {  	s7 =	sld [smem:$0x3F96]  }
0x1a: {  	s8 =	sadd.s32 $0xFFFFE003, lr  }
0x1b: {  	s9 =	sadd.s32 $0xFFFFFEF7, lr;
	s5 =	simm.s32 $0xFFFFFFFF;
	p2 =	slt.u32 s8, $0xFFFFF086  }
0x1c: {  	p1 =	slt.u32 s9, $0xF7A;
	s5 =	simm.s32 @!p2 $0x0  }
0x1d: {  	s5 =	simm.s32 @p1 $0x1;
	p0 =	seq.s32 s7, s2  }
0x1e: {  	s7 =	smul.u32 @!p0 $0xF7A, s2;
	p2 =	seq.s32 @!p0 s5, $0x0  }
0x1f: {  	s9 =	smul.u32 $0xF7A, s1;
	s8 =	simm.s32 @!p0 $0x1BF5;
	p2 =	por !p2, p0  }
0x20: {  	[sflag:s8] =	ssyncset.s32 @!p0 $0xFFFFF086;
	s6 =	sadd.s32 @!p0 s3, s7;
	s7 =	simm.s32 @!p0 $0x108  }
0x21: {  	s3 =	sadd.s32 s3, s9;
	s6 =	sadd.s32 @!p0 $0x88, s6;
	s7 =	simm.s32 @p2 $0x1082  }
0x22: {  	[simem:s7], [sflag:s8] =	dma.local @!p0 [hbm:s6], $0xF7A  }
0x23: {  	s9 =	sor.u32 $0xD0000000, s2;
	s6 =	simm.s32 $0x108;
	_ =	swait.ge @!p0 [sflag:s8], $0x0  }
0x24: {  	s3 =	sadd.s32 $0x88, s3;
	s6 =	simm.s32 @!p1 $0x1082;
	[sflag:s4] =	ssyncset.s32 $0xFFFFF086  }
0x25: {  	[simem:s6], [sflag:s4] =	dma.local [hbm:s3], $0xF7A  }
0x26: {  	[smem:$0x3F96] =	sst s1;
	(tag) =	ssettag s2;
	_ =	strace s9  }
0x27: {  	s1 =	sld [smem:$0x3FA6]  }
0x28: {  	s2 =	sld [smem:$0x3FA7]  }
0x29: {  	s4 =	sld [smem:$0x3FA9]  }
0x2a: {  	p0 =	seq.s32 s5, $0x0;
	s5 =	sld [smem:$0x3FAA]  }
0x2b: {  	s6 =	sld [smem:$0x3FAB]  }
0x2c: {  	s7 =	sld [smem:$0x3FAC]  }
0x2d: {  	s3 =	simm.s32 $0x108;
	s8 =	sld [smem:$0x3FAD]  }
0x2e: {  	s3 =	simm.s32 @!p0 $0x1082;
	s9 =	sld [smem:$0x3FAE]  }
0x2f: {  	lr =	sadd.s32 s0, s3;
	s0 =	sld [smem:$0x3FA5]  }
0x30: {  	s3 =	sld [smem:$0x3FA8]  }
0x31: {  	[smem:$0x3FB1] =	sst s10  }
0x32: {  	s10 =	sld [smem:$0x3FAF];
	_ =	sdelay $0x3  }
0x33: {  	p0 =	seq.s32 s10, $0x1;
	s10 =	sld [smem:$0x3FB1];
	_ =	sdelay $0x3  }
0x34: {  	[smem:$0x3FB1] =	sst s10  }
0x35: {  	s10 =	sld [smem:$0x3FB0];
	_ =	sdelay $0x3  }
0x36: {  	p1 =	seq.s32 s10, $0x1;
	s10 =	sld [smem:$0x3FB1];
	_ =	sdelay $0x3  }
0x37: {  	[smem:$0x3FB1] =	sst s10  }
0x38: {  	s10 =	sld [smem:$0x3FB2]  }
0x39: {  	_ = 	snop;
	(pc) =	sbr.ind lr, $3  }
0x3a: {  	_ = 	snop  }
0x3b: {  	_ = 	snop  }
0x3c: {  	p2 =	seq.s32 s10, $0x1;
	s10 =	sld [smem:$0x3FB1]  }
0x3d: {  	_ =	shalt  }
0x3e: {  	_ =	shalt  }
0x3f: {  	_ =	shalt  }
0x40: {  	_ =	shalt  }
0x41: {  	_ =	shalt  }
0x42: {  	_ =	shalt  }
0x43: {  	_ =	shalt  }
0x44: {  	_ =	shalt  }
0x45: {  	_ =	shalt  }
0x46: {  	_ =	shalt  }
0x47: {  	_ =	shalt  }
0x48: {  	_ =	shalt  }
0x49: {  	_ =	shalt  }
0x4a: {  	_ =	shalt  }
0x4b: {  	_ =	shalt  }
0x4c: {  	_ =	shalt  }
0x4d: {  	_ =	shalt  }
0x4e: {  	_ =	shalt  }
0x4f: {  	_ =	shalt  }
0x50: {  	_ =	shalt  }
0x51: {  	_ =	shalt  }
0x52: {  	_ =	shalt  }
0x53: {  	_ =	shalt  }
0x54: {  	_ =	shalt  }
0x55: {  	_ =	shalt  }
0x56: {  	_ =	shalt  }
0x57: {  	_ =	shalt  }
0x58: {  	_ =	shalt  }
0x59: {  	_ =	shalt  }
0x5a: {  	_ =	shalt  }
0x5b: {  	_ =	shalt  }
0x5c: {  	_ =	shalt  }
0x5d: {  	_ =	shalt  }
0x5e: {  	_ =	shalt  }
0x5f: {  	_ =	shalt  }
0x60: {  	_ =	shalt  }
0x61: {  	_ =	shalt  }
0x62: {  	_ =	shalt  }
0x63: {  	_ =	shalt  }
0x64: {  	_ =	shalt  }
0x65: {  	_ =	shalt  }
0x66: {  	_ =	shalt  }
0x67: {  	_ =	shalt  }
0x68: {  	_ =	shalt  }
0x69: {  	_ =	shalt  }
0x6a: {  	_ =	shalt  }
0x6b: {  	_ =	shalt  }
0x6c: {  	_ =	shalt  }
0x6d: {  	_ =	shalt  }
0x6e: {  	_ =	shalt  }
0x6f: {  	_ =	shalt  }
0x70: {  	_ =	shalt  }
0x71: {  	_ =	shalt  }
0x72: {  	_ =	shalt  }
0x73: {  	_ =	shalt  }
0x74: {  	_ =	shalt  }
0x75: {  	_ =	shalt  }
0x76: {  	_ =	shalt  }
0x77: {  	_ =	shalt  }
0x78: {  	_ =	shalt  }
0x79: {  	_ =	shalt  }
0x7a: {  	_ =	shalt  }
0x7b: {  	_ =	shalt  }
0x7c: {  	_ =	shalt  }
0x7d: {  	_ =	shalt  }
0x7e: {  	_ =	shalt  }
0x7f: {  	_ =	shalt  }
0x80: {  	_ =	shalt  }
0x81: {  	_ =	shalt  }
0x82: {  	_ =	shalt  }
0x83: {  	_ =	shalt  }
0x84: {  	_ =	shalt  }
0x85: {  	_ =	shalt  }
0x86: {  	_ =	shalt  }
0x87: {  	_ =	shalt  }
.Lfunc_end0:
.L_simem_size_0:
called_computation.1_lowered:
.L_overlay_start_0:
0x88: {  	s2 =	sld [smem:$0x3FD9]  }
0x89: {  	s3 =	sld [smem:$0x3FFE];
	_ =	sdelay $0x1  }
0x8a: {  	s1 =	srdreg.scid  }
0x8b: {  	s0 =	sand.u32 $0x1, s1  }
0x8c: {  	s17 =	sshll.u32 s0, $0xA;
	s2 =	sadd.s32 s3, s2  }
0x8d: {  	s2 =	sadd.s32 s2, s17  }
0x8e: {  	[smem:$0x3FBD] =	sst s2  }
0x8f: {  	_ = 	snop  }
0x90: {  	s18 =	sld [smem:$0x3FD0];
	(tm) =	ssettm $0x1  }
0x91: {  	s19 =	sld [smem:$0x3FFB];
	_ =	sdelay $0x3  }
0x92: {  	_ =	strace s19  }
0x93: {  	s2 =	sld [smem:$0x3FFC];
	_ =	sdelay $0x3  }
0x94: {  	_ =	strace s2  }
0x95: {  	s2 =	sld [smem:$0x3FFD];
	_ =	sdelay $0x3  }
0x96: {  	_ =	strace s2  }
0x97: {  	_ =	strace $0x8FFFFFFF  }
0x98: {  	s20 =	sld [smem:$0x3FDB];
	_ =	sdelay $0x1  }
0x99: {  	s4 =	simm.s32 $_scs_section_size  }
0x9a: {  	s5 =	simm.s32 $_size__tile_overlayer_lowered;
	s6 =	simm.s32 $_tile_overlayer_lowered  }
0x9b: {  	s7 =	simm.s32 $0x1BFF;
	s21 =	sshll.u32 s6, $0x1;
	s4 =	sadd.s32 s4, s20  }
0x9c: {  	s22 =	simm.s32 $0x0;
	s5 =	sshll.u32 s5, $0x1;
	s6 =	sadd.s32 s21, s4  }
0x9d: {  	[timem:s22], [sflag:s7] =	dma.local [hbm:s6], s5  }
0x9e: {  	_ =	swait.ge [sflag:s7], s5  }
0x9f: {  	s5 =	ssub.s32 $0x0, s5;
	[sflag:s7] =	ssyncset.done $0x0  }
0xa0: {  	[sflag:s7] =	ssyncadd.s32 s5;
	_ =	sdelay $0x1  }
0xa1: {  	s23 =	simm.s32 $0x1B8B  }
0xa2: {  	_ =	swait.ge [sflag:s23], $0x1  }
0xa3: {  	[sflag:s23] =	ssyncset.done $0x0  }
0xa4: {  	[sflag:s23] =	ssyncadd.s32 $0xFFFFFFFF  }
0xa5: {  	s5 =	sld [smem:$0x0]  }
0xa6: {  	s6 =	sand.u32 $0xFFFFFFFE, s1  }
0xa7: {  	p0 =	sne.s32 s1, s6  }
0xa8: {  	s6 =	sshll.u32 @p0 s6, $0xE  }
0xa9: {  	s6 =	sadd.s32 @p0 $0x11B8D, s6;
	s7 =	sshll.u32 @p0 s5, $0x11  }
0xaa: {  	s6 =	sor.u32 @p0 s7, s6  }
0xab: {  	[sflag:s6] =	ssyncadd.remote.s32 @p0 $0x1;
	_ =	sdelay $0x1  }
0xac: {  	s6 =	simm.s32 @p0 $0x1B8D  }
0xad: {  	_ =	swait.eq @p0 [sflag:s6], $0x1  }
0xae: {  	[sflag:s6] =	ssyncadd.s32 @p0 $0xFFFFFFFF  }
0xaf: {  	s7 =	sshll.u32 @!p0 s1, $0xE  }
0xb0: {  	s7 =	sor.u32 @!p0 $0x4000, s7;
	s6 =	simm.s32 @!p0 $0x1B8D  }
0xb1: {  	s5 =	sshll.u32 @!p0 s5, $0x11;
	s7 =	sadd.s32 @!p0 $0x11B8D, s7;
	_ =	swait.eq @!p0 [sflag:s6], $0x1  }
0xb2: {  	s5 =	sor.u32 @!p0 s5, s7;
	[sflag:s6] =	ssyncadd.s32 @!p0 $0xFFFFFFFF  }
0xb3: {  	s25 =	simm.s32 $0x1B8E;
	s24 =	sld [smem:$0x3FFE];
	[sflag:s5] =	ssyncadd.remote.s32 @!p0 $0x1  }
0xb4: {  	s26 =	simm.s32 $execute0_lowered;
	[smem:$0x3FD2] =	sst s25  }
0xb5: {  	s6 =	sshll.u32 s26, $0x1;
	_ =	strace $0x80000049;
	[dreg:$0x1] =	wrdreg $0xFFFFFFFF  }
0xb6: {  	s28 =	simm.s32 $_size_execute0_lowered;
	s4 =	sadd.s32 s4, s6;
	[dreg:$0x0] =	wrdreg $0x0  }
0xb7: {  	s6 =	sshll.u32 s28, $0x1;
	[dreg:$0x2] =	wrdreg s4  }
0xb8: {  	[dreg:$0x3] =	wrdreg s6  }
0xb9: {  	[dreg:$0x4] =	wrdreg $0xC0  }
0xba: {  	_ =	task [dreg:s22], $0x5FFFF  }
0xbb: {  	[dreg:$0x1] =	wrdreg $0xFFFFFFFF  }
0xbc: {  	[dreg:$0x0] =	wrdreg $0x60  }
0xbd: {  	[dreg:$0x2] =	wrdreg s24  }
0xbe: {  	[dreg:$0x3] =	wrdreg s18  }
0xbf: {  	[dreg:$0x4] =	wrdreg $0x0  }
0xc0: {  	[dreg:$0x5] =	wrdreg $0xA  }
0xc1: {  	_ =	task.clear_ibuf [dreg:s22], $0x6FFFF;
	_ =	strace $0x90000049  }
0xc2: {  	s29 =	simm.s32 $0xA;
	_ =	strace $0x8000004B  }
0xc3: {  	_ =	swait.ge [sflag:s29], $0x1  }
0xc4: {  	[sflag:s29] =	ssyncadd.s32 $0xFFFFFFFF  }
0xc5: {  	_ =	strace $0x9000004B  }
0xc6: {  	_ =	sfence  }
0xc7: {  	s30 =	sld [smem:$0x0];
	_ =	sdelay $0x2  }
0xc8: {  	s31 =	sshll.u32 s1, $0xD;
	s1 =	sshrl.u32 s1, $0x2  }
0xc9: {  	s4 =	sand.u32 $0x4000, s31;
	s1 =	sadd.s32 s1, s30  }
0xca: {  	s0 =	sor.u32 s4, s0;
	s1 =	sshll.u32 s1, $0x11  }
0xcb: {  	s0 =	sor.u32 s1, s0  }
0xcc: {  	s0 =	sadd.s32 $0x8F2B, s0  }
0xcd: {  	[sflag:s0] =	ssyncadd.remote.s32 $0x1  }
0xce: {  	_ =	sfence.sel $0xFFFF  }
0xcf: {  	[dreg:$0x0] =	wrdreg $0xFFFFFFFF;
	(pc) =	sbr.abs _section_cstart, $3  }
0xd0: {  	[dreg:$0x1] =	wrdreg $0xFFFFFFFF  }
0xd1: {  	_ =	task.clear_ibuf [dreg:s22], $0x2FFFF;
	_ =	strace $0x9FFFFFFF  }
0xd2: {  	(tm) =	ssettm $0x7FFFFFFF  }
0xd3: {  	_ =	shalt  }
tec
execute0_lowered:
.L_overlay_start_1:
0x0: {  	(tag) =	ssettag $0x1  }
0x1: {  	s0 =	rddreg [dreg:$0x0]  }
0x2: {  	s1 =	rddreg [dreg:$0x1]  }
0x3: {  	s3 =	srdreg.scid;
	s10 =	stileid.u32  }
0x4: {  	s2 =	rddreg [dreg:$0x2];
	s26 =	simm.s32 $0x14080;
	s28 =	simm.s32 $0x14100  }
0x5: {  	s29 =	simm.s32 $0x2;
	s30 =	simm.s32 $0x14480;
	s31 =	simm.s32 $0x14180  }
0x6: {  	s12 =	simm.s32 $0x14280;
	s13 =	simm.s32 $0x14600;
	s4 =	smul.u32 $0xA0, s10  }
0x7: {  	s5 =	sand.u32 $0x1, s3;
	s3 =	simm.s32 $0x0;
	s14 =	smul.u32 $0x280, s10  }
0x8: {  	s10 =	smul.u32 $0x50000, s10;
	s11 =	sadd.s32 $0x68600, s0;
	s6 =	sshll.u32 s5, $0x7  }
0x9: {  	[smem:$0x7FF] =	sst s3;
	s8 =	smul.u32 $0x2800, s5;
	s15 =	ssub.s32 $0x2, s5  }
0xa: {  	p0 =	seq.s32 s5, $0x0;
	s5 =	simm.s32 $0x10;
	s4 =	sadd.s32 s6, s4  }
0xb: {  	_ =	strace $0x8000004A;
	[dreg:$0x5] =	wrdreg s11;
	s16 =	sshrl.u32 s15, $0x1  }
0xc: {  	s10 =	sshrl.u32 s10, $0x2;
	s5 =	simm.s32 @!p0 $0x4;
	[dreg:$0x4] =	wrdreg s26  }
0xd: {  	s26 =	simm.s32 $0x1;
	s7 =	sshll.u32 s4, $0x4;
	s4 =	sadd.s32 $0x18600, s0  }
0xe: {  	s6 =	sadd.s32 s14, s8;
	s8 =	ssub.s32 s15, s16;
	s19 =	sadd.s32 s10, s2  }
0xf: {  	[dreg:$0x9] =	wrdreg s5;
	s5 =	simm.s32 $0x14580;
	s14 =	simm.s32 $0x14300  }
0x10: {  	s15 =	simm.s32 $0x14680;
	s16 =	simm.s32 $0x14380;
	s23 =	smax.u32 s8, $0x1  }
0x11: {  	s9 =	sadd.s32 s7, s0;
	s25 =	sadd.s32 s7, s1;
	[dreg:$0xf] =	wrdreg s23  }
0x12: {  	s6 =	sshll.u32 s6, $0x4;
	s18 =	sadd.s32 $0x8000, s19;
	[dreg:$0x11] =	wrdreg s25  }
0x13: {  	s10 =	sadd.s32 $0x4000, s19;
	s11 =	sadd.s32 $0x10000, s19;
	[dreg:$0x6] =	wrdreg s18  }
0x14: {  	s1 =	simm.s32 $0x14500;
	s24 =	sadd.s32 $0x3C00, s9;
	[dreg:$0x8] =	wrdreg s11  }
0x15: {  	s0 =	sadd.s32 s6, s0;
	s6 =	sadd.s32 $0xC000, s19;
	[dreg:$0x10] =	wrdreg s24  }
0x16: {  	s7 =	simm.s32 $0x14780;
	s17 =	sadd.s32 $0x68E00, s0;
	[dreg:$0x7] =	wrdreg s6  }
0x17: {  	s8 =	simm.s32 $0x0;
	s20 =	sadd.s32 $0x69600, s0;
	[dreg:$0xa] =	wrdreg s17  }
0x18: {  	s23 =	simm.s32 $0x14400;
	s21 =	sadd.s32 $0x69E00, s0;
	[dreg:$0xb] =	wrdreg s20  }
0x19: {  	s25 =	simm.s32 $0x18800;
	s22 =	sadd.s32 $0x6A600, s0;
	[dreg:$0xc] =	wrdreg s21  }
0x1a: {  	s0 =	sadd.s32 $0x6AE00, s0;
	s24 =	simm.s32 $0x80;
	[dreg:$0xd] =	wrdreg s22  }
0x1b: {  	[dreg:$0xe] =	wrdreg s0;
	s20 =	simm.s32 $0x14800;
	s21 =	simm.s32 $0x3  }
0x1c: {  	s22 =	simm.s32 $0x14000;
	s0 =	simm.s32 $0x14200;
	s17 =	simm.s32 $0x14700  }
.LBB2_1:
0x1d: {  	s9 =	rddreg [dreg:$0x5]  }
0x1e: {  	[tilespmem:s20], [sflag:$0x3] =	stream.linear.gather [hbm4b:s9+s3], $0x4000, $0x38;
	[tilespmem:$0x1C800] =	vst v63  }
0x1f: {  	_ =	swait.ge [sflag:s21], $0x4000  }
0x20: {  	[sflag:s21] =	ssyncset.done $0x0  }
0x21: {  	[sflag:s21] =	ssyncadd.s32 $0xFFFFC000  }
0x22: {  	[spmem:s19] =	stream.linear.scatter [tilespmem:s20], [sflag:$0x3], $0x4000, $0x38;
	[tilespmem:$0x1C800] =	vst v63  }
0x23: {  	_ =	swait.ge [sflag:s21], $0x4000  }
0x24: {  	[sflag:s21] =	ssyncset.done $0x0  }
0x25: {  	[sflag:s21] =	ssyncadd.s32 $0xFFFFC000  }
0x26: {  	[spmem:s10] =	stream.linear.scatter [tilespmem:s20], [sflag:$0x3], $0x4000, $0x38;
	[tilespmem:$0x1C800] =	vst v63  }
0x27: {  	_ =	swait.ge [sflag:s21], $0x4000  }
0x28: {  	[sflag:s21] =	ssyncset.done $0x0  }
0x29: {  	[sflag:s21] =	ssyncadd.s32 $0xFFFFC000  }
0x2a: {  	[spmem:s18] =	stream.linear.scatter [tilespmem:s20], [sflag:$0x3], $0x4000, $0x38;
	[tilespmem:$0x1C800] =	vst v63  }
0x2b: {  	_ =	swait.ge [sflag:s21], $0x4000  }
0x2c: {  	[sflag:s21] =	ssyncset.done $0x0  }
0x2d: {  	s9 =	smov.u32 s6;
	[sflag:s21] =	ssyncadd.s32 $0xFFFFC000  }
0x2e: {  	[spmem:s9] =	stream.linear.scatter [tilespmem:s20], [sflag:$0x3], $0x4000, $0x38;
	[tilespmem:$0x1C800] =	vst v63  }
0x2f: {  	_ =	swait.ge [sflag:s21], $0x4000  }
0x30: {  	[sflag:s21] =	ssyncset.done $0x0  }
0x31: {  	s6 =	smov.u32 s19;
	s19 =	smov.u32 s11;
	[sflag:s21] =	ssyncadd.s32 $0xFFFFC000  }
0x32: {  	[spmem:s19] =	stream.linear.scatter [tilespmem:s20], [sflag:$0x3], $0x4000, $0x38;
	[tilespmem:$0x1C800] =	vst v63  }
0x33: {  	_ =	swait.ge [sflag:s21], $0x4000  }
0x34: {  	[sflag:s21] =	ssyncset.done $0x0  }
0x35: {  	[sflag:s21] =	ssyncadd.s32 $0xFFFFC000  }
0x36: {  	[bflag:$0x0] =	sbarrier.arrive $0xFFFF  }
0x37: {  	s19 =	rddreg [dreg:$0x11]  }
0x38: {  	[tilespmem:s22], [sflag:$0x3] =	stream.linear.gather [hbm4b:s19+s3], $0x400, $0x38;
	[tilespmem:$0x1C800] =	vst v63  }
0x39: {  	_ =	swait.ge [sflag:s21], $0x400  }
0x3a: {  	[sflag:s21] =	ssyncset.done $0x0  }
0x3b: {  	s18 =	rddreg [dreg:$0x10];
	[sflag:s21] =	ssyncadd.s32 $0xFFFFFC00  }
0x3c: {  	[tilespmem:s23], [sflag:$0x3] =	stream.linear.gather [hbm4b:s18+s3], $0x400, $0x38;
	[tilespmem:$0x1C800] =	vst v63  }
0x3d: {  	_ =	swait.ge [sflag:s21], $0x400  }
0x3e: {  	[sflag:s21] =	ssyncset.done $0x0  }
0x3f: {  	[sflag:s21] =	ssyncadd.s32 $0xFFFFFC00  }
0x40: {  	[tilespmem:s20], [sflag:$0x1] =	stream.indirect.gather [hbm4b:s4+s24], $0x80, s22, s24, $0xb8;
	[tilespmem:$0x1C800] =	vst v63  }
0x41: {  	s11 =	smov.u32 s10;
	s10 =	rddreg [dreg:$0x4]  }
0x42: {  	[tilespmem:s25], [sflag:$0x2] =	stream.indirect.gather [hbm4b:s4+s24], $0x80, s10, s24, $0xb8;
	[tilespmem:$0x1C800] =	vst v63  }
0x43: {  	_ =	swait.ge [sflag:s26], $0x4000  }
0x44: {  	[sflag:s26] =	ssyncset.done $0x0  }
0x45: {  	[sflag:s26] =	ssyncadd.s32 $0xFFFFC000  }
0x46: {  	[spmem:s2] =	stream.indirect.scatter.add.f32 [tilespmem:s20], [sflag:$0x3], $0x80, s23, s24, $0xb8;
	[tilespmem:$0x1C800] =	vst v63  }
0x47: {  	_ =	swait.ge [sflag:s21], $0x4000  }
0x48: {  	[sflag:s21] =	ssyncset.done $0x0  }
0x49: {  	[sflag:s21] =	ssyncadd.s32 $0xFFFFC000  }
0x4a: {  	[tilespmem:s20], [sflag:$0x1] =	stream.indirect.gather [hbm4b:s4+s24], $0x80, s28, s24, $0xb8;
	[tilespmem:$0x1C800] =	vst v63  }
0x4b: {  	_ =	swait.ge [sflag:s29], $0x4000  }
0x4c: {  	[sflag:s29] =	ssyncset.done $0x0  }
0x4d: {  	[sflag:s29] =	ssyncadd.s32 $0xFFFFC000  }
0x4e: {  	[spmem:s2] =	stream.indirect.scatter.add.f32 [tilespmem:s25], [sflag:$0x3], $0x80, s30, s24, $0xb8;
	[tilespmem:$0x1C800] =	vst v63  }
0x4f: {  	_ =	swait.ge [sflag:s21], $0x4000  }
0x50: {  	[sflag:s21] =	ssyncset.done $0x0  }
0x51: {  	[sflag:s21] =	ssyncadd.s32 $0xFFFFC000  }
0x52: {  	[tilespmem:s25], [sflag:$0x2] =	stream.indirect.gather [hbm4b:s4+s24], $0x80, s31, s24, $0xb8;
	[tilespmem:$0x1C800] =	vst v63  }
0x53: {  	_ =	swait.ge [sflag:s26], $0x4000  }
0x54: {  	[sflag:s26] =	ssyncset.done $0x0  }
0x55: {  	[sflag:s26] =	ssyncadd.s32 $0xFFFFC000  }
0x56: {  	[spmem:s2] =	stream.indirect.scatter.add.f32 [tilespmem:s20], [sflag:$0x3], $0x80, s1, s24, $0xb8;
	[tilespmem:$0x1C800] =	vst v63  }
0x57: {  	_ =	swait.ge [sflag:s21], $0x4000  }
0x58: {  	[sflag:s21] =	ssyncset.done $0x0  }
0x59: {  	[sflag:s21] =	ssyncadd.s32 $0xFFFFC000  }
0x5a: {  	[tilespmem:s20], [sflag:$0x1] =	stream.indirect.gather [hbm4b:s4+s24], $0x80, s0, s24, $0xb8;
	[tilespmem:$0x1C800] =	vst v63  }
0x5b: {  	_ =	swait.ge [sflag:s29], $0x4000  }
0x5c: {  	[sflag:s29] =	ssyncset.done $0x0  }
0x5d: {  	[sflag:s29] =	ssyncadd.s32 $0xFFFFC000  }
0x5e: {  	[spmem:s2] =	stream.indirect.scatter.add.f32 [tilespmem:s25], [sflag:$0x3], $0x80, s5, s24, $0xb8;
	[tilespmem:$0x1C800] =	vst v63  }
0x5f: {  	_ =	swait.ge [sflag:s21], $0x4000  }
0x60: {  	[sflag:s21] =	ssyncset.done $0x0  }
0x61: {  	[sflag:s21] =	ssyncadd.s32 $0xFFFFC000  }
0x62: {  	[tilespmem:s25], [sflag:$0x2] =	stream.indirect.gather [hbm4b:s4+s24], $0x80, s12, s24, $0xb8;
	[tilespmem:$0x1C800] =	vst v63  }
0x63: {  	_ =	swait.ge [sflag:s26], $0x4000  }
0x64: {  	[sflag:s26] =	ssyncset.done $0x0  }
0x65: {  	[sflag:s26] =	ssyncadd.s32 $0xFFFFC000  }
0x66: {  	[spmem:s2] =	stream.indirect.scatter.add.f32 [tilespmem:s20], [sflag:$0x3], $0x80, s13, s24, $0xb8;
	[tilespmem:$0x1C800] =	vst v63  }
0x67: {  	_ =	swait.ge [sflag:s21], $0x4000  }
0x68: {  	[sflag:s21] =	ssyncset.done $0x0  }
0x69: {  	[sflag:s21] =	ssyncadd.s32 $0xFFFFC000  }
0x6a: {  	[tilespmem:s20], [sflag:$0x1] =	stream.indirect.gather [hbm4b:s4+s24], $0x80, s14, s24, $0xb8;
	[tilespmem:$0x1C800] =	vst v63  }
0x6b: {  	_ =	swait.ge [sflag:s29], $0x4000  }
0x6c: {  	[sflag:s29] =	ssyncset.done $0x0  }
0x6d: {  	[sflag:s29] =	ssyncadd.s32 $0xFFFFC000  }
0x6e: {  	[spmem:s2] =	stream.indirect.scatter.add.f32 [tilespmem:s25], [sflag:$0x3], $0x80, s15, s24, $0xb8;
	[tilespmem:$0x1C800] =	vst v63  }
0x6f: {  	_ =	swait.ge [sflag:s21], $0x4000  }
0x70: {  	[sflag:s21] =	ssyncset.done $0x0  }
0x71: {  	[sflag:s21] =	ssyncadd.s32 $0xFFFFC000  }
0x72: {  	[tilespmem:s25], [sflag:$0x2] =	stream.indirect.gather [hbm4b:s4+s24], $0x80, s16, s24, $0xb8;
	[tilespmem:$0x1C800] =	vst v63  }
0x73: {  	_ =	swait.ge [sflag:s26], $0x4000  }
0x74: {  	[sflag:s26] =	ssyncset.done $0x0  }
0x75: {  	[sflag:s26] =	ssyncadd.s32 $0xFFFFC000  }
0x76: {  	[spmem:s2] =	stream.indirect.scatter.add.f32 [tilespmem:s20], [sflag:$0x3], $0x80, s17, s24, $0xb8;
	[tilespmem:$0x1C800] =	vst v63  }
0x77: {  	_ =	swait.ge [sflag:s21], $0x4000  }
0x78: {  	[sflag:s21] =	ssyncset.done $0x0  }
0x79: {  	[sflag:s21] =	ssyncadd.s32 $0xFFFFC000  }
0x7a: {  	_ =	swait.ge [sflag:s29], $0x4000  }
0x7b: {  	s10 =	rddreg [dreg:$0x9]  }
0x7c: {  	p0 =	sne.s32 s10, $0x1  }
.Ltmp0:
0x7d: {  	[sflag:s29] =	ssyncset.done $0x0;
	(pc) =	sbr.rel @!p0 .LBB2_3-.Ltmp0, $4  }
0x7e: {  	[sflag:s29] =	ssyncadd.s32 $0xFFFFC000  }
0x7f: {  	[spmem:s2] =	stream.indirect.scatter.add.f32 [tilespmem:s25], [sflag:$0x3], $0x80, s7, s24, $0xb8;
	[tilespmem:$0x1C800] =	vst v63  }
0x80: {  	_ =	swait.ge [sflag:s21], $0x4000  }
0x81: {  	s9 =	sadd.s32 $0xFFFFFFFF, s10;
	[sflag:s21] =	ssyncset.done $0x0  }
.LBB2_2:
0x82: {  	[sflag:s21] =	ssyncadd.s32 $0xFFFFC000;
	s19 =	sadd.s32 $0x80, s19  }
0x83: {  	[tilespmem:s22], [sflag:$0x3] =	stream.linear.gather [hbm4b:s19+s3], $0x400, $0x38;
	[tilespmem:$0x1C800] =	vst v63  }
0x84: {  	_ =	swait.ge [sflag:s21], $0x400  }
0x85: {  	[sflag:s21] =	ssyncset.done $0x0  }
0x86: {  	s18 =	sadd.s32 $0x80, s18;
	[sflag:s21] =	ssyncadd.s32 $0xFFFFFC00  }
0x87: {  	[tilespmem:s23], [sflag:$0x3] =	stream.linear.gather [hbm4b:s18+s3], $0x400, $0x38;
	[tilespmem:$0x1C800] =	vst v63  }
0x88: {  	_ =	swait.ge [sflag:s21], $0x400  }
0x89: {  	[sflag:s21] =	ssyncset.done $0x0  }
0x8a: {  	[sflag:s21] =	ssyncadd.s32 $0xFFFFFC00  }
0x8b: {  	[tilespmem:s20], [sflag:$0x1] =	stream.indirect.gather [hbm4b:s4+s24], $0x80, s22, s24, $0xb8;
	[tilespmem:$0x1C800] =	vst v63  }
0x8c: {  	s10 =	rddreg [dreg:$0x4]  }
0x8d: {  	[tilespmem:s25], [sflag:$0x2] =	stream.indirect.gather [hbm4b:s4+s24], $0x80, s10, s24, $0xb8;
	[tilespmem:$0x1C800] =	vst v63  }
0x8e: {  	_ =	swait.ge [sflag:s26], $0x4000  }
0x8f: {  	[sflag:s26] =	ssyncset.done $0x0  }
0x90: {  	[sflag:s26] =	ssyncadd.s32 $0xFFFFC000  }
0x91: {  	[spmem:s2] =	stream.indirect.scatter.add.f32 [tilespmem:s20], [sflag:$0x3], $0x80, s23, s24, $0xb8;
	[tilespmem:$0x1C800] =	vst v63  }
0x92: {  	_ =	swait.ge [sflag:s21], $0x4000  }
0x93: {  	[sflag:s21] =	ssyncset.done $0x0  }
0x94: {  	[sflag:s21] =	ssyncadd.s32 $0xFFFFC000  }
0x95: {  	[tilespmem:s20], [sflag:$0x1] =	stream.indirect.gather [hbm4b:s4+s24], $0x80, s28, s24, $0xb8;
	[tilespmem:$0x1C800] =	vst v63  }
0x96: {  	_ =	swait.ge [sflag:s29], $0x4000  }
0x97: {  	[sflag:s29] =	ssyncset.done $0x0  }
0x98: {  	[sflag:s29] =	ssyncadd.s32 $0xFFFFC000  }
0x99: {  	[spmem:s2] =	stream.indirect.scatter.add.f32 [tilespmem:s25], [sflag:$0x3], $0x80, s30, s24, $0xb8;
	[tilespmem:$0x1C800] =	vst v63  }
0x9a: {  	_ =	swait.ge [sflag:s21], $0x4000  }
0x9b: {  	[sflag:s21] =	ssyncset.done $0x0  }
0x9c: {  	[sflag:s21] =	ssyncadd.s32 $0xFFFFC000  }
0x9d: {  	[tilespmem:s25], [sflag:$0x2] =	stream.indirect.gather [hbm4b:s4+s24], $0x80, s31, s24, $0xb8;
	[tilespmem:$0x1C800] =	vst v63  }
0x9e: {  	_ =	swait.ge [sflag:s26], $0x4000  }
0x9f: {  	[sflag:s26] =	ssyncset.done $0x0  }
0xa0: {  	[sflag:s26] =	ssyncadd.s32 $0xFFFFC000  }
0xa1: {  	[spmem:s2] =	stream.indirect.scatter.add.f32 [tilespmem:s20], [sflag:$0x3], $0x80, s1, s24, $0xb8;
	[tilespmem:$0x1C800] =	vst v63  }
0xa2: {  	_ =	swait.ge [sflag:s21], $0x4000  }
0xa3: {  	[sflag:s21] =	ssyncset.done $0x0  }
0xa4: {  	[sflag:s21] =	ssyncadd.s32 $0xFFFFC000  }
0xa5: {  	[tilespmem:s20], [sflag:$0x1] =	stream.indirect.gather [hbm4b:s4+s24], $0x80, s0, s24, $0xb8;
	[tilespmem:$0x1C800] =	vst v63  }
0xa6: {  	_ =	swait.ge [sflag:s29], $0x4000  }
0xa7: {  	[sflag:s29] =	ssyncset.done $0x0  }
0xa8: {  	[sflag:s29] =	ssyncadd.s32 $0xFFFFC000  }
0xa9: {  	[spmem:s2] =	stream.indirect.scatter.add.f32 [tilespmem:s25], [sflag:$0x3], $0x80, s5, s24, $0xb8;
	[tilespmem:$0x1C800] =	vst v63  }
0xaa: {  	_ =	swait.ge [sflag:s21], $0x4000  }
0xab: {  	[sflag:s21] =	ssyncset.done $0x0  }
0xac: {  	[sflag:s21] =	ssyncadd.s32 $0xFFFFC000  }
0xad: {  	[tilespmem:s25], [sflag:$0x2] =	stream.indirect.gather [hbm4b:s4+s24], $0x80, s12, s24, $0xb8;
	[tilespmem:$0x1C800] =	vst v63  }
0xae: {  	_ =	swait.ge [sflag:s26], $0x4000  }
0xaf: {  	[sflag:s26] =	ssyncset.done $0x0  }
0xb0: {  	[sflag:s26] =	ssyncadd.s32 $0xFFFFC000  }
0xb1: {  	[spmem:s2] =	stream.indirect.scatter.add.f32 [tilespmem:s20], [sflag:$0x3], $0x80, s13, s24, $0xb8;
	[tilespmem:$0x1C800] =	vst v63  }
0xb2: {  	_ =	swait.ge [sflag:s21], $0x4000  }
0xb3: {  	[sflag:s21] =	ssyncset.done $0x0  }
0xb4: {  	[sflag:s21] =	ssyncadd.s32 $0xFFFFC000  }
0xb5: {  	[tilespmem:s20], [sflag:$0x1] =	stream.indirect.gather [hbm4b:s4+s24], $0x80, s14, s24, $0xb8;
	[tilespmem:$0x1C800] =	vst v63  }
0xb6: {  	_ =	swait.ge [sflag:s29], $0x4000  }
0xb7: {  	[sflag:s29] =	ssyncset.done $0x0  }
0xb8: {  	[sflag:s29] =	ssyncadd.s32 $0xFFFFC000  }
0xb9: {  	[spmem:s2] =	stream.indirect.scatter.add.f32 [tilespmem:s25], [sflag:$0x3], $0x80, s15, s24, $0xb8;
	[tilespmem:$0x1C800] =	vst v63  }
0xba: {  	_ =	swait.ge [sflag:s21], $0x4000  }
0xbb: {  	[sflag:s21] =	ssyncset.done $0x0  }
0xbc: {  	[sflag:s21] =	ssyncadd.s32 $0xFFFFC000  }
0xbd: {  	[tilespmem:s25], [sflag:$0x2] =	stream.indirect.gather [hbm4b:s4+s24], $0x80, s16, s24, $0xb8;
	[tilespmem:$0x1C800] =	vst v63  }
0xbe: {  	_ =	swait.ge [sflag:s26], $0x4000  }
0xbf: {  	[sflag:s26] =	ssyncset.done $0x0  }
0xc0: {  	[sflag:s26] =	ssyncadd.s32 $0xFFFFC000  }
0xc1: {  	[spmem:s2] =	stream.indirect.scatter.add.f32 [tilespmem:s20], [sflag:$0x3], $0x80, s17, s24, $0xb8;
	[tilespmem:$0x1C800] =	vst v63  }
0xc2: {  	_ =	swait.ge [sflag:s21], $0x4000  }
0xc3: {  	[sflag:s21] =	ssyncset.done $0x0  }
0xc4: {  	[sflag:s21] =	ssyncadd.s32 $0xFFFFC000  }
0xc5: {  	p0 =	sne.s32 s9, $0x1;
	_ =	swait.ge [sflag:s29], $0x4000  }
.Ltmp1:
0xc6: {  	[sflag:s29] =	ssyncset.done $0x0;
	(pc) =	sbr.rel @p0 .LBB2_2-.Ltmp1, $4  }
0xc7: {  	[sflag:s29] =	ssyncadd.s32 $0xFFFFC000  }
0xc8: {  	[spmem:s2] =	stream.indirect.scatter.add.f32 [tilespmem:s25], [sflag:$0x3], $0x80, s7, s24, $0xb8;
	[tilespmem:$0x1C800] =	vst v63  }
0xc9: {  	_ =	swait.ge [sflag:s21], $0x4000  }
0xca: {  	s9 =	sadd.s32 $0xFFFFFFFF, s9;
	[sflag:s21] =	ssyncset.done $0x0  }
.LBB2_3:
0xcb: {  	[sflag:s21] =	ssyncadd.s32 $0xFFFFC000  }
0xcc: {  	[bflag:$0x0] =	sbarrier.arrive $0xFFFF  }
0xcd: {  	[tilespmem:s20], [sflag:$0x3] =	stream.linear.gather [spmem:s6], $0x4000, $0x38;
	[tilespmem:$0x1C800] =	vst v63  }
0xce: {  	_ =	swait.ge [sflag:s21], $0x4000  }
0xcf: {  	[sflag:s21] =	ssyncset.done $0x0  }
0xd0: {  	s18 =	rddreg [dreg:$0xa];
	[sflag:s21] =	ssyncadd.s32 $0xFFFFC000  }
0xd1: {  	[hbm4b:s18+s3] =	stream.linear.scatter [tilespmem:s20], [sflag:$0x3], $0x4000, $0x38;
	[tilespmem:$0x1C800] =	vst v63  }
0xd2: {  	_ =	swait.ge [sflag:s21], $0x4000  }
0xd3: {  	[sflag:s21] =	ssyncset.done $0x0  }
0xd4: {  	[sflag:s21] =	ssyncadd.s32 $0xFFFFC000  }
0xd5: {  	[tilespmem:s20], [sflag:$0x3] =	stream.linear.gather [spmem:s11], $0x4000, $0x38;
	[tilespmem:$0x1C800] =	vst v63  }
0xd6: {  	_ =	swait.ge [sflag:s21], $0x4000  }
0xd7: {  	[sflag:s21] =	ssyncset.done $0x0  }
0xd8: {  	s9 =	rddreg [dreg:$0xb];
	[sflag:s21] =	ssyncadd.s32 $0xFFFFC000  }
0xd9: {  	[hbm4b:s9+s3] =	stream.linear.scatter [tilespmem:s20], [sflag:$0x3], $0x4000, $0x38;
	[tilespmem:$0x1C800] =	vst v63  }
0xda: {  	_ =	swait.ge [sflag:s21], $0x4000  }
0xdb: {  	[sflag:s21] =	ssyncset.done $0x0  }
0xdc: {  	s18 =	rddreg [dreg:$0x6];
	[sflag:s21] =	ssyncadd.s32 $0xFFFFC000  }
0xdd: {  	[tilespmem:s20], [sflag:$0x3] =	stream.linear.gather [spmem:s18], $0x4000, $0x38;
	[tilespmem:$0x1C800] =	vst v63  }
0xde: {  	_ =	swait.ge [sflag:s21], $0x4000  }
0xdf: {  	[sflag:s21] =	ssyncset.done $0x0  }
0xe0: {  	s10 =	smov.u32 s11;
	s11 =	rddreg [dreg:$0xc];
	[sflag:s21] =	ssyncadd.s32 $0xFFFFC000  }
0xe1: {  	[hbm4b:s11+s3] =	stream.linear.scatter [tilespmem:s20], [sflag:$0x3], $0x4000, $0x38;
	[tilespmem:$0x1C800] =	vst v63  }
0xe2: {  	_ =	swait.ge [sflag:s21], $0x4000  }
0xe3: {  	[sflag:s21] =	ssyncset.done $0x0  }
0xe4: {  	s19 =	smov.u32 s6;
	s6 =	rddreg [dreg:$0x7];
	[sflag:s21] =	ssyncadd.s32 $0xFFFFC000  }
0xe5: {  	[tilespmem:s20], [sflag:$0x3] =	stream.linear.gather [spmem:s6], $0x4000, $0x38;
	[tilespmem:$0x1C800] =	vst v63  }
0xe6: {  	_ =	swait.ge [sflag:s21], $0x4000  }
0xe7: {  	[sflag:s21] =	ssyncset.done $0x0  }
0xe8: {  	s9 =	rddreg [dreg:$0xd];
	[sflag:s21] =	ssyncadd.s32 $0xFFFFC000  }
0xe9: {  	[hbm4b:s9+s3] =	stream.linear.scatter [tilespmem:s20], [sflag:$0x3], $0x4000, $0x38;
	[tilespmem:$0x1C800] =	vst v63  }
0xea: {  	_ =	swait.ge [sflag:s21], $0x4000  }
0xeb: {  	[sflag:s21] =	ssyncset.done $0x0  }
0xec: {  	s11 =	rddreg [dreg:$0x8];
	[sflag:s21] =	ssyncadd.s32 $0xFFFFC000  }
0xed: {  	[tilespmem:s20], [sflag:$0x3] =	stream.linear.gather [spmem:s11], $0x4000, $0x38;
	[tilespmem:$0x1C800] =	vst v63  }
0xee: {  	_ =	swait.ge [sflag:s21], $0x4000  }
0xef: {  	[sflag:s21] =	ssyncset.done $0x0  }
0xf0: {  	s9 =	rddreg [dreg:$0xe];
	[sflag:s21] =	ssyncadd.s32 $0xFFFFC000  }
0xf1: {  	[hbm4b:s9+s3] =	stream.linear.scatter [tilespmem:s20], [sflag:$0x3], $0x4000, $0x38;
	[tilespmem:$0x1C800] =	vst v63  }
0xf2: {  	_ =	swait.ge [sflag:s21], $0x4000  }
0xf3: {  	s8 =	sadd.s32 $0x1, s8;
	s9 =	rddreg [dreg:$0xf]  }
0xf4: {  	p0 =	sne.s32 s8, s9  }
.Ltmp2:
0xf5: {  	_ = 	snop;
	(pc) =	sbr.rel @p0 .LBB2_1-.Ltmp2, $3  }
0xf6: {  	_ =	sdelay $0x1  }
0xf7: {  	[sflag:s21] =	ssyncset.done $0x0  }
0xf8: {  	[sflag:s21] =	ssyncadd.s32 $0xFFFFC000  }
0xf9: {  	_ =	sfence.sel $0x180000  }
0xfa: {  	[bflag:$0x0] =	sbarrier.arrive $0xFFFF  }
0xfb: {  	_ =	strace $0x9000004A  }
0xfc: {  	s0 =	stileid.u32;
	[bflag:$0x2] =	sbarrier.arrive $0xFFFF  }
0xfd: {  	p0 =	sne.s32 s0, $0x0;
	s0 =	rddreg [dreg:$0x3]  }
0xfe: {  	s0 =	sadd.s32 @!p0 $0x100000, s0  }
0xff: {  	[sflag:s0] =	ssyncadd.tile.s32 @!p0 $0x1;
	_ =	shalt  }
.Lfunc_end2:
_tile_overlayer_lowered:
.L_overlay_start_2:
0x100: {  	(tag) =	ssettag $0x2  }
0x101: {  	s0 =	rddreg [dreg:$0x0];
	s2 =	stileid.u32  }
0x102: {  	s1 =	rddreg [dreg:$0x1];
	p0 =	sne.s32 s2, $0x0  }
0x103: {  	s3 =	rddreg [dreg:$0x2];
	[bflag:$0x3] =	sbarrier.arrive $0xFFFF;
	s2 =	simm.s32 @!p0 $0x1C03  }
0x104: {  	[timem:s3], [sflag:s2] =	dma.local @!p0 [hbm:s0], s1  }
0x105: {  	s0 =	simm.s32 @!p0 $0x3  }
0x106: {  	_ =	swait.ge @!p0 [sflag:s0], s1  }
0x107: {  	s1 =	ssub.s32 @!p0 $0x0, s1;
	[sflag:s0] =	ssyncset.done @!p0 $0x0  }
0x108: {  	[sflag:s0] =	ssyncadd.s32 @!p0 s1  }
0x109: {  	[bflag:$0x3] =	sbarrier.arrive $0xFFFF  }
0x10a: {  	_ =	shalt  }

// kernel: kernel.14.cloned.1.call-start
scs
__scs_entry_jumppad:
0x0: {  	(pc) =	sbr.rel $0x88, $3  }
0x1: {  	(tag) =	ssettag $0x0;
	lr =	simm.s32 $0x1  }
0x2: {  	[smem:$0x3F96] =	sst lr;
	_ =	strace $0xD0000000  }
0x3: {  	_ = 	snop  }
0x4: {  	_ = 	snop  }
0x5: {  	_ = 	snop  }
0x6: {  	_ = 	snop  }
0x7: {  	_ = 	snop  }
__scs_overlays_trampoline_lowered:
0x8: {  	[smem:$0x3FA5] =	sst s0  }
0x9: {  	[smem:$0x3FA6] =	sst s1  }
0xa: {  	[smem:$0x3FA7] =	sst s2  }
0xb: {  	[smem:$0x3FA8] =	sst s3  }
0xc: {  	[smem:$0x3FA9] =	sst s4  }
0xd: {  	[smem:$0x3FAA] =	sst s5  }
0xe: {  	[smem:$0x3FAB] =	sst s6  }
0xf: {  	[smem:$0x3FAC] =	sst s7  }
0x10: {  	[smem:$0x3FAD] =	sst s8  }
0x11: {  	[smem:$0x3FAE] =	sst s9;
	s0 =	simm.s32 @!p0 $0x0  }
0x12: {  	s1 =	sld [smem:$0x3F94];
	s0 =	simm.s32 @p0 $0x1  }
0x13: {  	[smem:$0x3FAF] =	sst s0;
	s0 =	simm.s32 @!p1 $0x0  }
0x14: {  	s2 =	sld [smem:$0x3F93];
	s0 =	simm.s32 @p1 $0x1  }
0x15: {  	[smem:$0x3FB0] =	sst s0;
	s0 =	simm.s32 @!p2 $0x0  }
0x16: {  	s3 =	sld [smem:$0x3FDB];
	s0 =	simm.s32 @p2 $0x1  }
0x17: {  	s4 =	simm.s32 $0x1BF5;
	[smem:$0x3FB2] =	sst s0  }
0x18: {  	s0 =	sld [smem:$0x3F95];
	_ =	swait.ge [sflag:s4], $0x0  }
0x19: {  	s7 =	sld [smem:$0x3F96]  }
0x1a: {  	s8 =	sadd.s32 $0xFFFFE003, lr  }
0x1b: {  	s9 =	sadd.s32 $0xFFFFFEF7, lr;
	s5 =	simm.s32 $0xFFFFFFFF;
	p2 =	slt.u32 s8, $0xFFFFF086  }
0x1c: {  	p1 =	slt.u32 s9, $0xF7A;
	s5 =	simm.s32 @!p2 $0x0  }
0x1d: {  	s5 =	simm.s32 @p1 $0x1;
	p0 =	seq.s32 s7, s2  }
0x1e: {  	s7 =	smul.u32 @!p0 $0xF7A, s2;
	p2 =	seq.s32 @!p0 s5, $0x0  }
0x1f: {  	s9 =	smul.u32 $0xF7A, s1;
	s8 =	simm.s32 @!p0 $0x1BF5;
	p2 =	por !p2, p0  }
0x20: {  	[sflag:s8] =	ssyncset.s32 @!p0 $0xFFFFF086;
	s6 =	sadd.s32 @!p0 s3, s7;
	s7 =	simm.s32 @!p0 $0x108  }
0x21: {  	s3 =	sadd.s32 s3, s9;
	s6 =	sadd.s32 @!p0 $0x88, s6;
	s7 =	simm.s32 @p2 $0x1082  }
0x22: {  	[simem:s7], [sflag:s8] =	dma.local @!p0 [hbm:s6], $0xF7A  }
0x23: {  	s9 =	sor.u32 $0xD0000000, s2;
	s6 =	simm.s32 $0x108;
	_ =	swait.ge @!p0 [sflag:s8], $0x0  }
0x24: {  	s3 =	sadd.s32 $0x88, s3;
	s6 =	simm.s32 @!p1 $0x1082;
	[sflag:s4] =	ssyncset.s32 $0xFFFFF086  }
0x25: {  	[simem:s6], [sflag:s4] =	dma.local [hbm:s3], $0xF7A  }
0x26: {  	[smem:$0x3F96] =	sst s1;
	(tag) =	ssettag s2;
	_ =	strace s9  }
0x27: {  	s1 =	sld [smem:$0x3FA6]  }
0x28: {  	s2 =	sld [smem:$0x3FA7]  }
0x29: {  	s4 =	sld [smem:$0x3FA9]  }
0x2a: {  	p0 =	seq.s32 s5, $0x0;
	s5 =	sld [smem:$0x3FAA]  }
0x2b: {  	s6 =	sld [smem:$0x3FAB]  }
0x2c: {  	s7 =	sld [smem:$0x3FAC]  }
0x2d: {  	s3 =	simm.s32 $0x108;
	s8 =	sld [smem:$0x3FAD]  }
0x2e: {  	s3 =	simm.s32 @!p0 $0x1082;
	s9 =	sld [smem:$0x3FAE]  }
0x2f: {  	lr =	sadd.s32 s0, s3;
	s0 =	sld [smem:$0x3FA5]  }
0x30: {  	s3 =	sld [smem:$0x3FA8]  }
0x31: {  	[smem:$0x3FB1] =	sst s10  }
0x32: {  	s10 =	sld [smem:$0x3FAF];
	_ =	sdelay $0x3  }
0x33: {  	p0 =	seq.s32 s10, $0x1;
	s10 =	sld [smem:$0x3FB1];
	_ =	sdelay $0x3  }
0x34: {  	[smem:$0x3FB1] =	sst s10  }
0x35: {  	s10 =	sld [smem:$0x3FB0];
	_ =	sdelay $0x3  }
0x36: {  	p1 =	seq.s32 s10, $0x1;
	s10 =	sld [smem:$0x3FB1];
	_ =	sdelay $0x3  }
0x37: {  	[smem:$0x3FB1] =	sst s10  }
0x38: {  	s10 =	sld [smem:$0x3FB2]  }
0x39: {  	_ = 	snop;
	(pc) =	sbr.ind lr, $3  }
0x3a: {  	_ = 	snop  }
0x3b: {  	_ = 	snop  }
0x3c: {  	p2 =	seq.s32 s10, $0x1;
	s10 =	sld [smem:$0x3FB1]  }
0x3d: {  	_ =	shalt  }
0x3e: {  	_ =	shalt  }
0x3f: {  	_ =	shalt  }
0x40: {  	_ =	shalt  }
0x41: {  	_ =	shalt  }
0x42: {  	_ =	shalt  }
0x43: {  	_ =	shalt  }
0x44: {  	_ =	shalt  }
0x45: {  	_ =	shalt  }
0x46: {  	_ =	shalt  }
0x47: {  	_ =	shalt  }
0x48: {  	_ =	shalt  }
0x49: {  	_ =	shalt  }
0x4a: {  	_ =	shalt  }
0x4b: {  	_ =	shalt  }
0x4c: {  	_ =	shalt  }
0x4d: {  	_ =	shalt  }
0x4e: {  	_ =	shalt  }
0x4f: {  	_ =	shalt  }
0x50: {  	_ =	shalt  }
0x51: {  	_ =	shalt  }
0x52: {  	_ =	shalt  }
0x53: {  	_ =	shalt  }
0x54: {  	_ =	shalt  }
0x55: {  	_ =	shalt  }
0x56: {  	_ =	shalt  }
0x57: {  	_ =	shalt  }
0x58: {  	_ =	shalt  }
0x59: {  	_ =	shalt  }
0x5a: {  	_ =	shalt  }
0x5b: {  	_ =	shalt  }
0x5c: {  	_ =	shalt  }
0x5d: {  	_ =	shalt  }
0x5e: {  	_ =	shalt  }
0x5f: {  	_ =	shalt  }
0x60: {  	_ =	shalt  }
0x61: {  	_ =	shalt  }
0x62: {  	_ =	shalt  }
0x63: {  	_ =	shalt  }
0x64: {  	_ =	shalt  }
0x65: {  	_ =	shalt  }
0x66: {  	_ =	shalt  }
0x67: {  	_ =	shalt  }
0x68: {  	_ =	shalt  }
0x69: {  	_ =	shalt  }
0x6a: {  	_ =	shalt  }
0x6b: {  	_ =	shalt  }
0x6c: {  	_ =	shalt  }
0x6d: {  	_ =	shalt  }
0x6e: {  	_ =	shalt  }
0x6f: {  	_ =	shalt  }
0x70: {  	_ =	shalt  }
0x71: {  	_ =	shalt  }
0x72: {  	_ =	shalt  }
0x73: {  	_ =	shalt  }
0x74: {  	_ =	shalt  }
0x75: {  	_ =	shalt  }
0x76: {  	_ =	shalt  }
0x77: {  	_ =	shalt  }
0x78: {  	_ =	shalt  }
0x79: {  	_ =	shalt  }
0x7a: {  	_ =	shalt  }
0x7b: {  	_ =	shalt  }
0x7c: {  	_ =	shalt  }
0x7d: {  	_ =	shalt  }
0x7e: {  	_ =	shalt  }
0x7f: {  	_ =	shalt  }
0x80: {  	_ =	shalt  }
0x81: {  	_ =	shalt  }
0x82: {  	_ =	shalt  }
0x83: {  	_ =	shalt  }
0x84: {  	_ =	shalt  }
0x85: {  	_ =	shalt  }
0x86: {  	_ =	shalt  }
0x87: {  	_ =	shalt  }
.Lfunc_end0:
.L_simem_size_0:
called_computation.2_lowered:
.L_overlay_start_0:
0x88: {  	s2 =	sld [smem:$0x3FD9]  }
0x89: {  	s3 =	sld [smem:$0x3FFE];
	_ =	sdelay $0x1  }
0x8a: {  	s1 =	srdreg.scid  }
0x8b: {  	s0 =	sand.u32 $0x1, s1  }
0x8c: {  	s17 =	sshll.u32 s0, $0xA;
	s2 =	sadd.s32 s3, s2  }
0x8d: {  	s2 =	sadd.s32 s2, s17  }
0x8e: {  	[smem:$0x3FBD] =	sst s2  }
0x8f: {  	_ = 	snop  }
0x90: {  	s2 =	sld [smem:$0x3FD0];
	(tm) =	ssettm $0x1  }
0x91: {  	s18 =	sld [smem:$0x3FFB];
	_ =	sdelay $0x3  }
0x92: {  	_ =	strace s18  }
0x93: {  	s3 =	sld [smem:$0x3FFC];
	_ =	sdelay $0x3  }
0x94: {  	_ =	strace s3  }
0x95: {  	s3 =	sld [smem:$0x3FFD];
	_ =	sdelay $0x3  }
0x96: {  	_ =	strace s3  }
0x97: {  	_ =	strace $0x8FFFFFFF  }
0x98: {  	s19 =	sld [smem:$0x3FDB];
	_ =	sdelay $0x1  }
0x99: {  	s4 =	simm.s32 $_scs_section_size  }
0x9a: {  	s5 =	simm.s32 $_size__tile_overlayer_lowered;
	s6 =	simm.s32 $_tile_overlayer_lowered  }
0x9b: {  	s22 =	simm.s32 $0x1BFF;
	s21 =	sshll.u32 s6, $0x1;
	s3 =	sadd.s32 s4, s19  }
0x9c: {  	s7 =	simm.s32 $0x0;
	s20 =	sshll.u32 s5, $0x1;
	s5 =	sadd.s32 s21, s3  }
0x9d: {  	[timem:s7], [sflag:s22] =	dma.local [hbm:s5], s20  }
0x9e: {  	_ =	swait.ge [sflag:s22], s20  }
0x9f: {  	s4 =	ssub.s32 $0x0, s20;
	[sflag:s22] =	ssyncset.done $0x0  }
0xa0: {  	[sflag:s22] =	ssyncadd.s32 s4;
	_ =	sdelay $0x1  }
0xa1: {  	s23 =	simm.s32 $0x1B8B  }
0xa2: {  	_ =	swait.ge [sflag:s23], $0x1  }
0xa3: {  	[sflag:s23] =	ssyncset.done $0x0  }
0xa4: {  	s25 =	simm.s32 $0x1B8E;
	s24 =	sld [smem:$0x3FFE];
	[sflag:s23] =	ssyncadd.s32 $0xFFFFFFFF  }
0xa5: {  	s26 =	simm.s32 $execute0_lowered;
	[smem:$0x3FD2] =	sst s25  }
0xa6: {  	s5 =	sshll.u32 s26, $0x1;
	_ =	strace $0x8000004C;
	[dreg:$0x1] =	wrdreg $0xFFFFFFFF  }
0xa7: {  	s28 =	simm.s32 $_size_execute0_lowered;
	s3 =	sadd.s32 s3, s5;
	[dreg:$0x0] =	wrdreg $0x0  }
0xa8: {  	s5 =	sshll.u32 s28, $0x1;
	[dreg:$0x2] =	wrdreg s3  }
0xa9: {  	[dreg:$0x3] =	wrdreg s5  }
0xaa: {  	[dreg:$0x4] =	wrdreg $0xC0  }
0xab: {  	_ =	task [dreg:s7], $0x5FFFF  }
0xac: {  	[dreg:$0x1] =	wrdreg $0xFFFFFFFF  }
0xad: {  	[dreg:$0x0] =	wrdreg $0x60  }
0xae: {  	[dreg:$0x2] =	wrdreg s24  }
0xaf: {  	[dreg:$0x3] =	wrdreg s2  }
0xb0: {  	[dreg:$0x4] =	wrdreg $0x0  }
0xb1: {  	[dreg:$0x5] =	wrdreg $0x9  }
0xb2: {  	_ =	task.clear_ibuf [dreg:s7], $0x6FFFF;
	_ =	strace $0x9000004C  }
0xb3: {  	s29 =	simm.s32 $0x9;
	_ =	strace $0x8000004E  }
0xb4: {  	_ =	swait.ge [sflag:s29], $0x1  }
0xb5: {  	[sflag:s29] =	ssyncadd.s32 $0xFFFFFFFF  }
0xb6: {  	_ =	strace $0x9000004E  }
0xb7: {  	_ =	sfence  }
0xb8: {  	s30 =	sld [smem:$0x0];
	_ =	sdelay $0x2  }
0xb9: {  	s31 =	sshll.u32 s1, $0xD;
	s1 =	sshrl.u32 s1, $0x2  }
0xba: {  	s3 =	sand.u32 $0x4000, s31;
	s1 =	sadd.s32 s1, s30  }
0xbb: {  	s0 =	sor.u32 s3, s0;
	s1 =	sshll.u32 s1, $0x11  }
0xbc: {  	s0 =	sor.u32 s1, s0  }
0xbd: {  	s0 =	sadd.s32 $0x8F2B, s0  }
0xbe: {  	[sflag:s0] =	ssyncadd.remote.s32 $0x1  }
0xbf: {  	_ =	sfence.sel $0xFFFF  }
0xc0: {  	[dreg:$0x0] =	wrdreg $0xFFFFFFFF;
	(pc) =	sbr.abs _section_cstart, $3  }
0xc1: {  	[dreg:$0x1] =	wrdreg $0xFFFFFFFF  }
0xc2: {  	_ =	task.clear_ibuf [dreg:s7], $0x2FFFF;
	_ =	strace $0x9FFFFFFF  }
0xc3: {  	(tm) =	ssettm $0x7FFFFFFF  }
tec
execute0_lowered:
.L_overlay_start_1:
0x0: {  	(tag) =	ssettag $0x1  }
0x1: {  	s0 =	rddreg [dreg:$0x0]  }
0x2: {  	s1 =	rddreg [dreg:$0x1]  }
0x3: {  	s3 =	srdreg.scid;
	s10 =	stileid.u32  }
0x4: {  	s2 =	rddreg [dreg:$0x2];
	s26 =	simm.s32 $0x14080;
	s28 =	simm.s32 $0x14100  }
0x5: {  	s29 =	simm.s32 $0x2;
	s30 =	simm.s32 $0x14480;
	s4 =	smul.u32 $0xA0, s10  }
0x6: {  	s31 =	simm.s32 $0x14180;
	s13 =	simm.s32 $0x14600;
	s14 =	smul.u32 $0x280, s10  }
0x7: {  	s5 =	sand.u32 $0x1, s3;
	s3 =	simm.s32 $0x0;
	s10 =	smul.u32 $0x50000, s10  }
0x8: {  	s11 =	sadd.s32 $0x68600, s0;
	s6 =	sshll.u32 s5, $0x7;
	[smem:$0x7FF] =	sst s3  }
0x9: {  	s8 =	smul.u32 $0x2800, s5;
	s15 =	ssub.s32 $0x2, s5;
	p0 =	seq.s32 s5, $0x0  }
0xa: {  	s5 =	simm.s32 $0x10;
	s4 =	sadd.s32 s6, s4;
	_ =	strace $0x8000004D  }
0xb: {  	[dreg:$0x5] =	wrdreg s11;
	s16 =	sshrl.u32 s15, $0x1;
	s10 =	sshrl.u32 s10, $0x2  }
0xc: {  	s5 =	simm.s32 @!p0 $0x4;
	[dreg:$0x4] =	wrdreg s26;
	s26 =	simm.s32 $0x1  }
0xd: {  	s11 =	simm.s32 $0x14280;
	s7 =	sshll.u32 s4, $0x4;
	s4 =	sadd.s32 $0x68E00, s0  }
0xe: {  	s6 =	sadd.s32 s14, s8;
	s8 =	ssub.s32 s15, s16;
	s19 =	sadd.s32 s10, s2  }
0xf: {  	[dreg:$0xa] =	wrdreg s5;
	s5 =	simm.s32 $0x14580;
	s14 =	simm.s32 $0x14300  }
0x10: {  	s15 =	simm.s32 $0x14680;
	s16 =	simm.s32 $0x14380;
	s23 =	smax.u32 s8, $0x1  }
0x11: {  	s9 =	sadd.s32 s7, s0;
	s25 =	sadd.s32 s7, s1;
	[dreg:$0xf] =	wrdreg s23  }
0x12: {  	s6 =	sshll.u32 s6, $0x4;
	s18 =	sadd.s32 $0x8000, s19;
	[dreg:$0x11] =	wrdreg s25  }
0x13: {  	s12 =	sadd.s32 $0x4000, s19;
	s10 =	sadd.s32 $0x10000, s19;
	[dreg:$0x6] =	wrdreg s18  }
0x14: {  	s1 =	simm.s32 $0x14500;
	s24 =	sadd.s32 $0x3C00, s9;
	[dreg:$0x8] =	wrdreg s10  }
0x15: {  	s0 =	sadd.s32 s6, s0;
	s6 =	sadd.s32 $0xC000, s19;
	[dreg:$0x10] =	wrdreg s24  }
0x16: {  	s7 =	simm.s32 $0x14780;
	s17 =	sadd.s32 $0x108E00, s0;
	[dreg:$0x7] =	wrdreg s6  }
0x17: {  	s8 =	simm.s32 $0x0;
	s20 =	sadd.s32 $0x109600, s0;
	[dreg:$0x9] =	wrdreg s17  }
0x18: {  	s23 =	simm.s32 $0x14400;
	s21 =	sadd.s32 $0x109E00, s0;
	[dreg:$0xb] =	wrdreg s20  }
0x19: {  	s25 =	simm.s32 $0x18800;
	s22 =	sadd.s32 $0x10A600, s0;
	[dreg:$0xc] =	wrdreg s21  }
0x1a: {  	s0 =	sadd.s32 $0x10AE00, s0;
	s24 =	simm.s32 $0x80;
	[dreg:$0xd] =	wrdreg s22  }
0x1b: {  	[dreg:$0xe] =	wrdreg s0;
	s20 =	simm.s32 $0x14800;
	s21 =	simm.s32 $0x3  }
0x1c: {  	s22 =	simm.s32 $0x14000;
	s0 =	simm.s32 $0x14200;
	s17 =	simm.s32 $0x14700  }
.LBB2_1:
0x1d: {  	s9 =	rddreg [dreg:$0x5]  }
0x1e: {  	[tilespmem:s20], [sflag:$0x3] =	stream.linear.gather [hbm4b:s9+s3], $0x4000, $0x38;
	[tilespmem:$0x1C800] =	vst v63  }
0x1f: {  	_ =	swait.ge [sflag:s21], $0x4000  }
0x20: {  	[sflag:s21] =	ssyncset.done $0x0  }
0x21: {  	[sflag:s21] =	ssyncadd.s32 $0xFFFFC000  }
0x22: {  	[spmem:s19] =	stream.linear.scatter [tilespmem:s20], [sflag:$0x3], $0x4000, $0x38;
	[tilespmem:$0x1C800] =	vst v63  }
0x23: {  	_ =	swait.ge [sflag:s21], $0x4000  }
0x24: {  	[sflag:s21] =	ssyncset.done $0x0  }
0x25: {  	[sflag:s21] =	ssyncadd.s32 $0xFFFFC000  }
0x26: {  	[spmem:s12] =	stream.linear.scatter [tilespmem:s20], [sflag:$0x3], $0x4000, $0x38;
	[tilespmem:$0x1C800] =	vst v63  }
0x27: {  	_ =	swait.ge [sflag:s21], $0x4000  }
0x28: {  	[sflag:s21] =	ssyncset.done $0x0  }
0x29: {  	[sflag:s21] =	ssyncadd.s32 $0xFFFFC000  }
0x2a: {  	[spmem:s18] =	stream.linear.scatter [tilespmem:s20], [sflag:$0x3], $0x4000, $0x38;
	[tilespmem:$0x1C800] =	vst v63  }
0x2b: {  	_ =	swait.ge [sflag:s21], $0x4000  }
0x2c: {  	[sflag:s21] =	ssyncset.done $0x0  }
0x2d: {  	s9 =	smov.u32 s6;
	[sflag:s21] =	ssyncadd.s32 $0xFFFFC000  }
0x2e: {  	[spmem:s9] =	stream.linear.scatter [tilespmem:s20], [sflag:$0x3], $0x4000, $0x38;
	[tilespmem:$0x1C800] =	vst v63  }
0x2f: {  	_ =	swait.ge [sflag:s21], $0x4000  }
0x30: {  	[sflag:s21] =	ssyncset.done $0x0  }
0x31: {  	s6 =	smov.u32 s19;
	s19 =	smov.u32 s10;
	[sflag:s21] =	ssyncadd.s32 $0xFFFFC000  }
0x32: {  	[spmem:s19] =	stream.linear.scatter [tilespmem:s20], [sflag:$0x3], $0x4000, $0x38;
	[tilespmem:$0x1C800] =	vst v63  }
0x33: {  	_ =	swait.ge [sflag:s21], $0x4000  }
0x34: {  	[sflag:s21] =	ssyncset.done $0x0  }
0x35: {  	[sflag:s21] =	ssyncadd.s32 $0xFFFFC000  }
0x36: {  	[bflag:$0x0] =	sbarrier.arrive $0xFFFF  }
0x37: {  	s19 =	rddreg [dreg:$0x11]  }
0x38: {  	[tilespmem:s22], [sflag:$0x3] =	stream.linear.gather [hbm4b:s19+s3], $0x400, $0x38;
	[tilespmem:$0x1C800] =	vst v63  }
0x39: {  	_ =	swait.ge [sflag:s21], $0x400  }
0x3a: {  	[sflag:s21] =	ssyncset.done $0x0  }
0x3b: {  	s18 =	rddreg [dreg:$0x10];
	[sflag:s21] =	ssyncadd.s32 $0xFFFFFC00  }
0x3c: {  	[tilespmem:s23], [sflag:$0x3] =	stream.linear.gather [hbm4b:s18+s3], $0x400, $0x38;
	[tilespmem:$0x1C800] =	vst v63  }
0x3d: {  	_ =	swait.ge [sflag:s21], $0x400  }
0x3e: {  	[sflag:s21] =	ssyncset.done $0x0  }
0x3f: {  	[sflag:s21] =	ssyncadd.s32 $0xFFFFFC00  }
0x40: {  	[tilespmem:s20], [sflag:$0x1] =	stream.indirect.gather [hbm4b:s4+s24], $0x80, s22, s24, $0xb8;
	[tilespmem:$0x1C800] =	vst v63  }
0x41: {  	s10 =	smov.u32 s12;
	s12 =	rddreg [dreg:$0x4]  }
0x42: {  	[tilespmem:s25], [sflag:$0x2] =	stream.indirect.gather [hbm4b:s4+s24], $0x80, s12, s24, $0xb8;
	[tilespmem:$0x1C800] =	vst v63  }
0x43: {  	_ =	swait.ge [sflag:s26], $0x4000  }
0x44: {  	[sflag:s26] =	ssyncset.done $0x0  }
0x45: {  	[sflag:s26] =	ssyncadd.s32 $0xFFFFC000  }
0x46: {  	[spmem:s2] =	stream.indirect.scatter.add.f32 [tilespmem:s20], [sflag:$0x3], $0x80, s23, s24, $0xb8;
	[tilespmem:$0x1C800] =	vst v63  }
0x47: {  	_ =	swait.ge [sflag:s21], $0x4000  }
0x48: {  	[sflag:s21] =	ssyncset.done $0x0  }
0x49: {  	[sflag:s21] =	ssyncadd.s32 $0xFFFFC000  }
0x4a: {  	[tilespmem:s20], [sflag:$0x1] =	stream.indirect.gather [hbm4b:s4+s24], $0x80, s28, s24, $0xb8;
	[tilespmem:$0x1C800] =	vst v63  }
0x4b: {  	_ =	swait.ge [sflag:s29], $0x4000  }
0x4c: {  	[sflag:s29] =	ssyncset.done $0x0  }
0x4d: {  	[sflag:s29] =	ssyncadd.s32 $0xFFFFC000  }
0x4e: {  	[spmem:s2] =	stream.indirect.scatter.add.f32 [tilespmem:s25], [sflag:$0x3], $0x80, s30, s24, $0xb8;
	[tilespmem:$0x1C800] =	vst v63  }
0x4f: {  	_ =	swait.ge [sflag:s21], $0x4000  }
0x50: {  	[sflag:s21] =	ssyncset.done $0x0  }
0x51: {  	[sflag:s21] =	ssyncadd.s32 $0xFFFFC000  }
0x52: {  	[tilespmem:s25], [sflag:$0x2] =	stream.indirect.gather [hbm4b:s4+s24], $0x80, s31, s24, $0xb8;
	[tilespmem:$0x1C800] =	vst v63  }
0x53: {  	_ =	swait.ge [sflag:s26], $0x4000  }
0x54: {  	[sflag:s26] =	ssyncset.done $0x0  }
0x55: {  	[sflag:s26] =	ssyncadd.s32 $0xFFFFC000  }
0x56: {  	[spmem:s2] =	stream.indirect.scatter.add.f32 [tilespmem:s20], [sflag:$0x3], $0x80, s1, s24, $0xb8;
	[tilespmem:$0x1C800] =	vst v63  }
0x57: {  	_ =	swait.ge [sflag:s21], $0x4000  }
0x58: {  	[sflag:s21] =	ssyncset.done $0x0  }
0x59: {  	[sflag:s21] =	ssyncadd.s32 $0xFFFFC000  }
0x5a: {  	[tilespmem:s20], [sflag:$0x1] =	stream.indirect.gather [hbm4b:s4+s24], $0x80, s0, s24, $0xb8;
	[tilespmem:$0x1C800] =	vst v63  }
0x5b: {  	_ =	swait.ge [sflag:s29], $0x4000  }
0x5c: {  	[sflag:s29] =	ssyncset.done $0x0  }
0x5d: {  	[sflag:s29] =	ssyncadd.s32 $0xFFFFC000  }
0x5e: {  	[spmem:s2] =	stream.indirect.scatter.add.f32 [tilespmem:s25], [sflag:$0x3], $0x80, s5, s24, $0xb8;
	[tilespmem:$0x1C800] =	vst v63  }
0x5f: {  	_ =	swait.ge [sflag:s21], $0x4000  }
0x60: {  	[sflag:s21] =	ssyncset.done $0x0  }
0x61: {  	[sflag:s21] =	ssyncadd.s32 $0xFFFFC000  }
0x62: {  	[tilespmem:s25], [sflag:$0x2] =	stream.indirect.gather [hbm4b:s4+s24], $0x80, s11, s24, $0xb8;
	[tilespmem:$0x1C800] =	vst v63  }
0x63: {  	_ =	swait.ge [sflag:s26], $0x4000  }
0x64: {  	[sflag:s26] =	ssyncset.done $0x0  }
0x65: {  	[sflag:s26] =	ssyncadd.s32 $0xFFFFC000  }
0x66: {  	[spmem:s2] =	stream.indirect.scatter.add.f32 [tilespmem:s20], [sflag:$0x3], $0x80, s13, s24, $0xb8;
	[tilespmem:$0x1C800] =	vst v63  }
0x67: {  	_ =	swait.ge [sflag:s21], $0x4000  }
0x68: {  	[sflag:s21] =	ssyncset.done $0x0  }
0x69: {  	[sflag:s21] =	ssyncadd.s32 $0xFFFFC000  }
0x6a: {  	[tilespmem:s20], [sflag:$0x1] =	stream.indirect.gather [hbm4b:s4+s24], $0x80, s14, s24, $0xb8;
	[tilespmem:$0x1C800] =	vst v63  }
0x6b: {  	_ =	swait.ge [sflag:s29], $0x4000  }
0x6c: {  	[sflag:s29] =	ssyncset.done $0x0  }
0x6d: {  	[sflag:s29] =	ssyncadd.s32 $0xFFFFC000  }
0x6e: {  	[spmem:s2] =	stream.indirect.scatter.add.f32 [tilespmem:s25], [sflag:$0x3], $0x80, s15, s24, $0xb8;
	[tilespmem:$0x1C800] =	vst v63  }
0x6f: {  	_ =	swait.ge [sflag:s21], $0x4000  }
0x70: {  	[sflag:s21] =	ssyncset.done $0x0  }
0x71: {  	[sflag:s21] =	ssyncadd.s32 $0xFFFFC000  }
0x72: {  	[tilespmem:s25], [sflag:$0x2] =	stream.indirect.gather [hbm4b:s4+s24], $0x80, s16, s24, $0xb8;
	[tilespmem:$0x1C800] =	vst v63  }
0x73: {  	_ =	swait.ge [sflag:s26], $0x4000  }
0x74: {  	[sflag:s26] =	ssyncset.done $0x0  }
0x75: {  	[sflag:s26] =	ssyncadd.s32 $0xFFFFC000  }
0x76: {  	[spmem:s2] =	stream.indirect.scatter.add.f32 [tilespmem:s20], [sflag:$0x3], $0x80, s17, s24, $0xb8;
	[tilespmem:$0x1C800] =	vst v63  }
0x77: {  	_ =	swait.ge [sflag:s21], $0x4000  }
0x78: {  	[sflag:s21] =	ssyncset.done $0x0  }
0x79: {  	[sflag:s21] =	ssyncadd.s32 $0xFFFFC000  }
0x7a: {  	_ =	swait.ge [sflag:s29], $0x4000  }
0x7b: {  	s12 =	rddreg [dreg:$0xa]  }
0x7c: {  	p0 =	sne.s32 s12, $0x1  }
.Ltmp0:
0x7d: {  	[sflag:s29] =	ssyncset.done $0x0;
	(pc) =	sbr.rel @!p0 .LBB2_3-.Ltmp0, $4  }
0x7e: {  	[sflag:s29] =	ssyncadd.s32 $0xFFFFC000  }
0x7f: {  	[spmem:s2] =	stream.indirect.scatter.add.f32 [tilespmem:s25], [sflag:$0x3], $0x80, s7, s24, $0xb8;
	[tilespmem:$0x1C800] =	vst v63  }
0x80: {  	_ =	swait.ge [sflag:s21], $0x4000  }
0x81: {  	s9 =	sadd.s32 $0xFFFFFFFF, s12;
	[sflag:s21] =	ssyncset.done $0x0  }
.LBB2_2:
0x82: {  	[sflag:s21] =	ssyncadd.s32 $0xFFFFC000;
	s19 =	sadd.s32 $0x80, s19  }
0x83: {  	[tilespmem:s22], [sflag:$0x3] =	stream.linear.gather [hbm4b:s19+s3], $0x400, $0x38;
	[tilespmem:$0x1C800] =	vst v63  }
0x84: {  	_ =	swait.ge [sflag:s21], $0x400  }
0x85: {  	[sflag:s21] =	ssyncset.done $0x0  }
0x86: {  	s18 =	sadd.s32 $0x80, s18;
	[sflag:s21] =	ssyncadd.s32 $0xFFFFFC00  }
0x87: {  	[tilespmem:s23], [sflag:$0x3] =	stream.linear.gather [hbm4b:s18+s3], $0x400, $0x38;
	[tilespmem:$0x1C800] =	vst v63  }
0x88: {  	_ =	swait.ge [sflag:s21], $0x400  }
0x89: {  	[sflag:s21] =	ssyncset.done $0x0  }
0x8a: {  	[sflag:s21] =	ssyncadd.s32 $0xFFFFFC00  }
0x8b: {  	[tilespmem:s20], [sflag:$0x1] =	stream.indirect.gather [hbm4b:s4+s24], $0x80, s22, s24, $0xb8;
	[tilespmem:$0x1C800] =	vst v63  }
0x8c: {  	s12 =	rddreg [dreg:$0x4]  }
0x8d: {  	[tilespmem:s25], [sflag:$0x2] =	stream.indirect.gather [hbm4b:s4+s24], $0x80, s12, s24, $0xb8;
	[tilespmem:$0x1C800] =	vst v63  }
0x8e: {  	_ =	swait.ge [sflag:s26], $0x4000  }
0x8f: {  	[sflag:s26] =	ssyncset.done $0x0  }
0x90: {  	[sflag:s26] =	ssyncadd.s32 $0xFFFFC000  }
0x91: {  	[spmem:s2] =	stream.indirect.scatter.add.f32 [tilespmem:s20], [sflag:$0x3], $0x80, s23, s24, $0xb8;
	[tilespmem:$0x1C800] =	vst v63  }
0x92: {  	_ =	swait.ge [sflag:s21], $0x4000  }
0x93: {  	[sflag:s21] =	ssyncset.done $0x0  }
0x94: {  	[sflag:s21] =	ssyncadd.s32 $0xFFFFC000  }
0x95: {  	[tilespmem:s20], [sflag:$0x1] =	stream.indirect.gather [hbm4b:s4+s24], $0x80, s28, s24, $0xb8;
	[tilespmem:$0x1C800] =	vst v63  }
0x96: {  	_ =	swait.ge [sflag:s29], $0x4000  }
0x97: {  	[sflag:s29] =	ssyncset.done $0x0  }
0x98: {  	[sflag:s29] =	ssyncadd.s32 $0xFFFFC000  }
0x99: {  	[spmem:s2] =	stream.indirect.scatter.add.f32 [tilespmem:s25], [sflag:$0x3], $0x80, s30, s24, $0xb8;
	[tilespmem:$0x1C800] =	vst v63  }
0x9a: {  	_ =	swait.ge [sflag:s21], $0x4000  }
0x9b: {  	[sflag:s21] =	ssyncset.done $0x0  }
0x9c: {  	[sflag:s21] =	ssyncadd.s32 $0xFFFFC000  }
0x9d: {  	[tilespmem:s25], [sflag:$0x2] =	stream.indirect.gather [hbm4b:s4+s24], $0x80, s31, s24, $0xb8;
	[tilespmem:$0x1C800] =	vst v63  }
0x9e: {  	_ =	swait.ge [sflag:s26], $0x4000  }
0x9f: {  	[sflag:s26] =	ssyncset.done $0x0  }
0xa0: {  	[sflag:s26] =	ssyncadd.s32 $0xFFFFC000  }
0xa1: {  	[spmem:s2] =	stream.indirect.scatter.add.f32 [tilespmem:s20], [sflag:$0x3], $0x80, s1, s24, $0xb8;
	[tilespmem:$0x1C800] =	vst v63  }
0xa2: {  	_ =	swait.ge [sflag:s21], $0x4000  }
0xa3: {  	[sflag:s21] =	ssyncset.done $0x0  }
0xa4: {  	[sflag:s21] =	ssyncadd.s32 $0xFFFFC000  }
0xa5: {  	[tilespmem:s20], [sflag:$0x1] =	stream.indirect.gather [hbm4b:s4+s24], $0x80, s0, s24, $0xb8;
	[tilespmem:$0x1C800] =	vst v63  }
0xa6: {  	_ =	swait.ge [sflag:s29], $0x4000  }
0xa7: {  	[sflag:s29] =	ssyncset.done $0x0  }
0xa8: {  	[sflag:s29] =	ssyncadd.s32 $0xFFFFC000  }
0xa9: {  	[spmem:s2] =	stream.indirect.scatter.add.f32 [tilespmem:s25], [sflag:$0x3], $0x80, s5, s24, $0xb8;
	[tilespmem:$0x1C800] =	vst v63  }
0xaa: {  	_ =	swait.ge [sflag:s21], $0x4000  }
0xab: {  	[sflag:s21] =	ssyncset.done $0x0  }
0xac: {  	[sflag:s21] =	ssyncadd.s32 $0xFFFFC000  }
0xad: {  	[tilespmem:s25], [sflag:$0x2] =	stream.indirect.gather [hbm4b:s4+s24], $0x80, s11, s24, $0xb8;
	[tilespmem:$0x1C800] =	vst v63  }
0xae: {  	_ =	swait.ge [sflag:s26], $0x4000  }
0xaf: {  	[sflag:s26] =	ssyncset.done $0x0  }
0xb0: {  	[sflag:s26] =	ssyncadd.s32 $0xFFFFC000  }
0xb1: {  	[spmem:s2] =	stream.indirect.scatter.add.f32 [tilespmem:s20], [sflag:$0x3], $0x80, s13, s24, $0xb8;
	[tilespmem:$0x1C800] =	vst v63  }
0xb2: {  	_ =	swait.ge [sflag:s21], $0x4000  }
0xb3: {  	[sflag:s21] =	ssyncset.done $0x0  }
0xb4: {  	[sflag:s21] =	ssyncadd.s32 $0xFFFFC000  }
0xb5: {  	[tilespmem:s20], [sflag:$0x1] =	stream.indirect.gather [hbm4b:s4+s24], $0x80, s14, s24, $0xb8;
	[tilespmem:$0x1C800] =	vst v63  }
0xb6: {  	_ =	swait.ge [sflag:s29], $0x4000  }
0xb7: {  	[sflag:s29] =	ssyncset.done $0x0  }
0xb8: {  	[sflag:s29] =	ssyncadd.s32 $0xFFFFC000  }
0xb9: {  	[spmem:s2] =	stream.indirect.scatter.add.f32 [tilespmem:s25], [sflag:$0x3], $0x80, s15, s24, $0xb8;
	[tilespmem:$0x1C800] =	vst v63  }
0xba: {  	_ =	swait.ge [sflag:s21], $0x4000  }
0xbb: {  	[sflag:s21] =	ssyncset.done $0x0  }
0xbc: {  	[sflag:s21] =	ssyncadd.s32 $0xFFFFC000  }
0xbd: {  	[tilespmem:s25], [sflag:$0x2] =	stream.indirect.gather [hbm4b:s4+s24], $0x80, s16, s24, $0xb8;
	[tilespmem:$0x1C800] =	vst v63  }
0xbe: {  	_ =	swait.ge [sflag:s26], $0x4000  }
0xbf: {  	[sflag:s26] =	ssyncset.done $0x0  }
0xc0: {  	[sflag:s26] =	ssyncadd.s32 $0xFFFFC000  }
0xc1: {  	[spmem:s2] =	stream.indirect.scatter.add.f32 [tilespmem:s20], [sflag:$0x3], $0x80, s17, s24, $0xb8;
	[tilespmem:$0x1C800] =	vst v63  }
0xc2: {  	_ =	swait.ge [sflag:s21], $0x4000  }
0xc3: {  	[sflag:s21] =	ssyncset.done $0x0  }
0xc4: {  	[sflag:s21] =	ssyncadd.s32 $0xFFFFC000  }
0xc5: {  	p0 =	sne.s32 s9, $0x1;
	_ =	swait.ge [sflag:s29], $0x4000  }
.Ltmp1:
0xc6: {  	[sflag:s29] =	ssyncset.done $0x0;
	(pc) =	sbr.rel @p0 .LBB2_2-.Ltmp1, $4  }
0xc7: {  	[sflag:s29] =	ssyncadd.s32 $0xFFFFC000  }
0xc8: {  	[spmem:s2] =	stream.indirect.scatter.add.f32 [tilespmem:s25], [sflag:$0x3], $0x80, s7, s24, $0xb8;
	[tilespmem:$0x1C800] =	vst v63  }
0xc9: {  	_ =	swait.ge [sflag:s21], $0x4000  }
0xca: {  	s9 =	sadd.s32 $0xFFFFFFFF, s9;
	[sflag:s21] =	ssyncset.done $0x0  }
.LBB2_3:
0xcb: {  	[sflag:s21] =	ssyncadd.s32 $0xFFFFC000  }
0xcc: {  	[bflag:$0x0] =	sbarrier.arrive $0xFFFF  }
0xcd: {  	[tilespmem:s20], [sflag:$0x3] =	stream.linear.gather [spmem:s6], $0x4000, $0x38;
	[tilespmem:$0x1C800] =	vst v63  }
0xce: {  	_ =	swait.ge [sflag:s21], $0x4000  }
0xcf: {  	[sflag:s21] =	ssyncset.done $0x0  }
0xd0: {  	s18 =	rddreg [dreg:$0x9];
	[sflag:s21] =	ssyncadd.s32 $0xFFFFC000  }
0xd1: {  	[hbm4b:s18+s3] =	stream.linear.scatter [tilespmem:s20], [sflag:$0x3], $0x4000, $0x38;
	[tilespmem:$0x1C800] =	vst v63  }
0xd2: {  	_ =	swait.ge [sflag:s21], $0x4000  }
0xd3: {  	[sflag:s21] =	ssyncset.done $0x0  }
0xd4: {  	[sflag:s21] =	ssyncadd.s32 $0xFFFFC000  }
0xd5: {  	[tilespmem:s20], [sflag:$0x3] =	stream.linear.gather [spmem:s10], $0x4000, $0x38;
	[tilespmem:$0x1C800] =	vst v63  }
0xd6: {  	_ =	swait.ge [sflag:s21], $0x4000  }
0xd7: {  	[sflag:s21] =	ssyncset.done $0x0  }
0xd8: {  	s9 =	rddreg [dreg:$0xb];
	[sflag:s21] =	ssyncadd.s32 $0xFFFFC000  }
0xd9: {  	[hbm4b:s9+s3] =	stream.linear.scatter [tilespmem:s20], [sflag:$0x3], $0x4000, $0x38;
	[tilespmem:$0x1C800] =	vst v63  }
0xda: {  	_ =	swait.ge [sflag:s21], $0x4000  }
0xdb: {  	[sflag:s21] =	ssyncset.done $0x0  }
0xdc: {  	s18 =	rddreg [dreg:$0x6];
	[sflag:s21] =	ssyncadd.s32 $0xFFFFC000  }
0xdd: {  	[tilespmem:s20], [sflag:$0x3] =	stream.linear.gather [spmem:s18], $0x4000, $0x38;
	[tilespmem:$0x1C800] =	vst v63  }
0xde: {  	_ =	swait.ge [sflag:s21], $0x4000  }
0xdf: {  	[sflag:s21] =	ssyncset.done $0x0  }
0xe0: {  	s12 =	smov.u32 s10;
	s10 =	rddreg [dreg:$0xc];
	[sflag:s21] =	ssyncadd.s32 $0xFFFFC000  }
0xe1: {  	[hbm4b:s10+s3] =	stream.linear.scatter [tilespmem:s20], [sflag:$0x3], $0x4000, $0x38;
	[tilespmem:$0x1C800] =	vst v63  }
0xe2: {  	_ =	swait.ge [sflag:s21], $0x4000  }
0xe3: {  	[sflag:s21] =	ssyncset.done $0x0  }
0xe4: {  	s19 =	smov.u32 s6;
	s6 =	rddreg [dreg:$0x7];
	[sflag:s21] =	ssyncadd.s32 $0xFFFFC000  }
0xe5: {  	[tilespmem:s20], [sflag:$0x3] =	stream.linear.gather [spmem:s6], $0x4000, $0x38;
	[tilespmem:$0x1C800] =	vst v63  }
0xe6: {  	_ =	swait.ge [sflag:s21], $0x4000  }
0xe7: {  	[sflag:s21] =	ssyncset.done $0x0  }
0xe8: {  	s9 =	rddreg [dreg:$0xd];
	[sflag:s21] =	ssyncadd.s32 $0xFFFFC000  }
0xe9: {  	[hbm4b:s9+s3] =	stream.linear.scatter [tilespmem:s20], [sflag:$0x3], $0x4000, $0x38;
	[tilespmem:$0x1C800] =	vst v63  }
0xea: {  	_ =	swait.ge [sflag:s21], $0x4000  }
0xeb: {  	[sflag:s21] =	ssyncset.done $0x0  }
0xec: {  	s10 =	rddreg [dreg:$0x8];
	[sflag:s21] =	ssyncadd.s32 $0xFFFFC000  }
0xed: {  	[tilespmem:s20], [sflag:$0x3] =	stream.linear.gather [spmem:s10], $0x4000, $0x38;
	[tilespmem:$0x1C800] =	vst v63  }
0xee: {  	_ =	swait.ge [sflag:s21], $0x4000  }
0xef: {  	[sflag:s21] =	ssyncset.done $0x0  }
0xf0: {  	s9 =	rddreg [dreg:$0xe];
	[sflag:s21] =	ssyncadd.s32 $0xFFFFC000  }
0xf1: {  	[hbm4b:s9+s3] =	stream.linear.scatter [tilespmem:s20], [sflag:$0x3], $0x4000, $0x38;
	[tilespmem:$0x1C800] =	vst v63  }
0xf2: {  	_ =	swait.ge [sflag:s21], $0x4000  }
0xf3: {  	s8 =	sadd.s32 $0x1, s8;
	s9 =	rddreg [dreg:$0xf]  }
0xf4: {  	p0 =	sne.s32 s8, s9  }
.Ltmp2:
0xf5: {  	_ = 	snop;
	(pc) =	sbr.rel @p0 .LBB2_1-.Ltmp2, $3  }
0xf6: {  	_ =	sdelay $0x1  }
0xf7: {  	[sflag:s21] =	ssyncset.done $0x0  }
0xf8: {  	[sflag:s21] =	ssyncadd.s32 $0xFFFFC000  }
0xf9: {  	_ =	sfence.sel $0x180000  }
0xfa: {  	[bflag:$0x0] =	sbarrier.arrive $0xFFFF  }
0xfb: {  	_ =	strace $0x9000004D  }
0xfc: {  	s0 =	stileid.u32;
	[bflag:$0x2] =	sbarrier.arrive $0xFFFF  }
0xfd: {  	p0 =	sne.s32 s0, $0x0;
	s0 =	rddreg [dreg:$0x3]  }
0xfe: {  	s0 =	sadd.s32 @!p0 $0x100000, s0  }
0xff: {  	[sflag:s0] =	ssyncadd.tile.s32 @!p0 $0x1;
	_ =	shalt  }
.Lfunc_end2:
_tile_overlayer_lowered:
.L_overlay_start_2:
0x100: {  	(tag) =	ssettag $0x2  }
0x101: {  	s0 =	rddreg [dreg:$0x0];
	s2 =	stileid.u32  }
0x102: {  	s1 =	rddreg [dreg:$0x1];
	p0 =	sne.s32 s2, $0x0  }
0x103: {  	s3 =	rddreg [dreg:$0x2];
	[bflag:$0x3] =	sbarrier.arrive $0xFFFF;
	s2 =	simm.s32 @!p0 $0x1C03  }
0x104: {  	[timem:s3], [sflag:s2] =	dma.local @!p0 [hbm:s0], s1  }
0x105: {  	s0 =	simm.s32 @!p0 $0x3  }
0x106: {  	_ =	swait.ge @!p0 [sflag:s0], s1  }
0x107: {  	s1 =	ssub.s32 @!p0 $0x0, s1;
	[sflag:s0] =	ssyncset.done @!p0 $0x0  }
0x108: {  	[sflag:s0] =	ssyncadd.s32 @!p0 s1  }
0x109: {  	[bflag:$0x3] =	sbarrier.arrive $0xFFFF  }
0x10a: {  	_ =	shalt  }

// kernel: kernel.8.cloned.1.call-start
scs
__scs_entry_jumppad:
0x0: {  	(pc) =	sbr.rel $0x88, $3  }
0x1: {  	(tag) =	ssettag $0x0;
	lr =	simm.s32 $0x1  }
0x2: {  	[smem:$0x3F96] =	sst lr;
	_ =	strace $0xD0000000  }
0x3: {  	_ = 	snop  }
0x4: {  	_ = 	snop  }
0x5: {  	_ = 	snop  }
0x6: {  	_ = 	snop  }
0x7: {  	_ = 	snop  }
__scs_overlays_trampoline_lowered:
0x8: {  	[smem:$0x3FA5] =	sst s0  }
0x9: {  	[smem:$0x3FA6] =	sst s1  }
0xa: {  	[smem:$0x3FA7] =	sst s2  }
0xb: {  	[smem:$0x3FA8] =	sst s3  }
0xc: {  	[smem:$0x3FA9] =	sst s4  }
0xd: {  	[smem:$0x3FAA] =	sst s5  }
0xe: {  	[smem:$0x3FAB] =	sst s6  }
0xf: {  	[smem:$0x3FAC] =	sst s7  }
0x10: {  	[smem:$0x3FAD] =	sst s8  }
0x11: {  	[smem:$0x3FAE] =	sst s9;
	s0 =	simm.s32 @!p0 $0x0  }
0x12: {  	s1 =	sld [smem:$0x3F94];
	s0 =	simm.s32 @p0 $0x1  }
0x13: {  	[smem:$0x3FAF] =	sst s0;
	s0 =	simm.s32 @!p1 $0x0  }
0x14: {  	s2 =	sld [smem:$0x3F93];
	s0 =	simm.s32 @p1 $0x1  }
0x15: {  	[smem:$0x3FB0] =	sst s0;
	s0 =	simm.s32 @!p2 $0x0  }
0x16: {  	s3 =	sld [smem:$0x3FDB];
	s0 =	simm.s32 @p2 $0x1  }
0x17: {  	s4 =	simm.s32 $0x1BF5;
	[smem:$0x3FB2] =	sst s0  }
0x18: {  	s0 =	sld [smem:$0x3F95];
	_ =	swait.ge [sflag:s4], $0x0  }
0x19: {  	s7 =	sld [smem:$0x3F96]  }
0x1a: {  	s8 =	sadd.s32 $0xFFFFE003, lr  }
0x1b: {  	s9 =	sadd.s32 $0xFFFFFEF7, lr;
	s5 =	simm.s32 $0xFFFFFFFF;
	p2 =	slt.u32 s8, $0xFFFFF086  }
0x1c: {  	p1 =	slt.u32 s9, $0xF7A;
	s5 =	simm.s32 @!p2 $0x0  }
0x1d: {  	s5 =	simm.s32 @p1 $0x1;
	p0 =	seq.s32 s7, s2  }
0x1e: {  	s7 =	smul.u32 @!p0 $0xF7A, s2;
	p2 =	seq.s32 @!p0 s5, $0x0  }
0x1f: {  	s9 =	smul.u32 $0xF7A, s1;
	s8 =	simm.s32 @!p0 $0x1BF5;
	p2 =	por !p2, p0  }
0x20: {  	[sflag:s8] =	ssyncset.s32 @!p0 $0xFFFFF086;
	s6 =	sadd.s32 @!p0 s3, s7;
	s7 =	simm.s32 @!p0 $0x108  }
0x21: {  	s3 =	sadd.s32 s3, s9;
	s6 =	sadd.s32 @!p0 $0x88, s6;
	s7 =	simm.s32 @p2 $0x1082  }
0x22: {  	[simem:s7], [sflag:s8] =	dma.local @!p0 [hbm:s6], $0xF7A  }
0x23: {  	s9 =	sor.u32 $0xD0000000, s2;
	s6 =	simm.s32 $0x108;
	_ =	swait.ge @!p0 [sflag:s8], $0x0  }
0x24: {  	s3 =	sadd.s32 $0x88, s3;
	s6 =	simm.s32 @!p1 $0x1082;
	[sflag:s4] =	ssyncset.s32 $0xFFFFF086  }
0x25: {  	[simem:s6], [sflag:s4] =	dma.local [hbm:s3], $0xF7A  }
0x26: {  	[smem:$0x3F96] =	sst s1;
	(tag) =	ssettag s2;
	_ =	strace s9  }
0x27: {  	s1 =	sld [smem:$0x3FA6]  }
0x28: {  	s2 =	sld [smem:$0x3FA7]  }
0x29: {  	s4 =	sld [smem:$0x3FA9]  }
0x2a: {  	p0 =	seq.s32 s5, $0x0;
	s5 =	sld [smem:$0x3FAA]  }
0x2b: {  	s6 =	sld [smem:$0x3FAB]  }
0x2c: {  	s7 =	sld [smem:$0x3FAC]  }
0x2d: {  	s3 =	simm.s32 $0x108;
	s8 =	sld [smem:$0x3FAD]  }
0x2e: {  	s3 =	simm.s32 @!p0 $0x1082;
	s9 =	sld [smem:$0x3FAE]  }
0x2f: {  	lr =	sadd.s32 s0, s3;
	s0 =	sld [smem:$0x3FA5]  }
0x30: {  	s3 =	sld [smem:$0x3FA8]  }
0x31: {  	[smem:$0x3FB1] =	sst s10  }
0x32: {  	s10 =	sld [smem:$0x3FAF];
	_ =	sdelay $0x3  }
0x33: {  	p0 =	seq.s32 s10, $0x1;
	s10 =	sld [smem:$0x3FB1];
	_ =	sdelay $0x3  }
0x34: {  	[smem:$0x3FB1] =	sst s10  }
0x35: {  	s10 =	sld [smem:$0x3FB0];
	_ =	sdelay $0x3  }
0x36: {  	p1 =	seq.s32 s10, $0x1;
	s10 =	sld [smem:$0x3FB1];
	_ =	sdelay $0x3  }
0x37: {  	[smem:$0x3FB1] =	sst s10  }
0x38: {  	s10 =	sld [smem:$0x3FB2]  }
0x39: {  	_ = 	snop;
	(pc) =	sbr.ind lr, $3  }
0x3a: {  	_ = 	snop  }
0x3b: {  	_ = 	snop  }
0x3c: {  	p2 =	seq.s32 s10, $0x1;
	s10 =	sld [smem:$0x3FB1]  }
0x3d: {  	_ =	shalt  }
0x3e: {  	_ =	shalt  }
0x3f: {  	_ =	shalt  }
0x40: {  	_ =	shalt  }
0x41: {  	_ =	shalt  }
0x42: {  	_ =	shalt  }
0x43: {  	_ =	shalt  }
0x44: {  	_ =	shalt  }
0x45: {  	_ =	shalt  }
0x46: {  	_ =	shalt  }
0x47: {  	_ =	shalt  }
0x48: {  	_ =	shalt  }
0x49: {  	_ =	shalt  }
0x4a: {  	_ =	shalt  }
0x4b: {  	_ =	shalt  }
0x4c: {  	_ =	shalt  }
0x4d: {  	_ =	shalt  }
0x4e: {  	_ =	shalt  }
0x4f: {  	_ =	shalt  }
0x50: {  	_ =	shalt  }
0x51: {  	_ =	shalt  }
0x52: {  	_ =	shalt  }
0x53: {  	_ =	shalt  }
0x54: {  	_ =	shalt  }
0x55: {  	_ =	shalt  }
0x56: {  	_ =	shalt  }
0x57: {  	_ =	shalt  }
0x58: {  	_ =	shalt  }
0x59: {  	_ =	shalt  }
0x5a: {  	_ =	shalt  }
0x5b: {  	_ =	shalt  }
0x5c: {  	_ =	shalt  }
0x5d: {  	_ =	shalt  }
0x5e: {  	_ =	shalt  }
0x5f: {  	_ =	shalt  }
0x60: {  	_ =	shalt  }
0x61: {  	_ =	shalt  }
0x62: {  	_ =	shalt  }
0x63: {  	_ =	shalt  }
0x64: {  	_ =	shalt  }
0x65: {  	_ =	shalt  }
0x66: {  	_ =	shalt  }
0x67: {  	_ =	shalt  }
0x68: {  	_ =	shalt  }
0x69: {  	_ =	shalt  }
0x6a: {  	_ =	shalt  }
0x6b: {  	_ =	shalt  }
0x6c: {  	_ =	shalt  }
0x6d: {  	_ =	shalt  }
0x6e: {  	_ =	shalt  }
0x6f: {  	_ =	shalt  }
0x70: {  	_ =	shalt  }
0x71: {  	_ =	shalt  }
0x72: {  	_ =	shalt  }
0x73: {  	_ =	shalt  }
0x74: {  	_ =	shalt  }
0x75: {  	_ =	shalt  }
0x76: {  	_ =	shalt  }
0x77: {  	_ =	shalt  }
0x78: {  	_ =	shalt  }
0x79: {  	_ =	shalt  }
0x7a: {  	_ =	shalt  }
0x7b: {  	_ =	shalt  }
0x7c: {  	_ =	shalt  }
0x7d: {  	_ =	shalt  }
0x7e: {  	_ =	shalt  }
0x7f: {  	_ =	shalt  }
0x80: {  	_ =	shalt  }
0x81: {  	_ =	shalt  }
0x82: {  	_ =	shalt  }
0x83: {  	_ =	shalt  }
0x84: {  	_ =	shalt  }
0x85: {  	_ =	shalt  }
0x86: {  	_ =	shalt  }
0x87: {  	_ =	shalt  }
.Lfunc_end0:
.L_simem_size_0:
called_computation_lowered:
.L_overlay_start_0:
0x88: {  	s2 =	sld [smem:$0x3FD9]  }
0x89: {  	s3 =	sld [smem:$0x3FFE];
	_ =	sdelay $0x1  }
0x8a: {  	s1 =	srdreg.scid  }
0x8b: {  	s0 =	sand.u32 $0x1, s1  }
0x8c: {  	s16 =	sshll.u32 s0, $0xA;
	s2 =	sadd.s32 s3, s2  }
0x8d: {  	s2 =	sadd.s32 s2, s16  }
0x8e: {  	[smem:$0x3FBD] =	sst s2  }
0x8f: {  	_ = 	snop  }
0x90: {  	(tm) =	ssettm $0x1  }
0x91: {  	s17 =	sld [smem:$0x3FFB];
	_ =	sdelay $0x3  }
0x92: {  	_ =	strace s17  }
0x93: {  	s2 =	sld [smem:$0x3FFC];
	_ =	sdelay $0x3  }
0x94: {  	_ =	strace s2  }
0x95: {  	s2 =	sld [smem:$0x3FFD];
	_ =	sdelay $0x3  }
0x96: {  	_ =	strace s2  }
0x97: {  	_ =	strace $0x8FFFFFFF  }
0x98: {  	s18 =	sld [smem:$0x3FDB];
	_ =	sdelay $0x1  }
0x99: {  	s19 =	simm.s32 $_scs_section_size  }
0x9a: {  	s4 =	simm.s32 $_size__tile_overlayer_lowered;
	s5 =	simm.s32 $_tile_overlayer_lowered  }
0x9b: {  	s22 =	simm.s32 $0x1BFF;
	s21 =	sshll.u32 s5, $0x1;
	s2 =	sadd.s32 s19, s18  }
0x9c: {  	s6 =	simm.s32 $0x0;
	s20 =	sshll.u32 s4, $0x1;
	s4 =	sadd.s32 s21, s2  }
0x9d: {  	[timem:s6], [sflag:s22] =	dma.local [hbm:s4], s20  }
0x9e: {  	_ =	swait.ge [sflag:s22], s20  }
0x9f: {  	s3 =	ssub.s32 $0x0, s20;
	[sflag:s22] =	ssyncset.done $0x0  }
0xa0: {  	[sflag:s22] =	ssyncadd.s32 s3;
	_ =	sdelay $0x1  }
0xa1: {  	s23 =	simm.s32 $0x1B8B  }
0xa2: {  	_ =	swait.ge [sflag:s23], $0x1  }
0xa3: {  	[sflag:s23] =	ssyncset.done $0x0  }
0xa4: {  	s25 =	simm.s32 $0x1B8E;
	s24 =	sld [smem:$0x3FFE];
	[sflag:s23] =	ssyncadd.s32 $0xFFFFFFFF  }
0xa5: {  	s26 =	simm.s32 $execute0_lowered;
	[smem:$0x3FD2] =	sst s25  }
0xa6: {  	s4 =	sshll.u32 s26, $0x1;
	_ =	strace $0x80000046;
	[dreg:$0x1] =	wrdreg $0xFFFFFFFF  }
0xa7: {  	s28 =	simm.s32 $_size_execute0_lowered;
	s2 =	sadd.s32 s2, s4;
	[dreg:$0x0] =	wrdreg $0x0  }
0xa8: {  	s4 =	sshll.u32 s28, $0x1;
	[dreg:$0x2] =	wrdreg s2  }
0xa9: {  	[dreg:$0x3] =	wrdreg s4  }
0xaa: {  	[dreg:$0x4] =	wrdreg $0xC0  }
0xab: {  	_ =	task [dreg:s6], $0x5FFFF  }
0xac: {  	[dreg:$0x1] =	wrdreg $0xFFFFFFFF  }
0xad: {  	[dreg:$0x0] =	wrdreg $0x60  }
0xae: {  	[dreg:$0x2] =	wrdreg s24  }
0xaf: {  	[dreg:$0x3] =	wrdreg $0x0  }
0xb0: {  	[dreg:$0x4] =	wrdreg $0x9  }
0xb1: {  	_ =	task.clear_ibuf [dreg:s6], $0x5FFFF;
	_ =	strace $0x90000046  }
0xb2: {  	s29 =	simm.s32 $0x9;
	_ =	strace $0x80000048  }
0xb3: {  	_ =	swait.ge [sflag:s29], $0x1  }
0xb4: {  	[sflag:s29] =	ssyncadd.s32 $0xFFFFFFFF  }
0xb5: {  	_ =	strace $0x90000048  }
0xb6: {  	_ =	sfence  }
0xb7: {  	s30 =	sld [smem:$0x0];
	_ =	sdelay $0x2  }
0xb8: {  	s31 =	sshll.u32 s1, $0xD;
	s1 =	sshrl.u32 s1, $0x2  }
0xb9: {  	s3 =	sand.u32 $0x4000, s31;
	s1 =	sadd.s32 s1, s30  }
0xba: {  	s0 =	sor.u32 s3, s0;
	s1 =	sshll.u32 s1, $0x11  }
0xbb: {  	s0 =	sor.u32 s1, s0  }
0xbc: {  	s0 =	sadd.s32 $0x8F2B, s0  }
0xbd: {  	[sflag:s0] =	ssyncadd.remote.s32 $0x1  }
0xbe: {  	_ =	sfence.sel $0xFFFF  }
0xbf: {  	[dreg:$0x0] =	wrdreg $0xFFFFFFFF;
	(pc) =	sbr.abs _section_cstart, $3  }
0xc0: {  	[dreg:$0x1] =	wrdreg $0xFFFFFFFF  }
0xc1: {  	_ =	task.clear_ibuf [dreg:s6], $0x2FFFF;
	_ =	strace $0x9FFFFFFF  }
0xc2: {  	(tm) =	ssettm $0x7FFFFFFF  }
0xc3: {  	_ =	shalt  }
tec
execute0_lowered:
.L_overlay_start_1:
0x0: {  	(tag) =	ssettag $0x1  }
0x1: {  	s4 =	rddreg [dreg:$0x0]  }
0x2: {  	s0 =	srdreg.scid;
	s6 =	rddreg [dreg:$0x1]  }
0x3: {  	s1 =	stileid.u32;
	s2 =	simm.s32 $0x0;
	s12 =	simm.s32 $0x1  }
0x4: {  	s13 =	simm.s32 $0x2800;
	s14 =	simm.s32 $0x5700;
	s15 =	simm.s32 $0x5480  }
0x5: {  	s16 =	simm.s32 $0x0;
	s5 =	sand.u32 $0x1, s0;
	s0 =	rddreg [dreg:$0x2]  }
0x6: {  	s7 =	smul.u32 $0x280, s1;
	[smem:$0x7FF] =	sst s2;
	s9 =	sshrl.u32 s1, $0x2  }
0x7: {  	s10 =	sshll.u32 s1, $0x8;
	s11 =	sshrl.u32 s1, $0x3;
	s28 =	smul.u32 $0x5000, s1  }
0x8: {  	s29 =	sshll.u32 s1, $0x7;
	s3 =	smul.u32 $0x2800, s5;
	_ =	strace $0x80000047  }
0x9: {  	s8 =	ssub.s32 $0x2, s5;
	s9 =	smul.u32 $0x14000, s9;
	s10 =	sand.u32 $0x300, s10  }
0xa: {  	s5 =	sshll.u32 s5, $0x7;
	s11 =	smul.u32 $0x50000, s11;
	s25 =	sshrl.u32 s8, $0x1  }
0xb: {  	s26 =	sor.u32 s5, s10;
	s31 =	sshrl.u32 s28, $0x2;
	s7 =	sadd.s32 s7, s3  }
0xc: {  	s3 =	sadd.s32 $0xDC00, s4;
	s8 =	ssub.s32 s8, s25;
	s30 =	sshrl.u32 s11, $0x2  }
0xd: {  	s11 =	simm.s32 $0x5080;
	s7 =	sshrl.u32 s7, $0x3;
	s10 =	sadd.s32 s30, s6  }
0xe: {  	s7 =	sadd.s32 s7, s4;
	s4 =	sor.u32 s26, s9;
	s9 =	sand.u32 $0x380, s29  }
0xf: {  	v0 =	vimm.f32 $0.0e+00;
	vm0 =	vcmask $0x300;
	s6 =	sadd.s32 s31, s6;
	s8 =	smax.u32 s8, $0x1;
	s5 =	sadd.s32 s9, s10  }
0x10: {  	v1 =	vsel vm0, $0x3F800000, v0;
	s7 =	sadd.s32 $0x17C00, s7;
	s9 =	simm.s32 $0x80;
	s10 =	simm.s32 $0x400  }
.LBB2_1:
0x11: {  	s17 =	simm.s32 $0x40;
	s18 =	simm.s32 $0x0  }
.LBB2_2:
0x12: {  	p0 =	sne.s32 s17, $0xA000;
	[tilespmem:s18+$0x2800] =	vst v0;
	s18 =	smov.u32 s17;
	s17 =	sadd.s32 $0x40, s17  }
.Ltmp0:
0x13: {  	(pc) =	sbr.rel @p0 .LBB2_2-.Ltmp0, $2  }
0x14: {  	_ =	sdelay $0x2  }
0x15: {  	s18 =	sshra.s32 s18, $0x2  }
0x16: {  	[tilespmem:s18+$0x2800] =	vst v0;
	s17 =	simm.s32 $0x0  }
.LBB2_4:
0x17: {  	s18 =	sshll.u32 s17, $0xD  }
0x18: {  	s18 =	sadd.s32 s4, s18  }
0x19: {  	s18 =	sshrl.u32 s18, $0x3  }
0x1a: {  	s18 =	sadd.s32 s3, s18  }
0x1b: {  	[tilespmem:s11], [sflag:$0x1] =	stream.strided.gather [hbm4b:s18+s9], $0x400, s10, s9, $0x38;
	[tilespmem:$0x5980] =	vst v63  }
0x1c: {  	_ =	swait.ge [sflag:s12], $0x400  }
0x1d: {  	[sflag:s12] =	ssyncset.done $0x0  }
0x1e: {  	s28 =	simm.s32 $0x0;
	[sflag:s12] =	ssyncadd.s32 $0xFFFFFC00  }
0x1f: {  	v2 =	vld [tilespmem:s28+$0x5080];
	_ =	sdelay $0x4  }
0x20: {  	v2 =	vadd.s32 $0x2800, v2  }
0x21: {  	(v2sf) =	vpush v2, $0x0;
	_ =	sdelay $0x7  }
0x22: {  	(v2sf) =	vpush v2, $0x1;
	_ =	sdelay $0x6  }
0x23: {  	s29 =	spop (v2sf)  }
0x24: {  	(v2sf) =	vpush v2, $0x2;
	v3 =	vld [tilespmem:s29+$0x0];
	_ =	sdelay $0x4  }
0x25: {  	v3 =	vadd.f32 v1, v3;
	_ =	sdelay $0x1  }
0x26: {  	s30 =	spop (v2sf);
	[tilespmem:s29+$0x0] =	vst v3  }
0x27: {  	(v2sf) =	vpush v2, $0x3;
	v3 =	vld [tilespmem:s30+$0x0];
	_ =	sdelay $0x4  }
0x28: {  	v3 =	vadd.f32 v1, v3;
	_ =	sdelay $0x1  }
0x29: {  	s31 =	spop (v2sf);
	[tilespmem:s30+$0x0] =	vst v3  }
0x2a: {  	(v2sf) =	vpush v2, $0x4;
	v3 =	vld [tilespmem:s31+$0x0];
	_ =	sdelay $0x4  }
0x2b: {  	v3 =	vadd.f32 v1, v3;
	_ =	sdelay $0x1  }
0x2c: {  	s19 =	spop (v2sf);
	[tilespmem:s31+$0x0] =	vst v3  }
0x2d: {  	(v2sf) =	vpush v2, $0x5;
	v3 =	vld [tilespmem:s19+$0x0];
	_ =	sdelay $0x4  }
0x2e: {  	v3 =	vadd.f32 v1, v3;
	_ =	sdelay $0x1  }
0x2f: {  	s20 =	spop (v2sf);
	[tilespmem:s19+$0x0] =	vst v3  }
0x30: {  	(v2sf) =	vpush v2, $0x6;
	v3 =	vld [tilespmem:s20+$0x0];
	_ =	sdelay $0x4  }
0x31: {  	v3 =	vadd.f32 v1, v3;
	_ =	sdelay $0x1  }
0x32: {  	s21 =	spop (v2sf);
	[tilespmem:s20+$0x0] =	vst v3  }
0x33: {  	(v2sf) =	vpush v2, $0x7;
	v3 =	vld [tilespmem:s21+$0x0];
	_ =	sdelay $0x4  }
0x34: {  	v3 =	vadd.f32 v1, v3;
	_ =	sdelay $0x1  }
0x35: {  	s22 =	spop (v2sf);
	[tilespmem:s21+$0x0] =	vst v3  }
0x36: {  	(v2sf) =	vpush v2, $0x8;
	v3 =	vld [tilespmem:s22+$0x0];
	_ =	sdelay $0x4  }
0x37: {  	v3 =	vadd.f32 v1, v3;
	_ =	sdelay $0x1  }
0x38: {  	s23 =	spop (v2sf);
	[tilespmem:s22+$0x0] =	vst v3  }
0x39: {  	(v2sf) =	vpush v2, $0x9;
	v3 =	vld [tilespmem:s23+$0x0];
	_ =	sdelay $0x4  }
0x3a: {  	v3 =	vadd.f32 v1, v3;
	_ =	sdelay $0x1  }
0x3b: {  	s24 =	spop (v2sf);
	[tilespmem:s23+$0x0] =	vst v3  }
0x3c: {  	(v2sf) =	vpush v2, $0xA;
	v3 =	vld [tilespmem:s24+$0x0];
	_ =	sdelay $0x4  }
0x3d: {  	v3 =	vadd.f32 v1, v3;
	_ =	sdelay $0x1  }
0x3e: {  	s25 =	spop (v2sf);
	[tilespmem:s24+$0x0] =	vst v3  }
0x3f: {  	(v2sf) =	vpush v2, $0xB;
	v3 =	vld [tilespmem:s25+$0x0];
	_ =	sdelay $0x4  }
0x40: {  	v3 =	vadd.f32 v1, v3;
	_ =	sdelay $0x1  }
0x41: {  	s26 =	spop (v2sf);
	[tilespmem:s25+$0x0] =	vst v3  }
0x42: {  	(v2sf) =	vpush v2, $0xC;
	v3 =	vld [tilespmem:s26+$0x0];
	_ =	sdelay $0x4  }
0x43: {  	v3 =	vadd.f32 v1, v3;
	_ =	sdelay $0x1  }
0x44: {  	s28 =	spop (v2sf);
	[tilespmem:s26+$0x0] =	vst v3  }
0x45: {  	(v2sf) =	vpush v2, $0xD;
	v3 =	vld [tilespmem:s28+$0x0];
	_ =	sdelay $0x4  }
0x46: {  	v3 =	vadd.f32 v1, v3;
	_ =	sdelay $0x1  }
0x47: {  	s29 =	spop (v2sf);
	[tilespmem:s28+$0x0] =	vst v3  }
0x48: {  	(v2sf) =	vpush v2, $0xE;
	v3 =	vld [tilespmem:s29+$0x0];
	_ =	sdelay $0x4  }
0x49: {  	v3 =	vadd.f32 v1, v3;
	_ =	sdelay $0x1  }
0x4a: {  	s30 =	spop (v2sf);
	[tilespmem:s29+$0x0] =	vst v3  }
0x4b: {  	(v2sf) =	vpush v2, $0xF;
	v3 =	vld [tilespmem:s30+$0x0];
	_ =	sdelay $0x4  }
0x4c: {  	v2 =	vadd.f32 v1, v3;
	_ =	sdelay $0x1  }
0x4d: {  	s31 =	spop (v2sf);
	[tilespmem:s30+$0x0] =	vst v2  }
0x4e: {  	v2 =	vld [tilespmem:s31+$0x0];
	_ =	sdelay $0x4  }
0x4f: {  	v2 =	vadd.f32 v1, v2;
	_ =	sdelay $0x1  }
0x50: {  	s20 =	spop (v2sf);
	[tilespmem:s31+$0x0] =	vst v2  }
0x51: {  	v2 =	vld [tilespmem:s20+$0x0];
	_ =	sdelay $0x4  }
0x52: {  	s18 =	simm.s32 $0x40;
	s19 =	simm.s32 $0x80;
	v2 =	vadd.f32 v1, v2  }
.LBB2_5:
0x53: {  	p0 =	sne.s32 s19, $0xFC0  }
0x54: {  	s21 =	sshra.s32 s18, $0x2;
	s18 =	smov.u32 s19;
	s19 =	sadd.s32 $0x40, s19;
	[tilespmem:s20+$0x0] =	vst v2  }
0x55: {  	v2 =	vld [tilespmem:s21+$0x5080];
	_ =	sdelay $0x4  }
0x56: {  	v2 =	vadd.s32 $0x2800, v2  }
0x57: {  	(v2sf) =	vpush v2, $0x0;
	_ =	sdelay $0x7  }
0x58: {  	(v2sf) =	vpush v2, $0x1;
	_ =	sdelay $0x6  }
0x59: {  	s20 =	spop (v2sf)  }
0x5a: {  	v3 =	vld [tilespmem:s20+$0x0];
	(v2sf) =	vpush v2, $0x2;
	_ =	sdelay $0x4  }
0x5b: {  	v3 =	vadd.f32 v1, v3;
	_ =	sdelay $0x1  }
0x5c: {  	[tilespmem:s20+$0x0] =	vst v3;
	s20 =	spop (v2sf)  }
0x5d: {  	v3 =	vld [tilespmem:s20+$0x0];
	(v2sf) =	vpush v2, $0x3;
	_ =	sdelay $0x4  }
0x5e: {  	v3 =	vadd.f32 v1, v3;
	_ =	sdelay $0x1  }
0x5f: {  	[tilespmem:s20+$0x0] =	vst v3;
	s20 =	spop (v2sf)  }
0x60: {  	v3 =	vld [tilespmem:s20+$0x0];
	(v2sf) =	vpush v2, $0x4;
	_ =	sdelay $0x4  }
0x61: {  	v3 =	vadd.f32 v1, v3;
	_ =	sdelay $0x1  }
0x62: {  	[tilespmem:s20+$0x0] =	vst v3;
	s20 =	spop (v2sf)  }
0x63: {  	v3 =	vld [tilespmem:s20+$0x0];
	(v2sf) =	vpush v2, $0x5;
	_ =	sdelay $0x4  }
0x64: {  	v3 =	vadd.f32 v1, v3;
	_ =	sdelay $0x1  }
0x65: {  	[tilespmem:s20+$0x0] =	vst v3;
	s20 =	spop (v2sf)  }
0x66: {  	v3 =	vld [tilespmem:s20+$0x0];
	(v2sf) =	vpush v2, $0x6;
	_ =	sdelay $0x4  }
0x67: {  	v3 =	vadd.f32 v1, v3;
	_ =	sdelay $0x1  }
0x68: {  	[tilespmem:s20+$0x0] =	vst v3;
	s20 =	spop (v2sf)  }
0x69: {  	v3 =	vld [tilespmem:s20+$0x0];
	(v2sf) =	vpush v2, $0x7;
	_ =	sdelay $0x4  }
0x6a: {  	v3 =	vadd.f32 v1, v3;
	_ =	sdelay $0x1  }
0x6b: {  	[tilespmem:s20+$0x0] =	vst v3;
	s20 =	spop (v2sf)  }
0x6c: {  	v3 =	vld [tilespmem:s20+$0x0];
	(v2sf) =	vpush v2, $0x8;
	_ =	sdelay $0x4  }
0x6d: {  	v3 =	vadd.f32 v1, v3;
	_ =	sdelay $0x1  }
0x6e: {  	[tilespmem:s20+$0x0] =	vst v3;
	s20 =	spop (v2sf)  }
0x6f: {  	v3 =	vld [tilespmem:s20+$0x0];
	(v2sf) =	vpush v2, $0x9;
	_ =	sdelay $0x4  }
0x70: {  	v3 =	vadd.f32 v1, v3;
	_ =	sdelay $0x1  }
0x71: {  	[tilespmem:s20+$0x0] =	vst v3;
	s20 =	spop (v2sf)  }
0x72: {  	v3 =	vld [tilespmem:s20+$0x0];
	(v2sf) =	vpush v2, $0xA;
	_ =	sdelay $0x4  }
0x73: {  	v3 =	vadd.f32 v1, v3;
	_ =	sdelay $0x1  }
0x74: {  	[tilespmem:s20+$0x0] =	vst v3;
	s20 =	spop (v2sf)  }
0x75: {  	v3 =	vld [tilespmem:s20+$0x0];
	(v2sf) =	vpush v2, $0xB;
	_ =	sdelay $0x4  }
0x76: {  	v3 =	vadd.f32 v1, v3;
	_ =	sdelay $0x1  }
0x77: {  	[tilespmem:s20+$0x0] =	vst v3;
	s20 =	spop (v2sf)  }
0x78: {  	v3 =	vld [tilespmem:s20+$0x0];
	(v2sf) =	vpush v2, $0xC;
	_ =	sdelay $0x4  }
0x79: {  	v3 =	vadd.f32 v1, v3;
	_ =	sdelay $0x1  }
0x7a: {  	[tilespmem:s20+$0x0] =	vst v3;
	s20 =	spop (v2sf)  }
0x7b: {  	v3 =	vld [tilespmem:s20+$0x0];
	(v2sf) =	vpush v2, $0xD;
	_ =	sdelay $0x4  }
0x7c: {  	v3 =	vadd.f32 v1, v3;
	_ =	sdelay $0x1  }
0x7d: {  	[tilespmem:s20+$0x0] =	vst v3;
	s20 =	spop (v2sf)  }
0x7e: {  	v3 =	vld [tilespmem:s20+$0x0];
	(v2sf) =	vpush v2, $0xE;
	_ =	sdelay $0x4  }
0x7f: {  	v3 =	vadd.f32 v1, v3;
	_ =	sdelay $0x1  }
0x80: {  	[tilespmem:s20+$0x0] =	vst v3;
	s20 =	spop (v2sf)  }
0x81: {  	v3 =	vld [tilespmem:s20+$0x0];
	(v2sf) =	vpush v2, $0xF;
	_ =	sdelay $0x4  }
0x82: {  	v2 =	vadd.f32 v1, v3;
	_ =	sdelay $0x1  }
0x83: {  	[tilespmem:s20+$0x0] =	vst v2;
	s20 =	spop (v2sf)  }
0x84: {  	v2 =	vld [tilespmem:s20+$0x0];
	_ =	sdelay $0x4  }
0x85: {  	v2 =	vadd.f32 v1, v2;
	_ =	sdelay $0x1  }
0x86: {  	[tilespmem:s20+$0x0] =	vst v2;
	s20 =	spop (v2sf)  }
0x87: {  	v2 =	vld [tilespmem:s20+$0x0]  }
.Ltmp1:
0x88: {  	(pc) =	sbr.rel @p0 .LBB2_5-.Ltmp1, $2  }
0x89: {  	_ =	sdelay $0x2  }
0x8a: {  	v2 =	vadd.f32 v1, v2  }
0x8b: {  	_ = 	snop  }
0x8c: {  	s18 =	sshra.s32 s18, $0x2;
	[tilespmem:s20+$0x0] =	vst v2  }
0x8d: {  	v2 =	vld [tilespmem:s18+$0x5080];
	_ =	sdelay $0x4  }
0x8e: {  	v2 =	vadd.s32 $0x2800, v2  }
0x8f: {  	(v2sf) =	vpush v2, $0x0;
	_ =	sdelay $0x7  }
0x90: {  	(v2sf) =	vpush v2, $0x1;
	_ =	sdelay $0x6  }
0x91: {  	s28 =	spop (v2sf)  }
0x92: {  	(v2sf) =	vpush v2, $0x2;
	v3 =	vld [tilespmem:s28+$0x0];
	_ =	sdelay $0x4  }
0x93: {  	v3 =	vadd.f32 v1, v3;
	_ =	sdelay $0x1  }
0x94: {  	s29 =	spop (v2sf);
	[tilespmem:s28+$0x0] =	vst v3  }
0x95: {  	(v2sf) =	vpush v2, $0x3;
	v3 =	vld [tilespmem:s29+$0x0];
	_ =	sdelay $0x4  }
0x96: {  	v3 =	vadd.f32 v1, v3;
	_ =	sdelay $0x1  }
0x97: {  	s30 =	spop (v2sf);
	[tilespmem:s29+$0x0] =	vst v3  }
0x98: {  	(v2sf) =	vpush v2, $0x4;
	v3 =	vld [tilespmem:s30+$0x0];
	_ =	sdelay $0x4  }
0x99: {  	v3 =	vadd.f32 v1, v3;
	_ =	sdelay $0x1  }
0x9a: {  	s31 =	spop (v2sf);
	[tilespmem:s30+$0x0] =	vst v3  }
0x9b: {  	(v2sf) =	vpush v2, $0x5;
	v3 =	vld [tilespmem:s31+$0x0];
	_ =	sdelay $0x4  }
0x9c: {  	v3 =	vadd.f32 v1, v3;
	_ =	sdelay $0x1  }
0x9d: {  	s19 =	spop (v2sf);
	[tilespmem:s31+$0x0] =	vst v3  }
0x9e: {  	(v2sf) =	vpush v2, $0x6;
	v3 =	vld [tilespmem:s19+$0x0];
	_ =	sdelay $0x4  }
0x9f: {  	v3 =	vadd.f32 v1, v3;
	_ =	sdelay $0x1  }
0xa0: {  	s20 =	spop (v2sf);
	[tilespmem:s19+$0x0] =	vst v3  }
0xa1: {  	(v2sf) =	vpush v2, $0x7;
	v3 =	vld [tilespmem:s20+$0x0];
	_ =	sdelay $0x4  }
0xa2: {  	v3 =	vadd.f32 v1, v3;
	_ =	sdelay $0x1  }
0xa3: {  	s21 =	spop (v2sf);
	[tilespmem:s20+$0x0] =	vst v3  }
0xa4: {  	(v2sf) =	vpush v2, $0x8;
	v3 =	vld [tilespmem:s21+$0x0];
	_ =	sdelay $0x4  }
0xa5: {  	v3 =	vadd.f32 v1, v3;
	_ =	sdelay $0x1  }
0xa6: {  	s22 =	spop (v2sf);
	[tilespmem:s21+$0x0] =	vst v3  }
0xa7: {  	(v2sf) =	vpush v2, $0x9;
	v3 =	vld [tilespmem:s22+$0x0];
	_ =	sdelay $0x4  }
0xa8: {  	v3 =	vadd.f32 v1, v3;
	_ =	sdelay $0x1  }
0xa9: {  	s23 =	spop (v2sf);
	[tilespmem:s22+$0x0] =	vst v3  }
0xaa: {  	(v2sf) =	vpush v2, $0xA;
	v3 =	vld [tilespmem:s23+$0x0];
	_ =	sdelay $0x4  }
0xab: {  	v3 =	vadd.f32 v1, v3;
	_ =	sdelay $0x1  }
0xac: {  	s24 =	spop (v2sf);
	[tilespmem:s23+$0x0] =	vst v3  }
0xad: {  	(v2sf) =	vpush v2, $0xB;
	v3 =	vld [tilespmem:s24+$0x0];
	_ =	sdelay $0x4  }
0xae: {  	v3 =	vadd.f32 v1, v3;
	_ =	sdelay $0x1  }
0xaf: {  	s25 =	spop (v2sf);
	[tilespmem:s24+$0x0] =	vst v3  }
0xb0: {  	(v2sf) =	vpush v2, $0xC;
	v3 =	vld [tilespmem:s25+$0x0];
	_ =	sdelay $0x4  }
0xb1: {  	v3 =	vadd.f32 v1, v3;
	_ =	sdelay $0x1  }
0xb2: {  	s26 =	spop (v2sf);
	[tilespmem:s25+$0x0] =	vst v3  }
0xb3: {  	(v2sf) =	vpush v2, $0xD;
	v3 =	vld [tilespmem:s26+$0x0];
	_ =	sdelay $0x4  }
0xb4: {  	v3 =	vadd.f32 v1, v3;
	_ =	sdelay $0x1  }
0xb5: {  	s28 =	spop (v2sf);
	[tilespmem:s26+$0x0] =	vst v3  }
0xb6: {  	(v2sf) =	vpush v2, $0xE;
	v3 =	vld [tilespmem:s28+$0x0];
	_ =	sdelay $0x4  }
0xb7: {  	v3 =	vadd.f32 v1, v3;
	_ =	sdelay $0x1  }
0xb8: {  	s29 =	spop (v2sf);
	[tilespmem:s28+$0x0] =	vst v3  }
0xb9: {  	(v2sf) =	vpush v2, $0xF;
	v3 =	vld [tilespmem:s29+$0x0];
	_ =	sdelay $0x4  }
0xba: {  	v2 =	vadd.f32 v1, v3;
	_ =	sdelay $0x1  }
0xbb: {  	s30 =	spop (v2sf);
	[tilespmem:s29+$0x0] =	vst v2  }
0xbc: {  	v2 =	vld [tilespmem:s30+$0x0];
	_ =	sdelay $0x4  }
0xbd: {  	v2 =	vadd.f32 v1, v2;
	_ =	sdelay $0x1  }
0xbe: {  	s31 =	spop (v2sf);
	[tilespmem:s30+$0x0] =	vst v2  }
0xbf: {  	v2 =	vld [tilespmem:s31+$0x0]  }
0xc0: {  	s17 =	sadd.s32 $0x1, s17  }
0xc1: {  	p0 =	sne.s32 s17, $0xA  }
.Ltmp2:
0xc2: {  	_ = 	snop;
	(pc) =	sbr.rel @p0 .LBB2_4-.Ltmp2, $3  }
0xc3: {  	_ = 	snop  }
0xc4: {  	v2 =	vadd.f32 v1, v2;
	_ =	sdelay $0x1  }
0xc5: {  	[tilespmem:s31+$0x0] =	vst v2  }
0xc6: {  	[spmem:s5] =	stream.strided.scatter [tilespmem:s13], [sflag:$0x1], $0x2800, s10, s9, $0x38;
	[tilespmem:$0x5980] =	vst v63  }
0xc7: {  	_ =	swait.ge [sflag:s12], $0x2800  }
0xc8: {  	[sflag:s12] =	ssyncset.done $0x0  }
0xc9: {  	[sflag:s12] =	ssyncadd.s32 $0xFFFFD800  }
0xca: {  	[bflag:$0x0] =	sbarrier.arrive $0xFFFF  }
0xcb: {  	[tilespmem:$0x5480] =	vst v0  }
0xcc: {  	[tilespmem:$0x5490] =	vst v0  }
0xcd: {  	[tilespmem:$0x54A0] =	vst v0  }
0xce: {  	[tilespmem:$0x54B0] =	vst v0  }
0xcf: {  	[tilespmem:$0x54C0] =	vst v0  }
0xd0: {  	[tilespmem:$0x54D0] =	vst v0  }
0xd1: {  	[tilespmem:$0x54E0] =	vst v0  }
0xd2: {  	[tilespmem:$0x54F0] =	vst v0  }
0xd3: {  	[tilespmem:$0x5500] =	vst v0  }
0xd4: {  	[tilespmem:$0x5510] =	vst v0  }
0xd5: {  	[tilespmem:$0x5520] =	vst v0  }
0xd6: {  	[tilespmem:$0x5530] =	vst v0  }
0xd7: {  	[tilespmem:$0x5540] =	vst v0  }
0xd8: {  	[tilespmem:$0x5550] =	vst v0  }
0xd9: {  	[tilespmem:$0x5560] =	vst v0  }
0xda: {  	[tilespmem:$0x5570] =	vst v0  }
0xdb: {  	[tilespmem:$0x5580] =	vst v0  }
0xdc: {  	[tilespmem:$0x5590] =	vst v0  }
0xdd: {  	[tilespmem:$0x55A0] =	vst v0  }
0xde: {  	[tilespmem:$0x55B0] =	vst v0  }
0xdf: {  	[tilespmem:$0x55C0] =	vst v0  }
0xe0: {  	[tilespmem:$0x55D0] =	vst v0  }
0xe1: {  	[tilespmem:$0x55E0] =	vst v0  }
0xe2: {  	[tilespmem:$0x55F0] =	vst v0  }
0xe3: {  	[tilespmem:$0x5600] =	vst v0  }
0xe4: {  	[tilespmem:$0x5610] =	vst v0  }
0xe5: {  	[tilespmem:$0x5620] =	vst v0  }
0xe6: {  	[tilespmem:$0x5630] =	vst v0  }
0xe7: {  	[tilespmem:$0x5640] =	vst v0  }
0xe8: {  	[tilespmem:$0x5650] =	vst v0  }
0xe9: {  	[tilespmem:$0x5660] =	vst v0  }
0xea: {  	[tilespmem:$0x5670] =	vst v0  }
0xeb: {  	[tilespmem:$0x5680] =	vst v0  }
0xec: {  	[tilespmem:$0x5690] =	vst v0  }
0xed: {  	[tilespmem:$0x56A0] =	vst v0  }
0xee: {  	[tilespmem:$0x56B0] =	vst v0  }
0xef: {  	[tilespmem:$0x56C0] =	vst v0  }
0xf0: {  	[tilespmem:$0x56D0] =	vst v0  }
0xf1: {  	[tilespmem:$0x56E0] =	vst v0  }
0xf2: {  	s17 =	simm.s32 $0x0;
	[tilespmem:$0x56F0] =	vst v0  }
.LBB2_8:
0xf3: {  	s18 =	sshrl.u32 s17, $0x3  }
0xf4: {  	s18 =	smul.u32 $0x50000, s18;
	_ =	sdelay $0x1  }
0xf5: {  	s19 =	sshll.u32 s17, $0x7;
	s18 =	sshra.s32 s18, $0x2  }
0xf6: {  	s19 =	sand.u32 $0x380, s19;
	s18 =	sadd.s32 s18, s6  }
0xf7: {  	s18 =	sadd.s32 s19, s18  }
0xf8: {  	[tilespmem:s14], [sflag:$0x1] =	stream.strided.gather [spmem:s18], $0x280, s10, s9, $0x38;
	[tilespmem:$0x5980] =	vst v63  }
0xf9: {  	_ =	swait.ge [sflag:s12], $0x280  }
0xfa: {  	[sflag:s12] =	ssyncset.done $0x0  }
0xfb: {  	s18 =	simm.s32 $0x0;
	[sflag:s12] =	ssyncadd.s32 $0xFFFFFD80  }
0xfc: {  	s19 =	simm.s32 $0x40;
	v2 =	vld [tilespmem:s18+$0x5700]  }
.LBB2_9:
0xfd: {  	p0 =	sne.s32 s19, $0x9C0;
	v3 =	vld [tilespmem:s18+$0x5480];
	_ =	sdelay $0x2  }
.Ltmp3:
0xfe: {  	(pc) =	sbr.rel @p0 .LBB2_9-.Ltmp3, $4  }
0xff: {  	_ = 	snop  }
0x100: {  	v3 =	vadd.f32 v2, v3  }
0x101: {  	s20 =	sshra.s32 s19, $0x2  }
0x102: {  	s19 =	sadd.s32 $0x40, s19;
	v2 =	vld [tilespmem:s20+$0x5700];
	[tilespmem:s18+$0x5480] =	vst v3;
	s18 =	smov.u32 s20  }
0x103: {  	v3 =	vld [tilespmem:s18+$0x5480]  }
0x104: {  	s17 =	sadd.s32 $0x1, s17  }
0x105: {  	p0 =	sne.s32 s17, $0x10  }
.Ltmp4:
0x106: {  	_ = 	snop;
	(pc) =	sbr.rel @p0 .LBB2_8-.Ltmp4, $3  }
0x107: {  	_ = 	snop  }
0x108: {  	v2 =	vadd.f32 v2, v3;
	_ =	sdelay $0x1  }
0x109: {  	[tilespmem:s18+$0x5480] =	vst v2  }
0x10a: {  	s16 =	sadd.s32 $0x1, s16  }
0x10b: {  	p0 =	sne.s32 s16, s8  }
.Ltmp5:
0x10c: {  	_ = 	snop;
	(pc) =	sbr.rel @p0 .LBB2_1-.Ltmp5, $4  }
0x10d: {  	[hbm4b:s7+s2] =	stream.linear.scatter [tilespmem:s15], [sflag:$0x1], $0x280, $0x38;
	[tilespmem:$0x5980] =	vst v63  }
0x10e: {  	_ =	swait.ge [sflag:s12], $0x280  }
0x10f: {  	[sflag:s12] =	ssyncset.done $0x0  }
0x110: {  	[sflag:s12] =	ssyncadd.s32 $0xFFFFFD80  }
0x111: {  	_ =	sfence.sel $0x180000  }
0x112: {  	[bflag:$0x0] =	sbarrier.arrive $0xFFFF  }
0x113: {  	p0 =	sne.s32 s1, $0x0;
	_ =	strace $0x90000047  }
0x114: {  	s0 =	sadd.s32 @!p0 $0x100000, s0;
	[bflag:$0x2] =	sbarrier.arrive $0xFFFF  }
0x115: {  	[sflag:s0] =	ssyncadd.tile.s32 @!p0 $0x1;
	_ =	shalt  }
.Lfunc_end2:
_tile_overlayer_lowered:
.L_overlay_start_2:
0x116: {  	(tag) =	ssettag $0x2  }
0x117: {  	s0 =	rddreg [dreg:$0x0];
	s2 =	stileid.u32  }
0x118: {  	s1 =	rddreg [dreg:$0x1];
	p0 =	sne.s32 s2, $0x0  }
0x119: {  	s3 =	rddreg [dreg:$0x2];
	[bflag:$0x3] =	sbarrier.arrive $0xFFFF;
	s2 =	simm.s32 @!p0 $0x1C01  }
0x11a: {  	[timem:s3], [sflag:s2] =	dma.local @!p0 [hbm:s0], s1  }
0x11b: {  	s0 =	simm.s32 @!p0 $0x1  }
0x11c: {  	_ =	swait.ge @!p0 [sflag:s0], s1  }
0x11d: {  	s1 =	ssub.s32 @!p0 $0x0, s1;
	[sflag:s0] =	ssyncset.done @!p0 $0x0  }
0x11e: {  	[sflag:s0] =	ssyncadd.s32 @!p0 s1  }
0x11f: {  	[bflag:$0x3] =	sbarrier.arrive $0xFFFF  }
0x120: {  	_ =	shalt  }

</sc_bundles>
